<compile_context>
chip_gen: v7x
topology: tpu7x:2x2x1
jax: 0.10.2.dev20260603
libtpu: 0.0.44.dev20260713+nightly
codegen_flags: <defaults>
</compile_context>

<pallas_src>
import jax
import jax.numpy as jnp
from jax import lax
from jax.experimental import pallas as pl
from jax.experimental.pallas import tpu as pltpu
from jax.experimental.pallas import tpu_sc as plsc

N = 10000
D = 128
R = 16
NC = 2
NS = 16
L = 16
K = 80
NROWS = 10240
RPT = NROWS // NS
HROWS = 312
HB = 104
NW = NC * NS


def _mesh_():
    return plsc.VectorSubcoreMesh(core_axis_name="c", subcore_axis_name="s",
                                  num_cores=NC, num_subcores=NS)


def _params_():
    return pltpu.CompilerParams(needs_layout_passes=False)


def _embed_body(idx_h, tab_h, h_out, ibuf, rows, sem):
    cid = lax.axis_index("c")
    sid = lax.axis_index("s")
    wid = cid * NS + sid

    for c3 in range(HROWS // HB):
        base = wid * HROWS + c3 * HB
        pltpu.sync_copy(idx_h.at[pl.ds(base, HB)], ibuf)
        pltpu.async_copy(tab_h.at[ibuf], rows, sem).wait()
        pltpu.sync_copy(rows, h_out.at[pl.ds(base, HB)])

    @pl.when(wid == 0)
    def _tail():
        nt = N - NW * HROWS
        pltpu.sync_copy(idx_h.at[pl.ds(NW * HROWS, nt)],
                        ibuf.at[pl.ds(0, nt)])
        pltpu.async_copy(tab_h.at[ibuf.at[pl.ds(0, nt)]],
                         rows.at[pl.ds(0, nt)], sem).wait()
        pltpu.sync_copy(rows.at[pl.ds(0, nt)],
                        h_out.at[pl.ds(NW * HROWS, nt)])


def _sc_embed(idx, table):
    f = pl.kernel(
        _embed_body,
        out_type=jax.ShapeDtypeStruct((N, D), jnp.float32),
        mesh=_mesh_(),
        scratch_types=[pltpu.VMEM((HB,), jnp.int32),
                       pltpu.VMEM((HB, D), jnp.float32),
                       pltpu.SemaphoreType.DMA],
        compiler_params=_params_())
    return f(idx, table)


def _edge_body(first, cpw01, src_h, dst_h, et_h, tab_h,
               part_out, degp_out,
               srcb, dstb, etb, hbuf, onesb, zbuf,
               acc, deg_sh, gsem, ssem, dsem, isem):
    cid = lax.axis_index("c")
    sid = lax.axis_index("s")
    wid = cid * NS + sid
    zeros16 = jnp.zeros((L,), jnp.float32)
    ones16 = jnp.ones((L,), jnp.float32)

    def _zh(r, carry):
        for c in range(D // L):
            hbuf[0][r, pl.ds(c * L, L)] = zeros16
        return carry
    lax.fori_loop(0, K, _zh, 0)

    def _zb(i, carry):
        zbuf[pl.ds(i * L, L)] = zeros16
        return carry
    lax.fori_loop(0, RPT // L, _zb, 0)

    def _ob(i, carry):
        onesb[pl.ds(i * L, L)] = ones16
        return carry
    lax.fori_loop(0, K // L, _ob, 0)

    base_r = sid * RPT
    for b in range(RPT // K):
        pltpu.sync_copy(hbuf[0], acc.at[pl.ds(base_r + b * K, K)])
    if first:
        pltpu.sync_copy(zbuf, deg_sh.at[pl.ds(sid * RPT, RPT)])

    plsc.subcore_barrier()

    cpw0, cpw1 = cpw01
    cpw = jnp.where(cid == 0, cpw0, cpw1)
    e0 = jnp.where(cid == 0, sid * cpw0, NS * cpw0 + sid * cpw1) * K

    def start_loads(j, s):
        off = e0 + j * K
        pltpu.async_copy(src_h.at[pl.ds(off, K)], srcb[s], isem[s])
        pltpu.async_copy(dst_h.at[pl.ds(off, K)], dstb[s], isem[s])
        pltpu.async_copy(et_h.at[pl.ds(off, K)], etb[s], isem[s])

    def wait_loads(j, s):
        off = e0 + j * K
        pltpu.make_async_copy(src_h.at[pl.ds(off, K)], srcb[s],
                              isem[s]).wait()
        pltpu.make_async_copy(dst_h.at[pl.ds(off, K)], dstb[s],
                              isem[s]).wait()
        pltpu.make_async_copy(et_h.at[pl.ds(off, K)], etb[s],
                              isem[s]).wait()

    def start_gather(s):
        pltpu.async_copy(tab_h.at[srcb[s]], hbuf[s], gsem[s])

    def wait_gather(s):
        pltpu.make_async_copy(tab_h.at[srcb[s]], hbuf[s], gsem[s]).wait()

    def start_scatter(s):
        pltpu.async_copy(hbuf[s], acc.at[dstb[s]], ssem[s], add=True)
        if first:
            pltpu.async_copy(onesb, deg_sh.at[dstb[s]], dsem[s], add=True)

    def wait_scatter(s):
        pltpu.make_async_copy(hbuf[s], acc.at[dstb[s]], ssem[s]).wait()
        if first:
            pltpu.make_async_copy(onesb, deg_sh.at[dstb[s]], dsem[s]).wait()

    def transform(s):
        def _tr(g, c2):
            sv = srcb[s][pl.ds(g * L, L)]
            ev = etb[s][pl.ds(g * L, L)]
            srcb[s][pl.ds(g * L, L)] = sv * R + ev
            return c2
        lax.fori_loop(0, K // L, _tr, 0)

    start_loads(0, 0)
    wait_loads(0, 0)
    transform(0)
    start_loads(1, 1)
    start_gather(0)

    def _iter(g, carry):
        for b in range(4):
            j = g * 4 + b
            ns = (b + 1) % 4
            ps = (b + 2) % 4

            @pl.when(j >= 2)
            def _w():
                wait_scatter(ps)

            @pl.when(j + 2 < cpw)
            def _pf():
                start_loads(j + 2, ps)

            @pl.when(j + 1 < cpw)
            def _nx():
                wait_loads(j + 1, ns)
                transform(ns)
                start_gather(ns)

            wait_gather(b)
            start_scatter(b)
        return carry

    lax.fori_loop(0, cpw // 4, _iter, 0)
    wait_scatter(2)
    wait_scatter(3)

    plsc.subcore_barrier()

    rem = N - (NS - 1) * RPT

    @pl.when(sid < NS - 1)
    def _cp_main():
        pltpu.sync_copy(acc.at[pl.ds(sid * RPT, RPT)],
                        part_out.at[cid].at[pl.ds(sid * RPT, RPT)])

    @pl.when(sid == NS - 1)
    def _cp_tail():
        pltpu.sync_copy(acc.at[pl.ds((NS - 1) * RPT, rem)],
                        part_out.at[cid].at[pl.ds((NS - 1) * RPT, rem)])

    if first:
        pltpu.sync_copy(deg_sh.at[pl.ds(sid * RPT, RPT)], zbuf)
        pltpu.sync_copy(zbuf,
                        degp_out.at[pl.ds(cid * NROWS + sid * RPT, RPT)])


def _edge_scratch():
    return ([pltpu.VMEM((K,), jnp.int32) for _ in range(3 * 4)]
            + [pltpu.VMEM((K, D), jnp.float32) for _ in range(4)]
            + [pltpu.VMEM((K,), jnp.float32),
               pltpu.VMEM((RPT,), jnp.float32)]
            + [pltpu.VMEM_SHARED((NROWS, D), jnp.float32),
               pltpu.VMEM_SHARED((NROWS,), jnp.float32)]
            + [pltpu.SemaphoreType.DMA for _ in range(16)])


def _unpack(scr):
    srcb = scr[0:4]
    dstb = scr[4:8]
    etb = scr[8:12]
    hbuf = scr[12:16]
    onesb, zbuf, acc, deg_sh = scr[16:20]
    gsem = scr[20:24]
    ssem = scr[24:28]
    dsem = scr[28:32]
    isem = scr[32:36]
    return srcb, dstb, etb, hbuf, onesb, zbuf, acc, deg_sh, gsem, \
        ssem, dsem, isem


def _sc_edge1(srcp, dstp, etp, table, cpw01):
    out_type = [
        jax.ShapeDtypeStruct((NC, N, D), jnp.float32),
        jax.ShapeDtypeStruct((NC * NROWS,), jnp.float32),
    ]

    def body(src_h, dst_h, et_h, tab_h, part_out, degp_out, *scr):
        (srcb, dstb, etb, hbuf, onesb, zbuf, acc, deg_sh, gsem, ssem,
         dsem, isem) = _unpack(list(scr))
        _edge_body(True, cpw01, src_h, dst_h, et_h, tab_h,
                   part_out, degp_out,
                   srcb, dstb, etb, hbuf, onesb, zbuf,
                   acc, deg_sh, gsem, ssem, dsem, isem)

    f = pl.kernel(body, out_type=out_type, mesh=_mesh_(),
                  scratch_types=_edge_scratch(),
                  compiler_params=_params_())
    return f(srcp, dstp, etp, table)


def _sc_edge2(srcp, dstp, etp, table, cpw01):
    out_type = jax.ShapeDtypeStruct((NC, N, D), jnp.float32)

    def body(src_h, dst_h, et_h, tab_h, part_out, *scr):
        (srcb, dstb, etb, hbuf, onesb, zbuf, acc, deg_sh, gsem, ssem,
         dsem, isem) = _unpack(list(scr))
        _edge_body(False, cpw01, src_h, dst_h, et_h, tab_h,
                   part_out, None,
                   srcb, dstb, etb, hbuf, onesb, zbuf,
                   acc, deg_sh, gsem, ssem, dsem, isem)

    f = pl.kernel(body, out_type=out_type, mesh=_mesh_(),
                  scratch_types=_edge_scratch(),
                  compiler_params=_params_())
    return f(srcp, dstp, etp, table)


def _scale_body(h_ref, w_ref, o_ref):
    o_ref[...] = h_ref[...][:, None, :] * w_ref[...][None]


def _tc_scale(h, rel_weight):
    bn = 1000
    out = pl.pallas_call(
        _scale_body,
        grid=(N // bn,),
        in_specs=[pl.BlockSpec((bn, D), lambda i: (i, 0)),
                  pl.BlockSpec((R, D), lambda i: (0, 0))],
        out_specs=pl.BlockSpec((bn, R, D), lambda i: (i, 0, 0)),
        out_shape=jax.ShapeDtypeStruct((N, R, D), jnp.float32),
    )(h, rel_weight)
    return out.reshape(N * R, D)


def _tc_body(h_ref, p_ref, dp_ref, ws_ref, wn_ref, b_ref, g_ref, be_ref,
             o_ref):
    h = h_ref[...]
    p = p_ref[0] + p_ref[1]
    deg = dp_ref[0] + dp_ref[1]
    neigh = p * (1.0 / jnp.maximum(deg, 1.0))
    z = (jnp.dot(h, ws_ref[...], preferred_element_type=jnp.float32)
         + jnp.dot(neigh, wn_ref[...], preferred_element_type=jnp.float32)
         + b_ref[...])
    m = jnp.mean(z, axis=0, keepdims=True)
    zc = z - m
    v = jnp.mean(zc * zc, axis=0, keepdims=True)
    zn = zc * lax.rsqrt(v + 1e-5) * g_ref[...] + be_ref[...]
    o_ref[...] = jnp.maximum(zn, 0.0)


def _tc_phase(h, part, degp, Ws, Wn, b, gamma, beta):
    return pl.pallas_call(
        _tc_body,
        out_shape=jax.ShapeDtypeStruct((N, D), jnp.float32),
    )(h, part, degp, Ws, Wn, b.reshape(1, D), gamma.reshape(1, D),
      beta.reshape(1, D))


def kernel(idx, edge_type, edge_index, pre_embed, rel_weight,
           W_self1, W_neigh1, b1, gamma1, beta1,
           W_self2, W_neigh2, b2, gamma2, beta2):
    src = edge_index[0]
    dst = edge_index[1]
    E = src.shape[0]
    ctot = -(-E // (NS * K * 4)) * 4
    cpw0 = (4 * ctot // 5 + 3) // 4 * 4
    cpw1 = ctot - cpw0
    e_pad = NS * (cpw0 + cpw1) * K
    pad = e_pad - E
    srcp = jnp.concatenate([src, jnp.zeros((pad,), jnp.int32)])
    dstp = jnp.concatenate(
        [dst, N + (jnp.arange(pad, dtype=jnp.int32) % (NROWS - N))])
    etp = jnp.concatenate([edge_type, jnp.zeros((pad,), jnp.int32)])
    h = _sc_embed(idx, pre_embed)
    table1 = _tc_scale(h, rel_weight)
    part1, degp = _sc_edge1(srcp, dstp, etp, table1, (cpw0, cpw1))
    degp3 = jnp.stack([degp[0:N], degp[NROWS:NROWS + N]]).reshape(NC, N, 1)
    h2 = _tc_phase(h, part1, degp3, W_self1, W_neigh1, b1, gamma1, beta1)
    table2 = _tc_scale(h2, rel_weight)
    part2 = _sc_edge2(srcp, dstp, etp, table2, (cpw0, cpw1))
    out = _tc_phase(h2, part2, degp3, W_self2, W_neigh2, b2, gamma2, beta2)
    return out

# --- scband reference (transcript-rebuilt; emitter-appended) ---
"""Pipeline reference for scband-graph-sage-1357209665640 (READ-ONLY COPY).

The authoritative reference and input builder live on the scoring server;
editing this copy changes nothing except your own understanding.
"""

import jax, jax.numpy as jnp
import numpy as np

N = 10000   # num nodes
E = 320000  # num edges
D = 128     # emb_dim - subgraph_feature_num
R = 16      # aug_num_rels


def setup_inputs(seed: int = 0) -> dict:
    key = jax.random.key(seed)
    ks = jax.random.split(key, 16)
    s = 0.05
    inp = {}
    # graph tensors (DGL graph decomposed)
    inp["idx"] = jax.random.randint(ks[0], (N,), 0, N, dtype=jnp.int32)
    inp["edge_type"] = jax.random.randint(ks[1], (E,), 0, R, dtype=jnp.int32)
    inp["edge_index"] = jax.random.randint(ks[2], (2, E), 0, N, dtype=jnp.int32)
    # learned parameters
    inp["pre_embed"] = jax.random.normal(ks[3], (N, D), dtype=jnp.float32) * s
    inp["rel_weight"] = jax.random.normal(ks[4], (R, D), dtype=jnp.float32) * s
    inp["W_self1"] = jax.random.normal(ks[5], (D, D), dtype=jnp.float32) * s
    inp["W_neigh1"] = jax.random.normal(ks[6], (D, D), dtype=jnp.float32) * s
    inp["b1"] = jnp.zeros((D,), dtype=jnp.float32)
    inp["gamma1"] = jnp.ones((D,), dtype=jnp.float32)
    inp["beta1"] = jnp.zeros((D,), dtype=jnp.float32)
    inp["W_self2"] = jax.random.normal(ks[7], (D, D), dtype=jnp.float32) * s
    inp["W_neigh2"] = jax.random.normal(ks[8], (D, D), dtype=jnp.float32) * s
    inp["b2"] = jnp.zeros((D,), dtype=jnp.float32)
    inp["gamma2"] = jnp.ones((D,), dtype=jnp.float32)
    inp["beta2"] = jnp.zeros((D,), dtype=jnp.float32)
    return inp


def _bn(x, gamma, beta, eps=1e-5):
    # BatchNorm1d, training-mode batch statistics (biased variance)
    m = jnp.mean(x, axis=0)
    v = jnp.var(x, axis=0)
    return (x - m) / jnp.sqrt(v + eps) * gamma + beta


def _sage_mean(h, ew, src, dst, Wself, Wneigh, b):
    # DGL SAGEConv(aggregator='mean') with per-edge vector edge_weight:
    # message m = h_src * ew ; neigh = mean over incoming edges ;
    # out = h @ W_self + neigh @ W_neigh + bias
    msg = h[src] * ew
    ssum = jax.ops.segment_sum(msg, dst, num_segments=N)
    deg = jax.ops.segment_sum(jnp.ones((dst.shape[0],), h.dtype), dst, num_segments=N)
    neigh = ssum / jnp.maximum(deg, 1.0)[:, None]
    return h @ Wself + neigh @ Wneigh + b


def reference(idx, edge_type, edge_index, pre_embed, rel_weight,
              W_self1, W_neigh1, b1, gamma1, beta1,
              W_self2, W_neigh2, b2, gamma2, beta2):
    src = edge_index[0]
    dst = edge_index[1]
    h = pre_embed[idx]                 # nn.Embedding lookup
    ew = rel_weight[edge_type]         # per-edge relation weight gather [E, D]
    h = _bn(_sage_mean(h, ew, src, dst, W_self1, W_neigh1, b1), gamma1, beta1)
    h = jax.nn.relu(h)
    # dropout: identity (inference / deterministic reference)
    h = _bn(_sage_mean(h, ew, src, dst, W_self2, W_neigh2, b2), gamma2, beta2)
    h = jax.nn.relu(h)
    return h

if __name__ == "__main__":
    import jax
    _d = setup_inputs()
    print(jax.jit(kernel)(*tuple(_d.values())))

</pallas_src>

<mosaic_0001>
#map = affine_map<(d0, d1) -> (0)>
#map1 = affine_map<(d0, d1) -> (0, 0)>
module attributes {stable_mosaic.version = 14 : i64} {
  func.func @_embed_body(%arg0: i32, %arg1: i32, %arg2: memref<10000xi32, #tpu.memory_space<hbm>>, %arg3: memref<10000x128xf32, #tpu.memory_space<hbm>>, %arg4: memref<10000x128xf32, #tpu.memory_space<hbm>>, %arg5: memref<104xi32, #tpu.memory_space<vmem>>, %arg6: memref<104x128xf32, #tpu.memory_space<vmem>>, %arg7: memref<!tpu.dma_semaphore, #tpu.memory_space<semaphore_mem>>) attributes {dimension_semantics = [#tpu.dimension_semantics<core_parallel>, #tpu.dimension_semantics<subcore_parallel>], iteration_bounds = array<i64: 2, 16>, scalar_prefetch = 0 : i64, scratch_operands = 3 : i64, tpu.core_type = #tpu.core_type<sc_vector_subcore>, window_params = [{transform_indices = #map}, {transform_indices = #map1}, {transform_indices = #map1}]} {
    %mul3A = arith.constant 16 : i32
    %mul3A_0 = arith.muli %arg0, %mul3A : i32
    %add3A = arith.addi %mul3A_0, %arg1 : i32
    %mul3A_1 = arith.constant 312 : i32
    %mul3A_2 = arith.muli %add3A, %mul3A_1 : i32
    %add3A_3 = arith.constant 0 : i32
    %add3A_4 = arith.addi %mul3A_2, %add3A_3 : i32
    "tpu.region"() ({
      %run_scoped3A = tpu.sem_alloc : memref<!tpu.dma_semaphore, #tpu.memory_space<semaphore_mem>>
      %dma_start3A_31 = tpu.memref_slice %arg2[%add3A_4] : memref<10000xi32, #tpu.memory_space<hbm>> -> memref<104xi32, #tpu.memory_space<hbm>>
      %dma_start3A_32 = tpu.memref_slice %arg2[%add3A_4] : memref<10000xi32, #tpu.memory_space<hbm>> -> memref<104xi32, #tpu.memory_space<hbm>>
      tpu.enqueue_dma source(%dma_start3A_32 : memref<104xi32, #tpu.memory_space<hbm>>) target(%arg5 : memref<104xi32, #tpu.memory_space<vmem>>) target_semaphore(%run_scoped3A : memref<!tpu.dma_semaphore, #tpu.memory_space<semaphore_mem>>)
      %dma_wait3A_33 = tpu.memref_slice %arg2[%add3A_4] : memref<10000xi32, #tpu.memory_space<hbm>> -> memref<104xi32, #tpu.memory_space<hbm>>
      %dma_wait3A_34 = tpu.memref_slice %arg2[%add3A_4] : memref<10000xi32, #tpu.memory_space<hbm>> -> memref<104xi32, #tpu.memory_space<hbm>>
      tpu.wait_dma2 semaphore(%run_scoped3A : memref<!tpu.dma_semaphore, #tpu.memory_space<semaphore_mem>>) src(%dma_wait3A_34 : memref<104xi32, #tpu.memory_space<hbm>>) dst(%arg5 : memref<104xi32, #tpu.memory_space<vmem>>)
      tpu.yield
    }) : () -> ()
    %dma_start3A = arith.constant 0 : i32
    %dma_start3A_5 = arith.constant 0 : i32
    %dma_start3A_6 = tpu.memref_slice %arg3[%dma_start3A, %dma_start3A_5] : memref<10000x128xf32, #tpu.memory_space<hbm>> -> memref<10000x128xf32, #tpu.memory_space<hbm>>
    tpu.enqueue_indirect_dma source(%dma_start3A_6 : memref<10000x128xf32, #tpu.memory_space<hbm>>) target(%arg6 : memref<104x128xf32, #tpu.memory_space<vmem>>) offsets(%arg5 : memref<104xi32, #tpu.memory_space<vmem>>) semaphore(%arg7 : memref<!tpu.dma_semaphore, #tpu.memory_space<semaphore_mem>>)
    %dma_wait3A = arith.constant 0 : i32
    %dma_wait3A_7 = arith.constant 0 : i32
    %dma_wait3A_8 = tpu.memref_slice %arg3[%dma_wait3A, %dma_wait3A_7] : memref<10000x128xf32, #tpu.memory_space<hbm>> -> memref<10000x128xf32, #tpu.memory_space<hbm>>
    tpu.wait_indirect_dma semaphore(%arg7 : memref<!tpu.dma_semaphore, #tpu.memory_space<semaphore_mem>>) src(%dma_wait3A_8 : memref<10000x128xf32, #tpu.memory_space<hbm>>) dst(%arg6 : memref<104x128xf32, #tpu.memory_space<vmem>>)
    "tpu.region"() ({
      %run_scoped3A = tpu.sem_alloc : memref<!tpu.dma_semaphore, #tpu.memory_space<semaphore_mem>>
      %dma_start3A_31 = arith.constant 0 : i32
      %dma_start3A_32 = tpu.memref_slice %arg4[%add3A_4, %dma_start3A_31] : memref<10000x128xf32, #tpu.memory_space<hbm>> -> memref<104x128xf32, #tpu.memory_space<hbm>>
      %dma_start3A_33 = arith.constant 0 : i32
      %dma_start3A_34 = tpu.memref_slice %arg4[%add3A_4, %dma_start3A_33] : memref<10000x128xf32, #tpu.memory_space<hbm>> -> memref<104x128xf32, #tpu.memory_space<hbm>>
      tpu.enqueue_dma source(%arg6 : memref<104x128xf32, #tpu.memory_space<vmem>>) target(%dma_start3A_34 : memref<104x128xf32, #tpu.memory_space<hbm>>) target_semaphore(%run_scoped3A : memref<!tpu.dma_semaphore, #tpu.memory_space<semaphore_mem>>)
      %dma_wait3A_35 = arith.constant 0 : i32
      %dma_wait3A_36 = tpu.memref_slice %arg4[%add3A_4, %dma_wait3A_35] : memref<10000x128xf32, #tpu.memory_space<hbm>> -> memref<104x128xf32, #tpu.memory_space<hbm>>
      %dma_wait3A_37 = arith.constant 0 : i32
      %dma_wait3A_38 = tpu.memref_slice %arg4[%add3A_4, %dma_wait3A_37] : memref<10000x128xf32, #tpu.memory_space<hbm>> -> memref<104x128xf32, #tpu.memory_space<hbm>>
      tpu.wait_dma2 semaphore(%run_scoped3A : memref<!tpu.dma_semaphore, #tpu.memory_space<semaphore_mem>>) src(%arg6 : memref<104x128xf32, #tpu.memory_space<vmem>>) dst(%dma_wait3A_38 : memref<104x128xf32, #tpu.memory_space<hbm>>)
      tpu.yield
    }) : () -> ()
    %mul3A_9 = arith.constant 312 : i32
    %mul3A_10 = arith.muli %add3A, %mul3A_9 : i32
    %add3A_11 = arith.constant 104 : i32
    %add3A_12 = arith.addi %mul3A_10, %add3A_11 : i32
    "tpu.region"() ({
      %run_scoped3A = tpu.sem_alloc : memref<!tpu.dma_semaphore, #tpu.memory_space<semaphore_mem>>
      %dma_start3A_31 = tpu.memref_slice %arg2[%add3A_12] : memref<10000xi32, #tpu.memory_space<hbm>> -> memref<104xi32, #tpu.memory_space<hbm>>
      %dma_start3A_32 = tpu.memref_slice %arg2[%add3A_12] : memref<10000xi32, #tpu.memory_space<hbm>> -> memref<104xi32, #tpu.memory_space<hbm>>
      tpu.enqueue_dma source(%dma_start3A_32 : memref<104xi32, #tpu.memory_space<hbm>>) target(%arg5 : memref<104xi32, #tpu.memory_space<vmem>>) target_semaphore(%run_scoped3A : memref<!tpu.dma_semaphore, #tpu.memory_space<semaphore_mem>>)
      %dma_wait3A_33 = tpu.memref_slice %arg2[%add3A_12] : memref<10000xi32, #tpu.memory_space<hbm>> -> memref<104xi32, #tpu.memory_space<hbm>>
      %dma_wait3A_34 = tpu.memref_slice %arg2[%add3A_12] : memref<10000xi32, #tpu.memory_space<hbm>> -> memref<104xi32, #tpu.memory_space<hbm>>
      tpu.wait_dma2 semaphore(%run_scoped3A : memref<!tpu.dma_semaphore, #tpu.memory_space<semaphore_mem>>) src(%dma_wait3A_34 : memref<104xi32, #tpu.memory_space<hbm>>) dst(%arg5 : memref<104xi32, #tpu.memory_space<vmem>>)
      tpu.yield
    }) : () -> ()
    %dma_start3A_13 = arith.constant 0 : i32
    %dma_start3A_14 = arith.constant 0 : i32
    %dma_start3A_15 = tpu.memref_slice %arg3[%dma_start3A_13, %dma_start3A_14] : memref<10000x128xf32, #tpu.memory_space<hbm>> -> memref<10000x128xf32, #tpu.memory_space<hbm>>
    tpu.enqueue_indirect_dma source(%dma_start3A_15 : memref<10000x128xf32, #tpu.memory_space<hbm>>) target(%arg6 : memref<104x128xf32, #tpu.memory_space<vmem>>) offsets(%arg5 : memref<104xi32, #tpu.memory_space<vmem>>) semaphore(%arg7 : memref<!tpu.dma_semaphore, #tpu.memory_space<semaphore_mem>>)
    %dma_wait3A_16 = arith.constant 0 : i32
    %dma_wait3A_17 = arith.constant 0 : i32
    %dma_wait3A_18 = tpu.memref_slice %arg3[%dma_wait3A_16, %dma_wait3A_17] : memref<10000x128xf32, #tpu.memory_space<hbm>> -> memref<10000x128xf32, #tpu.memory_space<hbm>>
    tpu.wait_indirect_dma semaphore(%arg7 : memref<!tpu.dma_semaphore, #tpu.memory_space<semaphore_mem>>) src(%dma_wait3A_18 : memref<10000x128xf32, #tpu.memory_space<hbm>>) dst(%arg6 : memref<104x128xf32, #tpu.memory_space<vmem>>)
    "tpu.region"() ({
      %run_scoped3A = tpu.sem_alloc : memref<!tpu.dma_semaphore, #tpu.memory_space<semaphore_mem>>
      %dma_start3A_31 = arith.constant 0 : i32
      %dma_start3A_32 = tpu.memref_slice %arg4[%add3A_12, %dma_start3A_31] : memref<10000x128xf32, #tpu.memory_space<hbm>> -> memref<104x128xf32, #tpu.memory_space<hbm>>
      %dma_start3A_33 = arith.constant 0 : i32
      %dma_start3A_34 = tpu.memref_slice %arg4[%add3A_12, %dma_start3A_33] : memref<10000x128xf32, #tpu.memory_space<hbm>> -> memref<104x128xf32, #tpu.memory_space<hbm>>
      tpu.enqueue_dma source(%arg6 : memref<104x128xf32, #tpu.memory_space<vmem>>) target(%dma_start3A_34 : memref<104x128xf32, #tpu.memory_space<hbm>>) target_semaphore(%run_scoped3A : memref<!tpu.dma_semaphore, #tpu.memory_space<semaphore_mem>>)
      %dma_wait3A_35 = arith.constant 0 : i32
      %dma_wait3A_36 = tpu.memref_slice %arg4[%add3A_12, %dma_wait3A_35] : memref<10000x128xf32, #tpu.memory_space<hbm>> -> memref<104x128xf32, #tpu.memory_space<hbm>>
      %dma_wait3A_37 = arith.constant 0 : i32
      %dma_wait3A_38 = tpu.memref_slice %arg4[%add3A_12, %dma_wait3A_37] : memref<10000x128xf32, #tpu.memory_space<hbm>> -> memref<104x128xf32, #tpu.memory_space<hbm>>
      tpu.wait_dma2 semaphore(%run_scoped3A : memref<!tpu.dma_semaphore, #tpu.memory_space<semaphore_mem>>) src(%arg6 : memref<104x128xf32, #tpu.memory_space<vmem>>) dst(%dma_wait3A_38 : memref<104x128xf32, #tpu.memory_space<hbm>>)
      tpu.yield
    }) : () -> ()
    %mul3A_19 = arith.constant 312 : i32
    %mul3A_20 = arith.muli %add3A, %mul3A_19 : i32
    %add3A_21 = arith.constant 208 : i32
    %add3A_22 = arith.addi %mul3A_20, %add3A_21 : i32
    "tpu.region"() ({
      %run_scoped3A = tpu.sem_alloc : memref<!tpu.dma_semaphore, #tpu.memory_space<semaphore_mem>>
      %dma_start3A_31 = tpu.memref_slice %arg2[%add3A_22] : memref<10000xi32, #tpu.memory_space<hbm>> -> memref<104xi32, #tpu.memory_space<hbm>>
      %dma_start3A_32 = tpu.memref_slice %arg2[%add3A_22] : memref<10000xi32, #tpu.memory_space<hbm>> -> memref<104xi32, #tpu.memory_space<hbm>>
      tpu.enqueue_dma source(%dma_start3A_32 : memref<104xi32, #tpu.memory_space<hbm>>) target(%arg5 : memref<104xi32, #tpu.memory_space<vmem>>) target_semaphore(%run_scoped3A : memref<!tpu.dma_semaphore, #tpu.memory_space<semaphore_mem>>)
      %dma_wait3A_33 = tpu.memref_slice %arg2[%add3A_22] : memref<10000xi32, #tpu.memory_space<hbm>> -> memref<104xi32, #tpu.memory_space<hbm>>
      %dma_wait3A_34 = tpu.memref_slice %arg2[%add3A_22] : memref<10000xi32, #tpu.memory_space<hbm>> -> memref<104xi32, #tpu.memory_space<hbm>>
      tpu.wait_dma2 semaphore(%run_scoped3A : memref<!tpu.dma_semaphore, #tpu.memory_space<semaphore_mem>>) src(%dma_wait3A_34 : memref<104xi32, #tpu.memory_space<hbm>>) dst(%arg5 : memref<104xi32, #tpu.memory_space<vmem>>)
      tpu.yield
    }) : () -> ()
    %dma_start3A_23 = arith.constant 0 : i32
    %dma_start3A_24 = arith.constant 0 : i32
    %dma_start3A_25 = tpu.memref_slice %arg3[%dma_start3A_23, %dma_start3A_24] : memref<10000x128xf32, #tpu.memory_space<hbm>> -> memref<10000x128xf32, #tpu.memory_space<hbm>>
    tpu.enqueue_indirect_dma source(%dma_start3A_25 : memref<10000x128xf32, #tpu.memory_space<hbm>>) target(%arg6 : memref<104x128xf32, #tpu.memory_space<vmem>>) offsets(%arg5 : memref<104xi32, #tpu.memory_space<vmem>>) semaphore(%arg7 : memref<!tpu.dma_semaphore, #tpu.memory_space<semaphore_mem>>)
    %dma_wait3A_26 = arith.constant 0 : i32
    %dma_wait3A_27 = arith.constant 0 : i32
    %dma_wait3A_28 = tpu.memref_slice %arg3[%dma_wait3A_26, %dma_wait3A_27] : memref<10000x128xf32, #tpu.memory_space<hbm>> -> memref<10000x128xf32, #tpu.memory_space<hbm>>
    tpu.wait_indirect_dma semaphore(%arg7 : memref<!tpu.dma_semaphore, #tpu.memory_space<semaphore_mem>>) src(%dma_wait3A_28 : memref<10000x128xf32, #tpu.memory_space<hbm>>) dst(%arg6 : memref<104x128xf32, #tpu.memory_space<vmem>>)
    "tpu.region"() ({
      %run_scoped3A = tpu.sem_alloc : memref<!tpu.dma_semaphore, #tpu.memory_space<semaphore_mem>>
      %dma_start3A_31 = arith.constant 0 : i32
      %dma_start3A_32 = tpu.memref_slice %arg4[%add3A_22, %dma_start3A_31] : memref<10000x128xf32, #tpu.memory_space<hbm>> -> memref<104x128xf32, #tpu.memory_space<hbm>>
      %dma_start3A_33 = arith.constant 0 : i32
      %dma_start3A_34 = tpu.memref_slice %arg4[%add3A_22, %dma_start3A_33] : memref<10000x128xf32, #tpu.memory_space<hbm>> -> memref<104x128xf32, #tpu.memory_space<hbm>>
      tpu.enqueue_dma source(%arg6 : memref<104x128xf32, #tpu.memory_space<vmem>>) target(%dma_start3A_34 : memref<104x128xf32, #tpu.memory_space<hbm>>) target_semaphore(%run_scoped3A : memref<!tpu.dma_semaphore, #tpu.memory_space<semaphore_mem>>)
      %dma_wait3A_35 = arith.constant 0 : i32
      %dma_wait3A_36 = tpu.memref_slice %arg4[%add3A_22, %dma_wait3A_35] : memref<10000x128xf32, #tpu.memory_space<hbm>> -> memref<104x128xf32, #tpu.memory_space<hbm>>
      %dma_wait3A_37 = arith.constant 0 : i32
      %dma_wait3A_38 = tpu.memref_slice %arg4[%add3A_22, %dma_wait3A_37] : memref<10000x128xf32, #tpu.memory_space<hbm>> -> memref<104x128xf32, #tpu.memory_space<hbm>>
      tpu.wait_dma2 semaphore(%run_scoped3A : memref<!tpu.dma_semaphore, #tpu.memory_space<semaphore_mem>>) src(%arg6 : memref<104x128xf32, #tpu.memory_space<vmem>>) dst(%dma_wait3A_38 : memref<104x128xf32, #tpu.memory_space<hbm>>)
      tpu.yield
    }) : () -> ()
    %eq3A = arith.constant 0 : i32
    %eq3A_29 = arith.cmpi eq, %add3A, %eq3A : i32
    %convert_element_type3A = arith.extui %eq3A_29 : i1 to i32
    %cond3A = arith.constant 0 : i32
    %cond3A_30 = arith.cmpi ne, %convert_element_type3A, %cond3A : i32
    scf.if %cond3A_30 {
      "tpu.region"() ({
        %run_scoped3A = tpu.sem_alloc : memref<!tpu.dma_semaphore, #tpu.memory_space<semaphore_mem>>
        %dma_start3A_47 = arith.constant 0 : i32
        %dma_start3A_48 = tpu.memref_slice %arg5[%dma_start3A_47] : memref<104xi32, #tpu.memory_space<vmem>> -> memref<16xi32, #tpu.memory_space<vmem>>
        %dma_start3A_49 = arith.constant 9984 : i32
        %dma_start3A_50 = tpu.memref_slice %arg2[%dma_start3A_49] : memref<10000xi32, #tpu.memory_space<hbm>> -> memref<16xi32, #tpu.memory_space<hbm>>
        %dma_start3A_51 = arith.constant 0 : i32
        %dma_start3A_52 = tpu.memref_slice %arg5[%dma_start3A_51] : memref<104xi32, #tpu.memory_space<vmem>> -> memref<16xi32, #tpu.memory_space<vmem>>
        %dma_start3A_53 = arith.constant 9984 : i32
        %dma_start3A_54 = tpu.memref_slice %arg2[%dma_start3A_53] : memref<10000xi32, #tpu.memory_space<hbm>> -> memref<16xi32, #tpu.memory_space<hbm>>
        tpu.enqueue_dma source(%dma_start3A_54 : memref<16xi32, #tpu.memory_space<hbm>>) target(%dma_start3A_52 : memref<16xi32, #tpu.memory_space<vmem>>) target_semaphore(%run_scoped3A : memref<!tpu.dma_semaphore, #tpu.memory_space<semaphore_mem>>)
        %dma_wait3A_55 = arith.constant 0 : i32
        %dma_wait3A_56 = tpu.memref_slice %arg5[%dma_wait3A_55] : memref<104xi32, #tpu.memory_space<vmem>> -> memref<16xi32, #tpu.memory_space<vmem>>
        %dma_wait3A_57 = arith.constant 9984 : i32
        %dma_wait3A_58 = tpu.memref_slice %arg2[%dma_wait3A_57] : memref<10000xi32, #tpu.memory_space<hbm>> -> memref<16xi32, #tpu.memory_space<hbm>>
        %dma_wait3A_59 = arith.constant 0 : i32
        %dma_wait3A_60 = tpu.memref_slice %arg5[%dma_wait3A_59] : memref<104xi32, #tpu.memory_space<vmem>> -> memref<16xi32, #tpu.memory_space<vmem>>
        %dma_wait3A_61 = arith.constant 9984 : i32
        %dma_wait3A_62 = tpu.memref_slice %arg2[%dma_wait3A_61] : memref<10000xi32, #tpu.memory_space<hbm>> -> memref<16xi32, #tpu.memory_space<hbm>>
        tpu.wait_dma2 semaphore(%run_scoped3A : memref<!tpu.dma_semaphore, #tpu.memory_space<semaphore_mem>>) src(%dma_wait3A_62 : memref<16xi32, #tpu.memory_space<hbm>>) dst(%dma_wait3A_60 : memref<16xi32, #tpu.memory_space<vmem>>)
        tpu.yield
      }) : () -> ()
      %dma_start3A_31 = arith.constant 0 : i32
      %dma_start3A_32 = arith.constant 0 : i32
      %dma_start3A_33 = tpu.memref_slice %arg6[%dma_start3A_31, %dma_start3A_32] : memref<104x128xf32, #tpu.memory_space<vmem>> -> memref<16x128xf32, #tpu.memory_space<vmem>>
      %dma_start3A_34 = arith.constant 0 : i32
      %dma_start3A_35 = tpu.memref_slice %arg5[%dma_start3A_34] : memref<104xi32, #tpu.memory_space<vmem>> -> memref<16xi32, #tpu.memory_space<vmem>>
      %dma_start3A_36 = arith.constant 0 : i32
      %dma_start3A_37 = arith.constant 0 : i32
      %dma_start3A_38 = tpu.memref_slice %arg3[%dma_start3A_36, %dma_start3A_37] : memref<10000x128xf32, #tpu.memory_space<hbm>> -> memref<10000x128xf32, #tpu.memory_space<hbm>>
      tpu.enqueue_indirect_dma source(%dma_start3A_38 : memref<10000x128xf32, #tpu.memory_space<hbm>>) target(%dma_start3A_33 : memref<16x128xf32, #tpu.memory_space<vmem>>) offsets(%dma_start3A_35 : memref<16xi32, #tpu.memory_space<vmem>>) semaphore(%arg7 : memref<!tpu.dma_semaphore, #tpu.memory_space<semaphore_mem>>)
      %dma_wait3A_39 = arith.constant 0 : i32
      %dma_wait3A_40 = arith.constant 0 : i32
      %dma_wait3A_41 = tpu.memref_slice %arg6[%dma_wait3A_39, %dma_wait3A_40] : memref<104x128xf32, #tpu.memory_space<vmem>> -> memref<16x128xf32, #tpu.memory_space<vmem>>
      %dma_wait3A_42 = arith.constant 0 : i32
      %dma_wait3A_43 = tpu.memref_slice %arg5[%dma_wait3A_42] : memref<104xi32, #tpu.memory_space<vmem>> -> memref<16xi32, #tpu.memory_space<vmem>>
      %dma_wait3A_44 = arith.constant 0 : i32
      %dma_wait3A_45 = arith.constant 0 : i32
      %dma_wait3A_46 = tpu.memref_slice %arg3[%dma_wait3A_44, %dma_wait3A_45] : memref<10000x128xf32, #tpu.memory_space<hbm>> -> memref<10000x128xf32, #tpu.memory_space<hbm>>
      tpu.wait_indirect_dma semaphore(%arg7 : memref<!tpu.dma_semaphore, #tpu.memory_space<semaphore_mem>>) src(%dma_wait3A_46 : memref<10000x128xf32, #tpu.memory_space<hbm>>) dst(%dma_wait3A_41 : memref<16x128xf32, #tpu.memory_space<vmem>>)
      "tpu.region"() ({
        %run_scoped3A = tpu.sem_alloc : memref<!tpu.dma_semaphore, #tpu.memory_space<semaphore_mem>>
        %dma_start3A_47 = arith.constant 0 : i32
        %dma_start3A_48 = arith.constant 0 : i32
        %dma_start3A_49 = tpu.memref_slice %arg6[%dma_start3A_47, %dma_start3A_48] : memref<104x128xf32, #tpu.memory_space<vmem>> -> memref<16x128xf32, #tpu.memory_space<vmem>>
        %dma_start3A_50 = arith.constant 9984 : i32
        %dma_start3A_51 = arith.constant 0 : i32
        %dma_start3A_52 = tpu.memref_slice %arg4[%dma_start3A_50, %dma_start3A_51] : memref<10000x128xf32, #tpu.memory_space<hbm>> -> memref<16x128xf32, #tpu.memory_space<hbm>>
        %dma_start3A_53 = arith.constant 9984 : i32
        %dma_start3A_54 = arith.constant 0 : i32
        %dma_start3A_55 = tpu.memref_slice %arg4[%dma_start3A_53, %dma_start3A_54] : memref<10000x128xf32, #tpu.memory_space<hbm>> -> memref<16x128xf32, #tpu.memory_space<hbm>>
        %dma_start3A_56 = arith.constant 0 : i32
        %dma_start3A_57 = arith.constant 0 : i32
        %dma_start3A_58 = tpu.memref_slice %arg6[%dma_start3A_56, %dma_start3A_57] : memref<104x128xf32, #tpu.memory_space<vmem>> -> memref<16x128xf32, #tpu.memory_space<vmem>>
        tpu.enqueue_dma source(%dma_start3A_58 : memref<16x128xf32, #tpu.memory_space<vmem>>) target(%dma_start3A_55 : memref<16x128xf32, #tpu.memory_space<hbm>>) target_semaphore(%run_scoped3A : memref<!tpu.dma_semaphore, #tpu.memory_space<semaphore_mem>>)
        %dma_wait3A_59 = arith.constant 0 : i32
        %dma_wait3A_60 = arith.constant 0 : i32
        %dma_wait3A_61 = tpu.memref_slice %arg6[%dma_wait3A_59, %dma_wait3A_60] : memref<104x128xf32, #tpu.memory_space<vmem>> -> memref<16x128xf32, #tpu.memory_space<vmem>>
        %dma_wait3A_62 = arith.constant 9984 : i32
        %dma_wait3A_63 = arith.constant 0 : i32
        %dma_wait3A_64 = tpu.memref_slice %arg4[%dma_wait3A_62, %dma_wait3A_63] : memref<10000x128xf32, #tpu.memory_space<hbm>> -> memref<16x128xf32, #tpu.memory_space<hbm>>
        %dma_wait3A_65 = arith.constant 9984 : i32
        %dma_wait3A_66 = arith.constant 0 : i32
        %dma_wait3A_67 = tpu.memref_slice %arg4[%dma_wait3A_65, %dma_wait3A_66] : memref<10000x128xf32, #tpu.memory_space<hbm>> -> memref<16x128xf32, #tpu.memory_space<hbm>>
        %dma_wait3A_68 = arith.constant 0 : i32
        %dma_wait3A_69 = arith.constant 0 : i32
        %dma_wait3A_70 = tpu.memref_slice %arg6[%dma_wait3A_68, %dma_wait3A_69] : memref<104x128xf32, #tpu.memory_space<vmem>> -> memref<16x128xf32, #tpu.memory_space<vmem>>
        tpu.wait_dma2 semaphore(%run_scoped3A : memref<!tpu.dma_semaphore, #tpu.memory_space<semaphore_mem>>) src(%dma_wait3A_70 : memref<16x128xf32, #tpu.memory_space<vmem>>) dst(%dma_wait3A_67 : memref<16x128xf32, #tpu.memory_space<hbm>>)
        tpu.yield
      }) : () -> ()
    } else {
    }
    return
  }
}

#map = affine_map<(d0, d1) -> (0)>
#map1 = affine_map<(d0, d1) -> (0, 0)>
#map2 = affine_map<(d0, d1) -> (0, 0, 0)>
module attributes {stable_mosaic.version = 14 : i64} {
  func.func @body(%arg0: i32, %arg1: i32, %arg2: memref<322560xi32, #tpu.memory_space<hbm>>, %arg3: memref<322560xi32, #tpu.memory_space<hbm>>, %arg4: memref<322560xi32, #tpu.memory_space<hbm>>, %arg5: memref<160000x128xf32, #tpu.memory_space<hbm>>, %arg6: memref<2x10000x128xf32, #tpu.memory_space<hbm>>, %arg7: memref<20480xf32, #tpu.memory_space<hbm>>, %arg8: memref<80xi32, #tpu.memory_space<vmem>>, %arg9: memref<80xi32, #tpu.memory_space<vmem>>, %arg10: memref<80xi32, #tpu.memory_space<vmem>>, %arg11: memref<80xi32, #tpu.memory_space<vmem>>, %arg12: memref<80xi32, #tpu.memory_space<vmem>>, %arg13: memref<80xi32, #tpu.memory_space<vmem>>, %arg14: memref<80xi32, #tpu.memory_space<vmem>>, %arg15: memref<80xi32, #tpu.memory_space<vmem>>, %arg16: memref<80xi32, #tpu.memory_space<vmem>>, %arg17: memref<80xi32, #tpu.memory_space<vmem>>, %arg18: memref<80xi32, #tpu.memory_space<vmem>>, %arg19: memref<80xi32, #tpu.memory_space<vmem>>, %arg20: memref<80x128xf32, #tpu.memory_space<vmem>>, %arg21: memref<80x128xf32, #tpu.memory_space<vmem>>, %arg22: memref<80x128xf32, #tpu.memory_space<vmem>>, %arg23: memref<80x128xf32, #tpu.memory_space<vmem>>, %arg24: memref<80xf32, #tpu.memory_space<vmem>>, %arg25: memref<640xf32, #tpu.memory_space<vmem>>, %arg26: memref<10240x128xf32, #tpu.memory_space<vmem_shared>>, %arg27: memref<10240xf32, #tpu.memory_space<vmem_shared>>, %arg28: memref<!tpu.dma_semaphore, #tpu.memory_space<semaphore_mem>>, %arg29: memref<!tpu.dma_semaphore, #tpu.memory_space<semaphore_mem>>, %arg30: memref<!tpu.dma_semaphore, #tpu.memory_space<semaphore_mem>>, %arg31: memref<!tpu.dma_semaphore, #tpu.memory_space<semaphore_mem>>, %arg32: memref<!tpu.dma_semaphore, #tpu.memory_space<semaphore_mem>>, %arg33: memref<!tpu.dma_semaphore, #tpu.memory_space<semaphore_mem>>, %arg34: memref<!tpu.dma_semaphore, #tpu.memory_space<semaphore_mem>>, %arg35: memref<!tpu.dma_semaphore, #tpu.memory_space<semaphore_mem>>, %arg36: memref<!tpu.dma_semaphore, #tpu.memory_space<semaphore_mem>>, %arg37: memref<!tpu.dma_semaphore, #tpu.memory_space<semaphore_mem>>, %arg38: memref<!tpu.dma_semaphore, #tpu.memory_space<semaphore_mem>>, %arg39: memref<!tpu.dma_semaphore, #tpu.memory_space<semaphore_mem>>, %arg40: memref<!tpu.dma_semaphore, #tpu.memory_space<semaphore_mem>>, %arg41: memref<!tpu.dma_semaphore, #tpu.memory_space<semaphore_mem>>, %arg42: memref<!tpu.dma_semaphore, #tpu.memory_space<semaphore_mem>>, %arg43: memref<!tpu.dma_semaphore, #tpu.memory_space<semaphore_mem>>) attributes {dimension_semantics = [#tpu.dimension_semantics<core_parallel>, #tpu.dimension_semantics<subcore_parallel>], iteration_bounds = array<i64: 2, 16>, scalar_prefetch = 0 : i64, scratch_operands = 36 : i64, tpu.core_type = #tpu.core_type<sc_vector_subcore>, window_params = [{transform_indices = #map}, {transform_indices = #map}, {transform_indices = #map}, {transform_indices = #map1}, {transform_indices = #map2}, {transform_indices = #map}]} {
    %mul3A = arith.constant 16 : i32
    %mul3A_0 = arith.muli %arg0, %mul3A : i32
    %add3A = arith.addi %mul3A_0, %arg1 : i32
    %broadcast_in_dim3A = arith.constant 0.000000e+00 : f32
    %broadcast_in_dim3A_1 = vector.broadcast %broadcast_in_dim3A : f32 to vector<16xf32>
    %broadcast_in_dim3A_2 = arith.constant 1.000000e+00 : f32
    %broadcast_in_dim3A_3 = vector.broadcast %broadcast_in_dim3A_2 : f32 to vector<16xf32>
    %scan3A = arith.constant 0 : i32
    %scan3A_4 = arith.constant 0 : i32
    %scan3A_5 = arith.constant 80 : i32
    %scan3A_6 = arith.addi %scan3A_4, %scan3A_5 : i32
    %scan3A_7 = arith.constant 1 : i32
    scf.for %scan3A_137 = %scan3A_4 to %scan3A_6 step %scan3A_7  : i32 {
      %swap3A = arith.index_cast %scan3A_137 : i32 to index
      %swap3A_138 = arith.constant 0 : index
      %swap3A_139 = tpu.vector_load %arg20[%swap3A, %swap3A_138] {strides = array<i32>} : memref<80x128xf32, #tpu.memory_space<vmem>>, vector<16xf32>,
      tpu.vector_store %arg20[%swap3A, %swap3A_138], %broadcast_in_dim3A_1 {strides = array<i32>} : memref<80x128xf32, #tpu.memory_space<vmem>>, vector<16xf32>,
      %swap3A_140 = arith.index_cast %scan3A_137 : i32 to index
      %swap3A_141 = arith.constant 16 : index
      %swap3A_142 = tpu.vector_load %arg20[%swap3A_140, %swap3A_141] {strides = array<i32>} : memref<80x128xf32, #tpu.memory_space<vmem>>, vector<16xf32>,
      tpu.vector_store %arg20[%swap3A_140, %swap3A_141], %broadcast_in_dim3A_1 {strides = array<i32>} : memref<80x128xf32, #tpu.memory_space<vmem>>, vector<16xf32>,
      %swap3A_143 = arith.index_cast %scan3A_137 : i32 to index
      %swap3A_144 = arith.constant 32 : index
      %swap3A_145 = tpu.vector_load %arg20[%swap3A_143, %swap3A_144] {strides = array<i32>} : memref<80x128xf32, #tpu.memory_space<vmem>>, vector<16xf32>,
      tpu.vector_store %arg20[%swap3A_143, %swap3A_144], %broadcast_in_dim3A_1 {strides = array<i32>} : memref<80x128xf32, #tpu.memory_space<vmem>>, vector<16xf32>,
      %swap3A_146 = arith.index_cast %scan3A_137 : i32 to index
      %swap3A_147 = arith.constant 48 : index
      %swap3A_148 = tpu.vector_load %arg20[%swap3A_146, %swap3A_147] {strides = array<i32>} : memref<80x128xf32, #tpu.memory_space<vmem>>, vector<16xf32>,
      tpu.vector_store %arg20[%swap3A_146, %swap3A_147], %broadcast_in_dim3A_1 {strides = array<i32>} : memref<80x128xf32, #tpu.memory_space<vmem>>, vector<16xf32>,
      %swap3A_149 = arith.index_cast %scan3A_137 : i32 to index
      %swap3A_150 = arith.constant 64 : index
      %swap3A_151 = tpu.vector_load %arg20[%swap3A_149, %swap3A_150] {strides = array<i32>} : memref<80x128xf32, #tpu.memory_space<vmem>>, vector<16xf32>,
      tpu.vector_store %arg20[%swap3A_149, %swap3A_150], %broadcast_in_dim3A_1 {strides = array<i32>} : memref<80x128xf32, #tpu.memory_space<vmem>>, vector<16xf32>,
      %swap3A_152 = arith.index_cast %scan3A_137 : i32 to index
      %swap3A_153 = arith.constant 80 : index
      %swap3A_154 = tpu.vector_load %arg20[%swap3A_152, %swap3A_153] {strides = array<i32>} : memref<80x128xf32, #tpu.memory_space<vmem>>, vector<16xf32>,
      tpu.vector_store %arg20[%swap3A_152, %swap3A_153], %broadcast_in_dim3A_1 {strides = array<i32>} : memref<80x128xf32, #tpu.memory_space<vmem>>, vector<16xf32>,
      %swap3A_155 = arith.index_cast %scan3A_137 : i32 to index
      %swap3A_156 = arith.constant 96 : index
      %swap3A_157 = tpu.vector_load %arg20[%swap3A_155, %swap3A_156] {strides = array<i32>} : memref<80x128xf32, #tpu.memory_space<vmem>>, vector<16xf32>,
      tpu.vector_store %arg20[%swap3A_155, %swap3A_156], %broadcast_in_dim3A_1 {strides = array<i32>} : memref<80x128xf32, #tpu.memory_space<vmem>>, vector<16xf32>,
      %swap3A_158 = arith.index_cast %scan3A_137 : i32 to index
      %swap3A_159 = arith.constant 112 : index
      %swap3A_160 = tpu.vector_load %arg20[%swap3A_158, %swap3A_159] {strides = array<i32>} : memref<80x128xf32, #tpu.memory_space<vmem>>, vector<16xf32>,
      tpu.vector_store %arg20[%swap3A_158, %swap3A_159], %broadcast_in_dim3A_1 {strides = array<i32>} : memref<80x128xf32, #tpu.memory_space<vmem>>, vector<16xf32>,
    }
    %scan3A_8 = arith.constant 80 : i32
    %scan3A_9 = arith.constant 0 : i32
    %scan3A_10 = arith.constant 0 : i32
    %scan3A_11 = arith.constant 40 : i32
    %scan3A_12 = arith.addi %scan3A_10, %scan3A_11 : i32
    %scan3A_13 = arith.constant 1 : i32
    scf.for %scan3A_137 = %scan3A_10 to %scan3A_12 step %scan3A_13  : i32 {
      %mul3A_138 = arith.constant 16 : i32
      %mul3A_139 = arith.muli %scan3A_137, %mul3A_138 : i32
      %swap3A = arith.index_cast %mul3A_139 : i32 to index
      %swap3A_140 = tpu.vector_load %arg25[%swap3A] {strides = array<i32>} : memref<640xf32, #tpu.memory_space<vmem>>, vector<16xf32>,
      tpu.vector_store %arg25[%swap3A], %broadcast_in_dim3A_1 {strides = array<i32>} : memref<640xf32, #tpu.memory_space<vmem>>, vector<16xf32>,
    }
    %scan3A_14 = arith.constant 40 : i32
    %scan3A_15 = arith.constant 0 : i32
    %scan3A_16 = arith.constant 0 : i32
    %scan3A_17 = arith.constant 5 : i32
    %scan3A_18 = arith.addi %scan3A_16, %scan3A_17 : i32
    %scan3A_19 = arith.constant 1 : i32
    scf.for %scan3A_137 = %scan3A_16 to %scan3A_18 step %scan3A_19  : i32 {
      %mul3A_138 = arith.constant 16 : i32
      %mul3A_139 = arith.muli %scan3A_137, %mul3A_138 : i32
      %swap3A = arith.index_cast %mul3A_139 : i32 to index
      %swap3A_140 = tpu.vector_load %arg24[%swap3A] {strides = array<i32>} : memref<80xf32, #tpu.memory_space<vmem>>, vector<16xf32>,
      tpu.vector_store %arg24[%swap3A], %broadcast_in_dim3A_3 {strides = array<i32>} : memref<80xf32, #tpu.memory_space<vmem>>, vector<16xf32>,
    }
    %scan3A_20 = arith.constant 5 : i32
    %mul3A_21 = arith.constant 640 : i32
    %mul3A_22 = arith.muli %arg1, %mul3A_21 : i32
    %add3A_23 = arith.constant 0 : i32
    %add3A_24 = arith.addi %mul3A_22, %add3A_23 : i32
    "tpu.region"() ({
      %run_scoped3A = tpu.sem_alloc : memref<!tpu.dma_semaphore, #tpu.memory_space<semaphore_mem>>
      %dma_start3A_137 = arith.constant 0 : i32
      %dma_start3A_138 = tpu.memref_slice %arg26[%add3A_24, %dma_start3A_137] : memref<10240x128xf32, #tpu.memory_space<vmem_shared>> -> memref<80x128xf32, #tpu.memory_space<vmem_shared>>
      %dma_start3A_139 = arith.constant 0 : i32
      %dma_start3A_140 = tpu.memref_slice %arg26[%add3A_24, %dma_start3A_139] : memref<10240x128xf32, #tpu.memory_space<vmem_shared>> -> memref<80x128xf32, #tpu.memory_space<vmem_shared>>
      tpu.enqueue_dma source(%arg20 : memref<80x128xf32, #tpu.memory_space<vmem>>) target(%dma_start3A_140 : memref<80x128xf32, #tpu.memory_space<vmem_shared>>) target_semaphore(%run_scoped3A : memref<!tpu.dma_semaphore, #tpu.memory_space<semaphore_mem>>)
      %dma_wait3A_141 = arith.constant 0 : i32
      %dma_wait3A_142 = tpu.memref_slice %arg26[%add3A_24, %dma_wait3A_141] : memref<10240x128xf32, #tpu.memory_space<vmem_shared>> -> memref<80x128xf32, #tpu.memory_space<vmem_shared>>
      %dma_wait3A_143 = arith.constant 0 : i32
      %dma_wait3A_144 = tpu.memref_slice %arg26[%add3A_24, %dma_wait3A_143] : memref<10240x128xf32, #tpu.memory_space<vmem_shared>> -> memref<80x128xf32, #tpu.memory_space<vmem_shared>>
      tpu.wait_dma2 semaphore(%run_scoped3A : memref<!tpu.dma_semaphore, #tpu.memory_space<semaphore_mem>>) src(%arg20 : memref<80x128xf32, #tpu.memory_space<vmem>>) dst(%dma_wait3A_144 : memref<80x128xf32, #tpu.memory_space<vmem_shared>>)
      tpu.yield
    }) : () -> ()
    %add3A_25 = arith.constant 80 : i32
    %add3A_26 = arith.addi %mul3A_22, %add3A_25 : i32
    "tpu.region"() ({
      %run_scoped3A = tpu.sem_alloc : memref<!tpu.dma_semaphore, #tpu.memory_space<semaphore_mem>>
      %dma_start3A_137 = arith.constant 0 : i32
      %dma_start3A_138 = tpu.memref_slice %arg26[%add3A_26, %dma_start3A_137] : memref<10240x128xf32, #tpu.memory_space<vmem_shared>> -> memref<80x128xf32, #tpu.memory_space<vmem_shared>>
      %dma_start3A_139 = arith.constant 0 : i32
      %dma_start3A_140 = tpu.memref_slice %arg26[%add3A_26, %dma_start3A_139] : memref<10240x128xf32, #tpu.memory_space<vmem_shared>> -> memref<80x128xf32, #tpu.memory_space<vmem_shared>>
      tpu.enqueue_dma source(%arg20 : memref<80x128xf32, #tpu.memory_space<vmem>>) target(%dma_start3A_140 : memref<80x128xf32, #tpu.memory_space<vmem_shared>>) target_semaphore(%run_scoped3A : memref<!tpu.dma_semaphore, #tpu.memory_space<semaphore_mem>>)
      %dma_wait3A_141 = arith.constant 0 : i32
      %dma_wait3A_142 = tpu.memref_slice %arg26[%add3A_26, %dma_wait3A_141] : memref<10240x128xf32, #tpu.memory_space<vmem_shared>> -> memref<80x128xf32, #tpu.memory_space<vmem_shared>>
      %dma_wait3A_143 = arith.constant 0 : i32
      %dma_wait3A_144 = tpu.memref_slice %arg26[%add3A_26, %dma_wait3A_143] : memref<10240x128xf32, #tpu.memory_space<vmem_shared>> -> memref<80x128xf32, #tpu.memory_space<vmem_shared>>
      tpu.wait_dma2 semaphore(%run_scoped3A : memref<!tpu.dma_semaphore, #tpu.memory_space<semaphore_mem>>) src(%arg20 : memref<80x128xf32, #tpu.memory_space<vmem>>) dst(%dma_wait3A_144 : memref<80x128xf32, #tpu.memory_space<vmem_shared>>)
      tpu.yield
    }) : () -> ()
    %add3A_27 = arith.constant 160 : i32
    %add3A_28 = arith.addi %mul3A_22, %add3A_27 : i32
    "tpu.region"() ({
      %run_scoped3A = tpu.sem_alloc : memref<!tpu.dma_semaphore, #tpu.memory_space<semaphore_mem>>
      %dma_start3A_137 = arith.constant 0 : i32
      %dma_start3A_138 = tpu.memref_slice %arg26[%add3A_28, %dma_start3A_137] : memref<10240x128xf32, #tpu.memory_space<vmem_shared>> -> memref<80x128xf32, #tpu.memory_space<vmem_shared>>
      %dma_start3A_139 = arith.constant 0 : i32
      %dma_start3A_140 = tpu.memref_slice %arg26[%add3A_28, %dma_start3A_139] : memref<10240x128xf32, #tpu.memory_space<vmem_shared>> -> memref<80x128xf32, #tpu.memory_space<vmem_shared>>
      tpu.enqueue_dma source(%arg20 : memref<80x128xf32, #tpu.memory_space<vmem>>) target(%dma_start3A_140 : memref<80x128xf32, #tpu.memory_space<vmem_shared>>) target_semaphore(%run_scoped3A : memref<!tpu.dma_semaphore, #tpu.memory_space<semaphore_mem>>)
      %dma_wait3A_141 = arith.constant 0 : i32
      %dma_wait3A_142 = tpu.memref_slice %arg26[%add3A_28, %dma_wait3A_141] : memref<10240x128xf32, #tpu.memory_space<vmem_shared>> -> memref<80x128xf32, #tpu.memory_space<vmem_shared>>
      %dma_wait3A_143 = arith.constant 0 : i32
      %dma_wait3A_144 = tpu.memref_slice %arg26[%add3A_28, %dma_wait3A_143] : memref<10240x128xf32, #tpu.memory_space<vmem_shared>> -> memref<80x128xf32, #tpu.memory_space<vmem_shared>>
      tpu.wait_dma2 semaphore(%run_scoped3A : memref<!tpu.dma_semaphore, #tpu.memory_space<semaphore_mem>>) src(%arg20 : memref<80x128xf32, #tpu.memory_space<vmem>>) dst(%dma_wait3A_144 : memref<80x128xf32, #tpu.memory_space<vmem_shared>>)
      tpu.yield
    }) : () -> ()
    %add3A_29 = arith.constant 240 : i32
    %add3A_30 = arith.addi %mul3A_22, %add3A_29 : i32
    "tpu.region"() ({
      %run_scoped3A = tpu.sem_alloc : memref<!tpu.dma_semaphore, #tpu.memory_space<semaphore_mem>>
      %dma_start3A_137 = arith.constant 0 : i32
      %dma_start3A_138 = tpu.memref_slice %arg26[%add3A_30, %dma_start3A_137] : memref<10240x128xf32, #tpu.memory_space<vmem_shared>> -> memref<80x128xf32, #tpu.memory_space<vmem_shared>>
      %dma_start3A_139 = arith.constant 0 : i32
      %dma_start3A_140 = tpu.memref_slice %arg26[%add3A_30, %dma_start3A_139] : memref<10240x128xf32, #tpu.memory_space<vmem_shared>> -> memref<80x128xf32, #tpu.memory_space<vmem_shared>>
      tpu.enqueue_dma source(%arg20 : memref<80x128xf32, #tpu.memory_space<vmem>>) target(%dma_start3A_140 : memref<80x128xf32, #tpu.memory_space<vmem_shared>>) target_semaphore(%run_scoped3A : memref<!tpu.dma_semaphore, #tpu.memory_space<semaphore_mem>>)
      %dma_wait3A_141 = arith.constant 0 : i32
      %dma_wait3A_142 = tpu.memref_slice %arg26[%add3A_30, %dma_wait3A_141] : memref<10240x128xf32, #tpu.memory_space<vmem_shared>> -> memref<80x128xf32, #tpu.memory_space<vmem_shared>>
      %dma_wait3A_143 = arith.constant 0 : i32
      %dma_wait3A_144 = tpu.memref_slice %arg26[%add3A_30, %dma_wait3A_143] : memref<10240x128xf32, #tpu.memory_space<vmem_shared>> -> memref<80x128xf32, #tpu.memory_space<vmem_shared>>
      tpu.wait_dma2 semaphore(%run_scoped3A : memref<!tpu.dma_semaphore, #tpu.memory_space<semaphore_mem>>) src(%arg20 : memref<80x128xf32, #tpu.memory_space<vmem>>) dst(%dma_wait3A_144 : memref<80x128xf32, #tpu.memory_space<vmem_shared>>)
      tpu.yield
    }) : () -> ()
    %add3A_31 = arith.constant 320 : i32
    %add3A_32 = arith.addi %mul3A_22, %add3A_31 : i32
    "tpu.region"() ({
      %run_scoped3A = tpu.sem_alloc : memref<!tpu.dma_semaphore, #tpu.memory_space<semaphore_mem>>
      %dma_start3A_137 = arith.constant 0 : i32
      %dma_start3A_138 = tpu.memref_slice %arg26[%add3A_32, %dma_start3A_137] : memref<10240x128xf32, #tpu.memory_space<vmem_shared>> -> memref<80x128xf32, #tpu.memory_space<vmem_shared>>
      %dma_start3A_139 = arith.constant 0 : i32
      %dma_start3A_140 = tpu.memref_slice %arg26[%add3A_32, %dma_start3A_139] : memref<10240x128xf32, #tpu.memory_space<vmem_shared>> -> memref<80x128xf32, #tpu.memory_space<vmem_shared>>
      tpu.enqueue_dma source(%arg20 : memref<80x128xf32, #tpu.memory_space<vmem>>) target(%dma_start3A_140 : memref<80x128xf32, #tpu.memory_space<vmem_shared>>) target_semaphore(%run_scoped3A : memref<!tpu.dma_semaphore, #tpu.memory_space<semaphore_mem>>)
      %dma_wait3A_141 = arith.constant 0 : i32
      %dma_wait3A_142 = tpu.memref_slice %arg26[%add3A_32, %dma_wait3A_141] : memref<10240x128xf32, #tpu.memory_space<vmem_shared>> -> memref<80x128xf32, #tpu.memory_space<vmem_shared>>
      %dma_wait3A_143 = arith.constant 0 : i32
      %dma_wait3A_144 = tpu.memref_slice %arg26[%add3A_32, %dma_wait3A_143] : memref<10240x128xf32, #tpu.memory_space<vmem_shared>> -> memref<80x128xf32, #tpu.memory_space<vmem_shared>>
      tpu.wait_dma2 semaphore(%run_scoped3A : memref<!tpu.dma_semaphore, #tpu.memory_space<semaphore_mem>>) src(%arg20 : memref<80x128xf32, #tpu.memory_space<vmem>>) dst(%dma_wait3A_144 : memref<80x128xf32, #tpu.memory_space<vmem_shared>>)
      tpu.yield
    }) : () -> ()
    %add3A_33 = arith.constant 400 : i32
    %add3A_34 = arith.addi %mul3A_22, %add3A_33 : i32
    "tpu.region"() ({
      %run_scoped3A = tpu.sem_alloc : memref<!tpu.dma_semaphore, #tpu.memory_space<semaphore_mem>>
      %dma_start3A_137 = arith.constant 0 : i32
      %dma_start3A_138 = tpu.memref_slice %arg26[%add3A_34, %dma_start3A_137] : memref<10240x128xf32, #tpu.memory_space<vmem_shared>> -> memref<80x128xf32, #tpu.memory_space<vmem_shared>>
      %dma_start3A_139 = arith.constant 0 : i32
      %dma_start3A_140 = tpu.memref_slice %arg26[%add3A_34, %dma_start3A_139] : memref<10240x128xf32, #tpu.memory_space<vmem_shared>> -> memref<80x128xf32, #tpu.memory_space<vmem_shared>>
      tpu.enqueue_dma source(%arg20 : memref<80x128xf32, #tpu.memory_space<vmem>>) target(%dma_start3A_140 : memref<80x128xf32, #tpu.memory_space<vmem_shared>>) target_semaphore(%run_scoped3A : memref<!tpu.dma_semaphore, #tpu.memory_space<semaphore_mem>>)
      %dma_wait3A_141 = arith.constant 0 : i32
      %dma_wait3A_142 = tpu.memref_slice %arg26[%add3A_34, %dma_wait3A_141] : memref<10240x128xf32, #tpu.memory_space<vmem_shared>> -> memref<80x128xf32, #tpu.memory_space<vmem_shared>>
      %dma_wait3A_143 = arith.constant 0 : i32
      %dma_wait3A_144 = tpu.memref_slice %arg26[%add3A_34, %dma_wait3A_143] : memref<10240x128xf32, #tpu.memory_space<vmem_shared>> -> memref<80x128xf32, #tpu.memory_space<vmem_shared>>
      tpu.wait_dma2 semaphore(%run_scoped3A : memref<!tpu.dma_semaphore, #tpu.memory_space<semaphore_mem>>) src(%arg20 : memref<80x128xf32, #tpu.memory_space<vmem>>) dst(%dma_wait3A_144 : memref<80x128xf32, #tpu.memory_space<vmem_shared>>)
      tpu.yield
    }) : () -> ()
    %add3A_35 = arith.constant 480 : i32
    %add3A_36 = arith.addi %mul3A_22, %add3A_35 : i32
    "tpu.region"() ({
      %run_scoped3A = tpu.sem_alloc : memref<!tpu.dma_semaphore, #tpu.memory_space<semaphore_mem>>
      %dma_start3A_137 = arith.constant 0 : i32
      %dma_start3A_138 = tpu.memref_slice %arg26[%add3A_36, %dma_start3A_137] : memref<10240x128xf32, #tpu.memory_space<vmem_shared>> -> memref<80x128xf32, #tpu.memory_space<vmem_shared>>
      %dma_start3A_139 = arith.constant 0 : i32
      %dma_start3A_140 = tpu.memref_slice %arg26[%add3A_36, %dma_start3A_139] : memref<10240x128xf32, #tpu.memory_space<vmem_shared>> -> memref<80x128xf32, #tpu.memory_space<vmem_shared>>
      tpu.enqueue_dma source(%arg20 : memref<80x128xf32, #tpu.memory_space<vmem>>) target(%dma_start3A_140 : memref<80x128xf32, #tpu.memory_space<vmem_shared>>) target_semaphore(%run_scoped3A : memref<!tpu.dma_semaphore, #tpu.memory_space<semaphore_mem>>)
      %dma_wait3A_141 = arith.constant 0 : i32
      %dma_wait3A_142 = tpu.memref_slice %arg26[%add3A_36, %dma_wait3A_141] : memref<10240x128xf32, #tpu.memory_space<vmem_shared>> -> memref<80x128xf32, #tpu.memory_space<vmem_shared>>
      %dma_wait3A_143 = arith.constant 0 : i32
      %dma_wait3A_144 = tpu.memref_slice %arg26[%add3A_36, %dma_wait3A_143] : memref<10240x128xf32, #tpu.memory_space<vmem_shared>> -> memref<80x128xf32, #tpu.memory_space<vmem_shared>>
      tpu.wait_dma2 semaphore(%run_scoped3A : memref<!tpu.dma_semaphore, #tpu.memory_space<semaphore_mem>>) src(%arg20 : memref<80x128xf32, #tpu.memory_space<vmem>>) dst(%dma_wait3A_144 : memref<80x128xf32, #tpu.memory_space<vmem_shared>>)
      tpu.yield
    }) : () -> ()
    %add3A_37 = arith.constant 560 : i32
    %add3A_38 = arith.addi %mul3A_22, %add3A_37 : i32
    "tpu.region"() ({
      %run_scoped3A = tpu.sem_alloc : memref<!tpu.dma_semaphore, #tpu.memory_space<semaphore_mem>>
      %dma_start3A_137 = arith.constant 0 : i32
      %dma_start3A_138 = tpu.memref_slice %arg26[%add3A_38, %dma_start3A_137] : memref<10240x128xf32, #tpu.memory_space<vmem_shared>> -> memref<80x128xf32, #tpu.memory_space<vmem_shared>>
      %dma_start3A_139 = arith.constant 0 : i32
      %dma_start3A_140 = tpu.memref_slice %arg26[%add3A_38, %dma_start3A_139] : memref<10240x128xf32, #tpu.memory_space<vmem_shared>> -> memref<80x128xf32, #tpu.memory_space<vmem_shared>>
      tpu.enqueue_dma source(%arg20 : memref<80x128xf32, #tpu.memory_space<vmem>>) target(%dma_start3A_140 : memref<80x128xf32, #tpu.memory_space<vmem_shared>>) target_semaphore(%run_scoped3A : memref<!tpu.dma_semaphore, #tpu.memory_space<semaphore_mem>>)
      %dma_wait3A_141 = arith.constant 0 : i32
      %dma_wait3A_142 = tpu.memref_slice %arg26[%add3A_38, %dma_wait3A_141] : memref<10240x128xf32, #tpu.memory_space<vmem_shared>> -> memref<80x128xf32, #tpu.memory_space<vmem_shared>>
      %dma_wait3A_143 = arith.constant 0 : i32
      %dma_wait3A_144 = tpu.memref_slice %arg26[%add3A_38, %dma_wait3A_143] : memref<10240x128xf32, #tpu.memory_space<vmem_shared>> -> memref<80x128xf32, #tpu.memory_space<vmem_shared>>
      tpu.wait_dma2 semaphore(%run_scoped3A : memref<!tpu.dma_semaphore, #tpu.memory_space<semaphore_mem>>) src(%arg20 : memref<80x128xf32, #tpu.memory_space<vmem>>) dst(%dma_wait3A_144 : memref<80x128xf32, #tpu.memory_space<vmem_shared>>)
      tpu.yield
    }) : () -> ()
    %mul3A_39 = arith.constant 640 : i32
    %mul3A_40 = arith.muli %arg1, %mul3A_39 : i32
    "tpu.region"() ({
      %run_scoped3A = tpu.sem_alloc : memref<!tpu.dma_semaphore, #tpu.memory_space<semaphore_mem>>
      %dma_start3A_137 = tpu.memref_slice %arg27[%mul3A_40] : memref<10240xf32, #tpu.memory_space<vmem_shared>> -> memref<640xf32, #tpu.memory_space<vmem_shared>>
      %dma_start3A_138 = tpu.memref_slice %arg27[%mul3A_40] : memref<10240xf32, #tpu.memory_space<vmem_shared>> -> memref<640xf32, #tpu.memory_space<vmem_shared>>
      tpu.enqueue_dma source(%arg25 : memref<640xf32, #tpu.memory_space<vmem>>) target(%dma_start3A_138 : memref<640xf32, #tpu.memory_space<vmem_shared>>) target_semaphore(%run_scoped3A : memref<!tpu.dma_semaphore, #tpu.memory_space<semaphore_mem>>)
      %dma_wait3A_139 = tpu.memref_slice %arg27[%mul3A_40] : memref<10240xf32, #tpu.memory_space<vmem_shared>> -> memref<640xf32, #tpu.memory_space<vmem_shared>>
      %dma_wait3A_140 = tpu.memref_slice %arg27[%mul3A_40] : memref<10240xf32, #tpu.memory_space<vmem_shared>> -> memref<640xf32, #tpu.memory_space<vmem_shared>>
      tpu.wait_dma2 semaphore(%run_scoped3A : memref<!tpu.dma_semaphore, #tpu.memory_space<semaphore_mem>>) src(%arg25 : memref<640xf32, #tpu.memory_space<vmem>>) dst(%dma_wait3A_140 : memref<640xf32, #tpu.memory_space<vmem_shared>>)
      tpu.yield
    }) : () -> ()
    %barrier3A = arith.constant 0 : index
    tpu.barrier barrier_id(%barrier3A)
    %eq3A = arith.constant 0 : i32
    %eq3A_41 = arith.cmpi eq, %arg0, %eq3A : i32
    %jit3A = arith.constant 204 : i32
    %jit3A_42 = arith.constant 48 : i32
    %select_n3A = arith.select %eq3A_41, %jit3A, %jit3A_42 : i32
    %eq3A_43 = arith.constant 0 : i32
    %eq3A_44 = arith.cmpi eq, %arg0, %eq3A_43 : i32
    %mul3A_45 = arith.constant 204 : i32
    %mul3A_46 = arith.muli %arg1, %mul3A_45 : i32
    %mul3A_47 = arith.constant 48 : i32
    %mul3A_48 = arith.muli %arg1, %mul3A_47 : i32
    %add3A_49 = arith.constant 3264 : i32
    %add3A_50 = arith.addi %add3A_49, %mul3A_48 : i32
    %select_n3A_51 = arith.select %eq3A_44, %mul3A_46, %add3A_50 : i32
    %mul3A_52 = arith.constant 80 : i32
    %mul3A_53 = arith.muli %select_n3A_51, %mul3A_52 : i32
    %add3A_54 = arith.constant 0 : i32
    %add3A_55 = arith.addi %mul3A_53, %add3A_54 : i32
    %dma_start3A = tpu.memref_slice %arg2[%add3A_55] : memref<322560xi32, #tpu.memory_space<hbm>> -> memref<80xi32, #tpu.memory_space<hbm>>
    %dma_start3A_56 = tpu.memref_slice %arg2[%add3A_55] : memref<322560xi32, #tpu.memory_space<hbm>> -> memref<80xi32, #tpu.memory_space<hbm>>
    tpu.enqueue_dma source(%dma_start3A_56 : memref<80xi32, #tpu.memory_space<hbm>>) target(%arg8 : memref<80xi32, #tpu.memory_space<vmem>>) target_semaphore(%arg40 : memref<!tpu.dma_semaphore, #tpu.memory_space<semaphore_mem>>)
    %dma_start3A_57 = tpu.memref_slice %arg3[%add3A_55] : memref<322560xi32, #tpu.memory_space<hbm>> -> memref<80xi32, #tpu.memory_space<hbm>>
    %dma_start3A_58 = tpu.memref_slice %arg3[%add3A_55] : memref<322560xi32, #tpu.memory_space<hbm>> -> memref<80xi32, #tpu.memory_space<hbm>>
    tpu.enqueue_dma source(%dma_start3A_58 : memref<80xi32, #tpu.memory_space<hbm>>) target(%arg12 : memref<80xi32, #tpu.memory_space<vmem>>) target_semaphore(%arg40 : memref<!tpu.dma_semaphore, #tpu.memory_space<semaphore_mem>>)
    %dma_start3A_59 = tpu.memref_slice %arg4[%add3A_55] : memref<322560xi32, #tpu.memory_space<hbm>> -> memref<80xi32, #tpu.memory_space<hbm>>
    %dma_start3A_60 = tpu.memref_slice %arg4[%add3A_55] : memref<322560xi32, #tpu.memory_space<hbm>> -> memref<80xi32, #tpu.memory_space<hbm>>
    tpu.enqueue_dma source(%dma_start3A_60 : memref<80xi32, #tpu.memory_space<hbm>>) target(%arg16 : memref<80xi32, #tpu.memory_space<vmem>>) target_semaphore(%arg40 : memref<!tpu.dma_semaphore, #tpu.memory_space<semaphore_mem>>)
    %add3A_61 = arith.constant 0 : i32
    %add3A_62 = arith.addi %mul3A_53, %add3A_61 : i32
    %dma_wait3A = tpu.memref_slice %arg2[%add3A_62] : memref<322560xi32, #tpu.memory_space<hbm>> -> memref<80xi32, #tpu.memory_space<hbm>>
    %dma_wait3A_63 = tpu.memref_slice %arg2[%add3A_62] : memref<322560xi32, #tpu.memory_space<hbm>> -> memref<80xi32, #tpu.memory_space<hbm>>
    tpu.wait_dma2 semaphore(%arg40 : memref<!tpu.dma_semaphore, #tpu.memory_space<semaphore_mem>>) src(%dma_wait3A_63 : memref<80xi32, #tpu.memory_space<hbm>>) dst(%arg8 : memref<80xi32, #tpu.memory_space<vmem>>)
    %dma_wait3A_64 = tpu.memref_slice %arg3[%add3A_62] : memref<322560xi32, #tpu.memory_space<hbm>> -> memref<80xi32, #tpu.memory_space<hbm>>
    %dma_wait3A_65 = tpu.memref_slice %arg3[%add3A_62] : memref<322560xi32, #tpu.memory_space<hbm>> -> memref<80xi32, #tpu.memory_space<hbm>>
    tpu.wait_dma2 semaphore(%arg40 : memref<!tpu.dma_semaphore, #tpu.memory_space<semaphore_mem>>) src(%dma_wait3A_65 : memref<80xi32, #tpu.memory_space<hbm>>) dst(%arg12 : memref<80xi32, #tpu.memory_space<vmem>>)
    %dma_wait3A_66 = tpu.memref_slice %arg4[%add3A_62] : memref<322560xi32, #tpu.memory_space<hbm>> -> memref<80xi32, #tpu.memory_space<hbm>>
    %dma_wait3A_67 = tpu.memref_slice %arg4[%add3A_62] : memref<322560xi32, #tpu.memory_space<hbm>> -> memref<80xi32, #tpu.memory_space<hbm>>
    tpu.wait_dma2 semaphore(%arg40 : memref<!tpu.dma_semaphore, #tpu.memory_space<semaphore_mem>>) src(%dma_wait3A_67 : memref<80xi32, #tpu.memory_space<hbm>>) dst(%arg16 : memref<80xi32, #tpu.memory_space<vmem>>)
    %scan3A_68 = arith.constant 0 : i32
    %scan3A_69 = arith.constant 0 : i32
    %scan3A_70 = arith.constant 5 : i32
    %scan3A_71 = arith.addi %scan3A_69, %scan3A_70 : i32
    %scan3A_72 = arith.constant 1 : i32
    scf.for %scan3A_137 = %scan3A_69 to %scan3A_71 step %scan3A_72  : i32 {
      %mul3A_138 = arith.constant 16 : i32
      %mul3A_139 = arith.muli %scan3A_137, %mul3A_138 : i32
      %get3A = arith.index_cast %mul3A_139 : i32 to index
      %get3A_140 = tpu.vector_load %arg8[%get3A] {strides = array<i32>} : memref<80xi32, #tpu.memory_space<vmem>>, vector<16xi32>,
      %mul3A_141 = arith.constant 16 : i32
      %mul3A_142 = arith.muli %scan3A_137, %mul3A_141 : i32
      %get3A_143 = arith.index_cast %mul3A_142 : i32 to index
      %get3A_144 = tpu.vector_load %arg16[%get3A_143] {strides = array<i32>} : memref<80xi32, #tpu.memory_space<vmem>>, vector<16xi32>,
      %mul3A_145 = arith.constant 16 : i32
      %mul3A_146 = vector.broadcast %mul3A_145 : i32 to vector<16xi32>
      %mul3A_147 = arith.muli %get3A_140, %mul3A_146 : vector<16xi32>
      %add3A_148 = arith.addi %mul3A_147, %get3A_144 : vector<16xi32>
      %mul3A_149 = arith.constant 16 : i32
      %mul3A_150 = arith.muli %scan3A_137, %mul3A_149 : i32
      %swap3A = arith.index_cast %mul3A_150 : i32 to index
      %swap3A_151 = tpu.vector_load %arg8[%swap3A] {strides = array<i32>} : memref<80xi32, #tpu.memory_space<vmem>>, vector<16xi32>,
      tpu.vector_store %arg8[%swap3A], %add3A_148 {strides = array<i32>} : memref<80xi32, #tpu.memory_space<vmem>>, vector<16xi32>,
    }
    %scan3A_73 = arith.constant 5 : i32
    %add3A_74 = arith.constant 80 : i32
    %add3A_75 = arith.addi %mul3A_53, %add3A_74 : i32
    %dma_start3A_76 = tpu.memref_slice %arg2[%add3A_75] : memref<322560xi32, #tpu.memory_space<hbm>> -> memref<80xi32, #tpu.memory_space<hbm>>
    %dma_start3A_77 = tpu.memref_slice %arg2[%add3A_75] : memref<322560xi32, #tpu.memory_space<hbm>> -> memref<80xi32, #tpu.memory_space<hbm>>
    tpu.enqueue_dma source(%dma_start3A_77 : memref<80xi32, #tpu.memory_space<hbm>>) target(%arg9 : memref<80xi32, #tpu.memory_space<vmem>>) target_semaphore(%arg41 : memref<!tpu.dma_semaphore, #tpu.memory_space<semaphore_mem>>)
    %dma_start3A_78 = tpu.memref_slice %arg3[%add3A_75] : memref<322560xi32, #tpu.memory_space<hbm>> -> memref<80xi32, #tpu.memory_space<hbm>>
    %dma_start3A_79 = tpu.memref_slice %arg3[%add3A_75] : memref<322560xi32, #tpu.memory_space<hbm>> -> memref<80xi32, #tpu.memory_space<hbm>>
    tpu.enqueue_dma source(%dma_start3A_79 : memref<80xi32, #tpu.memory_space<hbm>>) target(%arg13 : memref<80xi32, #tpu.memory_space<vmem>>) target_semaphore(%arg41 : memref<!tpu.dma_semaphore, #tpu.memory_space<semaphore_mem>>)
    %dma_start3A_80 = tpu.memref_slice %arg4[%add3A_75] : memref<322560xi32, #tpu.memory_space<hbm>> -> memref<80xi32, #tpu.memory_space<hbm>>
    %dma_start3A_81 = tpu.memref_slice %arg4[%add3A_75] : memref<322560xi32, #tpu.memory_space<hbm>> -> memref<80xi32, #tpu.memory_space<hbm>>
    tpu.enqueue_dma source(%dma_start3A_81 : memref<80xi32, #tpu.memory_space<hbm>>) target(%arg17 : memref<80xi32, #tpu.memory_space<vmem>>) target_semaphore(%arg41 : memref<!tpu.dma_semaphore, #tpu.memory_space<semaphore_mem>>)
    %dma_start3A_82 = arith.constant 0 : i32
    %dma_start3A_83 = arith.constant 0 : i32
    %dma_start3A_84 = tpu.memref_slice %arg5[%dma_start3A_82, %dma_start3A_83] : memref<160000x128xf32, #tpu.memory_space<hbm>> -> memref<160000x128xf32, #tpu.memory_space<hbm>>
    tpu.enqueue_indirect_dma source(%dma_start3A_84 : memref<160000x128xf32, #tpu.memory_space<hbm>>) target(%arg20 : memref<80x128xf32, #tpu.memory_space<vmem>>) offsets(%arg8 : memref<80xi32, #tpu.memory_space<vmem>>) semaphore(%arg28 : memref<!tpu.dma_semaphore, #tpu.memory_space<semaphore_mem>>)
    %jit3A_85 = arith.constant 4 : i32
    %div3A = arith.divsi %select_n3A, %jit3A_85 : i32
    %sign3A = arith.constant 0 : i32
    %sign3A_86 = arith.cmpi sgt, %select_n3A, %sign3A : i32
    %sign3A_87 = arith.extui %sign3A_86 : i1 to i32
    %sign3A_88 = arith.constant 0 : i32
    %sign3A_89 = arith.cmpi slt, %select_n3A, %sign3A_88 : i32
    %sign3A_90 = arith.extui %sign3A_89 : i1 to i32
    %sign3A_91 = arith.subi %sign3A_87, %sign3A_90 : i32
    %sign3A_92 = arith.constant 0 : i32
    %sign3A_93 = arith.cmpi sgt, %jit3A_85, %sign3A_92 : i32
    %sign3A_94 = arith.extui %sign3A_93 : i1 to i32
    %sign3A_95 = arith.constant 0 : i32
    %sign3A_96 = arith.cmpi slt, %jit3A_85, %sign3A_95 : i32
    %sign3A_97 = arith.extui %sign3A_96 : i1 to i32
    %sign3A_98 = arith.subi %sign3A_94, %sign3A_97 : i32
    %ne3A = arith.cmpi ne, %sign3A_91, %sign3A_98 : i32
    %rem3A = arith.remsi %select_n3A, %jit3A_85 : i32
    %ne3A_99 = arith.constant 0 : i32
    %ne3A_100 = arith.cmpi ne, %rem3A, %ne3A_99 : i32
    %and3A = arith.andi %ne3A, %ne3A_100 : i1
    %sub3A = arith.constant 1 : i32
    %sub3A_101 = arith.subi %div3A, %sub3A : i32
    %select_n3A_102 = arith.select %and3A, %sub3A_101, %div3A : i32
    %while3A = arith.constant 0 : i32
    %while3A_103 = arith.constant 0 : i32
    %while3A_104 = arith.subi %select_n3A_102, %while3A_103 : i32
    %while3A_105 = arith.addi %while3A_103, %while3A_104 : i32
    %while3A_106 = arith.constant 1 : i32
    %while3A_107 = arith.divsi %while3A_104, %while3A_106 : i32
    %while3A_108 = arith.muli %while3A_107, %while3A_106 : i32
    %while3A_109 = arith.addi %while3A_103, %while3A_108 : i32
    %while3A_110 = arith.constant 1 : i32
    scf.for %while3A_137 = %while3A_103 to %while3A_109 step %while3A_110  : i32 {
      %mul3A_138 = arith.constant 4 : i32
      %mul3A_139 = arith.muli %while3A_137, %mul3A_138 : i32
      %add3A_140 = arith.constant 0 : i32
      %add3A_141 = arith.addi %mul3A_139, %add3A_140 : i32
      %ge3A = arith.constant 2 : i32
      %ge3A_142 = arith.cmpi sge, %add3A_141, %ge3A : i32
      %convert_element_type3A_143 = arith.extui %ge3A_142 : i1 to i32
      %cond3A_144 = arith.constant 0 : i32
      %cond3A_145 = arith.cmpi ne, %convert_element_type3A_143, %cond3A_144 : i32
      scf.if %cond3A_145 {
        %dma_wait3A_253 = arith.constant 0 : i32
        %dma_wait3A_254 = arith.constant 0 : i32
        %dma_wait3A_255 = tpu.memref_slice %arg26[%dma_wait3A_253, %dma_wait3A_254] : memref<10240x128xf32, #tpu.memory_space<vmem_shared>> -> memref<10240x128xf32, #tpu.memory_space<vmem_shared>>
        tpu.wait_indirect_dma semaphore(%arg34 : memref<!tpu.dma_semaphore, #tpu.memory_space<semaphore_mem>>) src(%arg22 : memref<80x128xf32, #tpu.memory_space<vmem>>) dst(%dma_wait3A_255 : memref<10240x128xf32, #tpu.memory_space<vmem_shared>>)
        %dma_wait3A_256 = arith.constant 0 : i32
        %dma_wait3A_257 = tpu.memref_slice %arg27[%dma_wait3A_256] : memref<10240xf32, #tpu.memory_space<vmem_shared>> -> memref<10240xf32, #tpu.memory_space<vmem_shared>>
        tpu.wait_indirect_dma semaphore(%arg38 : memref<!tpu.dma_semaphore, #tpu.memory_space<semaphore_mem>>) src(%arg24 : memref<80xf32, #tpu.memory_space<vmem>>) dst(%dma_wait3A_257 : memref<10240xf32, #tpu.memory_space<vmem_shared>>)
      } else {
      }
      %add3A_146 = arith.constant 2 : i32
      %add3A_147 = arith.addi %add3A_141, %add3A_146 : i32
      %lt3A_148 = arith.cmpi slt, %add3A_147, %select_n3A : i32
      %convert_element_type3A_149 = arith.extui %lt3A_148 : i1 to i32
      %cond3A_150 = arith.constant 0 : i32
      %cond3A_151 = arith.cmpi ne, %convert_element_type3A_149, %cond3A_150 : i32
      scf.if %cond3A_151 {
        %add3A_253 = arith.constant 2 : i32
        %add3A_254 = arith.addi %add3A_141, %add3A_253 : i32
        %mul3A_255 = arith.constant 80 : i32
        %mul3A_256 = arith.muli %add3A_254, %mul3A_255 : i32
        %add3A_257 = arith.addi %mul3A_53, %mul3A_256 : i32
        %dma_start3A_258 = tpu.memref_slice %arg2[%add3A_257] : memref<322560xi32, #tpu.memory_space<hbm>> -> memref<80xi32, #tpu.memory_space<hbm>>
        %dma_start3A_259 = tpu.memref_slice %arg2[%add3A_257] : memref<322560xi32, #tpu.memory_space<hbm>> -> memref<80xi32, #tpu.memory_space<hbm>>
        tpu.enqueue_dma source(%dma_start3A_259 : memref<80xi32, #tpu.memory_space<hbm>>) target(%arg10 : memref<80xi32, #tpu.memory_space<vmem>>) target_semaphore(%arg42 : memref<!tpu.dma_semaphore, #tpu.memory_space<semaphore_mem>>)
        %dma_start3A_260 = tpu.memref_slice %arg3[%add3A_257] : memref<322560xi32, #tpu.memory_space<hbm>> -> memref<80xi32, #tpu.memory_space<hbm>>
        %dma_start3A_261 = tpu.memref_slice %arg3[%add3A_257] : memref<322560xi32, #tpu.memory_space<hbm>> -> memref<80xi32, #tpu.memory_space<hbm>>
        tpu.enqueue_dma source(%dma_start3A_261 : memref<80xi32, #tpu.memory_space<hbm>>) target(%arg14 : memref<80xi32, #tpu.memory_space<vmem>>) target_semaphore(%arg42 : memref<!tpu.dma_semaphore, #tpu.memory_space<semaphore_mem>>)
        %dma_start3A_262 = tpu.memref_slice %arg4[%add3A_257] : memref<322560xi32, #tpu.memory_space<hbm>> -> memref<80xi32, #tpu.memory_space<hbm>>
        %dma_start3A_263 = tpu.memref_slice %arg4[%add3A_257] : memref<322560xi32, #tpu.memory_space<hbm>> -> memref<80xi32, #tpu.memory_space<hbm>>
        tpu.enqueue_dma source(%dma_start3A_263 : memref<80xi32, #tpu.memory_space<hbm>>) target(%arg18 : memref<80xi32, #tpu.memory_space<vmem>>) target_semaphore(%arg42 : memref<!tpu.dma_semaphore, #tpu.memory_space<semaphore_mem>>)
      } else {
      }
      %add3A_152 = arith.constant 1 : i32
      %add3A_153 = arith.addi %add3A_141, %add3A_152 : i32
      %lt3A_154 = arith.cmpi slt, %add3A_153, %select_n3A : i32
      %convert_element_type3A_155 = arith.extui %lt3A_154 : i1 to i32
      %cond3A_156 = arith.constant 0 : i32
      %cond3A_157 = arith.cmpi ne, %convert_element_type3A_155, %cond3A_156 : i32
      scf.if %cond3A_157 {
        %add3A_253 = arith.constant 1 : i32
        %add3A_254 = arith.addi %add3A_141, %add3A_253 : i32
        %mul3A_255 = arith.constant 80 : i32
        %mul3A_256 = arith.muli %add3A_254, %mul3A_255 : i32
        %add3A_257 = arith.addi %mul3A_53, %mul3A_256 : i32
        %dma_wait3A_258 = tpu.memref_slice %arg2[%add3A_257] : memref<322560xi32, #tpu.memory_space<hbm>> -> memref<80xi32, #tpu.memory_space<hbm>>
        %dma_wait3A_259 = tpu.memref_slice %arg2[%add3A_257] : memref<322560xi32, #tpu.memory_space<hbm>> -> memref<80xi32, #tpu.memory_space<hbm>>
        tpu.wait_dma2 semaphore(%arg41 : memref<!tpu.dma_semaphore, #tpu.memory_space<semaphore_mem>>) src(%dma_wait3A_259 : memref<80xi32, #tpu.memory_space<hbm>>) dst(%arg9 : memref<80xi32, #tpu.memory_space<vmem>>)
        %dma_wait3A_260 = tpu.memref_slice %arg3[%add3A_257] : memref<322560xi32, #tpu.memory_space<hbm>> -> memref<80xi32, #tpu.memory_space<hbm>>
        %dma_wait3A_261 = tpu.memref_slice %arg3[%add3A_257] : memref<322560xi32, #tpu.memory_space<hbm>> -> memref<80xi32, #tpu.memory_space<hbm>>
        tpu.wait_dma2 semaphore(%arg41 : memref<!tpu.dma_semaphore, #tpu.memory_space<semaphore_mem>>) src(%dma_wait3A_261 : memref<80xi32, #tpu.memory_space<hbm>>) dst(%arg13 : memref<80xi32, #tpu.memory_space<vmem>>)
        %dma_wait3A_262 = tpu.memref_slice %arg4[%add3A_257] : memref<322560xi32, #tpu.memory_space<hbm>> -> memref<80xi32, #tpu.memory_space<hbm>>
        %dma_wait3A_263 = tpu.memref_slice %arg4[%add3A_257] : memref<322560xi32, #tpu.memory_space<hbm>> -> memref<80xi32, #tpu.memory_space<hbm>>
        tpu.wait_dma2 semaphore(%arg41 : memref<!tpu.dma_semaphore, #tpu.memory_space<semaphore_mem>>) src(%dma_wait3A_263 : memref<80xi32, #tpu.memory_space<hbm>>) dst(%arg17 : memref<80xi32, #tpu.memory_space<vmem>>)
        %scan3A_264 = arith.constant 0 : i32
        %scan3A_265 = arith.constant 0 : i32
        %scan3A_266 = arith.constant 5 : i32
        %scan3A_267 = arith.addi %scan3A_265, %scan3A_266 : i32
        %scan3A_268 = arith.constant 1 : i32
        scf.for %scan3A_273 = %scan3A_265 to %scan3A_267 step %scan3A_268  : i32 {
          %mul3A_274 = arith.constant 16 : i32
          %mul3A_275 = arith.muli %scan3A_273, %mul3A_274 : i32
          %get3A = arith.index_cast %mul3A_275 : i32 to index
          %get3A_276 = tpu.vector_load %arg9[%get3A] {strides = array<i32>} : memref<80xi32, #tpu.memory_space<vmem>>, vector<16xi32>,
          %mul3A_277 = arith.constant 16 : i32
          %mul3A_278 = arith.muli %scan3A_273, %mul3A_277 : i32
          %get3A_279 = arith.index_cast %mul3A_278 : i32 to index
          %get3A_280 = tpu.vector_load %arg17[%get3A_279] {strides = array<i32>} : memref<80xi32, #tpu.memory_space<vmem>>, vector<16xi32>,
          %mul3A_281 = arith.constant 16 : i32
          %mul3A_282 = vector.broadcast %mul3A_281 : i32 to vector<16xi32>
          %mul3A_283 = arith.muli %get3A_276, %mul3A_282 : vector<16xi32>
          %add3A_284 = arith.addi %mul3A_283, %get3A_280 : vector<16xi32>
          %mul3A_285 = arith.constant 16 : i32
          %mul3A_286 = arith.muli %scan3A_273, %mul3A_285 : i32
          %swap3A = arith.index_cast %mul3A_286 : i32 to index
          %swap3A_287 = tpu.vector_load %arg9[%swap3A] {strides = array<i32>} : memref<80xi32, #tpu.memory_space<vmem>>, vector<16xi32>,
          tpu.vector_store %arg9[%swap3A], %add3A_284 {strides = array<i32>} : memref<80xi32, #tpu.memory_space<vmem>>, vector<16xi32>,
        }
        %scan3A_269 = arith.constant 5 : i32
        %dma_start3A_270 = arith.constant 0 : i32
        %dma_start3A_271 = arith.constant 0 : i32
        %dma_start3A_272 = tpu.memref_slice %arg5[%dma_start3A_270, %dma_start3A_271] : memref<160000x128xf32, #tpu.memory_space<hbm>> -> memref<160000x128xf32, #tpu.memory_space<hbm>>
        tpu.enqueue_indirect_dma source(%dma_start3A_272 : memref<160000x128xf32, #tpu.memory_space<hbm>>) target(%arg21 : memref<80x128xf32, #tpu.memory_space<vmem>>) offsets(%arg9 : memref<80xi32, #tpu.memory_space<vmem>>) semaphore(%arg29 : memref<!tpu.dma_semaphore, #tpu.memory_space<semaphore_mem>>)
      } else {
      }
      %dma_wait3A_158 = arith.constant 0 : i32
      %dma_wait3A_159 = arith.constant 0 : i32
      %dma_wait3A_160 = tpu.memref_slice %arg5[%dma_wait3A_158, %dma_wait3A_159] : memref<160000x128xf32, #tpu.memory_space<hbm>> -> memref<160000x128xf32, #tpu.memory_space<hbm>>
      tpu.wait_indirect_dma semaphore(%arg28 : memref<!tpu.dma_semaphore, #tpu.memory_space<semaphore_mem>>) src(%dma_wait3A_160 : memref<160000x128xf32, #tpu.memory_space<hbm>>) dst(%arg20 : memref<80x128xf32, #tpu.memory_space<vmem>>)
      %dma_start3A_161 = arith.constant 0 : i32
      %dma_start3A_162 = arith.constant 0 : i32
      %dma_start3A_163 = tpu.memref_slice %arg26[%dma_start3A_161, %dma_start3A_162] : memref<10240x128xf32, #tpu.memory_space<vmem_shared>> -> memref<10240x128xf32, #tpu.memory_space<vmem_shared>>
      tpu.enqueue_indirect_dma source(%arg20 : memref<80x128xf32, #tpu.memory_space<vmem>>) target(%dma_start3A_163 : memref<10240x128xf32, #tpu.memory_space<vmem_shared>>) offsets(%arg12 : memref<80xi32, #tpu.memory_space<vmem>>) semaphore(%arg32 : memref<!tpu.dma_semaphore, #tpu.memory_space<semaphore_mem>>) {add = true}
      %dma_start3A_164 = arith.constant 0 : i32
      %dma_start3A_165 = tpu.memref_slice %arg27[%dma_start3A_164] : memref<10240xf32, #tpu.memory_space<vmem_shared>> -> memref<10240xf32, #tpu.memory_space<vmem_shared>>
      tpu.enqueue_indirect_dma source(%arg24 : memref<80xf32, #tpu.memory_space<vmem>>) target(%dma_start3A_165 : memref<10240xf32, #tpu.memory_space<vmem_shared>>) offsets(%arg12 : memref<80xi32, #tpu.memory_space<vmem>>) semaphore(%arg36 : memref<!tpu.dma_semaphore, #tpu.memory_space<semaphore_mem>>) {add = true}
      %mul3A_166 = arith.constant 4 : i32
      %mul3A_167 = arith.muli %while3A_137, %mul3A_166 : i32
      %add3A_168 = arith.constant 1 : i32
      %add3A_169 = arith.addi %mul3A_167, %add3A_168 : i32
      %ge3A_170 = arith.constant 2 : i32
      %ge3A_171 = arith.cmpi sge, %add3A_169, %ge3A_170 : i32
      %convert_element_type3A_172 = arith.extui %ge3A_171 : i1 to i32
      %cond3A_173 = arith.constant 0 : i32
      %cond3A_174 = arith.cmpi ne, %convert_element_type3A_172, %cond3A_173 : i32
      scf.if %cond3A_174 {
        %dma_wait3A_253 = arith.constant 0 : i32
        %dma_wait3A_254 = arith.constant 0 : i32
        %dma_wait3A_255 = tpu.memref_slice %arg26[%dma_wait3A_253, %dma_wait3A_254] : memref<10240x128xf32, #tpu.memory_space<vmem_shared>> -> memref<10240x128xf32, #tpu.memory_space<vmem_shared>>
        tpu.wait_indirect_dma semaphore(%arg35 : memref<!tpu.dma_semaphore, #tpu.memory_space<semaphore_mem>>) src(%arg23 : memref<80x128xf32, #tpu.memory_space<vmem>>) dst(%dma_wait3A_255 : memref<10240x128xf32, #tpu.memory_space<vmem_shared>>)
        %dma_wait3A_256 = arith.constant 0 : i32
        %dma_wait3A_257 = tpu.memref_slice %arg27[%dma_wait3A_256] : memref<10240xf32, #tpu.memory_space<vmem_shared>> -> memref<10240xf32, #tpu.memory_space<vmem_shared>>
        tpu.wait_indirect_dma semaphore(%arg39 : memref<!tpu.dma_semaphore, #tpu.memory_space<semaphore_mem>>) src(%arg24 : memref<80xf32, #tpu.memory_space<vmem>>) dst(%dma_wait3A_257 : memref<10240xf32, #tpu.memory_space<vmem_shared>>)
      } else {
      }
      %add3A_175 = arith.constant 2 : i32
      %add3A_176 = arith.addi %add3A_169, %add3A_175 : i32
      %lt3A_177 = arith.cmpi slt, %add3A_176, %select_n3A : i32
      %convert_element_type3A_178 = arith.extui %lt3A_177 : i1 to i32
      %cond3A_179 = arith.constant 0 : i32
      %cond3A_180 = arith.cmpi ne, %convert_element_type3A_178, %cond3A_179 : i32
      scf.if %cond3A_180 {
        %add3A_253 = arith.constant 2 : i32
        %add3A_254 = arith.addi %add3A_169, %add3A_253 : i32
        %mul3A_255 = arith.constant 80 : i32
        %mul3A_256 = arith.muli %add3A_254, %mul3A_255 : i32
        %add3A_257 = arith.addi %mul3A_53, %mul3A_256 : i32
        %dma_start3A_258 = tpu.memref_slice %arg2[%add3A_257] : memref<322560xi32, #tpu.memory_space<hbm>> -> memref<80xi32, #tpu.memory_space<hbm>>
        %dma_start3A_259 = tpu.memref_slice %arg2[%add3A_257] : memref<322560xi32, #tpu.memory_space<hbm>> -> memref<80xi32, #tpu.memory_space<hbm>>
        tpu.enqueue_dma source(%dma_start3A_259 : memref<80xi32, #tpu.memory_space<hbm>>) target(%arg11 : memref<80xi32, #tpu.memory_space<vmem>>) target_semaphore(%arg43 : memref<!tpu.dma_semaphore, #tpu.memory_space<semaphore_mem>>)
        %dma_start3A_260 = tpu.memref_slice %arg3[%add3A_257] : memref<322560xi32, #tpu.memory_space<hbm>> -> memref<80xi32, #tpu.memory_space<hbm>>
        %dma_start3A_261 = tpu.memref_slice %arg3[%add3A_257] : memref<322560xi32, #tpu.memory_space<hbm>> -> memref<80xi32, #tpu.memory_space<hbm>>
        tpu.enqueue_dma source(%dma_start3A_261 : memref<80xi32, #tpu.memory_space<hbm>>) target(%arg15 : memref<80xi32, #tpu.memory_space<vmem>>) target_semaphore(%arg43 : memref<!tpu.dma_semaphore, #tpu.memory_space<semaphore_mem>>)
        %dma_start3A_262 = tpu.memref_slice %arg4[%add3A_257] : memref<322560xi32, #tpu.memory_space<hbm>> -> memref<80xi32, #tpu.memory_space<hbm>>
        %dma_start3A_263 = tpu.memref_slice %arg4[%add3A_257] : memref<322560xi32, #tpu.memory_space<hbm>> -> memref<80xi32, #tpu.memory_space<hbm>>
        tpu.enqueue_dma source(%dma_start3A_263 : memref<80xi32, #tpu.memory_space<hbm>>) target(%arg19 : memref<80xi32, #tpu.memory_space<vmem>>) target_semaphore(%arg43 : memref<!tpu.dma_semaphore, #tpu.memory_space<semaphore_mem>>)
      } else {
      }
      %add3A_181 = arith.constant 1 : i32
      %add3A_182 = arith.addi %add3A_169, %add3A_181 : i32
      %lt3A_183 = arith.cmpi slt, %add3A_182, %select_n3A : i32
      %convert_element_type3A_184 = arith.extui %lt3A_183 : i1 to i32
      %cond3A_185 = arith.constant 0 : i32
      %cond3A_186 = arith.cmpi ne, %convert_element_type3A_184, %cond3A_185 : i32
      scf.if %cond3A_186 {
        %add3A_253 = arith.constant 1 : i32
        %add3A_254 = arith.addi %add3A_169, %add3A_253 : i32
        %mul3A_255 = arith.constant 80 : i32
        %mul3A_256 = arith.muli %add3A_254, %mul3A_255 : i32
        %add3A_257 = arith.addi %mul3A_53, %mul3A_256 : i32
        %dma_wait3A_258 = tpu.memref_slice %arg2[%add3A_257] : memref<322560xi32, #tpu.memory_space<hbm>> -> memref<80xi32, #tpu.memory_space<hbm>>
        %dma_wait3A_259 = tpu.memref_slice %arg2[%add3A_257] : memref<322560xi32, #tpu.memory_space<hbm>> -> memref<80xi32, #tpu.memory_space<hbm>>
        tpu.wait_dma2 semaphore(%arg42 : memref<!tpu.dma_semaphore, #tpu.memory_space<semaphore_mem>>) src(%dma_wait3A_259 : memref<80xi32, #tpu.memory_space<hbm>>) dst(%arg10 : memref<80xi32, #tpu.memory_space<vmem>>)
        %dma_wait3A_260 = tpu.memref_slice %arg3[%add3A_257] : memref<322560xi32, #tpu.memory_space<hbm>> -> memref<80xi32, #tpu.memory_space<hbm>>
        %dma_wait3A_261 = tpu.memref_slice %arg3[%add3A_257] : memref<322560xi32, #tpu.memory_space<hbm>> -> memref<80xi32, #tpu.memory_space<hbm>>
        tpu.wait_dma2 semaphore(%arg42 : memref<!tpu.dma_semaphore, #tpu.memory_space<semaphore_mem>>) src(%dma_wait3A_261 : memref<80xi32, #tpu.memory_space<hbm>>) dst(%arg14 : memref<80xi32, #tpu.memory_space<vmem>>)
        %dma_wait3A_262 = tpu.memref_slice %arg4[%add3A_257] : memref<322560xi32, #tpu.memory_space<hbm>> -> memref<80xi32, #tpu.memory_space<hbm>>
        %dma_wait3A_263 = tpu.memref_slice %arg4[%add3A_257] : memref<322560xi32, #tpu.memory_space<hbm>> -> memref<80xi32, #tpu.memory_space<hbm>>
        tpu.wait_dma2 semaphore(%arg42 : memref<!tpu.dma_semaphore, #tpu.memory_space<semaphore_mem>>) src(%dma_wait3A_263 : memref<80xi32, #tpu.memory_space<hbm>>) dst(%arg18 : memref<80xi32, #tpu.memory_space<vmem>>)
        %scan3A_264 = arith.constant 0 : i32
        %scan3A_265 = arith.constant 0 : i32
        %scan3A_266 = arith.constant 5 : i32
        %scan3A_267 = arith.addi %scan3A_265, %scan3A_266 : i32
        %scan3A_268 = arith.constant 1 : i32
        scf.for %scan3A_273 = %scan3A_265 to %scan3A_267 step %scan3A_268  : i32 {
          %mul3A_274 = arith.constant 16 : i32
          %mul3A_275 = arith.muli %scan3A_273, %mul3A_274 : i32
          %get3A = arith.index_cast %mul3A_275 : i32 to index
          %get3A_276 = tpu.vector_load %arg10[%get3A] {strides = array<i32>} : memref<80xi32, #tpu.memory_space<vmem>>, vector<16xi32>,
          %mul3A_277 = arith.constant 16 : i32
          %mul3A_278 = arith.muli %scan3A_273, %mul3A_277 : i32
          %get3A_279 = arith.index_cast %mul3A_278 : i32 to index
          %get3A_280 = tpu.vector_load %arg18[%get3A_279] {strides = array<i32>} : memref<80xi32, #tpu.memory_space<vmem>>, vector<16xi32>,
          %mul3A_281 = arith.constant 16 : i32
          %mul3A_282 = vector.broadcast %mul3A_281 : i32 to vector<16xi32>
          %mul3A_283 = arith.muli %get3A_276, %mul3A_282 : vector<16xi32>
          %add3A_284 = arith.addi %mul3A_283, %get3A_280 : vector<16xi32>
          %mul3A_285 = arith.constant 16 : i32
          %mul3A_286 = arith.muli %scan3A_273, %mul3A_285 : i32
          %swap3A = arith.index_cast %mul3A_286 : i32 to index
          %swap3A_287 = tpu.vector_load %arg10[%swap3A] {strides = array<i32>} : memref<80xi32, #tpu.memory_space<vmem>>, vector<16xi32>,
          tpu.vector_store %arg10[%swap3A], %add3A_284 {strides = array<i32>} : memref<80xi32, #tpu.memory_space<vmem>>, vector<16xi32>,
        }
        %scan3A_269 = arith.constant 5 : i32
        %dma_start3A_270 = arith.constant 0 : i32
        %dma_start3A_271 = arith.constant 0 : i32
        %dma_start3A_272 = tpu.memref_slice %arg5[%dma_start3A_270, %dma_start3A_271] : memref<160000x128xf32, #tpu.memory_space<hbm>> -> memref<160000x128xf32, #tpu.memory_space<hbm>>
        tpu.enqueue_indirect_dma source(%dma_start3A_272 : memref<160000x128xf32, #tpu.memory_space<hbm>>) target(%arg22 : memref<80x128xf32, #tpu.memory_space<vmem>>) offsets(%arg10 : memref<80xi32, #tpu.memory_space<vmem>>) semaphore(%arg30 : memref<!tpu.dma_semaphore, #tpu.memory_space<semaphore_mem>>)
      } else {
      }
      %dma_wait3A_187 = arith.constant 0 : i32
      %dma_wait3A_188 = arith.constant 0 : i32
      %dma_wait3A_189 = tpu.memref_slice %arg5[%dma_wait3A_187, %dma_wait3A_188] : memref<160000x128xf32, #tpu.memory_space<hbm>> -> memref<160000x128xf32, #tpu.memory_space<hbm>>
      tpu.wait_indirect_dma semaphore(%arg29 : memref<!tpu.dma_semaphore, #tpu.memory_space<semaphore_mem>>) src(%dma_wait3A_189 : memref<160000x128xf32, #tpu.memory_space<hbm>>) dst(%arg21 : memref<80x128xf32, #tpu.memory_space<vmem>>)
      %dma_start3A_190 = arith.constant 0 : i32
      %dma_start3A_191 = arith.constant 0 : i32
      %dma_start3A_192 = tpu.memref_slice %arg26[%dma_start3A_190, %dma_start3A_191] : memref<10240x128xf32, #tpu.memory_space<vmem_shared>> -> memref<10240x128xf32, #tpu.memory_space<vmem_shared>>
      tpu.enqueue_indirect_dma source(%arg21 : memref<80x128xf32, #tpu.memory_space<vmem>>) target(%dma_start3A_192 : memref<10240x128xf32, #tpu.memory_space<vmem_shared>>) offsets(%arg13 : memref<80xi32, #tpu.memory_space<vmem>>) semaphore(%arg33 : memref<!tpu.dma_semaphore, #tpu.memory_space<semaphore_mem>>) {add = true}
      %dma_start3A_193 = arith.constant 0 : i32
      %dma_start3A_194 = tpu.memref_slice %arg27[%dma_start3A_193] : memref<10240xf32, #tpu.memory_space<vmem_shared>> -> memref<10240xf32, #tpu.memory_space<vmem_shared>>
      tpu.enqueue_indirect_dma source(%arg24 : memref<80xf32, #tpu.memory_space<vmem>>) target(%dma_start3A_194 : memref<10240xf32, #tpu.memory_space<vmem_shared>>) offsets(%arg13 : memref<80xi32, #tpu.memory_space<vmem>>) semaphore(%arg37 : memref<!tpu.dma_semaphore, #tpu.memory_space<semaphore_mem>>) {add = true}
      %mul3A_195 = arith.constant 4 : i32
      %mul3A_196 = arith.muli %while3A_137, %mul3A_195 : i32
      %add3A_197 = arith.constant 2 : i32
      %add3A_198 = arith.addi %mul3A_196, %add3A_197 : i32
      %ge3A_199 = arith.constant 2 : i32
      %ge3A_200 = arith.cmpi sge, %add3A_198, %ge3A_199 : i32
      %convert_element_type3A_201 = arith.extui %ge3A_200 : i1 to i32
      %cond3A_202 = arith.constant 0 : i32
      %cond3A_203 = arith.cmpi ne, %convert_element_type3A_201, %cond3A_202 : i32
      scf.if %cond3A_203 {
        %dma_wait3A_253 = arith.constant 0 : i32
        %dma_wait3A_254 = arith.constant 0 : i32
        %dma_wait3A_255 = tpu.memref_slice %arg26[%dma_wait3A_253, %dma_wait3A_254] : memref<10240x128xf32, #tpu.memory_space<vmem_shared>> -> memref<10240x128xf32, #tpu.memory_space<vmem_shared>>
        tpu.wait_indirect_dma semaphore(%arg32 : memref<!tpu.dma_semaphore, #tpu.memory_space<semaphore_mem>>) src(%arg20 : memref<80x128xf32, #tpu.memory_space<vmem>>) dst(%dma_wait3A_255 : memref<10240x128xf32, #tpu.memory_space<vmem_shared>>)
        %dma_wait3A_256 = arith.constant 0 : i32
        %dma_wait3A_257 = tpu.memref_slice %arg27[%dma_wait3A_256] : memref<10240xf32, #tpu.memory_space<vmem_shared>> -> memref<10240xf32, #tpu.memory_space<vmem_shared>>
        tpu.wait_indirect_dma semaphore(%arg36 : memref<!tpu.dma_semaphore, #tpu.memory_space<semaphore_mem>>) src(%arg24 : memref<80xf32, #tpu.memory_space<vmem>>) dst(%dma_wait3A_257 : memref<10240xf32, #tpu.memory_space<vmem_shared>>)
      } else {
      }
      %add3A_204 = arith.constant 2 : i32
      %add3A_205 = arith.addi %add3A_198, %add3A_204 : i32
      %lt3A_206 = arith.cmpi slt, %add3A_205, %select_n3A : i32
      %convert_element_type3A_207 = arith.extui %lt3A_206 : i1 to i32
      %cond3A_208 = arith.constant 0 : i32
      %cond3A_209 = arith.cmpi ne, %convert_element_type3A_207, %cond3A_208 : i32
      scf.if %cond3A_209 {
        %add3A_253 = arith.constant 2 : i32
        %add3A_254 = arith.addi %add3A_198, %add3A_253 : i32
        %mul3A_255 = arith.constant 80 : i32
        %mul3A_256 = arith.muli %add3A_254, %mul3A_255 : i32
        %add3A_257 = arith.addi %mul3A_53, %mul3A_256 : i32
        %dma_start3A_258 = tpu.memref_slice %arg2[%add3A_257] : memref<322560xi32, #tpu.memory_space<hbm>> -> memref<80xi32, #tpu.memory_space<hbm>>
        %dma_start3A_259 = tpu.memref_slice %arg2[%add3A_257] : memref<322560xi32, #tpu.memory_space<hbm>> -> memref<80xi32, #tpu.memory_space<hbm>>
        tpu.enqueue_dma source(%dma_start3A_259 : memref<80xi32, #tpu.memory_space<hbm>>) target(%arg8 : memref<80xi32, #tpu.memory_space<vmem>>) target_semaphore(%arg40 : memref<!tpu.dma_semaphore, #tpu.memory_space<semaphore_mem>>)
        %dma_start3A_260 = tpu.memref_slice %arg3[%add3A_257] : memref<322560xi32, #tpu.memory_space<hbm>> -> memref<80xi32, #tpu.memory_space<hbm>>
        %dma_start3A_261 = tpu.memref_slice %arg3[%add3A_257] : memref<322560xi32, #tpu.memory_space<hbm>> -> memref<80xi32, #tpu.memory_space<hbm>>
        tpu.enqueue_dma source(%dma_start3A_261 : memref<80xi32, #tpu.memory_space<hbm>>) target(%arg12 : memref<80xi32, #tpu.memory_space<vmem>>) target_semaphore(%arg40 : memref<!tpu.dma_semaphore, #tpu.memory_space<semaphore_mem>>)
        %dma_start3A_262 = tpu.memref_slice %arg4[%add3A_257] : memref<322560xi32, #tpu.memory_space<hbm>> -> memref<80xi32, #tpu.memory_space<hbm>>
        %dma_start3A_263 = tpu.memref_slice %arg4[%add3A_257] : memref<322560xi32, #tpu.memory_space<hbm>> -> memref<80xi32, #tpu.memory_space<hbm>>
        tpu.enqueue_dma source(%dma_start3A_263 : memref<80xi32, #tpu.memory_space<hbm>>) target(%arg16 : memref<80xi32, #tpu.memory_space<vmem>>) target_semaphore(%arg40 : memref<!tpu.dma_semaphore, #tpu.memory_space<semaphore_mem>>)
      } else {
      }
      %add3A_210 = arith.constant 1 : i32
      %add3A_211 = arith.addi %add3A_198, %add3A_210 : i32
      %lt3A_212 = arith.cmpi slt, %add3A_211, %select_n3A : i32
      %convert_element_type3A_213 = arith.extui %lt3A_212 : i1 to i32
      %cond3A_214 = arith.constant 0 : i32
      %cond3A_215 = arith.cmpi ne, %convert_element_type3A_213, %cond3A_214 : i32
      scf.if %cond3A_215 {
        %add3A_253 = arith.constant 1 : i32
        %add3A_254 = arith.addi %add3A_198, %add3A_253 : i32
        %mul3A_255 = arith.constant 80 : i32
        %mul3A_256 = arith.muli %add3A_254, %mul3A_255 : i32
        %add3A_257 = arith.addi %mul3A_53, %mul3A_256 : i32
        %dma_wait3A_258 = tpu.memref_slice %arg2[%add3A_257] : memref<322560xi32, #tpu.memory_space<hbm>> -> memref<80xi32, #tpu.memory_space<hbm>>
        %dma_wait3A_259 = tpu.memref_slice %arg2[%add3A_257] : memref<322560xi32, #tpu.memory_space<hbm>> -> memref<80xi32, #tpu.memory_space<hbm>>
        tpu.wait_dma2 semaphore(%arg43 : memref<!tpu.dma_semaphore, #tpu.memory_space<semaphore_mem>>) src(%dma_wait3A_259 : memref<80xi32, #tpu.memory_space<hbm>>) dst(%arg11 : memref<80xi32, #tpu.memory_space<vmem>>)
        %dma_wait3A_260 = tpu.memref_slice %arg3[%add3A_257] : memref<322560xi32, #tpu.memory_space<hbm>> -> memref<80xi32, #tpu.memory_space<hbm>>
        %dma_wait3A_261 = tpu.memref_slice %arg3[%add3A_257] : memref<322560xi32, #tpu.memory_space<hbm>> -> memref<80xi32, #tpu.memory_space<hbm>>
        tpu.wait_dma2 semaphore(%arg43 : memref<!tpu.dma_semaphore, #tpu.memory_space<semaphore_mem>>) src(%dma_wait3A_261 : memref<80xi32, #tpu.memory_space<hbm>>) dst(%arg15 : memref<80xi32, #tpu.memory_space<vmem>>)
        %dma_wait3A_262 = tpu.memref_slice %arg4[%add3A_257] : memref<322560xi32, #tpu.memory_space<hbm>> -> memref<80xi32, #tpu.memory_space<hbm>>
        %dma_wait3A_263 = tpu.memref_slice %arg4[%add3A_257] : memref<322560xi32, #tpu.memory_space<hbm>> -> memref<80xi32, #tpu.memory_space<hbm>>
        tpu.wait_dma2 semaphore(%arg43 : memref<!tpu.dma_semaphore, #tpu.memory_space<semaphore_mem>>) src(%dma_wait3A_263 : memref<80xi32, #tpu.memory_space<hbm>>) dst(%arg19 : memref<80xi32, #tpu.memory_space<vmem>>)
        %scan3A_264 = arith.constant 0 : i32
        %scan3A_265 = arith.constant 0 : i32
        %scan3A_266 = arith.constant 5 : i32
        %scan3A_267 = arith.addi %scan3A_265, %scan3A_266 : i32
        %scan3A_268 = arith.constant 1 : i32
        scf.for %scan3A_273 = %scan3A_265 to %scan3A_267 step %scan3A_268  : i32 {
          %mul3A_274 = arith.constant 16 : i32
          %mul3A_275 = arith.muli %scan3A_273, %mul3A_274 : i32
          %get3A = arith.index_cast %mul3A_275 : i32 to index
          %get3A_276 = tpu.vector_load %arg11[%get3A] {strides = array<i32>} : memref<80xi32, #tpu.memory_space<vmem>>, vector<16xi32>,
          %mul3A_277 = arith.constant 16 : i32
          %mul3A_278 = arith.muli %scan3A_273, %mul3A_277 : i32
          %get3A_279 = arith.index_cast %mul3A_278 : i32 to index
          %get3A_280 = tpu.vector_load %arg19[%get3A_279] {strides = array<i32>} : memref<80xi32, #tpu.memory_space<vmem>>, vector<16xi32>,
          %mul3A_281 = arith.constant 16 : i32
          %mul3A_282 = vector.broadcast %mul3A_281 : i32 to vector<16xi32>
          %mul3A_283 = arith.muli %get3A_276, %mul3A_282 : vector<16xi32>
          %add3A_284 = arith.addi %mul3A_283, %get3A_280 : vector<16xi32>
          %mul3A_285 = arith.constant 16 : i32
          %mul3A_286 = arith.muli %scan3A_273, %mul3A_285 : i32
          %swap3A = arith.index_cast %mul3A_286 : i32 to index
          %swap3A_287 = tpu.vector_load %arg11[%swap3A] {strides = array<i32>} : memref<80xi32, #tpu.memory_space<vmem>>, vector<16xi32>,
          tpu.vector_store %arg11[%swap3A], %add3A_284 {strides = array<i32>} : memref<80xi32, #tpu.memory_space<vmem>>, vector<16xi32>,
        }
        %scan3A_269 = arith.constant 5 : i32
        %dma_start3A_270 = arith.constant 0 : i32
        %dma_start3A_271 = arith.constant 0 : i32
        %dma_start3A_272 = tpu.memref_slice %arg5[%dma_start3A_270, %dma_start3A_271] : memref<160000x128xf32, #tpu.memory_space<hbm>> -> memref<160000x128xf32, #tpu.memory_space<hbm>>
        tpu.enqueue_indirect_dma source(%dma_start3A_272 : memref<160000x128xf32, #tpu.memory_space<hbm>>) target(%arg23 : memref<80x128xf32, #tpu.memory_space<vmem>>) offsets(%arg11 : memref<80xi32, #tpu.memory_space<vmem>>) semaphore(%arg31 : memref<!tpu.dma_semaphore, #tpu.memory_space<semaphore_mem>>)
      } else {
      }
      %dma_wait3A_216 = arith.constant 0 : i32
      %dma_wait3A_217 = arith.constant 0 : i32
      %dma_wait3A_218 = tpu.memref_slice %arg5[%dma_wait3A_216, %dma_wait3A_217] : memref<160000x128xf32, #tpu.memory_space<hbm>> -> memref<160000x128xf32, #tpu.memory_space<hbm>>
      tpu.wait_indirect_dma semaphore(%arg30 : memref<!tpu.dma_semaphore, #tpu.memory_space<semaphore_mem>>) src(%dma_wait3A_218 : memref<160000x128xf32, #tpu.memory_space<hbm>>) dst(%arg22 : memref<80x128xf32, #tpu.memory_space<vmem>>)
      %dma_start3A_219 = arith.constant 0 : i32
      %dma_start3A_220 = arith.constant 0 : i32
      %dma_start3A_221 = tpu.memref_slice %arg26[%dma_start3A_219, %dma_start3A_220] : memref<10240x128xf32, #tpu.memory_space<vmem_shared>> -> memref<10240x128xf32, #tpu.memory_space<vmem_shared>>
      tpu.enqueue_indirect_dma source(%arg22 : memref<80x128xf32, #tpu.memory_space<vmem>>) target(%dma_start3A_221 : memref<10240x128xf32, #tpu.memory_space<vmem_shared>>) offsets(%arg14 : memref<80xi32, #tpu.memory_space<vmem>>) semaphore(%arg34 : memref<!tpu.dma_semaphore, #tpu.memory_space<semaphore_mem>>) {add = true}
      %dma_start3A_222 = arith.constant 0 : i32
      %dma_start3A_223 = tpu.memref_slice %arg27[%dma_start3A_222] : memref<10240xf32, #tpu.memory_space<vmem_shared>> -> memref<10240xf32, #tpu.memory_space<vmem_shared>>
      tpu.enqueue_indirect_dma source(%arg24 : memref<80xf32, #tpu.memory_space<vmem>>) target(%dma_start3A_223 : memref<10240xf32, #tpu.memory_space<vmem_shared>>) offsets(%arg14 : memref<80xi32, #tpu.memory_space<vmem>>) semaphore(%arg38 : memref<!tpu.dma_semaphore, #tpu.memory_space<semaphore_mem>>) {add = true}
      %mul3A_224 = arith.constant 4 : i32
      %mul3A_225 = arith.muli %while3A_137, %mul3A_224 : i32
      %add3A_226 = arith.constant 3 : i32
      %add3A_227 = arith.addi %mul3A_225, %add3A_226 : i32
      %ge3A_228 = arith.constant 2 : i32
      %ge3A_229 = arith.cmpi sge, %add3A_227, %ge3A_228 : i32
      %convert_element_type3A_230 = arith.extui %ge3A_229 : i1 to i32
      %cond3A_231 = arith.constant 0 : i32
      %cond3A_232 = arith.cmpi ne, %convert_element_type3A_230, %cond3A_231 : i32
      scf.if %cond3A_232 {
        %dma_wait3A_253 = arith.constant 0 : i32
        %dma_wait3A_254 = arith.constant 0 : i32
        %dma_wait3A_255 = tpu.memref_slice %arg26[%dma_wait3A_253, %dma_wait3A_254] : memref<10240x128xf32, #tpu.memory_space<vmem_shared>> -> memref<10240x128xf32, #tpu.memory_space<vmem_shared>>
        tpu.wait_indirect_dma semaphore(%arg33 : memref<!tpu.dma_semaphore, #tpu.memory_space<semaphore_mem>>) src(%arg21 : memref<80x128xf32, #tpu.memory_space<vmem>>) dst(%dma_wait3A_255 : memref<10240x128xf32, #tpu.memory_space<vmem_shared>>)
        %dma_wait3A_256 = arith.constant 0 : i32
        %dma_wait3A_257 = tpu.memref_slice %arg27[%dma_wait3A_256] : memref<10240xf32, #tpu.memory_space<vmem_shared>> -> memref<10240xf32, #tpu.memory_space<vmem_shared>>
        tpu.wait_indirect_dma semaphore(%arg37 : memref<!tpu.dma_semaphore, #tpu.memory_space<semaphore_mem>>) src(%arg24 : memref<80xf32, #tpu.memory_space<vmem>>) dst(%dma_wait3A_257 : memref<10240xf32, #tpu.memory_space<vmem_shared>>)
      } else {
      }
      %add3A_233 = arith.constant 2 : i32
      %add3A_234 = arith.addi %add3A_227, %add3A_233 : i32
      %lt3A_235 = arith.cmpi slt, %add3A_234, %select_n3A : i32
      %convert_element_type3A_236 = arith.extui %lt3A_235 : i1 to i32
      %cond3A_237 = arith.constant 0 : i32
      %cond3A_238 = arith.cmpi ne, %convert_element_type3A_236, %cond3A_237 : i32
      scf.if %cond3A_238 {
        %add3A_253 = arith.constant 2 : i32
        %add3A_254 = arith.addi %add3A_227, %add3A_253 : i32
        %mul3A_255 = arith.constant 80 : i32
        %mul3A_256 = arith.muli %add3A_254, %mul3A_255 : i32
        %add3A_257 = arith.addi %mul3A_53, %mul3A_256 : i32
        %dma_start3A_258 = tpu.memref_slice %arg2[%add3A_257] : memref<322560xi32, #tpu.memory_space<hbm>> -> memref<80xi32, #tpu.memory_space<hbm>>
        %dma_start3A_259 = tpu.memref_slice %arg2[%add3A_257] : memref<322560xi32, #tpu.memory_space<hbm>> -> memref<80xi32, #tpu.memory_space<hbm>>
        tpu.enqueue_dma source(%dma_start3A_259 : memref<80xi32, #tpu.memory_space<hbm>>) target(%arg9 : memref<80xi32, #tpu.memory_space<vmem>>) target_semaphore(%arg41 : memref<!tpu.dma_semaphore, #tpu.memory_space<semaphore_mem>>)
        %dma_start3A_260 = tpu.memref_slice %arg3[%add3A_257] : memref<322560xi32, #tpu.memory_space<hbm>> -> memref<80xi32, #tpu.memory_space<hbm>>
        %dma_start3A_261 = tpu.memref_slice %arg3[%add3A_257] : memref<322560xi32, #tpu.memory_space<hbm>> -> memref<80xi32, #tpu.memory_space<hbm>>
        tpu.enqueue_dma source(%dma_start3A_261 : memref<80xi32, #tpu.memory_space<hbm>>) target(%arg13 : memref<80xi32, #tpu.memory_space<vmem>>) target_semaphore(%arg41 : memref<!tpu.dma_semaphore, #tpu.memory_space<semaphore_mem>>)
        %dma_start3A_262 = tpu.memref_slice %arg4[%add3A_257] : memref<322560xi32, #tpu.memory_space<hbm>> -> memref<80xi32, #tpu.memory_space<hbm>>
        %dma_start3A_263 = tpu.memref_slice %arg4[%add3A_257] : memref<322560xi32, #tpu.memory_space<hbm>> -> memref<80xi32, #tpu.memory_space<hbm>>
        tpu.enqueue_dma source(%dma_start3A_263 : memref<80xi32, #tpu.memory_space<hbm>>) target(%arg17 : memref<80xi32, #tpu.memory_space<vmem>>) target_semaphore(%arg41 : memref<!tpu.dma_semaphore, #tpu.memory_space<semaphore_mem>>)
      } else {
      }
      %add3A_239 = arith.constant 1 : i32
      %add3A_240 = arith.addi %add3A_227, %add3A_239 : i32
      %lt3A_241 = arith.cmpi slt, %add3A_240, %select_n3A : i32
      %convert_element_type3A_242 = arith.extui %lt3A_241 : i1 to i32
      %cond3A_243 = arith.constant 0 : i32
      %cond3A_244 = arith.cmpi ne, %convert_element_type3A_242, %cond3A_243 : i32
      scf.if %cond3A_244 {
        %add3A_253 = arith.constant 1 : i32
        %add3A_254 = arith.addi %add3A_227, %add3A_253 : i32
        %mul3A_255 = arith.constant 80 : i32
        %mul3A_256 = arith.muli %add3A_254, %mul3A_255 : i32
        %add3A_257 = arith.addi %mul3A_53, %mul3A_256 : i32
        %dma_wait3A_258 = tpu.memref_slice %arg2[%add3A_257] : memref<322560xi32, #tpu.memory_space<hbm>> -> memref<80xi32, #tpu.memory_space<hbm>>
        %dma_wait3A_259 = tpu.memref_slice %arg2[%add3A_257] : memref<322560xi32, #tpu.memory_space<hbm>> -> memref<80xi32, #tpu.memory_space<hbm>>
        tpu.wait_dma2 semaphore(%arg40 : memref<!tpu.dma_semaphore, #tpu.memory_space<semaphore_mem>>) src(%dma_wait3A_259 : memref<80xi32, #tpu.memory_space<hbm>>) dst(%arg8 : memref<80xi32, #tpu.memory_space<vmem>>)
        %dma_wait3A_260 = tpu.memref_slice %arg3[%add3A_257] : memref<322560xi32, #tpu.memory_space<hbm>> -> memref<80xi32, #tpu.memory_space<hbm>>
        %dma_wait3A_261 = tpu.memref_slice %arg3[%add3A_257] : memref<322560xi32, #tpu.memory_space<hbm>> -> memref<80xi32, #tpu.memory_space<hbm>>
        tpu.wait_dma2 semaphore(%arg40 : memref<!tpu.dma_semaphore, #tpu.memory_space<semaphore_mem>>) src(%dma_wait3A_261 : memref<80xi32, #tpu.memory_space<hbm>>) dst(%arg12 : memref<80xi32, #tpu.memory_space<vmem>>)
        %dma_wait3A_262 = tpu.memref_slice %arg4[%add3A_257] : memref<322560xi32, #tpu.memory_space<hbm>> -> memref<80xi32, #tpu.memory_space<hbm>>
        %dma_wait3A_263 = tpu.memref_slice %arg4[%add3A_257] : memref<322560xi32, #tpu.memory_space<hbm>> -> memref<80xi32, #tpu.memory_space<hbm>>
        tpu.wait_dma2 semaphore(%arg40 : memref<!tpu.dma_semaphore, #tpu.memory_space<semaphore_mem>>) src(%dma_wait3A_263 : memref<80xi32, #tpu.memory_space<hbm>>) dst(%arg16 : memref<80xi32, #tpu.memory_space<vmem>>)
        %scan3A_264 = arith.constant 0 : i32
        %scan3A_265 = arith.constant 0 : i32
        %scan3A_266 = arith.constant 5 : i32
        %scan3A_267 = arith.addi %scan3A_265, %scan3A_266 : i32
        %scan3A_268 = arith.constant 1 : i32
        scf.for %scan3A_273 = %scan3A_265 to %scan3A_267 step %scan3A_268  : i32 {
          %mul3A_274 = arith.constant 16 : i32
          %mul3A_275 = arith.muli %scan3A_273, %mul3A_274 : i32
          %get3A = arith.index_cast %mul3A_275 : i32 to index
          %get3A_276 = tpu.vector_load %arg8[%get3A] {strides = array<i32>} : memref<80xi32, #tpu.memory_space<vmem>>, vector<16xi32>,
          %mul3A_277 = arith.constant 16 : i32
          %mul3A_278 = arith.muli %scan3A_273, %mul3A_277 : i32
          %get3A_279 = arith.index_cast %mul3A_278 : i32 to index
          %get3A_280 = tpu.vector_load %arg16[%get3A_279] {strides = array<i32>} : memref<80xi32, #tpu.memory_space<vmem>>, vector<16xi32>,
          %mul3A_281 = arith.constant 16 : i32
          %mul3A_282 = vector.broadcast %mul3A_281 : i32 to vector<16xi32>
          %mul3A_283 = arith.muli %get3A_276, %mul3A_282 : vector<16xi32>
          %add3A_284 = arith.addi %mul3A_283, %get3A_280 : vector<16xi32>
          %mul3A_285 = arith.constant 16 : i32
          %mul3A_286 = arith.muli %scan3A_273, %mul3A_285 : i32
          %swap3A = arith.index_cast %mul3A_286 : i32 to index
          %swap3A_287 = tpu.vector_load %arg8[%swap3A] {strides = array<i32>} : memref<80xi32, #tpu.memory_space<vmem>>, vector<16xi32>,
          tpu.vector_store %arg8[%swap3A], %add3A_284 {strides = array<i32>} : memref<80xi32, #tpu.memory_space<vmem>>, vector<16xi32>,
        }
        %scan3A_269 = arith.constant 5 : i32
        %dma_start3A_270 = arith.constant 0 : i32
        %dma_start3A_271 = arith.constant 0 : i32
        %dma_start3A_272 = tpu.memref_slice %arg5[%dma_start3A_270, %dma_start3A_271] : memref<160000x128xf32, #tpu.memory_space<hbm>> -> memref<160000x128xf32, #tpu.memory_space<hbm>>
        tpu.enqueue_indirect_dma source(%dma_start3A_272 : memref<160000x128xf32, #tpu.memory_space<hbm>>) target(%arg20 : memref<80x128xf32, #tpu.memory_space<vmem>>) offsets(%arg8 : memref<80xi32, #tpu.memory_space<vmem>>) semaphore(%arg28 : memref<!tpu.dma_semaphore, #tpu.memory_space<semaphore_mem>>)
      } else {
      }
      %dma_wait3A_245 = arith.constant 0 : i32
      %dma_wait3A_246 = arith.constant 0 : i32
      %dma_wait3A_247 = tpu.memref_slice %arg5[%dma_wait3A_245, %dma_wait3A_246] : memref<160000x128xf32, #tpu.memory_space<hbm>> -> memref<160000x128xf32, #tpu.memory_space<hbm>>
      tpu.wait_indirect_dma semaphore(%arg31 : memref<!tpu.dma_semaphore, #tpu.memory_space<semaphore_mem>>) src(%dma_wait3A_247 : memref<160000x128xf32, #tpu.memory_space<hbm>>) dst(%arg23 : memref<80x128xf32, #tpu.memory_space<vmem>>)
      %dma_start3A_248 = arith.constant 0 : i32
      %dma_start3A_249 = arith.constant 0 : i32
      %dma_start3A_250 = tpu.memref_slice %arg26[%dma_start3A_248, %dma_start3A_249] : memref<10240x128xf32, #tpu.memory_space<vmem_shared>> -> memref<10240x128xf32, #tpu.memory_space<vmem_shared>>
      tpu.enqueue_indirect_dma source(%arg23 : memref<80x128xf32, #tpu.memory_space<vmem>>) target(%dma_start3A_250 : memref<10240x128xf32, #tpu.memory_space<vmem_shared>>) offsets(%arg15 : memref<80xi32, #tpu.memory_space<vmem>>) semaphore(%arg35 : memref<!tpu.dma_semaphore, #tpu.memory_space<semaphore_mem>>) {add = true}
      %dma_start3A_251 = arith.constant 0 : i32
      %dma_start3A_252 = tpu.memref_slice %arg27[%dma_start3A_251] : memref<10240xf32, #tpu.memory_space<vmem_shared>> -> memref<10240xf32, #tpu.memory_space<vmem_shared>>
      tpu.enqueue_indirect_dma source(%arg24 : memref<80xf32, #tpu.memory_space<vmem>>) target(%dma_start3A_252 : memref<10240xf32, #tpu.memory_space<vmem_shared>>) offsets(%arg15 : memref<80xi32, #tpu.memory_space<vmem>>) semaphore(%arg39 : memref<!tpu.dma_semaphore, #tpu.memory_space<semaphore_mem>>) {add = true}
    }
    %while3A_111 = arith.constant 1 : i32
    scf.for %while3A_137 = %while3A_109 to %while3A_105 step %while3A_111  : i32 {
      %mul3A_138 = arith.constant 4 : i32
      %mul3A_139 = arith.muli %while3A_137, %mul3A_138 : i32
      %add3A_140 = arith.constant 0 : i32
      %add3A_141 = arith.addi %mul3A_139, %add3A_140 : i32
      %ge3A = arith.constant 2 : i32
      %ge3A_142 = arith.cmpi sge, %add3A_141, %ge3A : i32
      %convert_element_type3A_143 = arith.extui %ge3A_142 : i1 to i32
      %cond3A_144 = arith.constant 0 : i32
      %cond3A_145 = arith.cmpi ne, %convert_element_type3A_143, %cond3A_144 : i32
      scf.if %cond3A_145 {
        %dma_wait3A_253 = arith.constant 0 : i32
        %dma_wait3A_254 = arith.constant 0 : i32
        %dma_wait3A_255 = tpu.memref_slice %arg26[%dma_wait3A_253, %dma_wait3A_254] : memref<10240x128xf32, #tpu.memory_space<vmem_shared>> -> memref<10240x128xf32, #tpu.memory_space<vmem_shared>>
        tpu.wait_indirect_dma semaphore(%arg34 : memref<!tpu.dma_semaphore, #tpu.memory_space<semaphore_mem>>) src(%arg22 : memref<80x128xf32, #tpu.memory_space<vmem>>) dst(%dma_wait3A_255 : memref<10240x128xf32, #tpu.memory_space<vmem_shared>>)
        %dma_wait3A_256 = arith.constant 0 : i32
        %dma_wait3A_257 = tpu.memref_slice %arg27[%dma_wait3A_256] : memref<10240xf32, #tpu.memory_space<vmem_shared>> -> memref<10240xf32, #tpu.memory_space<vmem_shared>>
        tpu.wait_indirect_dma semaphore(%arg38 : memref<!tpu.dma_semaphore, #tpu.memory_space<semaphore_mem>>) src(%arg24 : memref<80xf32, #tpu.memory_space<vmem>>) dst(%dma_wait3A_257 : memref<10240xf32, #tpu.memory_space<vmem_shared>>)
      } else {
      }
      %add3A_146 = arith.constant 2 : i32
      %add3A_147 = arith.addi %add3A_141, %add3A_146 : i32
      %lt3A_148 = arith.cmpi slt, %add3A_147, %select_n3A : i32
      %convert_element_type3A_149 = arith.extui %lt3A_148 : i1 to i32
      %cond3A_150 = arith.constant 0 : i32
      %cond3A_151 = arith.cmpi ne, %convert_element_type3A_149, %cond3A_150 : i32
      scf.if %cond3A_151 {
        %add3A_253 = arith.constant 2 : i32
        %add3A_254 = arith.addi %add3A_141, %add3A_253 : i32
        %mul3A_255 = arith.constant 80 : i32
        %mul3A_256 = arith.muli %add3A_254, %mul3A_255 : i32
        %add3A_257 = arith.addi %mul3A_53, %mul3A_256 : i32
        %dma_start3A_258 = tpu.memref_slice %arg2[%add3A_257] : memref<322560xi32, #tpu.memory_space<hbm>> -> memref<80xi32, #tpu.memory_space<hbm>>
        %dma_start3A_259 = tpu.memref_slice %arg2[%add3A_257] : memref<322560xi32, #tpu.memory_space<hbm>> -> memref<80xi32, #tpu.memory_space<hbm>>
        tpu.enqueue_dma source(%dma_start3A_259 : memref<80xi32, #tpu.memory_space<hbm>>) target(%arg10 : memref<80xi32, #tpu.memory_space<vmem>>) target_semaphore(%arg42 : memref<!tpu.dma_semaphore, #tpu.memory_space<semaphore_mem>>)
        %dma_start3A_260 = tpu.memref_slice %arg3[%add3A_257] : memref<322560xi32, #tpu.memory_space<hbm>> -> memref<80xi32, #tpu.memory_space<hbm>>
        %dma_start3A_261 = tpu.memref_slice %arg3[%add3A_257] : memref<322560xi32, #tpu.memory_space<hbm>> -> memref<80xi32, #tpu.memory_space<hbm>>
        tpu.enqueue_dma source(%dma_start3A_261 : memref<80xi32, #tpu.memory_space<hbm>>) target(%arg14 : memref<80xi32, #tpu.memory_space<vmem>>) target_semaphore(%arg42 : memref<!tpu.dma_semaphore, #tpu.memory_space<semaphore_mem>>)
        %dma_start3A_262 = tpu.memref_slice %arg4[%add3A_257] : memref<322560xi32, #tpu.memory_space<hbm>> -> memref<80xi32, #tpu.memory_space<hbm>>
        %dma_start3A_263 = tpu.memref_slice %arg4[%add3A_257] : memref<322560xi32, #tpu.memory_space<hbm>> -> memref<80xi32, #tpu.memory_space<hbm>>
        tpu.enqueue_dma source(%dma_start3A_263 : memref<80xi32, #tpu.memory_space<hbm>>) target(%arg18 : memref<80xi32, #tpu.memory_space<vmem>>) target_semaphore(%arg42 : memref<!tpu.dma_semaphore, #tpu.memory_space<semaphore_mem>>)
      } else {
      }
      %add3A_152 = arith.constant 1 : i32
      %add3A_153 = arith.addi %add3A_141, %add3A_152 : i32
      %lt3A_154 = arith.cmpi slt, %add3A_153, %select_n3A : i32
      %convert_element_type3A_155 = arith.extui %lt3A_154 : i1 to i32
      %cond3A_156 = arith.constant 0 : i32
      %cond3A_157 = arith.cmpi ne, %convert_element_type3A_155, %cond3A_156 : i32
      scf.if %cond3A_157 {
        %add3A_253 = arith.constant 1 : i32
        %add3A_254 = arith.addi %add3A_141, %add3A_253 : i32
        %mul3A_255 = arith.constant 80 : i32
        %mul3A_256 = arith.muli %add3A_254, %mul3A_255 : i32
        %add3A_257 = arith.addi %mul3A_53, %mul3A_256 : i32
        %dma_wait3A_258 = tpu.memref_slice %arg2[%add3A_257] : memref<322560xi32, #tpu.memory_space<hbm>> -> memref<80xi32, #tpu.memory_space<hbm>>
        %dma_wait3A_259 = tpu.memref_slice %arg2[%add3A_257] : memref<322560xi32, #tpu.memory_space<hbm>> -> memref<80xi32, #tpu.memory_space<hbm>>
        tpu.wait_dma2 semaphore(%arg41 : memref<!tpu.dma_semaphore, #tpu.memory_space<semaphore_mem>>) src(%dma_wait3A_259 : memref<80xi32, #tpu.memory_space<hbm>>) dst(%arg9 : memref<80xi32, #tpu.memory_space<vmem>>)
        %dma_wait3A_260 = tpu.memref_slice %arg3[%add3A_257] : memref<322560xi32, #tpu.memory_space<hbm>> -> memref<80xi32, #tpu.memory_space<hbm>>
        %dma_wait3A_261 = tpu.memref_slice %arg3[%add3A_257] : memref<322560xi32, #tpu.memory_space<hbm>> -> memref<80xi32, #tpu.memory_space<hbm>>
        tpu.wait_dma2 semaphore(%arg41 : memref<!tpu.dma_semaphore, #tpu.memory_space<semaphore_mem>>) src(%dma_wait3A_261 : memref<80xi32, #tpu.memory_space<hbm>>) dst(%arg13 : memref<80xi32, #tpu.memory_space<vmem>>)
        %dma_wait3A_262 = tpu.memref_slice %arg4[%add3A_257] : memref<322560xi32, #tpu.memory_space<hbm>> -> memref<80xi32, #tpu.memory_space<hbm>>
        %dma_wait3A_263 = tpu.memref_slice %arg4[%add3A_257] : memref<322560xi32, #tpu.memory_space<hbm>> -> memref<80xi32, #tpu.memory_space<hbm>>
        tpu.wait_dma2 semaphore(%arg41 : memref<!tpu.dma_semaphore, #tpu.memory_space<semaphore_mem>>) src(%dma_wait3A_263 : memref<80xi32, #tpu.memory_space<hbm>>) dst(%arg17 : memref<80xi32, #tpu.memory_space<vmem>>)
        %scan3A_264 = arith.constant 0 : i32
        %scan3A_265 = arith.constant 0 : i32
        %scan3A_266 = arith.constant 5 : i32
        %scan3A_267 = arith.addi %scan3A_265, %scan3A_266 : i32
        %scan3A_268 = arith.constant 1 : i32
        scf.for %scan3A_273 = %scan3A_265 to %scan3A_267 step %scan3A_268  : i32 {
          %mul3A_274 = arith.constant 16 : i32
          %mul3A_275 = arith.muli %scan3A_273, %mul3A_274 : i32
          %get3A = arith.index_cast %mul3A_275 : i32 to index
          %get3A_276 = tpu.vector_load %arg9[%get3A] {strides = array<i32>} : memref<80xi32, #tpu.memory_space<vmem>>, vector<16xi32>,
          %mul3A_277 = arith.constant 16 : i32
          %mul3A_278 = arith.muli %scan3A_273, %mul3A_277 : i32
          %get3A_279 = arith.index_cast %mul3A_278 : i32 to index
          %get3A_280 = tpu.vector_load %arg17[%get3A_279] {strides = array<i32>} : memref<80xi32, #tpu.memory_space<vmem>>, vector<16xi32>,
          %mul3A_281 = arith.constant 16 : i32
          %mul3A_282 = vector.broadcast %mul3A_281 : i32 to vector<16xi32>
          %mul3A_283 = arith.muli %get3A_276, %mul3A_282 : vector<16xi32>
          %add3A_284 = arith.addi %mul3A_283, %get3A_280 : vector<16xi32>
          %mul3A_285 = arith.constant 16 : i32
          %mul3A_286 = arith.muli %scan3A_273, %mul3A_285 : i32
          %swap3A = arith.index_cast %mul3A_286 : i32 to index
          %swap3A_287 = tpu.vector_load %arg9[%swap3A] {strides = array<i32>} : memref<80xi32, #tpu.memory_space<vmem>>, vector<16xi32>,
          tpu.vector_store %arg9[%swap3A], %add3A_284 {strides = array<i32>} : memref<80xi32, #tpu.memory_space<vmem>>, vector<16xi32>,
        }
        %scan3A_269 = arith.constant 5 : i32
        %dma_start3A_270 = arith.constant 0 : i32
        %dma_start3A_271 = arith.constant 0 : i32
        %dma_start3A_272 = tpu.memref_slice %arg5[%dma_start3A_270, %dma_start3A_271] : memref<160000x128xf32, #tpu.memory_space<hbm>> -> memref<160000x128xf32, #tpu.memory_space<hbm>>
        tpu.enqueue_indirect_dma source(%dma_start3A_272 : memref<160000x128xf32, #tpu.memory_space<hbm>>) target(%arg21 : memref<80x128xf32, #tpu.memory_space<vmem>>) offsets(%arg9 : memref<80xi32, #tpu.memory_space<vmem>>) semaphore(%arg29 : memref<!tpu.dma_semaphore, #tpu.memory_space<semaphore_mem>>)
      } else {
      }
      %dma_wait3A_158 = arith.constant 0 : i32
      %dma_wait3A_159 = arith.constant 0 : i32
      %dma_wait3A_160 = tpu.memref_slice %arg5[%dma_wait3A_158, %dma_wait3A_159] : memref<160000x128xf32, #tpu.memory_space<hbm>> -> memref<160000x128xf32, #tpu.memory_space<hbm>>
      tpu.wait_indirect_dma semaphore(%arg28 : memref<!tpu.dma_semaphore, #tpu.memory_space<semaphore_mem>>) src(%dma_wait3A_160 : memref<160000x128xf32, #tpu.memory_space<hbm>>) dst(%arg20 : memref<80x128xf32, #tpu.memory_space<vmem>>)
      %dma_start3A_161 = arith.constant 0 : i32
      %dma_start3A_162 = arith.constant 0 : i32
      %dma_start3A_163 = tpu.memref_slice %arg26[%dma_start3A_161, %dma_start3A_162] : memref<10240x128xf32, #tpu.memory_space<vmem_shared>> -> memref<10240x128xf32, #tpu.memory_space<vmem_shared>>
      tpu.enqueue_indirect_dma source(%arg20 : memref<80x128xf32, #tpu.memory_space<vmem>>) target(%dma_start3A_163 : memref<10240x128xf32, #tpu.memory_space<vmem_shared>>) offsets(%arg12 : memref<80xi32, #tpu.memory_space<vmem>>) semaphore(%arg32 : memref<!tpu.dma_semaphore, #tpu.memory_space<semaphore_mem>>) {add = true}
      %dma_start3A_164 = arith.constant 0 : i32
      %dma_start3A_165 = tpu.memref_slice %arg27[%dma_start3A_164] : memref<10240xf32, #tpu.memory_space<vmem_shared>> -> memref<10240xf32, #tpu.memory_space<vmem_shared>>
      tpu.enqueue_indirect_dma source(%arg24 : memref<80xf32, #tpu.memory_space<vmem>>) target(%dma_start3A_165 : memref<10240xf32, #tpu.memory_space<vmem_shared>>) offsets(%arg12 : memref<80xi32, #tpu.memory_space<vmem>>) semaphore(%arg36 : memref<!tpu.dma_semaphore, #tpu.memory_space<semaphore_mem>>) {add = true}
      %mul3A_166 = arith.constant 4 : i32
      %mul3A_167 = arith.muli %while3A_137, %mul3A_166 : i32
      %add3A_168 = arith.constant 1 : i32
      %add3A_169 = arith.addi %mul3A_167, %add3A_168 : i32
      %ge3A_170 = arith.constant 2 : i32
      %ge3A_171 = arith.cmpi sge, %add3A_169, %ge3A_170 : i32
      %convert_element_type3A_172 = arith.extui %ge3A_171 : i1 to i32
      %cond3A_173 = arith.constant 0 : i32
      %cond3A_174 = arith.cmpi ne, %convert_element_type3A_172, %cond3A_173 : i32
      scf.if %cond3A_174 {
        %dma_wait3A_253 = arith.constant 0 : i32
        %dma_wait3A_254 = arith.constant 0 : i32
        %dma_wait3A_255 = tpu.memref_slice %arg26[%dma_wait3A_253, %dma_wait3A_254] : memref<10240x128xf32, #tpu.memory_space<vmem_shared>> -> memref<10240x128xf32, #tpu.memory_space<vmem_shared>>
        tpu.wait_indirect_dma semaphore(%arg35 : memref<!tpu.dma_semaphore, #tpu.memory_space<semaphore_mem>>) src(%arg23 : memref<80x128xf32, #tpu.memory_space<vmem>>) dst(%dma_wait3A_255 : memref<10240x128xf32, #tpu.memory_space<vmem_shared>>)
        %dma_wait3A_256 = arith.constant 0 : i32
        %dma_wait3A_257 = tpu.memref_slice %arg27[%dma_wait3A_256] : memref<10240xf32, #tpu.memory_space<vmem_shared>> -> memref<10240xf32, #tpu.memory_space<vmem_shared>>
        tpu.wait_indirect_dma semaphore(%arg39 : memref<!tpu.dma_semaphore, #tpu.memory_space<semaphore_mem>>) src(%arg24 : memref<80xf32, #tpu.memory_space<vmem>>) dst(%dma_wait3A_257 : memref<10240xf32, #tpu.memory_space<vmem_shared>>)
      } else {
      }
      %add3A_175 = arith.constant 2 : i32
      %add3A_176 = arith.addi %add3A_169, %add3A_175 : i32
      %lt3A_177 = arith.cmpi slt, %add3A_176, %select_n3A : i32
      %convert_element_type3A_178 = arith.extui %lt3A_177 : i1 to i32
      %cond3A_179 = arith.constant 0 : i32
      %cond3A_180 = arith.cmpi ne, %convert_element_type3A_178, %cond3A_179 : i32
      scf.if %cond3A_180 {
        %add3A_253 = arith.constant 2 : i32
        %add3A_254 = arith.addi %add3A_169, %add3A_253 : i32
        %mul3A_255 = arith.constant 80 : i32
        %mul3A_256 = arith.muli %add3A_254, %mul3A_255 : i32
        %add3A_257 = arith.addi %mul3A_53, %mul3A_256 : i32
        %dma_start3A_258 = tpu.memref_slice %arg2[%add3A_257] : memref<322560xi32, #tpu.memory_space<hbm>> -> memref<80xi32, #tpu.memory_space<hbm>>
        %dma_start3A_259 = tpu.memref_slice %arg2[%add3A_257] : memref<322560xi32, #tpu.memory_space<hbm>> -> memref<80xi32, #tpu.memory_space<hbm>>
        tpu.enqueue_dma source(%dma_start3A_259 : memref<80xi32, #tpu.memory_space<hbm>>) target(%arg11 : memref<80xi32, #tpu.memory_space<vmem>>) target_semaphore(%arg43 : memref<!tpu.dma_semaphore, #tpu.memory_space<semaphore_mem>>)
        %dma_start3A_260 = tpu.memref_slice %arg3[%add3A_257] : memref<322560xi32, #tpu.memory_space<hbm>> -> memref<80xi32, #tpu.memory_space<hbm>>
        %dma_start3A_261 = tpu.memref_slice %arg3[%add3A_257] : memref<322560xi32, #tpu.memory_space<hbm>> -> memref<80xi32, #tpu.memory_space<hbm>>
        tpu.enqueue_dma source(%dma_start3A_261 : memref<80xi32, #tpu.memory_space<hbm>>) target(%arg15 : memref<80xi32, #tpu.memory_space<vmem>>) target_semaphore(%arg43 : memref<!tpu.dma_semaphore, #tpu.memory_space<semaphore_mem>>)
        %dma_start3A_262 = tpu.memref_slice %arg4[%add3A_257] : memref<322560xi32, #tpu.memory_space<hbm>> -> memref<80xi32, #tpu.memory_space<hbm>>
        %dma_start3A_263 = tpu.memref_slice %arg4[%add3A_257] : memref<322560xi32, #tpu.memory_space<hbm>> -> memref<80xi32, #tpu.memory_space<hbm>>
        tpu.enqueue_dma source(%dma_start3A_263 : memref<80xi32, #tpu.memory_space<hbm>>) target(%arg19 : memref<80xi32, #tpu.memory_space<vmem>>) target_semaphore(%arg43 : memref<!tpu.dma_semaphore, #tpu.memory_space<semaphore_mem>>)
      } else {
      }
      %add3A_181 = arith.constant 1 : i32
      %add3A_182 = arith.addi %add3A_169, %add3A_181 : i32
      %lt3A_183 = arith.cmpi slt, %add3A_182, %select_n3A : i32
      %convert_element_type3A_184 = arith.extui %lt3A_183 : i1 to i32
      %cond3A_185 = arith.constant 0 : i32
      %cond3A_186 = arith.cmpi ne, %convert_element_type3A_184, %cond3A_185 : i32
      scf.if %cond3A_186 {
        %add3A_253 = arith.constant 1 : i32
        %add3A_254 = arith.addi %add3A_169, %add3A_253 : i32
        %mul3A_255 = arith.constant 80 : i32
        %mul3A_256 = arith.muli %add3A_254, %mul3A_255 : i32
        %add3A_257 = arith.addi %mul3A_53, %mul3A_256 : i32
        %dma_wait3A_258 = tpu.memref_slice %arg2[%add3A_257] : memref<322560xi32, #tpu.memory_space<hbm>> -> memref<80xi32, #tpu.memory_space<hbm>>
        %dma_wait3A_259 = tpu.memref_slice %arg2[%add3A_257] : memref<322560xi32, #tpu.memory_space<hbm>> -> memref<80xi32, #tpu.memory_space<hbm>>
        tpu.wait_dma2 semaphore(%arg42 : memref<!tpu.dma_semaphore, #tpu.memory_space<semaphore_mem>>) src(%dma_wait3A_259 : memref<80xi32, #tpu.memory_space<hbm>>) dst(%arg10 : memref<80xi32, #tpu.memory_space<vmem>>)
        %dma_wait3A_260 = tpu.memref_slice %arg3[%add3A_257] : memref<322560xi32, #tpu.memory_space<hbm>> -> memref<80xi32, #tpu.memory_space<hbm>>
        %dma_wait3A_261 = tpu.memref_slice %arg3[%add3A_257] : memref<322560xi32, #tpu.memory_space<hbm>> -> memref<80xi32, #tpu.memory_space<hbm>>
        tpu.wait_dma2 semaphore(%arg42 : memref<!tpu.dma_semaphore, #tpu.memory_space<semaphore_mem>>) src(%dma_wait3A_261 : memref<80xi32, #tpu.memory_space<hbm>>) dst(%arg14 : memref<80xi32, #tpu.memory_space<vmem>>)
        %dma_wait3A_262 = tpu.memref_slice %arg4[%add3A_257] : memref<322560xi32, #tpu.memory_space<hbm>> -> memref<80xi32, #tpu.memory_space<hbm>>
        %dma_wait3A_263 = tpu.memref_slice %arg4[%add3A_257] : memref<322560xi32, #tpu.memory_space<hbm>> -> memref<80xi32, #tpu.memory_space<hbm>>
        tpu.wait_dma2 semaphore(%arg42 : memref<!tpu.dma_semaphore, #tpu.memory_space<semaphore_mem>>) src(%dma_wait3A_263 : memref<80xi32, #tpu.memory_space<hbm>>) dst(%arg18 : memref<80xi32, #tpu.memory_space<vmem>>)
        %scan3A_264 = arith.constant 0 : i32
        %scan3A_265 = arith.constant 0 : i32
        %scan3A_266 = arith.constant 5 : i32
        %scan3A_267 = arith.addi %scan3A_265, %scan3A_266 : i32
        %scan3A_268 = arith.constant 1 : i32
        scf.for %scan3A_273 = %scan3A_265 to %scan3A_267 step %scan3A_268  : i32 {
          %mul3A_274 = arith.constant 16 : i32
          %mul3A_275 = arith.muli %scan3A_273, %mul3A_274 : i32
          %get3A = arith.index_cast %mul3A_275 : i32 to index
          %get3A_276 = tpu.vector_load %arg10[%get3A] {strides = array<i32>} : memref<80xi32, #tpu.memory_space<vmem>>, vector<16xi32>,
          %mul3A_277 = arith.constant 16 : i32
          %mul3A_278 = arith.muli %scan3A_273, %mul3A_277 : i32
          %get3A_279 = arith.index_cast %mul3A_278 : i32 to index
          %get3A_280 = tpu.vector_load %arg18[%get3A_279] {strides = array<i32>} : memref<80xi32, #tpu.memory_space<vmem>>, vector<16xi32>,
          %mul3A_281 = arith.constant 16 : i32
          %mul3A_282 = vector.broadcast %mul3A_281 : i32 to vector<16xi32>
          %mul3A_283 = arith.muli %get3A_276, %mul3A_282 : vector<16xi32>
          %add3A_284 = arith.addi %mul3A_283, %get3A_280 : vector<16xi32>
          %mul3A_285 = arith.constant 16 : i32
          %mul3A_286 = arith.muli %scan3A_273, %mul3A_285 : i32
          %swap3A = arith.index_cast %mul3A_286 : i32 to index
          %swap3A_287 = tpu.vector_load %arg10[%swap3A] {strides = array<i32>} : memref<80xi32, #tpu.memory_space<vmem>>, vector<16xi32>,
          tpu.vector_store %arg10[%swap3A], %add3A_284 {strides = array<i32>} : memref<80xi32, #tpu.memory_space<vmem>>, vector<16xi32>,
        }
        %scan3A_269 = arith.constant 5 : i32
        %dma_start3A_270 = arith.constant 0 : i32
        %dma_start3A_271 = arith.constant 0 : i32
        %dma_start3A_272 = tpu.memref_slice %arg5[%dma_start3A_270, %dma_start3A_271] : memref<160000x128xf32, #tpu.memory_space<hbm>> -> memref<160000x128xf32, #tpu.memory_space<hbm>>
        tpu.enqueue_indirect_dma source(%dma_start3A_272 : memref<160000x128xf32, #tpu.memory_space<hbm>>) target(%arg22 : memref<80x128xf32, #tpu.memory_space<vmem>>) offsets(%arg10 : memref<80xi32, #tpu.memory_space<vmem>>) semaphore(%arg30 : memref<!tpu.dma_semaphore, #tpu.memory_space<semaphore_mem>>)
      } else {
      }
      %dma_wait3A_187 = arith.constant 0 : i32
      %dma_wait3A_188 = arith.constant 0 : i32
      %dma_wait3A_189 = tpu.memref_slice %arg5[%dma_wait3A_187, %dma_wait3A_188] : memref<160000x128xf32, #tpu.memory_space<hbm>> -> memref<160000x128xf32, #tpu.memory_space<hbm>>
      tpu.wait_indirect_dma semaphore(%arg29 : memref<!tpu.dma_semaphore, #tpu.memory_space<semaphore_mem>>) src(%dma_wait3A_189 : memref<160000x128xf32, #tpu.memory_space<hbm>>) dst(%arg21 : memref<80x128xf32, #tpu.memory_space<vmem>>)
      %dma_start3A_190 = arith.constant 0 : i32
      %dma_start3A_191 = arith.constant 0 : i32
      %dma_start3A_192 = tpu.memref_slice %arg26[%dma_start3A_190, %dma_start3A_191] : memref<10240x128xf32, #tpu.memory_space<vmem_shared>> -> memref<10240x128xf32, #tpu.memory_space<vmem_shared>>
      tpu.enqueue_indirect_dma source(%arg21 : memref<80x128xf32, #tpu.memory_space<vmem>>) target(%dma_start3A_192 : memref<10240x128xf32, #tpu.memory_space<vmem_shared>>) offsets(%arg13 : memref<80xi32, #tpu.memory_space<vmem>>) semaphore(%arg33 : memref<!tpu.dma_semaphore, #tpu.memory_space<semaphore_mem>>) {add = true}
      %dma_start3A_193 = arith.constant 0 : i32
      %dma_start3A_194 = tpu.memref_slice %arg27[%dma_start3A_193] : memref<10240xf32, #tpu.memory_space<vmem_shared>> -> memref<10240xf32, #tpu.memory_space<vmem_shared>>
      tpu.enqueue_indirect_dma source(%arg24 : memref<80xf32, #tpu.memory_space<vmem>>) target(%dma_start3A_194 : memref<10240xf32, #tpu.memory_space<vmem_shared>>) offsets(%arg13 : memref<80xi32, #tpu.memory_space<vmem>>) semaphore(%arg37 : memref<!tpu.dma_semaphore, #tpu.memory_space<semaphore_mem>>) {add = true}
      %mul3A_195 = arith.constant 4 : i32
      %mul3A_196 = arith.muli %while3A_137, %mul3A_195 : i32
      %add3A_197 = arith.constant 2 : i32
      %add3A_198 = arith.addi %mul3A_196, %add3A_197 : i32
      %ge3A_199 = arith.constant 2 : i32
      %ge3A_200 = arith.cmpi sge, %add3A_198, %ge3A_199 : i32
      %convert_element_type3A_201 = arith.extui %ge3A_200 : i1 to i32
      %cond3A_202 = arith.constant 0 : i32
      %cond3A_203 = arith.cmpi ne, %convert_element_type3A_201, %cond3A_202 : i32
      scf.if %cond3A_203 {
        %dma_wait3A_253 = arith.constant 0 : i32
        %dma_wait3A_254 = arith.constant 0 : i32
        %dma_wait3A_255 = tpu.memref_slice %arg26[%dma_wait3A_253, %dma_wait3A_254] : memref<10240x128xf32, #tpu.memory_space<vmem_shared>> -> memref<10240x128xf32, #tpu.memory_space<vmem_shared>>
        tpu.wait_indirect_dma semaphore(%arg32 : memref<!tpu.dma_semaphore, #tpu.memory_space<semaphore_mem>>) src(%arg20 : memref<80x128xf32, #tpu.memory_space<vmem>>) dst(%dma_wait3A_255 : memref<10240x128xf32, #tpu.memory_space<vmem_shared>>)
        %dma_wait3A_256 = arith.constant 0 : i32
        %dma_wait3A_257 = tpu.memref_slice %arg27[%dma_wait3A_256] : memref<10240xf32, #tpu.memory_space<vmem_shared>> -> memref<10240xf32, #tpu.memory_space<vmem_shared>>
        tpu.wait_indirect_dma semaphore(%arg36 : memref<!tpu.dma_semaphore, #tpu.memory_space<semaphore_mem>>) src(%arg24 : memref<80xf32, #tpu.memory_space<vmem>>) dst(%dma_wait3A_257 : memref<10240xf32, #tpu.memory_space<vmem_shared>>)
      } else {
      }
      %add3A_204 = arith.constant 2 : i32
      %add3A_205 = arith.addi %add3A_198, %add3A_204 : i32
      %lt3A_206 = arith.cmpi slt, %add3A_205, %select_n3A : i32
      %convert_element_type3A_207 = arith.extui %lt3A_206 : i1 to i32
      %cond3A_208 = arith.constant 0 : i32
      %cond3A_209 = arith.cmpi ne, %convert_element_type3A_207, %cond3A_208 : i32
      scf.if %cond3A_209 {
        %add3A_253 = arith.constant 2 : i32
        %add3A_254 = arith.addi %add3A_198, %add3A_253 : i32
        %mul3A_255 = arith.constant 80 : i32
        %mul3A_256 = arith.muli %add3A_254, %mul3A_255 : i32
        %add3A_257 = arith.addi %mul3A_53, %mul3A_256 : i32
        %dma_start3A_258 = tpu.memref_slice %arg2[%add3A_257] : memref<322560xi32, #tpu.memory_space<hbm>> -> memref<80xi32, #tpu.memory_space<hbm>>
        %dma_start3A_259 = tpu.memref_slice %arg2[%add3A_257] : memref<322560xi32, #tpu.memory_space<hbm>> -> memref<80xi32, #tpu.memory_space<hbm>>
        tpu.enqueue_dma source(%dma_start3A_259 : memref<80xi32, #tpu.memory_space<hbm>>) target(%arg8 : memref<80xi32, #tpu.memory_space<vmem>>) target_semaphore(%arg40 : memref<!tpu.dma_semaphore, #tpu.memory_space<semaphore_mem>>)
        %dma_start3A_260 = tpu.memref_slice %arg3[%add3A_257] : memref<322560xi32, #tpu.memory_space<hbm>> -> memref<80xi32, #tpu.memory_space<hbm>>
        %dma_start3A_261 = tpu.memref_slice %arg3[%add3A_257] : memref<322560xi32, #tpu.memory_space<hbm>> -> memref<80xi32, #tpu.memory_space<hbm>>
        tpu.enqueue_dma source(%dma_start3A_261 : memref<80xi32, #tpu.memory_space<hbm>>) target(%arg12 : memref<80xi32, #tpu.memory_space<vmem>>) target_semaphore(%arg40 : memref<!tpu.dma_semaphore, #tpu.memory_space<semaphore_mem>>)
        %dma_start3A_262 = tpu.memref_slice %arg4[%add3A_257] : memref<322560xi32, #tpu.memory_space<hbm>> -> memref<80xi32, #tpu.memory_space<hbm>>
        %dma_start3A_263 = tpu.memref_slice %arg4[%add3A_257] : memref<322560xi32, #tpu.memory_space<hbm>> -> memref<80xi32, #tpu.memory_space<hbm>>
        tpu.enqueue_dma source(%dma_start3A_263 : memref<80xi32, #tpu.memory_space<hbm>>) target(%arg16 : memref<80xi32, #tpu.memory_space<vmem>>) target_semaphore(%arg40 : memref<!tpu.dma_semaphore, #tpu.memory_space<semaphore_mem>>)
      } else {
      }
      %add3A_210 = arith.constant 1 : i32
      %add3A_211 = arith.addi %add3A_198, %add3A_210 : i32
      %lt3A_212 = arith.cmpi slt, %add3A_211, %select_n3A : i32
      %convert_element_type3A_213 = arith.extui %lt3A_212 : i1 to i32
      %cond3A_214 = arith.constant 0 : i32
      %cond3A_215 = arith.cmpi ne, %convert_element_type3A_213, %cond3A_214 : i32
      scf.if %cond3A_215 {
        %add3A_253 = arith.constant 1 : i32
        %add3A_254 = arith.addi %add3A_198, %add3A_253 : i32
        %mul3A_255 = arith.constant 80 : i32
        %mul3A_256 = arith.muli %add3A_254, %mul3A_255 : i32
        %add3A_257 = arith.addi %mul3A_53, %mul3A_256 : i32
        %dma_wait3A_258 = tpu.memref_slice %arg2[%add3A_257] : memref<322560xi32, #tpu.memory_space<hbm>> -> memref<80xi32, #tpu.memory_space<hbm>>
        %dma_wait3A_259 = tpu.memref_slice %arg2[%add3A_257] : memref<322560xi32, #tpu.memory_space<hbm>> -> memref<80xi32, #tpu.memory_space<hbm>>
        tpu.wait_dma2 semaphore(%arg43 : memref<!tpu.dma_semaphore, #tpu.memory_space<semaphore_mem>>) src(%dma_wait3A_259 : memref<80xi32, #tpu.memory_space<hbm>>) dst(%arg11 : memref<80xi32, #tpu.memory_space<vmem>>)
        %dma_wait3A_260 = tpu.memref_slice %arg3[%add3A_257] : memref<322560xi32, #tpu.memory_space<hbm>> -> memref<80xi32, #tpu.memory_space<hbm>>
        %dma_wait3A_261 = tpu.memref_slice %arg3[%add3A_257] : memref<322560xi32, #tpu.memory_space<hbm>> -> memref<80xi32, #tpu.memory_space<hbm>>
        tpu.wait_dma2 semaphore(%arg43 : memref<!tpu.dma_semaphore, #tpu.memory_space<semaphore_mem>>) src(%dma_wait3A_261 : memref<80xi32, #tpu.memory_space<hbm>>) dst(%arg15 : memref<80xi32, #tpu.memory_space<vmem>>)
        %dma_wait3A_262 = tpu.memref_slice %arg4[%add3A_257] : memref<322560xi32, #tpu.memory_space<hbm>> -> memref<80xi32, #tpu.memory_space<hbm>>
        %dma_wait3A_263 = tpu.memref_slice %arg4[%add3A_257] : memref<322560xi32, #tpu.memory_space<hbm>> -> memref<80xi32, #tpu.memory_space<hbm>>
        tpu.wait_dma2 semaphore(%arg43 : memref<!tpu.dma_semaphore, #tpu.memory_space<semaphore_mem>>) src(%dma_wait3A_263 : memref<80xi32, #tpu.memory_space<hbm>>) dst(%arg19 : memref<80xi32, #tpu.memory_space<vmem>>)
        %scan3A_264 = arith.constant 0 : i32
        %scan3A_265 = arith.constant 0 : i32
        %scan3A_266 = arith.constant 5 : i32
        %scan3A_267 = arith.addi %scan3A_265, %scan3A_266 : i32
        %scan3A_268 = arith.constant 1 : i32
        scf.for %scan3A_273 = %scan3A_265 to %scan3A_267 step %scan3A_268  : i32 {
          %mul3A_274 = arith.constant 16 : i32
          %mul3A_275 = arith.muli %scan3A_273, %mul3A_274 : i32
          %get3A = arith.index_cast %mul3A_275 : i32 to index
          %get3A_276 = tpu.vector_load %arg11[%get3A] {strides = array<i32>} : memref<80xi32, #tpu.memory_space<vmem>>, vector<16xi32>,
          %mul3A_277 = arith.constant 16 : i32
          %mul3A_278 = arith.muli %scan3A_273, %mul3A_277 : i32
          %get3A_279 = arith.index_cast %mul3A_278 : i32 to index
          %get3A_280 = tpu.vector_load %arg19[%get3A_279] {strides = array<i32>} : memref<80xi32, #tpu.memory_space<vmem>>, vector<16xi32>,
          %mul3A_281 = arith.constant 16 : i32
          %mul3A_282 = vector.broadcast %mul3A_281 : i32 to vector<16xi32>
          %mul3A_283 = arith.muli %get3A_276, %mul3A_282 : vector<16xi32>
          %add3A_284 = arith.addi %mul3A_283, %get3A_280 : vector<16xi32>
          %mul3A_285 = arith.constant 16 : i32
          %mul3A_286 = arith.muli %scan3A_273, %mul3A_285 : i32
          %swap3A = arith.index_cast %mul3A_286 : i32 to index
          %swap3A_287 = tpu.vector_load %arg11[%swap3A] {strides = array<i32>} : memref<80xi32, #tpu.memory_space<vmem>>, vector<16xi32>,
          tpu.vector_store %arg11[%swap3A], %add3A_284 {strides = array<i32>} : memref<80xi32, #tpu.memory_space<vmem>>, vector<16xi32>,
        }
        %scan3A_269 = arith.constant 5 : i32
        %dma_start3A_270 = arith.constant 0 : i32
        %dma_start3A_271 = arith.constant 0 : i32
        %dma_start3A_272 = tpu.memref_slice %arg5[%dma_start3A_270, %dma_start3A_271] : memref<160000x128xf32, #tpu.memory_space<hbm>> -> memref<160000x128xf32, #tpu.memory_space<hbm>>
        tpu.enqueue_indirect_dma source(%dma_start3A_272 : memref<160000x128xf32, #tpu.memory_space<hbm>>) target(%arg23 : memref<80x128xf32, #tpu.memory_space<vmem>>) offsets(%arg11 : memref<80xi32, #tpu.memory_space<vmem>>) semaphore(%arg31 : memref<!tpu.dma_semaphore, #tpu.memory_space<semaphore_mem>>)
      } else {
      }
      %dma_wait3A_216 = arith.constant 0 : i32
      %dma_wait3A_217 = arith.constant 0 : i32
      %dma_wait3A_218 = tpu.memref_slice %arg5[%dma_wait3A_216, %dma_wait3A_217] : memref<160000x128xf32, #tpu.memory_space<hbm>> -> memref<160000x128xf32, #tpu.memory_space<hbm>>
      tpu.wait_indirect_dma semaphore(%arg30 : memref<!tpu.dma_semaphore, #tpu.memory_space<semaphore_mem>>) src(%dma_wait3A_218 : memref<160000x128xf32, #tpu.memory_space<hbm>>) dst(%arg22 : memref<80x128xf32, #tpu.memory_space<vmem>>)
      %dma_start3A_219 = arith.constant 0 : i32
      %dma_start3A_220 = arith.constant 0 : i32
      %dma_start3A_221 = tpu.memref_slice %arg26[%dma_start3A_219, %dma_start3A_220] : memref<10240x128xf32, #tpu.memory_space<vmem_shared>> -> memref<10240x128xf32, #tpu.memory_space<vmem_shared>>
      tpu.enqueue_indirect_dma source(%arg22 : memref<80x128xf32, #tpu.memory_space<vmem>>) target(%dma_start3A_221 : memref<10240x128xf32, #tpu.memory_space<vmem_shared>>) offsets(%arg14 : memref<80xi32, #tpu.memory_space<vmem>>) semaphore(%arg34 : memref<!tpu.dma_semaphore, #tpu.memory_space<semaphore_mem>>) {add = true}
      %dma_start3A_222 = arith.constant 0 : i32
      %dma_start3A_223 = tpu.memref_slice %arg27[%dma_start3A_222] : memref<10240xf32, #tpu.memory_space<vmem_shared>> -> memref<10240xf32, #tpu.memory_space<vmem_shared>>
      tpu.enqueue_indirect_dma source(%arg24 : memref<80xf32, #tpu.memory_space<vmem>>) target(%dma_start3A_223 : memref<10240xf32, #tpu.memory_space<vmem_shared>>) offsets(%arg14 : memref<80xi32, #tpu.memory_space<vmem>>) semaphore(%arg38 : memref<!tpu.dma_semaphore, #tpu.memory_space<semaphore_mem>>) {add = true}
      %mul3A_224 = arith.constant 4 : i32
      %mul3A_225 = arith.muli %while3A_137, %mul3A_224 : i32
      %add3A_226 = arith.constant 3 : i32
      %add3A_227 = arith.addi %mul3A_225, %add3A_226 : i32
      %ge3A_228 = arith.constant 2 : i32
      %ge3A_229 = arith.cmpi sge, %add3A_227, %ge3A_228 : i32
      %convert_element_type3A_230 = arith.extui %ge3A_229 : i1 to i32
      %cond3A_231 = arith.constant 0 : i32
      %cond3A_232 = arith.cmpi ne, %convert_element_type3A_230, %cond3A_231 : i32
      scf.if %cond3A_232 {
        %dma_wait3A_253 = arith.constant 0 : i32
        %dma_wait3A_254 = arith.constant 0 : i32
        %dma_wait3A_255 = tpu.memref_slice %arg26[%dma_wait3A_253, %dma_wait3A_254] : memref<10240x128xf32, #tpu.memory_space<vmem_shared>> -> memref<10240x128xf32, #tpu.memory_space<vmem_shared>>
        tpu.wait_indirect_dma semaphore(%arg33 : memref<!tpu.dma_semaphore, #tpu.memory_space<semaphore_mem>>) src(%arg21 : memref<80x128xf32, #tpu.memory_space<vmem>>) dst(%dma_wait3A_255 : memref<10240x128xf32, #tpu.memory_space<vmem_shared>>)
        %dma_wait3A_256 = arith.constant 0 : i32
        %dma_wait3A_257 = tpu.memref_slice %arg27[%dma_wait3A_256] : memref<10240xf32, #tpu.memory_space<vmem_shared>> -> memref<10240xf32, #tpu.memory_space<vmem_shared>>
        tpu.wait_indirect_dma semaphore(%arg37 : memref<!tpu.dma_semaphore, #tpu.memory_space<semaphore_mem>>) src(%arg24 : memref<80xf32, #tpu.memory_space<vmem>>) dst(%dma_wait3A_257 : memref<10240xf32, #tpu.memory_space<vmem_shared>>)
      } else {
      }
      %add3A_233 = arith.constant 2 : i32
      %add3A_234 = arith.addi %add3A_227, %add3A_233 : i32
      %lt3A_235 = arith.cmpi slt, %add3A_234, %select_n3A : i32
      %convert_element_type3A_236 = arith.extui %lt3A_235 : i1 to i32
      %cond3A_237 = arith.constant 0 : i32
      %cond3A_238 = arith.cmpi ne, %convert_element_type3A_236, %cond3A_237 : i32
      scf.if %cond3A_238 {
        %add3A_253 = arith.constant 2 : i32
        %add3A_254 = arith.addi %add3A_227, %add3A_253 : i32
        %mul3A_255 = arith.constant 80 : i32
        %mul3A_256 = arith.muli %add3A_254, %mul3A_255 : i32
        %add3A_257 = arith.addi %mul3A_53, %mul3A_256 : i32
        %dma_start3A_258 = tpu.memref_slice %arg2[%add3A_257] : memref<322560xi32, #tpu.memory_space<hbm>> -> memref<80xi32, #tpu.memory_space<hbm>>
        %dma_start3A_259 = tpu.memref_slice %arg2[%add3A_257] : memref<322560xi32, #tpu.memory_space<hbm>> -> memref<80xi32, #tpu.memory_space<hbm>>
        tpu.enqueue_dma source(%dma_start3A_259 : memref<80xi32, #tpu.memory_space<hbm>>) target(%arg9 : memref<80xi32, #tpu.memory_space<vmem>>) target_semaphore(%arg41 : memref<!tpu.dma_semaphore, #tpu.memory_space<semaphore_mem>>)
        %dma_start3A_260 = tpu.memref_slice %arg3[%add3A_257] : memref<322560xi32, #tpu.memory_space<hbm>> -> memref<80xi32, #tpu.memory_space<hbm>>
        %dma_start3A_261 = tpu.memref_slice %arg3[%add3A_257] : memref<322560xi32, #tpu.memory_space<hbm>> -> memref<80xi32, #tpu.memory_space<hbm>>
        tpu.enqueue_dma source(%dma_start3A_261 : memref<80xi32, #tpu.memory_space<hbm>>) target(%arg13 : memref<80xi32, #tpu.memory_space<vmem>>) target_semaphore(%arg41 : memref<!tpu.dma_semaphore, #tpu.memory_space<semaphore_mem>>)
        %dma_start3A_262 = tpu.memref_slice %arg4[%add3A_257] : memref<322560xi32, #tpu.memory_space<hbm>> -> memref<80xi32, #tpu.memory_space<hbm>>
        %dma_start3A_263 = tpu.memref_slice %arg4[%add3A_257] : memref<322560xi32, #tpu.memory_space<hbm>> -> memref<80xi32, #tpu.memory_space<hbm>>
        tpu.enqueue_dma source(%dma_start3A_263 : memref<80xi32, #tpu.memory_space<hbm>>) target(%arg17 : memref<80xi32, #tpu.memory_space<vmem>>) target_semaphore(%arg41 : memref<!tpu.dma_semaphore, #tpu.memory_space<semaphore_mem>>)
      } else {
      }
      %add3A_239 = arith.constant 1 : i32
      %add3A_240 = arith.addi %add3A_227, %add3A_239 : i32
      %lt3A_241 = arith.cmpi slt, %add3A_240, %select_n3A : i32
      %convert_element_type3A_242 = arith.extui %lt3A_241 : i1 to i32
      %cond3A_243 = arith.constant 0 : i32
      %cond3A_244 = arith.cmpi ne, %convert_element_type3A_242, %cond3A_243 : i32
      scf.if %cond3A_244 {
        %add3A_253 = arith.constant 1 : i32
        %add3A_254 = arith.addi %add3A_227, %add3A_253 : i32
        %mul3A_255 = arith.constant 80 : i32
        %mul3A_256 = arith.muli %add3A_254, %mul3A_255 : i32
        %add3A_257 = arith.addi %mul3A_53, %mul3A_256 : i32
        %dma_wait3A_258 = tpu.memref_slice %arg2[%add3A_257] : memref<322560xi32, #tpu.memory_space<hbm>> -> memref<80xi32, #tpu.memory_space<hbm>>
        %dma_wait3A_259 = tpu.memref_slice %arg2[%add3A_257] : memref<322560xi32, #tpu.memory_space<hbm>> -> memref<80xi32, #tpu.memory_space<hbm>>
        tpu.wait_dma2 semaphore(%arg40 : memref<!tpu.dma_semaphore, #tpu.memory_space<semaphore_mem>>) src(%dma_wait3A_259 : memref<80xi32, #tpu.memory_space<hbm>>) dst(%arg8 : memref<80xi32, #tpu.memory_space<vmem>>)
        %dma_wait3A_260 = tpu.memref_slice %arg3[%add3A_257] : memref<322560xi32, #tpu.memory_space<hbm>> -> memref<80xi32, #tpu.memory_space<hbm>>
        %dma_wait3A_261 = tpu.memref_slice %arg3[%add3A_257] : memref<322560xi32, #tpu.memory_space<hbm>> -> memref<80xi32, #tpu.memory_space<hbm>>
        tpu.wait_dma2 semaphore(%arg40 : memref<!tpu.dma_semaphore, #tpu.memory_space<semaphore_mem>>) src(%dma_wait3A_261 : memref<80xi32, #tpu.memory_space<hbm>>) dst(%arg12 : memref<80xi32, #tpu.memory_space<vmem>>)
        %dma_wait3A_262 = tpu.memref_slice %arg4[%add3A_257] : memref<322560xi32, #tpu.memory_space<hbm>> -> memref<80xi32, #tpu.memory_space<hbm>>
        %dma_wait3A_263 = tpu.memref_slice %arg4[%add3A_257] : memref<322560xi32, #tpu.memory_space<hbm>> -> memref<80xi32, #tpu.memory_space<hbm>>
        tpu.wait_dma2 semaphore(%arg40 : memref<!tpu.dma_semaphore, #tpu.memory_space<semaphore_mem>>) src(%dma_wait3A_263 : memref<80xi32, #tpu.memory_space<hbm>>) dst(%arg16 : memref<80xi32, #tpu.memory_space<vmem>>)
        %scan3A_264 = arith.constant 0 : i32
        %scan3A_265 = arith.constant 0 : i32
        %scan3A_266 = arith.constant 5 : i32
        %scan3A_267 = arith.addi %scan3A_265, %scan3A_266 : i32
        %scan3A_268 = arith.constant 1 : i32
        scf.for %scan3A_273 = %scan3A_265 to %scan3A_267 step %scan3A_268  : i32 {
          %mul3A_274 = arith.constant 16 : i32
          %mul3A_275 = arith.muli %scan3A_273, %mul3A_274 : i32
          %get3A = arith.index_cast %mul3A_275 : i32 to index
          %get3A_276 = tpu.vector_load %arg8[%get3A] {strides = array<i32>} : memref<80xi32, #tpu.memory_space<vmem>>, vector<16xi32>,
          %mul3A_277 = arith.constant 16 : i32
          %mul3A_278 = arith.muli %scan3A_273, %mul3A_277 : i32
          %get3A_279 = arith.index_cast %mul3A_278 : i32 to index
          %get3A_280 = tpu.vector_load %arg16[%get3A_279] {strides = array<i32>} : memref<80xi32, #tpu.memory_space<vmem>>, vector<16xi32>,
          %mul3A_281 = arith.constant 16 : i32
          %mul3A_282 = vector.broadcast %mul3A_281 : i32 to vector<16xi32>
          %mul3A_283 = arith.muli %get3A_276, %mul3A_282 : vector<16xi32>
          %add3A_284 = arith.addi %mul3A_283, %get3A_280 : vector<16xi32>
          %mul3A_285 = arith.constant 16 : i32
          %mul3A_286 = arith.muli %scan3A_273, %mul3A_285 : i32
          %swap3A = arith.index_cast %mul3A_286 : i32 to index
          %swap3A_287 = tpu.vector_load %arg8[%swap3A] {strides = array<i32>} : memref<80xi32, #tpu.memory_space<vmem>>, vector<16xi32>,
          tpu.vector_store %arg8[%swap3A], %add3A_284 {strides = array<i32>} : memref<80xi32, #tpu.memory_space<vmem>>, vector<16xi32>,
        }
        %scan3A_269 = arith.constant 5 : i32
        %dma_start3A_270 = arith.constant 0 : i32
        %dma_start3A_271 = arith.constant 0 : i32
        %dma_start3A_272 = tpu.memref_slice %arg5[%dma_start3A_270, %dma_start3A_271] : memref<160000x128xf32, #tpu.memory_space<hbm>> -> memref<160000x128xf32, #tpu.memory_space<hbm>>
        tpu.enqueue_indirect_dma source(%dma_start3A_272 : memref<160000x128xf32, #tpu.memory_space<hbm>>) target(%arg20 : memref<80x128xf32, #tpu.memory_space<vmem>>) offsets(%arg8 : memref<80xi32, #tpu.memory_space<vmem>>) semaphore(%arg28 : memref<!tpu.dma_semaphore, #tpu.memory_space<semaphore_mem>>)
      } else {
      }
      %dma_wait3A_245 = arith.constant 0 : i32
      %dma_wait3A_246 = arith.constant 0 : i32
      %dma_wait3A_247 = tpu.memref_slice %arg5[%dma_wait3A_245, %dma_wait3A_246] : memref<160000x128xf32, #tpu.memory_space<hbm>> -> memref<160000x128xf32, #tpu.memory_space<hbm>>
      tpu.wait_indirect_dma semaphore(%arg31 : memref<!tpu.dma_semaphore, #tpu.memory_space<semaphore_mem>>) src(%dma_wait3A_247 : memref<160000x128xf32, #tpu.memory_space<hbm>>) dst(%arg23 : memref<80x128xf32, #tpu.memory_space<vmem>>)
      %dma_start3A_248 = arith.constant 0 : i32
      %dma_start3A_249 = arith.constant 0 : i32
      %dma_start3A_250 = tpu.memref_slice %arg26[%dma_start3A_248, %dma_start3A_249] : memref<10240x128xf32, #tpu.memory_space<vmem_shared>> -> memref<10240x128xf32, #tpu.memory_space<vmem_shared>>
      tpu.enqueue_indirect_dma source(%arg23 : memref<80x128xf32, #tpu.memory_space<vmem>>) target(%dma_start3A_250 : memref<10240x128xf32, #tpu.memory_space<vmem_shared>>) offsets(%arg15 : memref<80xi32, #tpu.memory_space<vmem>>) semaphore(%arg35 : memref<!tpu.dma_semaphore, #tpu.memory_space<semaphore_mem>>) {add = true}
      %dma_start3A_251 = arith.constant 0 : i32
      %dma_start3A_252 = tpu.memref_slice %arg27[%dma_start3A_251] : memref<10240xf32, #tpu.memory_space<vmem_shared>> -> memref<10240xf32, #tpu.memory_space<vmem_shared>>
      tpu.enqueue_indirect_dma source(%arg24 : memref<80xf32, #tpu.memory_space<vmem>>) target(%dma_start3A_252 : memref<10240xf32, #tpu.memory_space<vmem_shared>>) offsets(%arg15 : memref<80xi32, #tpu.memory_space<vmem>>) semaphore(%arg39 : memref<!tpu.dma_semaphore, #tpu.memory_space<semaphore_mem>>) {add = true}
    }
    %dma_wait3A_112 = arith.constant 0 : i32
    %dma_wait3A_113 = arith.constant 0 : i32
    %dma_wait3A_114 = tpu.memref_slice %arg26[%dma_wait3A_112, %dma_wait3A_113] : memref<10240x128xf32, #tpu.memory_space<vmem_shared>> -> memref<10240x128xf32, #tpu.memory_space<vmem_shared>>
    tpu.wait_indirect_dma semaphore(%arg34 : memref<!tpu.dma_semaphore, #tpu.memory_space<semaphore_mem>>) src(%arg22 : memref<80x128xf32, #tpu.memory_space<vmem>>) dst(%dma_wait3A_114 : memref<10240x128xf32, #tpu.memory_space<vmem_shared>>)
    %dma_wait3A_115 = arith.constant 0 : i32
    %dma_wait3A_116 = tpu.memref_slice %arg27[%dma_wait3A_115] : memref<10240xf32, #tpu.memory_space<vmem_shared>> -> memref<10240xf32, #tpu.memory_space<vmem_shared>>
    tpu.wait_indirect_dma semaphore(%arg38 : memref<!tpu.dma_semaphore, #tpu.memory_space<semaphore_mem>>) src(%arg24 : memref<80xf32, #tpu.memory_space<vmem>>) dst(%dma_wait3A_116 : memref<10240xf32, #tpu.memory_space<vmem_shared>>)
    %dma_wait3A_117 = arith.constant 0 : i32
    %dma_wait3A_118 = arith.constant 0 : i32
    %dma_wait3A_119 = tpu.memref_slice %arg26[%dma_wait3A_117, %dma_wait3A_118] : memref<10240x128xf32, #tpu.memory_space<vmem_shared>> -> memref<10240x128xf32, #tpu.memory_space<vmem_shared>>
    tpu.wait_indirect_dma semaphore(%arg35 : memref<!tpu.dma_semaphore, #tpu.memory_space<semaphore_mem>>) src(%arg23 : memref<80x128xf32, #tpu.memory_space<vmem>>) dst(%dma_wait3A_119 : memref<10240x128xf32, #tpu.memory_space<vmem_shared>>)
    %dma_wait3A_120 = arith.constant 0 : i32
    %dma_wait3A_121 = tpu.memref_slice %arg27[%dma_wait3A_120] : memref<10240xf32, #tpu.memory_space<vmem_shared>> -> memref<10240xf32, #tpu.memory_space<vmem_shared>>
    tpu.wait_indirect_dma semaphore(%arg39 : memref<!tpu.dma_semaphore, #tpu.memory_space<semaphore_mem>>) src(%arg24 : memref<80xf32, #tpu.memory_space<vmem>>) dst(%dma_wait3A_121 : memref<10240xf32, #tpu.memory_space<vmem_shared>>)
    %barrier3A_122 = arith.constant 0 : index
    tpu.barrier barrier_id(%barrier3A_122)
    %lt3A = arith.constant 15 : i32
    %lt3A_123 = arith.cmpi slt, %arg1, %lt3A : i32
    %convert_element_type3A = arith.extui %lt3A_123 : i1 to i32
    %cond3A = arith.constant 0 : i32
    %cond3A_124 = arith.cmpi ne, %convert_element_type3A, %cond3A : i32
    scf.if %cond3A_124 {
      %mul3A_137 = arith.constant 640 : i32
      %mul3A_138 = arith.muli %arg1, %mul3A_137 : i32
      %mul3A_139 = arith.constant 640 : i32
      %mul3A_140 = arith.muli %arg1, %mul3A_139 : i32
      "tpu.region"() ({
        %run_scoped3A = tpu.sem_alloc : memref<!tpu.dma_semaphore, #tpu.memory_space<semaphore_mem>>
        %dma_start3A_141 = arith.constant 0 : i32
        %dma_start3A_142 = arith.constant 0 : i32
        %dma_start3A_143 = tpu.memref_slice %arg6[%arg0, %dma_start3A_141, %dma_start3A_142] : memref<2x10000x128xf32, #tpu.memory_space<hbm>> -> memref<1x10000x128xf32, #tpu.memory_space<hbm>>
        %dma_start3A_144 = tpu.memref_squeeze %dma_start3A_143 : memref<1x10000x128xf32, #tpu.memory_space<hbm>> -> memref<10000x128xf32, #tpu.memory_space<hbm>>
        %dma_start3A_145 = arith.constant 0 : i32
        %dma_start3A_146 = tpu.memref_slice %dma_start3A_144[%mul3A_140, %dma_start3A_145] : memref<10000x128xf32, #tpu.memory_space<hbm>> -> memref<640x128xf32, #tpu.memory_space<hbm>>
        %dma_start3A_147 = arith.constant 0 : i32
        %dma_start3A_148 = tpu.memref_slice %arg26[%mul3A_138, %dma_start3A_147] : memref<10240x128xf32, #tpu.memory_space<vmem_shared>> -> memref<640x128xf32, #tpu.memory_space<vmem_shared>>
        tpu.enqueue_dma source(%dma_start3A_148 : memref<640x128xf32, #tpu.memory_space<vmem_shared>>) target(%dma_start3A_146 : memref<640x128xf32, #tpu.memory_space<hbm>>) target_semaphore(%run_scoped3A : memref<!tpu.dma_semaphore, #tpu.memory_space<semaphore_mem>>)
        %dma_wait3A_149 = arith.constant 0 : i32
        %dma_wait3A_150 = arith.constant 0 : i32
        %dma_wait3A_151 = tpu.memref_slice %arg6[%arg0, %dma_wait3A_149, %dma_wait3A_150] : memref<2x10000x128xf32, #tpu.memory_space<hbm>> -> memref<1x10000x128xf32, #tpu.memory_space<hbm>>
        %dma_wait3A_152 = tpu.memref_squeeze %dma_wait3A_151 : memref<1x10000x128xf32, #tpu.memory_space<hbm>> -> memref<10000x128xf32, #tpu.memory_space<hbm>>
        %dma_wait3A_153 = arith.constant 0 : i32
        %dma_wait3A_154 = tpu.memref_slice %dma_wait3A_152[%mul3A_140, %dma_wait3A_153] : memref<10000x128xf32, #tpu.memory_space<hbm>> -> memref<640x128xf32, #tpu.memory_space<hbm>>
        %dma_wait3A_155 = arith.constant 0 : i32
        %dma_wait3A_156 = tpu.memref_slice %arg26[%mul3A_138, %dma_wait3A_155] : memref<10240x128xf32, #tpu.memory_space<vmem_shared>> -> memref<640x128xf32, #tpu.memory_space<vmem_shared>>
        tpu.wait_dma2 semaphore(%run_scoped3A : memref<!tpu.dma_semaphore, #tpu.memory_space<semaphore_mem>>) src(%dma_wait3A_156 : memref<640x128xf32, #tpu.memory_space<vmem_shared>>) dst(%dma_wait3A_154 : memref<640x128xf32, #tpu.memory_space<hbm>>)
        tpu.yield
      }) : () -> ()
    } else {
    }
    %eq3A_125 = arith.constant 15 : i32
    %eq3A_126 = arith.cmpi eq, %arg1, %eq3A_125 : i32
    %convert_element_type3A_127 = arith.extui %eq3A_126 : i1 to i32
    %cond3A_128 = arith.constant 0 : i32
    %cond3A_129 = arith.cmpi ne, %convert_element_type3A_127, %cond3A_128 : i32
    scf.if %cond3A_129 {
      "tpu.region"() ({
        %run_scoped3A = tpu.sem_alloc : memref<!tpu.dma_semaphore, #tpu.memory_space<semaphore_mem>>
        %dma_start3A_137 = arith.constant 0 : i32
        %dma_start3A_138 = arith.constant 0 : i32
        %dma_start3A_139 = tpu.memref_slice %arg6[%arg0, %dma_start3A_137, %dma_start3A_138] : memref<2x10000x128xf32, #tpu.memory_space<hbm>> -> memref<1x10000x128xf32, #tpu.memory_space<hbm>>
        %dma_start3A_140 = tpu.memref_squeeze %dma_start3A_139 : memref<1x10000x128xf32, #tpu.memory_space<hbm>> -> memref<10000x128xf32, #tpu.memory_space<hbm>>
        %dma_start3A_141 = arith.constant 9600 : i32
        %dma_start3A_142 = arith.constant 0 : i32
        %dma_start3A_143 = tpu.memref_slice %dma_start3A_140[%dma_start3A_141, %dma_start3A_142] : memref<10000x128xf32, #tpu.memory_space<hbm>> -> memref<400x128xf32, #tpu.memory_space<hbm>>
        %dma_start3A_144 = arith.constant 9600 : i32
        %dma_start3A_145 = arith.constant 0 : i32
        %dma_start3A_146 = tpu.memref_slice %arg26[%dma_start3A_144, %dma_start3A_145] : memref<10240x128xf32, #tpu.memory_space<vmem_shared>> -> memref<400x128xf32, #tpu.memory_space<vmem_shared>>
        tpu.enqueue_dma source(%dma_start3A_146 : memref<400x128xf32, #tpu.memory_space<vmem_shared>>) target(%dma_start3A_143 : memref<400x128xf32, #tpu.memory_space<hbm>>) target_semaphore(%run_scoped3A : memref<!tpu.dma_semaphore, #tpu.memory_space<semaphore_mem>>)
        %dma_wait3A_147 = arith.constant 0 : i32
        %dma_wait3A_148 = arith.constant 0 : i32
        %dma_wait3A_149 = tpu.memref_slice %arg6[%arg0, %dma_wait3A_147, %dma_wait3A_148] : memref<2x10000x128xf32, #tpu.memory_space<hbm>> -> memref<1x10000x128xf32, #tpu.memory_space<hbm>>
        %dma_wait3A_150 = tpu.memref_squeeze %dma_wait3A_149 : memref<1x10000x128xf32, #tpu.memory_space<hbm>> -> memref<10000x128xf32, #tpu.memory_space<hbm>>
        %dma_wait3A_151 = arith.constant 9600 : i32
        %dma_wait3A_152 = arith.constant 0 : i32
        %dma_wait3A_153 = tpu.memref_slice %dma_wait3A_150[%dma_wait3A_151, %dma_wait3A_152] : memref<10000x128xf32, #tpu.memory_space<hbm>> -> memref<400x128xf32, #tpu.memory_space<hbm>>
        %dma_wait3A_154 = arith.constant 9600 : i32
        %dma_wait3A_155 = arith.constant 0 : i32
        %dma_wait3A_156 = tpu.memref_slice %arg26[%dma_wait3A_154, %dma_wait3A_155] : memref<10240x128xf32, #tpu.memory_space<vmem_shared>> -> memref<400x128xf32, #tpu.memory_space<vmem_shared>>
        tpu.wait_dma2 semaphore(%run_scoped3A : memref<!tpu.dma_semaphore, #tpu.memory_space<semaphore_mem>>) src(%dma_wait3A_156 : memref<400x128xf32, #tpu.memory_space<vmem_shared>>) dst(%dma_wait3A_153 : memref<400x128xf32, #tpu.memory_space<hbm>>)
        tpu.yield
      }) : () -> ()
    } else {
    }
    %mul3A_130 = arith.constant 640 : i32
    %mul3A_131 = arith.muli %arg1, %mul3A_130 : i32
    "tpu.region"() ({
      %run_scoped3A = tpu.sem_alloc : memref<!tpu.dma_semaphore, #tpu.memory_space<semaphore_mem>>
      %dma_start3A_137 = tpu.memref_slice %arg27[%mul3A_131] : memref<10240xf32, #tpu.memory_space<vmem_shared>> -> memref<640xf32, #tpu.memory_space<vmem_shared>>
      %dma_start3A_138 = tpu.memref_slice %arg27[%mul3A_131] : memref<10240xf32, #tpu.memory_space<vmem_shared>> -> memref<640xf32, #tpu.memory_space<vmem_shared>>
      tpu.enqueue_dma source(%dma_start3A_138 : memref<640xf32, #tpu.memory_space<vmem_shared>>) target(%arg25 : memref<640xf32, #tpu.memory_space<vmem>>) target_semaphore(%run_scoped3A : memref<!tpu.dma_semaphore, #tpu.memory_space<semaphore_mem>>)
      %dma_wait3A_139 = tpu.memref_slice %arg27[%mul3A_131] : memref<10240xf32, #tpu.memory_space<vmem_shared>> -> memref<640xf32, #tpu.memory_space<vmem_shared>>
      %dma_wait3A_140 = tpu.memref_slice %arg27[%mul3A_131] : memref<10240xf32, #tpu.memory_space<vmem_shared>> -> memref<640xf32, #tpu.memory_space<vmem_shared>>
      tpu.wait_dma2 semaphore(%run_scoped3A : memref<!tpu.dma_semaphore, #tpu.memory_space<semaphore_mem>>) src(%dma_wait3A_140 : memref<640xf32, #tpu.memory_space<vmem_shared>>) dst(%arg25 : memref<640xf32, #tpu.memory_space<vmem>>)
      tpu.yield
    }) : () -> ()
    %mul3A_132 = arith.constant 10240 : i32
    %mul3A_133 = arith.muli %arg0, %mul3A_132 : i32
    %mul3A_134 = arith.constant 640 : i32
    %mul3A_135 = arith.muli %arg1, %mul3A_134 : i32
    %add3A_136 = arith.addi %mul3A_133, %mul3A_135 : i32
    "tpu.region"() ({
      %run_scoped3A = tpu.sem_alloc : memref<!tpu.dma_semaphore, #tpu.memory_space<semaphore_mem>>
      %dma_start3A_137 = tpu.memref_slice %arg7[%add3A_136] : memref<20480xf32, #tpu.memory_space<hbm>> -> memref<640xf32, #tpu.memory_space<hbm>>
      %dma_start3A_138 = tpu.memref_slice %arg7[%add3A_136] : memref<20480xf32, #tpu.memory_space<hbm>> -> memref<640xf32, #tpu.memory_space<hbm>>
      tpu.enqueue_dma source(%arg25 : memref<640xf32, #tpu.memory_space<vmem>>) target(%dma_start3A_138 : memref<640xf32, #tpu.memory_space<hbm>>) target_semaphore(%run_scoped3A : memref<!tpu.dma_semaphore, #tpu.memory_space<semaphore_mem>>)
      %dma_wait3A_139 = tpu.memref_slice %arg7[%add3A_136] : memref<20480xf32, #tpu.memory_space<hbm>> -> memref<640xf32, #tpu.memory_space<hbm>>
      %dma_wait3A_140 = tpu.memref_slice %arg7[%add3A_136] : memref<20480xf32, #tpu.memory_space<hbm>> -> memref<640xf32, #tpu.memory_space<hbm>>
      tpu.wait_dma2 semaphore(%run_scoped3A : memref<!tpu.dma_semaphore, #tpu.memory_space<semaphore_mem>>) src(%arg25 : memref<640xf32, #tpu.memory_space<vmem>>) dst(%dma_wait3A_140 : memref<640xf32, #tpu.memory_space<hbm>>)
      tpu.yield
    }) : () -> ()
    return
  }
}

#map = affine_map<(d0, d1) -> (0)>
#map1 = affine_map<(d0, d1) -> (0, 0)>
#map2 = affine_map<(d0, d1) -> (0, 0, 0)>
module attributes {stable_mosaic.version = 14 : i64} {
  func.func @body(%arg0: i32, %arg1: i32, %arg2: memref<322560xi32, #tpu.memory_space<hbm>>, %arg3: memref<322560xi32, #tpu.memory_space<hbm>>, %arg4: memref<322560xi32, #tpu.memory_space<hbm>>, %arg5: memref<160000x128xf32, #tpu.memory_space<hbm>>, %arg6: memref<2x10000x128xf32, #tpu.memory_space<hbm>>, %arg7: memref<80xi32, #tpu.memory_space<vmem>>, %arg8: memref<80xi32, #tpu.memory_space<vmem>>, %arg9: memref<80xi32, #tpu.memory_space<vmem>>, %arg10: memref<80xi32, #tpu.memory_space<vmem>>, %arg11: memref<80xi32, #tpu.memory_space<vmem>>, %arg12: memref<80xi32, #tpu.memory_space<vmem>>, %arg13: memref<80xi32, #tpu.memory_space<vmem>>, %arg14: memref<80xi32, #tpu.memory_space<vmem>>, %arg15: memref<80xi32, #tpu.memory_space<vmem>>, %arg16: memref<80xi32, #tpu.memory_space<vmem>>, %arg17: memref<80xi32, #tpu.memory_space<vmem>>, %arg18: memref<80xi32, #tpu.memory_space<vmem>>, %arg19: memref<80x128xf32, #tpu.memory_space<vmem>>, %arg20: memref<80x128xf32, #tpu.memory_space<vmem>>, %arg21: memref<80x128xf32, #tpu.memory_space<vmem>>, %arg22: memref<80x128xf32, #tpu.memory_space<vmem>>, %arg23: memref<80xf32, #tpu.memory_space<vmem>>, %arg24: memref<640xf32, #tpu.memory_space<vmem>>, %arg25: memref<10240x128xf32, #tpu.memory_space<vmem_shared>>, %arg26: memref<10240xf32, #tpu.memory_space<vmem_shared>>, %arg27: memref<!tpu.dma_semaphore, #tpu.memory_space<semaphore_mem>>, %arg28: memref<!tpu.dma_semaphore, #tpu.memory_space<semaphore_mem>>, %arg29: memref<!tpu.dma_semaphore, #tpu.memory_space<semaphore_mem>>, %arg30: memref<!tpu.dma_semaphore, #tpu.memory_space<semaphore_mem>>, %arg31: memref<!tpu.dma_semaphore, #tpu.memory_space<semaphore_mem>>, %arg32: memref<!tpu.dma_semaphore, #tpu.memory_space<semaphore_mem>>, %arg33: memref<!tpu.dma_semaphore, #tpu.memory_space<semaphore_mem>>, %arg34: memref<!tpu.dma_semaphore, #tpu.memory_space<semaphore_mem>>, %arg35: memref<!tpu.dma_semaphore, #tpu.memory_space<semaphore_mem>>, %arg36: memref<!tpu.dma_semaphore, #tpu.memory_space<semaphore_mem>>, %arg37: memref<!tpu.dma_semaphore, #tpu.memory_space<semaphore_mem>>, %arg38: memref<!tpu.dma_semaphore, #tpu.memory_space<semaphore_mem>>, %arg39: memref<!tpu.dma_semaphore, #tpu.memory_space<semaphore_mem>>, %arg40: memref<!tpu.dma_semaphore, #tpu.memory_space<semaphore_mem>>, %arg41: memref<!tpu.dma_semaphore, #tpu.memory_space<semaphore_mem>>, %arg42: memref<!tpu.dma_semaphore, #tpu.memory_space<semaphore_mem>>) attributes {dimension_semantics = [#tpu.dimension_semantics<core_parallel>, #tpu.dimension_semantics<subcore_parallel>], iteration_bounds = array<i64: 2, 16>, scalar_prefetch = 0 : i64, scratch_operands = 36 : i64, tpu.core_type = #tpu.core_type<sc_vector_subcore>, window_params = [{transform_indices = #map}, {transform_indices = #map}, {transform_indices = #map}, {transform_indices = #map1}, {transform_indices = #map2}]} {
    %mul3A = arith.constant 16 : i32
    %mul3A_0 = arith.muli %arg0, %mul3A : i32
    %add3A = arith.addi %mul3A_0, %arg1 : i32
    %broadcast_in_dim3A = arith.constant 0.000000e+00 : f32
    %broadcast_in_dim3A_1 = vector.broadcast %broadcast_in_dim3A : f32 to vector<16xf32>
    %broadcast_in_dim3A_2 = arith.constant 1.000000e+00 : f32
    %broadcast_in_dim3A_3 = vector.broadcast %broadcast_in_dim3A_2 : f32 to vector<16xf32>
    %scan3A = arith.constant 0 : i32
    %scan3A_4 = arith.constant 0 : i32
    %scan3A_5 = arith.constant 80 : i32
    %scan3A_6 = arith.addi %scan3A_4, %scan3A_5 : i32
    %scan3A_7 = arith.constant 1 : i32
    scf.for %scan3A_124 = %scan3A_4 to %scan3A_6 step %scan3A_7  : i32 {
      %swap3A = arith.index_cast %scan3A_124 : i32 to index
      %swap3A_125 = arith.constant 0 : index
      %swap3A_126 = tpu.vector_load %arg19[%swap3A, %swap3A_125] {strides = array<i32>} : memref<80x128xf32, #tpu.memory_space<vmem>>, vector<16xf32>,
      tpu.vector_store %arg19[%swap3A, %swap3A_125], %broadcast_in_dim3A_1 {strides = array<i32>} : memref<80x128xf32, #tpu.memory_space<vmem>>, vector<16xf32>,
      %swap3A_127 = arith.index_cast %scan3A_124 : i32 to index
      %swap3A_128 = arith.constant 16 : index
      %swap3A_129 = tpu.vector_load %arg19[%swap3A_127, %swap3A_128] {strides = array<i32>} : memref<80x128xf32, #tpu.memory_space<vmem>>, vector<16xf32>,
      tpu.vector_store %arg19[%swap3A_127, %swap3A_128], %broadcast_in_dim3A_1 {strides = array<i32>} : memref<80x128xf32, #tpu.memory_space<vmem>>, vector<16xf32>,
      %swap3A_130 = arith.index_cast %scan3A_124 : i32 to index
      %swap3A_131 = arith.constant 32 : index
      %swap3A_132 = tpu.vector_load %arg19[%swap3A_130, %swap3A_131] {strides = array<i32>} : memref<80x128xf32, #tpu.memory_space<vmem>>, vector<16xf32>,
      tpu.vector_store %arg19[%swap3A_130, %swap3A_131], %broadcast_in_dim3A_1 {strides = array<i32>} : memref<80x128xf32, #tpu.memory_space<vmem>>, vector<16xf32>,
      %swap3A_133 = arith.index_cast %scan3A_124 : i32 to index
      %swap3A_134 = arith.constant 48 : index
      %swap3A_135 = tpu.vector_load %arg19[%swap3A_133, %swap3A_134] {strides = array<i32>} : memref<80x128xf32, #tpu.memory_space<vmem>>, vector<16xf32>,
      tpu.vector_store %arg19[%swap3A_133, %swap3A_134], %broadcast_in_dim3A_1 {strides = array<i32>} : memref<80x128xf32, #tpu.memory_space<vmem>>, vector<16xf32>,
      %swap3A_136 = arith.index_cast %scan3A_124 : i32 to index
      %swap3A_137 = arith.constant 64 : index
      %swap3A_138 = tpu.vector_load %arg19[%swap3A_136, %swap3A_137] {strides = array<i32>} : memref<80x128xf32, #tpu.memory_space<vmem>>, vector<16xf32>,
      tpu.vector_store %arg19[%swap3A_136, %swap3A_137], %broadcast_in_dim3A_1 {strides = array<i32>} : memref<80x128xf32, #tpu.memory_space<vmem>>, vector<16xf32>,
      %swap3A_139 = arith.index_cast %scan3A_124 : i32 to index
      %swap3A_140 = arith.constant 80 : index
      %swap3A_141 = tpu.vector_load %arg19[%swap3A_139, %swap3A_140] {strides = array<i32>} : memref<80x128xf32, #tpu.memory_space<vmem>>, vector<16xf32>,
      tpu.vector_store %arg19[%swap3A_139, %swap3A_140], %broadcast_in_dim3A_1 {strides = array<i32>} : memref<80x128xf32, #tpu.memory_space<vmem>>, vector<16xf32>,
      %swap3A_142 = arith.index_cast %scan3A_124 : i32 to index
      %swap3A_143 = arith.constant 96 : index
      %swap3A_144 = tpu.vector_load %arg19[%swap3A_142, %swap3A_143] {strides = array<i32>} : memref<80x128xf32, #tpu.memory_space<vmem>>, vector<16xf32>,
      tpu.vector_store %arg19[%swap3A_142, %swap3A_143], %broadcast_in_dim3A_1 {strides = array<i32>} : memref<80x128xf32, #tpu.memory_space<vmem>>, vector<16xf32>,
      %swap3A_145 = arith.index_cast %scan3A_124 : i32 to index
      %swap3A_146 = arith.constant 112 : index
      %swap3A_147 = tpu.vector_load %arg19[%swap3A_145, %swap3A_146] {strides = array<i32>} : memref<80x128xf32, #tpu.memory_space<vmem>>, vector<16xf32>,
      tpu.vector_store %arg19[%swap3A_145, %swap3A_146], %broadcast_in_dim3A_1 {strides = array<i32>} : memref<80x128xf32, #tpu.memory_space<vmem>>, vector<16xf32>,
    }
    %scan3A_8 = arith.constant 80 : i32
    %scan3A_9 = arith.constant 0 : i32
    %scan3A_10 = arith.constant 0 : i32
    %scan3A_11 = arith.constant 40 : i32
    %scan3A_12 = arith.addi %scan3A_10, %scan3A_11 : i32
    %scan3A_13 = arith.constant 1 : i32
    scf.for %scan3A_124 = %scan3A_10 to %scan3A_12 step %scan3A_13  : i32 {
      %mul3A_125 = arith.constant 16 : i32
      %mul3A_126 = arith.muli %scan3A_124, %mul3A_125 : i32
      %swap3A = arith.index_cast %mul3A_126 : i32 to index
      %swap3A_127 = tpu.vector_load %arg24[%swap3A] {strides = array<i32>} : memref<640xf32, #tpu.memory_space<vmem>>, vector<16xf32>,
      tpu.vector_store %arg24[%swap3A], %broadcast_in_dim3A_1 {strides = array<i32>} : memref<640xf32, #tpu.memory_space<vmem>>, vector<16xf32>,
    }
    %scan3A_14 = arith.constant 40 : i32
    %scan3A_15 = arith.constant 0 : i32
    %scan3A_16 = arith.constant 0 : i32
    %scan3A_17 = arith.constant 5 : i32
    %scan3A_18 = arith.addi %scan3A_16, %scan3A_17 : i32
    %scan3A_19 = arith.constant 1 : i32
    scf.for %scan3A_124 = %scan3A_16 to %scan3A_18 step %scan3A_19  : i32 {
      %mul3A_125 = arith.constant 16 : i32
      %mul3A_126 = arith.muli %scan3A_124, %mul3A_125 : i32
      %swap3A = arith.index_cast %mul3A_126 : i32 to index
      %swap3A_127 = tpu.vector_load %arg23[%swap3A] {strides = array<i32>} : memref<80xf32, #tpu.memory_space<vmem>>, vector<16xf32>,
      tpu.vector_store %arg23[%swap3A], %broadcast_in_dim3A_3 {strides = array<i32>} : memref<80xf32, #tpu.memory_space<vmem>>, vector<16xf32>,
    }
    %scan3A_20 = arith.constant 5 : i32
    %mul3A_21 = arith.constant 640 : i32
    %mul3A_22 = arith.muli %arg1, %mul3A_21 : i32
    %add3A_23 = arith.constant 0 : i32
    %add3A_24 = arith.addi %mul3A_22, %add3A_23 : i32
    "tpu.region"() ({
      %run_scoped3A = tpu.sem_alloc : memref<!tpu.dma_semaphore, #tpu.memory_space<semaphore_mem>>
      %dma_start3A_124 = arith.constant 0 : i32
      %dma_start3A_125 = tpu.memref_slice %arg25[%add3A_24, %dma_start3A_124] : memref<10240x128xf32, #tpu.memory_space<vmem_shared>> -> memref<80x128xf32, #tpu.memory_space<vmem_shared>>
      %dma_start3A_126 = arith.constant 0 : i32
      %dma_start3A_127 = tpu.memref_slice %arg25[%add3A_24, %dma_start3A_126] : memref<10240x128xf32, #tpu.memory_space<vmem_shared>> -> memref<80x128xf32, #tpu.memory_space<vmem_shared>>
      tpu.enqueue_dma source(%arg19 : memref<80x128xf32, #tpu.memory_space<vmem>>) target(%dma_start3A_127 : memref<80x128xf32, #tpu.memory_space<vmem_shared>>) target_semaphore(%run_scoped3A : memref<!tpu.dma_semaphore, #tpu.memory_space<semaphore_mem>>)
      %dma_wait3A_128 = arith.constant 0 : i32
      %dma_wait3A_129 = tpu.memref_slice %arg25[%add3A_24, %dma_wait3A_128] : memref<10240x128xf32, #tpu.memory_space<vmem_shared>> -> memref<80x128xf32, #tpu.memory_space<vmem_shared>>
      %dma_wait3A_130 = arith.constant 0 : i32
      %dma_wait3A_131 = tpu.memref_slice %arg25[%add3A_24, %dma_wait3A_130] : memref<10240x128xf32, #tpu.memory_space<vmem_shared>> -> memref<80x128xf32, #tpu.memory_space<vmem_shared>>
      tpu.wait_dma2 semaphore(%run_scoped3A : memref<!tpu.dma_semaphore, #tpu.memory_space<semaphore_mem>>) src(%arg19 : memref<80x128xf32, #tpu.memory_space<vmem>>) dst(%dma_wait3A_131 : memref<80x128xf32, #tpu.memory_space<vmem_shared>>)
      tpu.yield
    }) : () -> ()
    %add3A_25 = arith.constant 80 : i32
    %add3A_26 = arith.addi %mul3A_22, %add3A_25 : i32
    "tpu.region"() ({
      %run_scoped3A = tpu.sem_alloc : memref<!tpu.dma_semaphore, #tpu.memory_space<semaphore_mem>>
      %dma_start3A_124 = arith.constant 0 : i32
      %dma_start3A_125 = tpu.memref_slice %arg25[%add3A_26, %dma_start3A_124] : memref<10240x128xf32, #tpu.memory_space<vmem_shared>> -> memref<80x128xf32, #tpu.memory_space<vmem_shared>>
      %dma_start3A_126 = arith.constant 0 : i32
      %dma_start3A_127 = tpu.memref_slice %arg25[%add3A_26, %dma_start3A_126] : memref<10240x128xf32, #tpu.memory_space<vmem_shared>> -> memref<80x128xf32, #tpu.memory_space<vmem_shared>>
      tpu.enqueue_dma source(%arg19 : memref<80x128xf32, #tpu.memory_space<vmem>>) target(%dma_start3A_127 : memref<80x128xf32, #tpu.memory_space<vmem_shared>>) target_semaphore(%run_scoped3A : memref<!tpu.dma_semaphore, #tpu.memory_space<semaphore_mem>>)
      %dma_wait3A_128 = arith.constant 0 : i32
      %dma_wait3A_129 = tpu.memref_slice %arg25[%add3A_26, %dma_wait3A_128] : memref<10240x128xf32, #tpu.memory_space<vmem_shared>> -> memref<80x128xf32, #tpu.memory_space<vmem_shared>>
      %dma_wait3A_130 = arith.constant 0 : i32
      %dma_wait3A_131 = tpu.memref_slice %arg25[%add3A_26, %dma_wait3A_130] : memref<10240x128xf32, #tpu.memory_space<vmem_shared>> -> memref<80x128xf32, #tpu.memory_space<vmem_shared>>
      tpu.wait_dma2 semaphore(%run_scoped3A : memref<!tpu.dma_semaphore, #tpu.memory_space<semaphore_mem>>) src(%arg19 : memref<80x128xf32, #tpu.memory_space<vmem>>) dst(%dma_wait3A_131 : memref<80x128xf32, #tpu.memory_space<vmem_shared>>)
      tpu.yield
    }) : () -> ()
    %add3A_27 = arith.constant 160 : i32
    %add3A_28 = arith.addi %mul3A_22, %add3A_27 : i32
    "tpu.region"() ({
      %run_scoped3A = tpu.sem_alloc : memref<!tpu.dma_semaphore, #tpu.memory_space<semaphore_mem>>
      %dma_start3A_124 = arith.constant 0 : i32
      %dma_start3A_125 = tpu.memref_slice %arg25[%add3A_28, %dma_start3A_124] : memref<10240x128xf32, #tpu.memory_space<vmem_shared>> -> memref<80x128xf32, #tpu.memory_space<vmem_shared>>
      %dma_start3A_126 = arith.constant 0 : i32
      %dma_start3A_127 = tpu.memref_slice %arg25[%add3A_28, %dma_start3A_126] : memref<10240x128xf32, #tpu.memory_space<vmem_shared>> -> memref<80x128xf32, #tpu.memory_space<vmem_shared>>
      tpu.enqueue_dma source(%arg19 : memref<80x128xf32, #tpu.memory_space<vmem>>) target(%dma_start3A_127 : memref<80x128xf32, #tpu.memory_space<vmem_shared>>) target_semaphore(%run_scoped3A : memref<!tpu.dma_semaphore, #tpu.memory_space<semaphore_mem>>)
      %dma_wait3A_128 = arith.constant 0 : i32
      %dma_wait3A_129 = tpu.memref_slice %arg25[%add3A_28, %dma_wait3A_128] : memref<10240x128xf32, #tpu.memory_space<vmem_shared>> -> memref<80x128xf32, #tpu.memory_space<vmem_shared>>
      %dma_wait3A_130 = arith.constant 0 : i32
      %dma_wait3A_131 = tpu.memref_slice %arg25[%add3A_28, %dma_wait3A_130] : memref<10240x128xf32, #tpu.memory_space<vmem_shared>> -> memref<80x128xf32, #tpu.memory_space<vmem_shared>>
      tpu.wait_dma2 semaphore(%run_scoped3A : memref<!tpu.dma_semaphore, #tpu.memory_space<semaphore_mem>>) src(%arg19 : memref<80x128xf32, #tpu.memory_space<vmem>>) dst(%dma_wait3A_131 : memref<80x128xf32, #tpu.memory_space<vmem_shared>>)
      tpu.yield
    }) : () -> ()
    %add3A_29 = arith.constant 240 : i32
    %add3A_30 = arith.addi %mul3A_22, %add3A_29 : i32
    "tpu.region"() ({
      %run_scoped3A = tpu.sem_alloc : memref<!tpu.dma_semaphore, #tpu.memory_space<semaphore_mem>>
      %dma_start3A_124 = arith.constant 0 : i32
      %dma_start3A_125 = tpu.memref_slice %arg25[%add3A_30, %dma_start3A_124] : memref<10240x128xf32, #tpu.memory_space<vmem_shared>> -> memref<80x128xf32, #tpu.memory_space<vmem_shared>>
      %dma_start3A_126 = arith.constant 0 : i32
      %dma_start3A_127 = tpu.memref_slice %arg25[%add3A_30, %dma_start3A_126] : memref<10240x128xf32, #tpu.memory_space<vmem_shared>> -> memref<80x128xf32, #tpu.memory_space<vmem_shared>>
      tpu.enqueue_dma source(%arg19 : memref<80x128xf32, #tpu.memory_space<vmem>>) target(%dma_start3A_127 : memref<80x128xf32, #tpu.memory_space<vmem_shared>>) target_semaphore(%run_scoped3A : memref<!tpu.dma_semaphore, #tpu.memory_space<semaphore_mem>>)
      %dma_wait3A_128 = arith.constant 0 : i32
      %dma_wait3A_129 = tpu.memref_slice %arg25[%add3A_30, %dma_wait3A_128] : memref<10240x128xf32, #tpu.memory_space<vmem_shared>> -> memref<80x128xf32, #tpu.memory_space<vmem_shared>>
      %dma_wait3A_130 = arith.constant 0 : i32
      %dma_wait3A_131 = tpu.memref_slice %arg25[%add3A_30, %dma_wait3A_130] : memref<10240x128xf32, #tpu.memory_space<vmem_shared>> -> memref<80x128xf32, #tpu.memory_space<vmem_shared>>
      tpu.wait_dma2 semaphore(%run_scoped3A : memref<!tpu.dma_semaphore, #tpu.memory_space<semaphore_mem>>) src(%arg19 : memref<80x128xf32, #tpu.memory_space<vmem>>) dst(%dma_wait3A_131 : memref<80x128xf32, #tpu.memory_space<vmem_shared>>)
      tpu.yield
    }) : () -> ()
    %add3A_31 = arith.constant 320 : i32
    %add3A_32 = arith.addi %mul3A_22, %add3A_31 : i32
    "tpu.region"() ({
      %run_scoped3A = tpu.sem_alloc : memref<!tpu.dma_semaphore, #tpu.memory_space<semaphore_mem>>
      %dma_start3A_124 = arith.constant 0 : i32
      %dma_start3A_125 = tpu.memref_slice %arg25[%add3A_32, %dma_start3A_124] : memref<10240x128xf32, #tpu.memory_space<vmem_shared>> -> memref<80x128xf32, #tpu.memory_space<vmem_shared>>
      %dma_start3A_126 = arith.constant 0 : i32
      %dma_start3A_127 = tpu.memref_slice %arg25[%add3A_32, %dma_start3A_126] : memref<10240x128xf32, #tpu.memory_space<vmem_shared>> -> memref<80x128xf32, #tpu.memory_space<vmem_shared>>
      tpu.enqueue_dma source(%arg19 : memref<80x128xf32, #tpu.memory_space<vmem>>) target(%dma_start3A_127 : memref<80x128xf32, #tpu.memory_space<vmem_shared>>) target_semaphore(%run_scoped3A : memref<!tpu.dma_semaphore, #tpu.memory_space<semaphore_mem>>)
      %dma_wait3A_128 = arith.constant 0 : i32
      %dma_wait3A_129 = tpu.memref_slice %arg25[%add3A_32, %dma_wait3A_128] : memref<10240x128xf32, #tpu.memory_space<vmem_shared>> -> memref<80x128xf32, #tpu.memory_space<vmem_shared>>
      %dma_wait3A_130 = arith.constant 0 : i32
      %dma_wait3A_131 = tpu.memref_slice %arg25[%add3A_32, %dma_wait3A_130] : memref<10240x128xf32, #tpu.memory_space<vmem_shared>> -> memref<80x128xf32, #tpu.memory_space<vmem_shared>>
      tpu.wait_dma2 semaphore(%run_scoped3A : memref<!tpu.dma_semaphore, #tpu.memory_space<semaphore_mem>>) src(%arg19 : memref<80x128xf32, #tpu.memory_space<vmem>>) dst(%dma_wait3A_131 : memref<80x128xf32, #tpu.memory_space<vmem_shared>>)
      tpu.yield
    }) : () -> ()
    %add3A_33 = arith.constant 400 : i32
    %add3A_34 = arith.addi %mul3A_22, %add3A_33 : i32
    "tpu.region"() ({
      %run_scoped3A = tpu.sem_alloc : memref<!tpu.dma_semaphore, #tpu.memory_space<semaphore_mem>>
      %dma_start3A_124 = arith.constant 0 : i32
      %dma_start3A_125 = tpu.memref_slice %arg25[%add3A_34, %dma_start3A_124] : memref<10240x128xf32, #tpu.memory_space<vmem_shared>> -> memref<80x128xf32, #tpu.memory_space<vmem_shared>>
      %dma_start3A_126 = arith.constant 0 : i32
      %dma_start3A_127 = tpu.memref_slice %arg25[%add3A_34, %dma_start3A_126] : memref<10240x128xf32, #tpu.memory_space<vmem_shared>> -> memref<80x128xf32, #tpu.memory_space<vmem_shared>>
      tpu.enqueue_dma source(%arg19 : memref<80x128xf32, #tpu.memory_space<vmem>>) target(%dma_start3A_127 : memref<80x128xf32, #tpu.memory_space<vmem_shared>>) target_semaphore(%run_scoped3A : memref<!tpu.dma_semaphore, #tpu.memory_space<semaphore_mem>>)
      %dma_wait3A_128 = arith.constant 0 : i32
      %dma_wait3A_129 = tpu.memref_slice %arg25[%add3A_34, %dma_wait3A_128] : memref<10240x128xf32, #tpu.memory_space<vmem_shared>> -> memref<80x128xf32, #tpu.memory_space<vmem_shared>>
      %dma_wait3A_130 = arith.constant 0 : i32
      %dma_wait3A_131 = tpu.memref_slice %arg25[%add3A_34, %dma_wait3A_130] : memref<10240x128xf32, #tpu.memory_space<vmem_shared>> -> memref<80x128xf32, #tpu.memory_space<vmem_shared>>
      tpu.wait_dma2 semaphore(%run_scoped3A : memref<!tpu.dma_semaphore, #tpu.memory_space<semaphore_mem>>) src(%arg19 : memref<80x128xf32, #tpu.memory_space<vmem>>) dst(%dma_wait3A_131 : memref<80x128xf32, #tpu.memory_space<vmem_shared>>)
      tpu.yield
    }) : () -> ()
    %add3A_35 = arith.constant 480 : i32
    %add3A_36 = arith.addi %mul3A_22, %add3A_35 : i32
    "tpu.region"() ({
      %run_scoped3A = tpu.sem_alloc : memref<!tpu.dma_semaphore, #tpu.memory_space<semaphore_mem>>
      %dma_start3A_124 = arith.constant 0 : i32
      %dma_start3A_125 = tpu.memref_slice %arg25[%add3A_36, %dma_start3A_124] : memref<10240x128xf32, #tpu.memory_space<vmem_shared>> -> memref<80x128xf32, #tpu.memory_space<vmem_shared>>
      %dma_start3A_126 = arith.constant 0 : i32
      %dma_start3A_127 = tpu.memref_slice %arg25[%add3A_36, %dma_start3A_126] : memref<10240x128xf32, #tpu.memory_space<vmem_shared>> -> memref<80x128xf32, #tpu.memory_space<vmem_shared>>
      tpu.enqueue_dma source(%arg19 : memref<80x128xf32, #tpu.memory_space<vmem>>) target(%dma_start3A_127 : memref<80x128xf32, #tpu.memory_space<vmem_shared>>) target_semaphore(%run_scoped3A : memref<!tpu.dma_semaphore, #tpu.memory_space<semaphore_mem>>)
      %dma_wait3A_128 = arith.constant 0 : i32
      %dma_wait3A_129 = tpu.memref_slice %arg25[%add3A_36, %dma_wait3A_128] : memref<10240x128xf32, #tpu.memory_space<vmem_shared>> -> memref<80x128xf32, #tpu.memory_space<vmem_shared>>
      %dma_wait3A_130 = arith.constant 0 : i32
      %dma_wait3A_131 = tpu.memref_slice %arg25[%add3A_36, %dma_wait3A_130] : memref<10240x128xf32, #tpu.memory_space<vmem_shared>> -> memref<80x128xf32, #tpu.memory_space<vmem_shared>>
      tpu.wait_dma2 semaphore(%run_scoped3A : memref<!tpu.dma_semaphore, #tpu.memory_space<semaphore_mem>>) src(%arg19 : memref<80x128xf32, #tpu.memory_space<vmem>>) dst(%dma_wait3A_131 : memref<80x128xf32, #tpu.memory_space<vmem_shared>>)
      tpu.yield
    }) : () -> ()
    %add3A_37 = arith.constant 560 : i32
    %add3A_38 = arith.addi %mul3A_22, %add3A_37 : i32
    "tpu.region"() ({
      %run_scoped3A = tpu.sem_alloc : memref<!tpu.dma_semaphore, #tpu.memory_space<semaphore_mem>>
      %dma_start3A_124 = arith.constant 0 : i32
      %dma_start3A_125 = tpu.memref_slice %arg25[%add3A_38, %dma_start3A_124] : memref<10240x128xf32, #tpu.memory_space<vmem_shared>> -> memref<80x128xf32, #tpu.memory_space<vmem_shared>>
      %dma_start3A_126 = arith.constant 0 : i32
      %dma_start3A_127 = tpu.memref_slice %arg25[%add3A_38, %dma_start3A_126] : memref<10240x128xf32, #tpu.memory_space<vmem_shared>> -> memref<80x128xf32, #tpu.memory_space<vmem_shared>>
      tpu.enqueue_dma source(%arg19 : memref<80x128xf32, #tpu.memory_space<vmem>>) target(%dma_start3A_127 : memref<80x128xf32, #tpu.memory_space<vmem_shared>>) target_semaphore(%run_scoped3A : memref<!tpu.dma_semaphore, #tpu.memory_space<semaphore_mem>>)
      %dma_wait3A_128 = arith.constant 0 : i32
      %dma_wait3A_129 = tpu.memref_slice %arg25[%add3A_38, %dma_wait3A_128] : memref<10240x128xf32, #tpu.memory_space<vmem_shared>> -> memref<80x128xf32, #tpu.memory_space<vmem_shared>>
      %dma_wait3A_130 = arith.constant 0 : i32
      %dma_wait3A_131 = tpu.memref_slice %arg25[%add3A_38, %dma_wait3A_130] : memref<10240x128xf32, #tpu.memory_space<vmem_shared>> -> memref<80x128xf32, #tpu.memory_space<vmem_shared>>
      tpu.wait_dma2 semaphore(%run_scoped3A : memref<!tpu.dma_semaphore, #tpu.memory_space<semaphore_mem>>) src(%arg19 : memref<80x128xf32, #tpu.memory_space<vmem>>) dst(%dma_wait3A_131 : memref<80x128xf32, #tpu.memory_space<vmem_shared>>)
      tpu.yield
    }) : () -> ()
    %barrier3A = arith.constant 0 : index
    tpu.barrier barrier_id(%barrier3A)
    %eq3A = arith.constant 0 : i32
    %eq3A_39 = arith.cmpi eq, %arg0, %eq3A : i32
    %jit3A = arith.constant 204 : i32
    %jit3A_40 = arith.constant 48 : i32
    %select_n3A = arith.select %eq3A_39, %jit3A, %jit3A_40 : i32
    %eq3A_41 = arith.constant 0 : i32
    %eq3A_42 = arith.cmpi eq, %arg0, %eq3A_41 : i32
    %mul3A_43 = arith.constant 204 : i32
    %mul3A_44 = arith.muli %arg1, %mul3A_43 : i32
    %mul3A_45 = arith.constant 48 : i32
    %mul3A_46 = arith.muli %arg1, %mul3A_45 : i32
    %add3A_47 = arith.constant 3264 : i32
    %add3A_48 = arith.addi %add3A_47, %mul3A_46 : i32
    %select_n3A_49 = arith.select %eq3A_42, %mul3A_44, %add3A_48 : i32
    %mul3A_50 = arith.constant 80 : i32
    %mul3A_51 = arith.muli %select_n3A_49, %mul3A_50 : i32
    %add3A_52 = arith.constant 0 : i32
    %add3A_53 = arith.addi %mul3A_51, %add3A_52 : i32
    %dma_start3A = tpu.memref_slice %arg2[%add3A_53] : memref<322560xi32, #tpu.memory_space<hbm>> -> memref<80xi32, #tpu.memory_space<hbm>>
    %dma_start3A_54 = tpu.memref_slice %arg2[%add3A_53] : memref<322560xi32, #tpu.memory_space<hbm>> -> memref<80xi32, #tpu.memory_space<hbm>>
    tpu.enqueue_dma source(%dma_start3A_54 : memref<80xi32, #tpu.memory_space<hbm>>) target(%arg7 : memref<80xi32, #tpu.memory_space<vmem>>) target_semaphore(%arg39 : memref<!tpu.dma_semaphore, #tpu.memory_space<semaphore_mem>>)
    %dma_start3A_55 = tpu.memref_slice %arg3[%add3A_53] : memref<322560xi32, #tpu.memory_space<hbm>> -> memref<80xi32, #tpu.memory_space<hbm>>
    %dma_start3A_56 = tpu.memref_slice %arg3[%add3A_53] : memref<322560xi32, #tpu.memory_space<hbm>> -> memref<80xi32, #tpu.memory_space<hbm>>
    tpu.enqueue_dma source(%dma_start3A_56 : memref<80xi32, #tpu.memory_space<hbm>>) target(%arg11 : memref<80xi32, #tpu.memory_space<vmem>>) target_semaphore(%arg39 : memref<!tpu.dma_semaphore, #tpu.memory_space<semaphore_mem>>)
    %dma_start3A_57 = tpu.memref_slice %arg4[%add3A_53] : memref<322560xi32, #tpu.memory_space<hbm>> -> memref<80xi32, #tpu.memory_space<hbm>>
    %dma_start3A_58 = tpu.memref_slice %arg4[%add3A_53] : memref<322560xi32, #tpu.memory_space<hbm>> -> memref<80xi32, #tpu.memory_space<hbm>>
    tpu.enqueue_dma source(%dma_start3A_58 : memref<80xi32, #tpu.memory_space<hbm>>) target(%arg15 : memref<80xi32, #tpu.memory_space<vmem>>) target_semaphore(%arg39 : memref<!tpu.dma_semaphore, #tpu.memory_space<semaphore_mem>>)
    %add3A_59 = arith.constant 0 : i32
    %add3A_60 = arith.addi %mul3A_51, %add3A_59 : i32
    %dma_wait3A = tpu.memref_slice %arg2[%add3A_60] : memref<322560xi32, #tpu.memory_space<hbm>> -> memref<80xi32, #tpu.memory_space<hbm>>
    %dma_wait3A_61 = tpu.memref_slice %arg2[%add3A_60] : memref<322560xi32, #tpu.memory_space<hbm>> -> memref<80xi32, #tpu.memory_space<hbm>>
    tpu.wait_dma2 semaphore(%arg39 : memref<!tpu.dma_semaphore, #tpu.memory_space<semaphore_mem>>) src(%dma_wait3A_61 : memref<80xi32, #tpu.memory_space<hbm>>) dst(%arg7 : memref<80xi32, #tpu.memory_space<vmem>>)
    %dma_wait3A_62 = tpu.memref_slice %arg3[%add3A_60] : memref<322560xi32, #tpu.memory_space<hbm>> -> memref<80xi32, #tpu.memory_space<hbm>>
    %dma_wait3A_63 = tpu.memref_slice %arg3[%add3A_60] : memref<322560xi32, #tpu.memory_space<hbm>> -> memref<80xi32, #tpu.memory_space<hbm>>
    tpu.wait_dma2 semaphore(%arg39 : memref<!tpu.dma_semaphore, #tpu.memory_space<semaphore_mem>>) src(%dma_wait3A_63 : memref<80xi32, #tpu.memory_space<hbm>>) dst(%arg11 : memref<80xi32, #tpu.memory_space<vmem>>)
    %dma_wait3A_64 = tpu.memref_slice %arg4[%add3A_60] : memref<322560xi32, #tpu.memory_space<hbm>> -> memref<80xi32, #tpu.memory_space<hbm>>
    %dma_wait3A_65 = tpu.memref_slice %arg4[%add3A_60] : memref<322560xi32, #tpu.memory_space<hbm>> -> memref<80xi32, #tpu.memory_space<hbm>>
    tpu.wait_dma2 semaphore(%arg39 : memref<!tpu.dma_semaphore, #tpu.memory_space<semaphore_mem>>) src(%dma_wait3A_65 : memref<80xi32, #tpu.memory_space<hbm>>) dst(%arg15 : memref<80xi32, #tpu.memory_space<vmem>>)
    %scan3A_66 = arith.constant 0 : i32
    %scan3A_67 = arith.constant 0 : i32
    %scan3A_68 = arith.constant 5 : i32
    %scan3A_69 = arith.addi %scan3A_67, %scan3A_68 : i32
    %scan3A_70 = arith.constant 1 : i32
    scf.for %scan3A_124 = %scan3A_67 to %scan3A_69 step %scan3A_70  : i32 {
      %mul3A_125 = arith.constant 16 : i32
      %mul3A_126 = arith.muli %scan3A_124, %mul3A_125 : i32
      %get3A = arith.index_cast %mul3A_126 : i32 to index
      %get3A_127 = tpu.vector_load %arg7[%get3A] {strides = array<i32>} : memref<80xi32, #tpu.memory_space<vmem>>, vector<16xi32>,
      %mul3A_128 = arith.constant 16 : i32
      %mul3A_129 = arith.muli %scan3A_124, %mul3A_128 : i32
      %get3A_130 = arith.index_cast %mul3A_129 : i32 to index
      %get3A_131 = tpu.vector_load %arg15[%get3A_130] {strides = array<i32>} : memref<80xi32, #tpu.memory_space<vmem>>, vector<16xi32>,
      %mul3A_132 = arith.constant 16 : i32
      %mul3A_133 = vector.broadcast %mul3A_132 : i32 to vector<16xi32>
      %mul3A_134 = arith.muli %get3A_127, %mul3A_133 : vector<16xi32>
      %add3A_135 = arith.addi %mul3A_134, %get3A_131 : vector<16xi32>
      %mul3A_136 = arith.constant 16 : i32
      %mul3A_137 = arith.muli %scan3A_124, %mul3A_136 : i32
      %swap3A = arith.index_cast %mul3A_137 : i32 to index
      %swap3A_138 = tpu.vector_load %arg7[%swap3A] {strides = array<i32>} : memref<80xi32, #tpu.memory_space<vmem>>, vector<16xi32>,
      tpu.vector_store %arg7[%swap3A], %add3A_135 {strides = array<i32>} : memref<80xi32, #tpu.memory_space<vmem>>, vector<16xi32>,
    }
    %scan3A_71 = arith.constant 5 : i32
    %add3A_72 = arith.constant 80 : i32
    %add3A_73 = arith.addi %mul3A_51, %add3A_72 : i32
    %dma_start3A_74 = tpu.memref_slice %arg2[%add3A_73] : memref<322560xi32, #tpu.memory_space<hbm>> -> memref<80xi32, #tpu.memory_space<hbm>>
    %dma_start3A_75 = tpu.memref_slice %arg2[%add3A_73] : memref<322560xi32, #tpu.memory_space<hbm>> -> memref<80xi32, #tpu.memory_space<hbm>>
    tpu.enqueue_dma source(%dma_start3A_75 : memref<80xi32, #tpu.memory_space<hbm>>) target(%arg8 : memref<80xi32, #tpu.memory_space<vmem>>) target_semaphore(%arg40 : memref<!tpu.dma_semaphore, #tpu.memory_space<semaphore_mem>>)
    %dma_start3A_76 = tpu.memref_slice %arg3[%add3A_73] : memref<322560xi32, #tpu.memory_space<hbm>> -> memref<80xi32, #tpu.memory_space<hbm>>
    %dma_start3A_77 = tpu.memref_slice %arg3[%add3A_73] : memref<322560xi32, #tpu.memory_space<hbm>> -> memref<80xi32, #tpu.memory_space<hbm>>
    tpu.enqueue_dma source(%dma_start3A_77 : memref<80xi32, #tpu.memory_space<hbm>>) target(%arg12 : memref<80xi32, #tpu.memory_space<vmem>>) target_semaphore(%arg40 : memref<!tpu.dma_semaphore, #tpu.memory_space<semaphore_mem>>)
    %dma_start3A_78 = tpu.memref_slice %arg4[%add3A_73] : memref<322560xi32, #tpu.memory_space<hbm>> -> memref<80xi32, #tpu.memory_space<hbm>>
    %dma_start3A_79 = tpu.memref_slice %arg4[%add3A_73] : memref<322560xi32, #tpu.memory_space<hbm>> -> memref<80xi32, #tpu.memory_space<hbm>>
    tpu.enqueue_dma source(%dma_start3A_79 : memref<80xi32, #tpu.memory_space<hbm>>) target(%arg16 : memref<80xi32, #tpu.memory_space<vmem>>) target_semaphore(%arg40 : memref<!tpu.dma_semaphore, #tpu.memory_space<semaphore_mem>>)
    %dma_start3A_80 = arith.constant 0 : i32
    %dma_start3A_81 = arith.constant 0 : i32
    %dma_start3A_82 = tpu.memref_slice %arg5[%dma_start3A_80, %dma_start3A_81] : memref<160000x128xf32, #tpu.memory_space<hbm>> -> memref<160000x128xf32, #tpu.memory_space<hbm>>
    tpu.enqueue_indirect_dma source(%dma_start3A_82 : memref<160000x128xf32, #tpu.memory_space<hbm>>) target(%arg19 : memref<80x128xf32, #tpu.memory_space<vmem>>) offsets(%arg7 : memref<80xi32, #tpu.memory_space<vmem>>) semaphore(%arg27 : memref<!tpu.dma_semaphore, #tpu.memory_space<semaphore_mem>>)
    %jit3A_83 = arith.constant 4 : i32
    %div3A = arith.divsi %select_n3A, %jit3A_83 : i32
    %sign3A = arith.constant 0 : i32
    %sign3A_84 = arith.cmpi sgt, %select_n3A, %sign3A : i32
    %sign3A_85 = arith.extui %sign3A_84 : i1 to i32
    %sign3A_86 = arith.constant 0 : i32
    %sign3A_87 = arith.cmpi slt, %select_n3A, %sign3A_86 : i32
    %sign3A_88 = arith.extui %sign3A_87 : i1 to i32
    %sign3A_89 = arith.subi %sign3A_85, %sign3A_88 : i32
    %sign3A_90 = arith.constant 0 : i32
    %sign3A_91 = arith.cmpi sgt, %jit3A_83, %sign3A_90 : i32
    %sign3A_92 = arith.extui %sign3A_91 : i1 to i32
    %sign3A_93 = arith.constant 0 : i32
    %sign3A_94 = arith.cmpi slt, %jit3A_83, %sign3A_93 : i32
    %sign3A_95 = arith.extui %sign3A_94 : i1 to i32
    %sign3A_96 = arith.subi %sign3A_92, %sign3A_95 : i32
    %ne3A = arith.cmpi ne, %sign3A_89, %sign3A_96 : i32
    %rem3A = arith.remsi %select_n3A, %jit3A_83 : i32
    %ne3A_97 = arith.constant 0 : i32
    %ne3A_98 = arith.cmpi ne, %rem3A, %ne3A_97 : i32
    %and3A = arith.andi %ne3A, %ne3A_98 : i1
    %sub3A = arith.constant 1 : i32
    %sub3A_99 = arith.subi %div3A, %sub3A : i32
    %select_n3A_100 = arith.select %and3A, %sub3A_99, %div3A : i32
    %while3A = arith.constant 0 : i32
    %while3A_101 = arith.constant 0 : i32
    %while3A_102 = arith.subi %select_n3A_100, %while3A_101 : i32
    %while3A_103 = arith.addi %while3A_101, %while3A_102 : i32
    %while3A_104 = arith.constant 1 : i32
    %while3A_105 = arith.divsi %while3A_102, %while3A_104 : i32
    %while3A_106 = arith.muli %while3A_105, %while3A_104 : i32
    %while3A_107 = arith.addi %while3A_101, %while3A_106 : i32
    %while3A_108 = arith.constant 1 : i32
    scf.for %while3A_124 = %while3A_101 to %while3A_107 step %while3A_108  : i32 {
      %mul3A_125 = arith.constant 4 : i32
      %mul3A_126 = arith.muli %while3A_124, %mul3A_125 : i32
      %add3A_127 = arith.constant 0 : i32
      %add3A_128 = arith.addi %mul3A_126, %add3A_127 : i32
      %ge3A = arith.constant 2 : i32
      %ge3A_129 = arith.cmpi sge, %add3A_128, %ge3A : i32
      %convert_element_type3A_130 = arith.extui %ge3A_129 : i1 to i32
      %cond3A_131 = arith.constant 0 : i32
      %cond3A_132 = arith.cmpi ne, %convert_element_type3A_130, %cond3A_131 : i32
      scf.if %cond3A_132 {
        %dma_wait3A_232 = arith.constant 0 : i32
        %dma_wait3A_233 = arith.constant 0 : i32
        %dma_wait3A_234 = tpu.memref_slice %arg25[%dma_wait3A_232, %dma_wait3A_233] : memref<10240x128xf32, #tpu.memory_space<vmem_shared>> -> memref<10240x128xf32, #tpu.memory_space<vmem_shared>>
        tpu.wait_indirect_dma semaphore(%arg33 : memref<!tpu.dma_semaphore, #tpu.memory_space<semaphore_mem>>) src(%arg21 : memref<80x128xf32, #tpu.memory_space<vmem>>) dst(%dma_wait3A_234 : memref<10240x128xf32, #tpu.memory_space<vmem_shared>>)
      } else {
      }
      %add3A_133 = arith.constant 2 : i32
      %add3A_134 = arith.addi %add3A_128, %add3A_133 : i32
      %lt3A_135 = arith.cmpi slt, %add3A_134, %select_n3A : i32
      %convert_element_type3A_136 = arith.extui %lt3A_135 : i1 to i32
      %cond3A_137 = arith.constant 0 : i32
      %cond3A_138 = arith.cmpi ne, %convert_element_type3A_136, %cond3A_137 : i32
      scf.if %cond3A_138 {
        %add3A_232 = arith.constant 2 : i32
        %add3A_233 = arith.addi %add3A_128, %add3A_232 : i32
        %mul3A_234 = arith.constant 80 : i32
        %mul3A_235 = arith.muli %add3A_233, %mul3A_234 : i32
        %add3A_236 = arith.addi %mul3A_51, %mul3A_235 : i32
        %dma_start3A_237 = tpu.memref_slice %arg2[%add3A_236] : memref<322560xi32, #tpu.memory_space<hbm>> -> memref<80xi32, #tpu.memory_space<hbm>>
        %dma_start3A_238 = tpu.memref_slice %arg2[%add3A_236] : memref<322560xi32, #tpu.memory_space<hbm>> -> memref<80xi32, #tpu.memory_space<hbm>>
        tpu.enqueue_dma source(%dma_start3A_238 : memref<80xi32, #tpu.memory_space<hbm>>) target(%arg9 : memref<80xi32, #tpu.memory_space<vmem>>) target_semaphore(%arg41 : memref<!tpu.dma_semaphore, #tpu.memory_space<semaphore_mem>>)
        %dma_start3A_239 = tpu.memref_slice %arg3[%add3A_236] : memref<322560xi32, #tpu.memory_space<hbm>> -> memref<80xi32, #tpu.memory_space<hbm>>
        %dma_start3A_240 = tpu.memref_slice %arg3[%add3A_236] : memref<322560xi32, #tpu.memory_space<hbm>> -> memref<80xi32, #tpu.memory_space<hbm>>
        tpu.enqueue_dma source(%dma_start3A_240 : memref<80xi32, #tpu.memory_space<hbm>>) target(%arg13 : memref<80xi32, #tpu.memory_space<vmem>>) target_semaphore(%arg41 : memref<!tpu.dma_semaphore, #tpu.memory_space<semaphore_mem>>)
        %dma_start3A_241 = tpu.memref_slice %arg4[%add3A_236] : memref<322560xi32, #tpu.memory_space<hbm>> -> memref<80xi32, #tpu.memory_space<hbm>>
        %dma_start3A_242 = tpu.memref_slice %arg4[%add3A_236] : memref<322560xi32, #tpu.memory_space<hbm>> -> memref<80xi32, #tpu.memory_space<hbm>>
        tpu.enqueue_dma source(%dma_start3A_242 : memref<80xi32, #tpu.memory_space<hbm>>) target(%arg17 : memref<80xi32, #tpu.memory_space<vmem>>) target_semaphore(%arg41 : memref<!tpu.dma_semaphore, #tpu.memory_space<semaphore_mem>>)
      } else {
      }
      %add3A_139 = arith.constant 1 : i32
      %add3A_140 = arith.addi %add3A_128, %add3A_139 : i32
      %lt3A_141 = arith.cmpi slt, %add3A_140, %select_n3A : i32
      %convert_element_type3A_142 = arith.extui %lt3A_141 : i1 to i32
      %cond3A_143 = arith.constant 0 : i32
      %cond3A_144 = arith.cmpi ne, %convert_element_type3A_142, %cond3A_143 : i32
      scf.if %cond3A_144 {
        %add3A_232 = arith.constant 1 : i32
        %add3A_233 = arith.addi %add3A_128, %add3A_232 : i32
        %mul3A_234 = arith.constant 80 : i32
        %mul3A_235 = arith.muli %add3A_233, %mul3A_234 : i32
        %add3A_236 = arith.addi %mul3A_51, %mul3A_235 : i32
        %dma_wait3A_237 = tpu.memref_slice %arg2[%add3A_236] : memref<322560xi32, #tpu.memory_space<hbm>> -> memref<80xi32, #tpu.memory_space<hbm>>
        %dma_wait3A_238 = tpu.memref_slice %arg2[%add3A_236] : memref<322560xi32, #tpu.memory_space<hbm>> -> memref<80xi32, #tpu.memory_space<hbm>>
        tpu.wait_dma2 semaphore(%arg40 : memref<!tpu.dma_semaphore, #tpu.memory_space<semaphore_mem>>) src(%dma_wait3A_238 : memref<80xi32, #tpu.memory_space<hbm>>) dst(%arg8 : memref<80xi32, #tpu.memory_space<vmem>>)
        %dma_wait3A_239 = tpu.memref_slice %arg3[%add3A_236] : memref<322560xi32, #tpu.memory_space<hbm>> -> memref<80xi32, #tpu.memory_space<hbm>>
        %dma_wait3A_240 = tpu.memref_slice %arg3[%add3A_236] : memref<322560xi32, #tpu.memory_space<hbm>> -> memref<80xi32, #tpu.memory_space<hbm>>
        tpu.wait_dma2 semaphore(%arg40 : memref<!tpu.dma_semaphore, #tpu.memory_space<semaphore_mem>>) src(%dma_wait3A_240 : memref<80xi32, #tpu.memory_space<hbm>>) dst(%arg12 : memref<80xi32, #tpu.memory_space<vmem>>)
        %dma_wait3A_241 = tpu.memref_slice %arg4[%add3A_236] : memref<322560xi32, #tpu.memory_space<hbm>> -> memref<80xi32, #tpu.memory_space<hbm>>
        %dma_wait3A_242 = tpu.memref_slice %arg4[%add3A_236] : memref<322560xi32, #tpu.memory_space<hbm>> -> memref<80xi32, #tpu.memory_space<hbm>>
        tpu.wait_dma2 semaphore(%arg40 : memref<!tpu.dma_semaphore, #tpu.memory_space<semaphore_mem>>) src(%dma_wait3A_242 : memref<80xi32, #tpu.memory_space<hbm>>) dst(%arg16 : memref<80xi32, #tpu.memory_space<vmem>>)
        %scan3A_243 = arith.constant 0 : i32
        %scan3A_244 = arith.constant 0 : i32
        %scan3A_245 = arith.constant 5 : i32
        %scan3A_246 = arith.addi %scan3A_244, %scan3A_245 : i32
        %scan3A_247 = arith.constant 1 : i32
        scf.for %scan3A_252 = %scan3A_244 to %scan3A_246 step %scan3A_247  : i32 {
          %mul3A_253 = arith.constant 16 : i32
          %mul3A_254 = arith.muli %scan3A_252, %mul3A_253 : i32
          %get3A = arith.index_cast %mul3A_254 : i32 to index
          %get3A_255 = tpu.vector_load %arg8[%get3A] {strides = array<i32>} : memref<80xi32, #tpu.memory_space<vmem>>, vector<16xi32>,
          %mul3A_256 = arith.constant 16 : i32
          %mul3A_257 = arith.muli %scan3A_252, %mul3A_256 : i32
          %get3A_258 = arith.index_cast %mul3A_257 : i32 to index
          %get3A_259 = tpu.vector_load %arg16[%get3A_258] {strides = array<i32>} : memref<80xi32, #tpu.memory_space<vmem>>, vector<16xi32>,
          %mul3A_260 = arith.constant 16 : i32
          %mul3A_261 = vector.broadcast %mul3A_260 : i32 to vector<16xi32>
          %mul3A_262 = arith.muli %get3A_255, %mul3A_261 : vector<16xi32>
          %add3A_263 = arith.addi %mul3A_262, %get3A_259 : vector<16xi32>
          %mul3A_264 = arith.constant 16 : i32
          %mul3A_265 = arith.muli %scan3A_252, %mul3A_264 : i32
          %swap3A = arith.index_cast %mul3A_265 : i32 to index
          %swap3A_266 = tpu.vector_load %arg8[%swap3A] {strides = array<i32>} : memref<80xi32, #tpu.memory_space<vmem>>, vector<16xi32>,
          tpu.vector_store %arg8[%swap3A], %add3A_263 {strides = array<i32>} : memref<80xi32, #tpu.memory_space<vmem>>, vector<16xi32>,
        }
        %scan3A_248 = arith.constant 5 : i32
        %dma_start3A_249 = arith.constant 0 : i32
        %dma_start3A_250 = arith.constant 0 : i32
        %dma_start3A_251 = tpu.memref_slice %arg5[%dma_start3A_249, %dma_start3A_250] : memref<160000x128xf32, #tpu.memory_space<hbm>> -> memref<160000x128xf32, #tpu.memory_space<hbm>>
        tpu.enqueue_indirect_dma source(%dma_start3A_251 : memref<160000x128xf32, #tpu.memory_space<hbm>>) target(%arg20 : memref<80x128xf32, #tpu.memory_space<vmem>>) offsets(%arg8 : memref<80xi32, #tpu.memory_space<vmem>>) semaphore(%arg28 : memref<!tpu.dma_semaphore, #tpu.memory_space<semaphore_mem>>)
      } else {
      }
      %dma_wait3A_145 = arith.constant 0 : i32
      %dma_wait3A_146 = arith.constant 0 : i32
      %dma_wait3A_147 = tpu.memref_slice %arg5[%dma_wait3A_145, %dma_wait3A_146] : memref<160000x128xf32, #tpu.memory_space<hbm>> -> memref<160000x128xf32, #tpu.memory_space<hbm>>
      tpu.wait_indirect_dma semaphore(%arg27 : memref<!tpu.dma_semaphore, #tpu.memory_space<semaphore_mem>>) src(%dma_wait3A_147 : memref<160000x128xf32, #tpu.memory_space<hbm>>) dst(%arg19 : memref<80x128xf32, #tpu.memory_space<vmem>>)
      %dma_start3A_148 = arith.constant 0 : i32
      %dma_start3A_149 = arith.constant 0 : i32
      %dma_start3A_150 = tpu.memref_slice %arg25[%dma_start3A_148, %dma_start3A_149] : memref<10240x128xf32, #tpu.memory_space<vmem_shared>> -> memref<10240x128xf32, #tpu.memory_space<vmem_shared>>
      tpu.enqueue_indirect_dma source(%arg19 : memref<80x128xf32, #tpu.memory_space<vmem>>) target(%dma_start3A_150 : memref<10240x128xf32, #tpu.memory_space<vmem_shared>>) offsets(%arg11 : memref<80xi32, #tpu.memory_space<vmem>>) semaphore(%arg31 : memref<!tpu.dma_semaphore, #tpu.memory_space<semaphore_mem>>) {add = true}
      %mul3A_151 = arith.constant 4 : i32
      %mul3A_152 = arith.muli %while3A_124, %mul3A_151 : i32
      %add3A_153 = arith.constant 1 : i32
      %add3A_154 = arith.addi %mul3A_152, %add3A_153 : i32
      %ge3A_155 = arith.constant 2 : i32
      %ge3A_156 = arith.cmpi sge, %add3A_154, %ge3A_155 : i32
      %convert_element_type3A_157 = arith.extui %ge3A_156 : i1 to i32
      %cond3A_158 = arith.constant 0 : i32
      %cond3A_159 = arith.cmpi ne, %convert_element_type3A_157, %cond3A_158 : i32
      scf.if %cond3A_159 {
        %dma_wait3A_232 = arith.constant 0 : i32
        %dma_wait3A_233 = arith.constant 0 : i32
        %dma_wait3A_234 = tpu.memref_slice %arg25[%dma_wait3A_232, %dma_wait3A_233] : memref<10240x128xf32, #tpu.memory_space<vmem_shared>> -> memref<10240x128xf32, #tpu.memory_space<vmem_shared>>
        tpu.wait_indirect_dma semaphore(%arg34 : memref<!tpu.dma_semaphore, #tpu.memory_space<semaphore_mem>>) src(%arg22 : memref<80x128xf32, #tpu.memory_space<vmem>>) dst(%dma_wait3A_234 : memref<10240x128xf32, #tpu.memory_space<vmem_shared>>)
      } else {
      }
      %add3A_160 = arith.constant 2 : i32
      %add3A_161 = arith.addi %add3A_154, %add3A_160 : i32
      %lt3A_162 = arith.cmpi slt, %add3A_161, %select_n3A : i32
      %convert_element_type3A_163 = arith.extui %lt3A_162 : i1 to i32
      %cond3A_164 = arith.constant 0 : i32
      %cond3A_165 = arith.cmpi ne, %convert_element_type3A_163, %cond3A_164 : i32
      scf.if %cond3A_165 {
        %add3A_232 = arith.constant 2 : i32
        %add3A_233 = arith.addi %add3A_154, %add3A_232 : i32
        %mul3A_234 = arith.constant 80 : i32
        %mul3A_235 = arith.muli %add3A_233, %mul3A_234 : i32
        %add3A_236 = arith.addi %mul3A_51, %mul3A_235 : i32
        %dma_start3A_237 = tpu.memref_slice %arg2[%add3A_236] : memref<322560xi32, #tpu.memory_space<hbm>> -> memref<80xi32, #tpu.memory_space<hbm>>
        %dma_start3A_238 = tpu.memref_slice %arg2[%add3A_236] : memref<322560xi32, #tpu.memory_space<hbm>> -> memref<80xi32, #tpu.memory_space<hbm>>
        tpu.enqueue_dma source(%dma_start3A_238 : memref<80xi32, #tpu.memory_space<hbm>>) target(%arg10 : memref<80xi32, #tpu.memory_space<vmem>>) target_semaphore(%arg42 : memref<!tpu.dma_semaphore, #tpu.memory_space<semaphore_mem>>)
        %dma_start3A_239 = tpu.memref_slice %arg3[%add3A_236] : memref<322560xi32, #tpu.memory_space<hbm>> -> memref<80xi32, #tpu.memory_space<hbm>>
        %dma_start3A_240 = tpu.memref_slice %arg3[%add3A_236] : memref<322560xi32, #tpu.memory_space<hbm>> -> memref<80xi32, #tpu.memory_space<hbm>>
        tpu.enqueue_dma source(%dma_start3A_240 : memref<80xi32, #tpu.memory_space<hbm>>) target(%arg14 : memref<80xi32, #tpu.memory_space<vmem>>) target_semaphore(%arg42 : memref<!tpu.dma_semaphore, #tpu.memory_space<semaphore_mem>>)
        %dma_start3A_241 = tpu.memref_slice %arg4[%add3A_236] : memref<322560xi32, #tpu.memory_space<hbm>> -> memref<80xi32, #tpu.memory_space<hbm>>
        %dma_start3A_242 = tpu.memref_slice %arg4[%add3A_236] : memref<322560xi32, #tpu.memory_space<hbm>> -> memref<80xi32, #tpu.memory_space<hbm>>
        tpu.enqueue_dma source(%dma_start3A_242 : memref<80xi32, #tpu.memory_space<hbm>>) target(%arg18 : memref<80xi32, #tpu.memory_space<vmem>>) target_semaphore(%arg42 : memref<!tpu.dma_semaphore, #tpu.memory_space<semaphore_mem>>)
      } else {
      }
      %add3A_166 = arith.constant 1 : i32
      %add3A_167 = arith.addi %add3A_154, %add3A_166 : i32
      %lt3A_168 = arith.cmpi slt, %add3A_167, %select_n3A : i32
      %convert_element_type3A_169 = arith.extui %lt3A_168 : i1 to i32
      %cond3A_170 = arith.constant 0 : i32
      %cond3A_171 = arith.cmpi ne, %convert_element_type3A_169, %cond3A_170 : i32
      scf.if %cond3A_171 {
        %add3A_232 = arith.constant 1 : i32
        %add3A_233 = arith.addi %add3A_154, %add3A_232 : i32
        %mul3A_234 = arith.constant 80 : i32
        %mul3A_235 = arith.muli %add3A_233, %mul3A_234 : i32
        %add3A_236 = arith.addi %mul3A_51, %mul3A_235 : i32
        %dma_wait3A_237 = tpu.memref_slice %arg2[%add3A_236] : memref<322560xi32, #tpu.memory_space<hbm>> -> memref<80xi32, #tpu.memory_space<hbm>>
        %dma_wait3A_238 = tpu.memref_slice %arg2[%add3A_236] : memref<322560xi32, #tpu.memory_space<hbm>> -> memref<80xi32, #tpu.memory_space<hbm>>
        tpu.wait_dma2 semaphore(%arg41 : memref<!tpu.dma_semaphore, #tpu.memory_space<semaphore_mem>>) src(%dma_wait3A_238 : memref<80xi32, #tpu.memory_space<hbm>>) dst(%arg9 : memref<80xi32, #tpu.memory_space<vmem>>)
        %dma_wait3A_239 = tpu.memref_slice %arg3[%add3A_236] : memref<322560xi32, #tpu.memory_space<hbm>> -> memref<80xi32, #tpu.memory_space<hbm>>
        %dma_wait3A_240 = tpu.memref_slice %arg3[%add3A_236] : memref<322560xi32, #tpu.memory_space<hbm>> -> memref<80xi32, #tpu.memory_space<hbm>>
        tpu.wait_dma2 semaphore(%arg41 : memref<!tpu.dma_semaphore, #tpu.memory_space<semaphore_mem>>) src(%dma_wait3A_240 : memref<80xi32, #tpu.memory_space<hbm>>) dst(%arg13 : memref<80xi32, #tpu.memory_space<vmem>>)
        %dma_wait3A_241 = tpu.memref_slice %arg4[%add3A_236] : memref<322560xi32, #tpu.memory_space<hbm>> -> memref<80xi32, #tpu.memory_space<hbm>>
        %dma_wait3A_242 = tpu.memref_slice %arg4[%add3A_236] : memref<322560xi32, #tpu.memory_space<hbm>> -> memref<80xi32, #tpu.memory_space<hbm>>
        tpu.wait_dma2 semaphore(%arg41 : memref<!tpu.dma_semaphore, #tpu.memory_space<semaphore_mem>>) src(%dma_wait3A_242 : memref<80xi32, #tpu.memory_space<hbm>>) dst(%arg17 : memref<80xi32, #tpu.memory_space<vmem>>)
        %scan3A_243 = arith.constant 0 : i32
        %scan3A_244 = arith.constant 0 : i32
        %scan3A_245 = arith.constant 5 : i32
        %scan3A_246 = arith.addi %scan3A_244, %scan3A_245 : i32
        %scan3A_247 = arith.constant 1 : i32
        scf.for %scan3A_252 = %scan3A_244 to %scan3A_246 step %scan3A_247  : i32 {
          %mul3A_253 = arith.constant 16 : i32
          %mul3A_254 = arith.muli %scan3A_252, %mul3A_253 : i32
          %get3A = arith.index_cast %mul3A_254 : i32 to index
          %get3A_255 = tpu.vector_load %arg9[%get3A] {strides = array<i32>} : memref<80xi32, #tpu.memory_space<vmem>>, vector<16xi32>,
          %mul3A_256 = arith.constant 16 : i32
          %mul3A_257 = arith.muli %scan3A_252, %mul3A_256 : i32
          %get3A_258 = arith.index_cast %mul3A_257 : i32 to index
          %get3A_259 = tpu.vector_load %arg17[%get3A_258] {strides = array<i32>} : memref<80xi32, #tpu.memory_space<vmem>>, vector<16xi32>,
          %mul3A_260 = arith.constant 16 : i32
          %mul3A_261 = vector.broadcast %mul3A_260 : i32 to vector<16xi32>
          %mul3A_262 = arith.muli %get3A_255, %mul3A_261 : vector<16xi32>
          %add3A_263 = arith.addi %mul3A_262, %get3A_259 : vector<16xi32>
          %mul3A_264 = arith.constant 16 : i32
          %mul3A_265 = arith.muli %scan3A_252, %mul3A_264 : i32
          %swap3A = arith.index_cast %mul3A_265 : i32 to index
          %swap3A_266 = tpu.vector_load %arg9[%swap3A] {strides = array<i32>} : memref<80xi32, #tpu.memory_space<vmem>>, vector<16xi32>,
          tpu.vector_store %arg9[%swap3A], %add3A_263 {strides = array<i32>} : memref<80xi32, #tpu.memory_space<vmem>>, vector<16xi32>,
        }
        %scan3A_248 = arith.constant 5 : i32
        %dma_start3A_249 = arith.constant 0 : i32
        %dma_start3A_250 = arith.constant 0 : i32
        %dma_start3A_251 = tpu.memref_slice %arg5[%dma_start3A_249, %dma_start3A_250] : memref<160000x128xf32, #tpu.memory_space<hbm>> -> memref<160000x128xf32, #tpu.memory_space<hbm>>
        tpu.enqueue_indirect_dma source(%dma_start3A_251 : memref<160000x128xf32, #tpu.memory_space<hbm>>) target(%arg21 : memref<80x128xf32, #tpu.memory_space<vmem>>) offsets(%arg9 : memref<80xi32, #tpu.memory_space<vmem>>) semaphore(%arg29 : memref<!tpu.dma_semaphore, #tpu.memory_space<semaphore_mem>>)
      } else {
      }
      %dma_wait3A_172 = arith.constant 0 : i32
      %dma_wait3A_173 = arith.constant 0 : i32
      %dma_wait3A_174 = tpu.memref_slice %arg5[%dma_wait3A_172, %dma_wait3A_173] : memref<160000x128xf32, #tpu.memory_space<hbm>> -> memref<160000x128xf32, #tpu.memory_space<hbm>>
      tpu.wait_indirect_dma semaphore(%arg28 : memref<!tpu.dma_semaphore, #tpu.memory_space<semaphore_mem>>) src(%dma_wait3A_174 : memref<160000x128xf32, #tpu.memory_space<hbm>>) dst(%arg20 : memref<80x128xf32, #tpu.memory_space<vmem>>)
      %dma_start3A_175 = arith.constant 0 : i32
      %dma_start3A_176 = arith.constant 0 : i32
      %dma_start3A_177 = tpu.memref_slice %arg25[%dma_start3A_175, %dma_start3A_176] : memref<10240x128xf32, #tpu.memory_space<vmem_shared>> -> memref<10240x128xf32, #tpu.memory_space<vmem_shared>>
      tpu.enqueue_indirect_dma source(%arg20 : memref<80x128xf32, #tpu.memory_space<vmem>>) target(%dma_start3A_177 : memref<10240x128xf32, #tpu.memory_space<vmem_shared>>) offsets(%arg12 : memref<80xi32, #tpu.memory_space<vmem>>) semaphore(%arg32 : memref<!tpu.dma_semaphore, #tpu.memory_space<semaphore_mem>>) {add = true}
      %mul3A_178 = arith.constant 4 : i32
      %mul3A_179 = arith.muli %while3A_124, %mul3A_178 : i32
      %add3A_180 = arith.constant 2 : i32
      %add3A_181 = arith.addi %mul3A_179, %add3A_180 : i32
      %ge3A_182 = arith.constant 2 : i32
      %ge3A_183 = arith.cmpi sge, %add3A_181, %ge3A_182 : i32
      %convert_element_type3A_184 = arith.extui %ge3A_183 : i1 to i32
      %cond3A_185 = arith.constant 0 : i32
      %cond3A_186 = arith.cmpi ne, %convert_element_type3A_184, %cond3A_185 : i32
      scf.if %cond3A_186 {
        %dma_wait3A_232 = arith.constant 0 : i32
        %dma_wait3A_233 = arith.constant 0 : i32
        %dma_wait3A_234 = tpu.memref_slice %arg25[%dma_wait3A_232, %dma_wait3A_233] : memref<10240x128xf32, #tpu.memory_space<vmem_shared>> -> memref<10240x128xf32, #tpu.memory_space<vmem_shared>>
        tpu.wait_indirect_dma semaphore(%arg31 : memref<!tpu.dma_semaphore, #tpu.memory_space<semaphore_mem>>) src(%arg19 : memref<80x128xf32, #tpu.memory_space<vmem>>) dst(%dma_wait3A_234 : memref<10240x128xf32, #tpu.memory_space<vmem_shared>>)
      } else {
      }
      %add3A_187 = arith.constant 2 : i32
      %add3A_188 = arith.addi %add3A_181, %add3A_187 : i32
      %lt3A_189 = arith.cmpi slt, %add3A_188, %select_n3A : i32
      %convert_element_type3A_190 = arith.extui %lt3A_189 : i1 to i32
      %cond3A_191 = arith.constant 0 : i32
      %cond3A_192 = arith.cmpi ne, %convert_element_type3A_190, %cond3A_191 : i32
      scf.if %cond3A_192 {
        %add3A_232 = arith.constant 2 : i32
        %add3A_233 = arith.addi %add3A_181, %add3A_232 : i32
        %mul3A_234 = arith.constant 80 : i32
        %mul3A_235 = arith.muli %add3A_233, %mul3A_234 : i32
        %add3A_236 = arith.addi %mul3A_51, %mul3A_235 : i32
        %dma_start3A_237 = tpu.memref_slice %arg2[%add3A_236] : memref<322560xi32, #tpu.memory_space<hbm>> -> memref<80xi32, #tpu.memory_space<hbm>>
        %dma_start3A_238 = tpu.memref_slice %arg2[%add3A_236] : memref<322560xi32, #tpu.memory_space<hbm>> -> memref<80xi32, #tpu.memory_space<hbm>>
        tpu.enqueue_dma source(%dma_start3A_238 : memref<80xi32, #tpu.memory_space<hbm>>) target(%arg7 : memref<80xi32, #tpu.memory_space<vmem>>) target_semaphore(%arg39 : memref<!tpu.dma_semaphore, #tpu.memory_space<semaphore_mem>>)
        %dma_start3A_239 = tpu.memref_slice %arg3[%add3A_236] : memref<322560xi32, #tpu.memory_space<hbm>> -> memref<80xi32, #tpu.memory_space<hbm>>
        %dma_start3A_240 = tpu.memref_slice %arg3[%add3A_236] : memref<322560xi32, #tpu.memory_space<hbm>> -> memref<80xi32, #tpu.memory_space<hbm>>
        tpu.enqueue_dma source(%dma_start3A_240 : memref<80xi32, #tpu.memory_space<hbm>>) target(%arg11 : memref<80xi32, #tpu.memory_space<vmem>>) target_semaphore(%arg39 : memref<!tpu.dma_semaphore, #tpu.memory_space<semaphore_mem>>)
        %dma_start3A_241 = tpu.memref_slice %arg4[%add3A_236] : memref<322560xi32, #tpu.memory_space<hbm>> -> memref<80xi32, #tpu.memory_space<hbm>>
        %dma_start3A_242 = tpu.memref_slice %arg4[%add3A_236] : memref<322560xi32, #tpu.memory_space<hbm>> -> memref<80xi32, #tpu.memory_space<hbm>>
        tpu.enqueue_dma source(%dma_start3A_242 : memref<80xi32, #tpu.memory_space<hbm>>) target(%arg15 : memref<80xi32, #tpu.memory_space<vmem>>) target_semaphore(%arg39 : memref<!tpu.dma_semaphore, #tpu.memory_space<semaphore_mem>>)
      } else {
      }
      %add3A_193 = arith.constant 1 : i32
      %add3A_194 = arith.addi %add3A_181, %add3A_193 : i32
      %lt3A_195 = arith.cmpi slt, %add3A_194, %select_n3A : i32
      %convert_element_type3A_196 = arith.extui %lt3A_195 : i1 to i32
      %cond3A_197 = arith.constant 0 : i32
      %cond3A_198 = arith.cmpi ne, %convert_element_type3A_196, %cond3A_197 : i32
      scf.if %cond3A_198 {
        %add3A_232 = arith.constant 1 : i32
        %add3A_233 = arith.addi %add3A_181, %add3A_232 : i32
        %mul3A_234 = arith.constant 80 : i32
        %mul3A_235 = arith.muli %add3A_233, %mul3A_234 : i32
        %add3A_236 = arith.addi %mul3A_51, %mul3A_235 : i32
        %dma_wait3A_237 = tpu.memref_slice %arg2[%add3A_236] : memref<322560xi32, #tpu.memory_space<hbm>> -> memref<80xi32, #tpu.memory_space<hbm>>
        %dma_wait3A_238 = tpu.memref_slice %arg2[%add3A_236] : memref<322560xi32, #tpu.memory_space<hbm>> -> memref<80xi32, #tpu.memory_space<hbm>>
        tpu.wait_dma2 semaphore(%arg42 : memref<!tpu.dma_semaphore, #tpu.memory_space<semaphore_mem>>) src(%dma_wait3A_238 : memref<80xi32, #tpu.memory_space<hbm>>) dst(%arg10 : memref<80xi32, #tpu.memory_space<vmem>>)
        %dma_wait3A_239 = tpu.memref_slice %arg3[%add3A_236] : memref<322560xi32, #tpu.memory_space<hbm>> -> memref<80xi32, #tpu.memory_space<hbm>>
        %dma_wait3A_240 = tpu.memref_slice %arg3[%add3A_236] : memref<322560xi32, #tpu.memory_space<hbm>> -> memref<80xi32, #tpu.memory_space<hbm>>
        tpu.wait_dma2 semaphore(%arg42 : memref<!tpu.dma_semaphore, #tpu.memory_space<semaphore_mem>>) src(%dma_wait3A_240 : memref<80xi32, #tpu.memory_space<hbm>>) dst(%arg14 : memref<80xi32, #tpu.memory_space<vmem>>)
        %dma_wait3A_241 = tpu.memref_slice %arg4[%add3A_236] : memref<322560xi32, #tpu.memory_space<hbm>> -> memref<80xi32, #tpu.memory_space<hbm>>
        %dma_wait3A_242 = tpu.memref_slice %arg4[%add3A_236] : memref<322560xi32, #tpu.memory_space<hbm>> -> memref<80xi32, #tpu.memory_space<hbm>>
        tpu.wait_dma2 semaphore(%arg42 : memref<!tpu.dma_semaphore, #tpu.memory_space<semaphore_mem>>) src(%dma_wait3A_242 : memref<80xi32, #tpu.memory_space<hbm>>) dst(%arg18 : memref<80xi32, #tpu.memory_space<vmem>>)
        %scan3A_243 = arith.constant 0 : i32
        %scan3A_244 = arith.constant 0 : i32
        %scan3A_245 = arith.constant 5 : i32
        %scan3A_246 = arith.addi %scan3A_244, %scan3A_245 : i32
        %scan3A_247 = arith.constant 1 : i32
        scf.for %scan3A_252 = %scan3A_244 to %scan3A_246 step %scan3A_247  : i32 {
          %mul3A_253 = arith.constant 16 : i32
          %mul3A_254 = arith.muli %scan3A_252, %mul3A_253 : i32
          %get3A = arith.index_cast %mul3A_254 : i32 to index
          %get3A_255 = tpu.vector_load %arg10[%get3A] {strides = array<i32>} : memref<80xi32, #tpu.memory_space<vmem>>, vector<16xi32>,
          %mul3A_256 = arith.constant 16 : i32
          %mul3A_257 = arith.muli %scan3A_252, %mul3A_256 : i32
          %get3A_258 = arith.index_cast %mul3A_257 : i32 to index
          %get3A_259 = tpu.vector_load %arg18[%get3A_258] {strides = array<i32>} : memref<80xi32, #tpu.memory_space<vmem>>, vector<16xi32>,
          %mul3A_260 = arith.constant 16 : i32
          %mul3A_261 = vector.broadcast %mul3A_260 : i32 to vector<16xi32>
          %mul3A_262 = arith.muli %get3A_255, %mul3A_261 : vector<16xi32>
          %add3A_263 = arith.addi %mul3A_262, %get3A_259 : vector<16xi32>
          %mul3A_264 = arith.constant 16 : i32
          %mul3A_265 = arith.muli %scan3A_252, %mul3A_264 : i32
          %swap3A = arith.index_cast %mul3A_265 : i32 to index
          %swap3A_266 = tpu.vector_load %arg10[%swap3A] {strides = array<i32>} : memref<80xi32, #tpu.memory_space<vmem>>, vector<16xi32>,
          tpu.vector_store %arg10[%swap3A], %add3A_263 {strides = array<i32>} : memref<80xi32, #tpu.memory_space<vmem>>, vector<16xi32>,
        }
        %scan3A_248 = arith.constant 5 : i32
        %dma_start3A_249 = arith.constant 0 : i32
        %dma_start3A_250 = arith.constant 0 : i32
        %dma_start3A_251 = tpu.memref_slice %arg5[%dma_start3A_249, %dma_start3A_250] : memref<160000x128xf32, #tpu.memory_space<hbm>> -> memref<160000x128xf32, #tpu.memory_space<hbm>>
        tpu.enqueue_indirect_dma source(%dma_start3A_251 : memref<160000x128xf32, #tpu.memory_space<hbm>>) target(%arg22 : memref<80x128xf32, #tpu.memory_space<vmem>>) offsets(%arg10 : memref<80xi32, #tpu.memory_space<vmem>>) semaphore(%arg30 : memref<!tpu.dma_semaphore, #tpu.memory_space<semaphore_mem>>)
      } else {
      }
      %dma_wait3A_199 = arith.constant 0 : i32
      %dma_wait3A_200 = arith.constant 0 : i32
      %dma_wait3A_201 = tpu.memref_slice %arg5[%dma_wait3A_199, %dma_wait3A_200] : memref<160000x128xf32, #tpu.memory_space<hbm>> -> memref<160000x128xf32, #tpu.memory_space<hbm>>
      tpu.wait_indirect_dma semaphore(%arg29 : memref<!tpu.dma_semaphore, #tpu.memory_space<semaphore_mem>>) src(%dma_wait3A_201 : memref<160000x128xf32, #tpu.memory_space<hbm>>) dst(%arg21 : memref<80x128xf32, #tpu.memory_space<vmem>>)
      %dma_start3A_202 = arith.constant 0 : i32
      %dma_start3A_203 = arith.constant 0 : i32
      %dma_start3A_204 = tpu.memref_slice %arg25[%dma_start3A_202, %dma_start3A_203] : memref<10240x128xf32, #tpu.memory_space<vmem_shared>> -> memref<10240x128xf32, #tpu.memory_space<vmem_shared>>
      tpu.enqueue_indirect_dma source(%arg21 : memref<80x128xf32, #tpu.memory_space<vmem>>) target(%dma_start3A_204 : memref<10240x128xf32, #tpu.memory_space<vmem_shared>>) offsets(%arg13 : memref<80xi32, #tpu.memory_space<vmem>>) semaphore(%arg33 : memref<!tpu.dma_semaphore, #tpu.memory_space<semaphore_mem>>) {add = true}
      %mul3A_205 = arith.constant 4 : i32
      %mul3A_206 = arith.muli %while3A_124, %mul3A_205 : i32
      %add3A_207 = arith.constant 3 : i32
      %add3A_208 = arith.addi %mul3A_206, %add3A_207 : i32
      %ge3A_209 = arith.constant 2 : i32
      %ge3A_210 = arith.cmpi sge, %add3A_208, %ge3A_209 : i32
      %convert_element_type3A_211 = arith.extui %ge3A_210 : i1 to i32
      %cond3A_212 = arith.constant 0 : i32
      %cond3A_213 = arith.cmpi ne, %convert_element_type3A_211, %cond3A_212 : i32
      scf.if %cond3A_213 {
        %dma_wait3A_232 = arith.constant 0 : i32
        %dma_wait3A_233 = arith.constant 0 : i32
        %dma_wait3A_234 = tpu.memref_slice %arg25[%dma_wait3A_232, %dma_wait3A_233] : memref<10240x128xf32, #tpu.memory_space<vmem_shared>> -> memref<10240x128xf32, #tpu.memory_space<vmem_shared>>
        tpu.wait_indirect_dma semaphore(%arg32 : memref<!tpu.dma_semaphore, #tpu.memory_space<semaphore_mem>>) src(%arg20 : memref<80x128xf32, #tpu.memory_space<vmem>>) dst(%dma_wait3A_234 : memref<10240x128xf32, #tpu.memory_space<vmem_shared>>)
      } else {
      }
      %add3A_214 = arith.constant 2 : i32
      %add3A_215 = arith.addi %add3A_208, %add3A_214 : i32
      %lt3A_216 = arith.cmpi slt, %add3A_215, %select_n3A : i32
      %convert_element_type3A_217 = arith.extui %lt3A_216 : i1 to i32
      %cond3A_218 = arith.constant 0 : i32
      %cond3A_219 = arith.cmpi ne, %convert_element_type3A_217, %cond3A_218 : i32
      scf.if %cond3A_219 {
        %add3A_232 = arith.constant 2 : i32
        %add3A_233 = arith.addi %add3A_208, %add3A_232 : i32
        %mul3A_234 = arith.constant 80 : i32
        %mul3A_235 = arith.muli %add3A_233, %mul3A_234 : i32
        %add3A_236 = arith.addi %mul3A_51, %mul3A_235 : i32
        %dma_start3A_237 = tpu.memref_slice %arg2[%add3A_236] : memref<322560xi32, #tpu.memory_space<hbm>> -> memref<80xi32, #tpu.memory_space<hbm>>
        %dma_start3A_238 = tpu.memref_slice %arg2[%add3A_236] : memref<322560xi32, #tpu.memory_space<hbm>> -> memref<80xi32, #tpu.memory_space<hbm>>
        tpu.enqueue_dma source(%dma_start3A_238 : memref<80xi32, #tpu.memory_space<hbm>>) target(%arg8 : memref<80xi32, #tpu.memory_space<vmem>>) target_semaphore(%arg40 : memref<!tpu.dma_semaphore, #tpu.memory_space<semaphore_mem>>)
        %dma_start3A_239 = tpu.memref_slice %arg3[%add3A_236] : memref<322560xi32, #tpu.memory_space<hbm>> -> memref<80xi32, #tpu.memory_space<hbm>>
        %dma_start3A_240 = tpu.memref_slice %arg3[%add3A_236] : memref<322560xi32, #tpu.memory_space<hbm>> -> memref<80xi32, #tpu.memory_space<hbm>>
        tpu.enqueue_dma source(%dma_start3A_240 : memref<80xi32, #tpu.memory_space<hbm>>) target(%arg12 : memref<80xi32, #tpu.memory_space<vmem>>) target_semaphore(%arg40 : memref<!tpu.dma_semaphore, #tpu.memory_space<semaphore_mem>>)
        %dma_start3A_241 = tpu.memref_slice %arg4[%add3A_236] : memref<322560xi32, #tpu.memory_space<hbm>> -> memref<80xi32, #tpu.memory_space<hbm>>
        %dma_start3A_242 = tpu.memref_slice %arg4[%add3A_236] : memref<322560xi32, #tpu.memory_space<hbm>> -> memref<80xi32, #tpu.memory_space<hbm>>
        tpu.enqueue_dma source(%dma_start3A_242 : memref<80xi32, #tpu.memory_space<hbm>>) target(%arg16 : memref<80xi32, #tpu.memory_space<vmem>>) target_semaphore(%arg40 : memref<!tpu.dma_semaphore, #tpu.memory_space<semaphore_mem>>)
      } else {
      }
      %add3A_220 = arith.constant 1 : i32
      %add3A_221 = arith.addi %add3A_208, %add3A_220 : i32
      %lt3A_222 = arith.cmpi slt, %add3A_221, %select_n3A : i32
      %convert_element_type3A_223 = arith.extui %lt3A_222 : i1 to i32
      %cond3A_224 = arith.constant 0 : i32
      %cond3A_225 = arith.cmpi ne, %convert_element_type3A_223, %cond3A_224 : i32
      scf.if %cond3A_225 {
        %add3A_232 = arith.constant 1 : i32
        %add3A_233 = arith.addi %add3A_208, %add3A_232 : i32
        %mul3A_234 = arith.constant 80 : i32
        %mul3A_235 = arith.muli %add3A_233, %mul3A_234 : i32
        %add3A_236 = arith.addi %mul3A_51, %mul3A_235 : i32
        %dma_wait3A_237 = tpu.memref_slice %arg2[%add3A_236] : memref<322560xi32, #tpu.memory_space<hbm>> -> memref<80xi32, #tpu.memory_space<hbm>>
        %dma_wait3A_238 = tpu.memref_slice %arg2[%add3A_236] : memref<322560xi32, #tpu.memory_space<hbm>> -> memref<80xi32, #tpu.memory_space<hbm>>
        tpu.wait_dma2 semaphore(%arg39 : memref<!tpu.dma_semaphore, #tpu.memory_space<semaphore_mem>>) src(%dma_wait3A_238 : memref<80xi32, #tpu.memory_space<hbm>>) dst(%arg7 : memref<80xi32, #tpu.memory_space<vmem>>)
        %dma_wait3A_239 = tpu.memref_slice %arg3[%add3A_236] : memref<322560xi32, #tpu.memory_space<hbm>> -> memref<80xi32, #tpu.memory_space<hbm>>
        %dma_wait3A_240 = tpu.memref_slice %arg3[%add3A_236] : memref<322560xi32, #tpu.memory_space<hbm>> -> memref<80xi32, #tpu.memory_space<hbm>>
        tpu.wait_dma2 semaphore(%arg39 : memref<!tpu.dma_semaphore, #tpu.memory_space<semaphore_mem>>) src(%dma_wait3A_240 : memref<80xi32, #tpu.memory_space<hbm>>) dst(%arg11 : memref<80xi32, #tpu.memory_space<vmem>>)
        %dma_wait3A_241 = tpu.memref_slice %arg4[%add3A_236] : memref<322560xi32, #tpu.memory_space<hbm>> -> memref<80xi32, #tpu.memory_space<hbm>>
        %dma_wait3A_242 = tpu.memref_slice %arg4[%add3A_236] : memref<322560xi32, #tpu.memory_space<hbm>> -> memref<80xi32, #tpu.memory_space<hbm>>
        tpu.wait_dma2 semaphore(%arg39 : memref<!tpu.dma_semaphore, #tpu.memory_space<semaphore_mem>>) src(%dma_wait3A_242 : memref<80xi32, #tpu.memory_space<hbm>>) dst(%arg15 : memref<80xi32, #tpu.memory_space<vmem>>)
        %scan3A_243 = arith.constant 0 : i32
        %scan3A_244 = arith.constant 0 : i32
        %scan3A_245 = arith.constant 5 : i32
        %scan3A_246 = arith.addi %scan3A_244, %scan3A_245 : i32
        %scan3A_247 = arith.constant 1 : i32
        scf.for %scan3A_252 = %scan3A_244 to %scan3A_246 step %scan3A_247  : i32 {
          %mul3A_253 = arith.constant 16 : i32
          %mul3A_254 = arith.muli %scan3A_252, %mul3A_253 : i32
          %get3A = arith.index_cast %mul3A_254 : i32 to index
          %get3A_255 = tpu.vector_load %arg7[%get3A] {strides = array<i32>} : memref<80xi32, #tpu.memory_space<vmem>>, vector<16xi32>,
          %mul3A_256 = arith.constant 16 : i32
          %mul3A_257 = arith.muli %scan3A_252, %mul3A_256 : i32
          %get3A_258 = arith.index_cast %mul3A_257 : i32 to index
          %get3A_259 = tpu.vector_load %arg15[%get3A_258] {strides = array<i32>} : memref<80xi32, #tpu.memory_space<vmem>>, vector<16xi32>,
          %mul3A_260 = arith.constant 16 : i32
          %mul3A_261 = vector.broadcast %mul3A_260 : i32 to vector<16xi32>
          %mul3A_262 = arith.muli %get3A_255, %mul3A_261 : vector<16xi32>
          %add3A_263 = arith.addi %mul3A_262, %get3A_259 : vector<16xi32>
          %mul3A_264 = arith.constant 16 : i32
          %mul3A_265 = arith.muli %scan3A_252, %mul3A_264 : i32
          %swap3A = arith.index_cast %mul3A_265 : i32 to index
          %swap3A_266 = tpu.vector_load %arg7[%swap3A] {strides = array<i32>} : memref<80xi32, #tpu.memory_space<vmem>>, vector<16xi32>,
          tpu.vector_store %arg7[%swap3A], %add3A_263 {strides = array<i32>} : memref<80xi32, #tpu.memory_space<vmem>>, vector<16xi32>,
        }
        %scan3A_248 = arith.constant 5 : i32
        %dma_start3A_249 = arith.constant 0 : i32
        %dma_start3A_250 = arith.constant 0 : i32
        %dma_start3A_251 = tpu.memref_slice %arg5[%dma_start3A_249, %dma_start3A_250] : memref<160000x128xf32, #tpu.memory_space<hbm>> -> memref<160000x128xf32, #tpu.memory_space<hbm>>
        tpu.enqueue_indirect_dma source(%dma_start3A_251 : memref<160000x128xf32, #tpu.memory_space<hbm>>) target(%arg19 : memref<80x128xf32, #tpu.memory_space<vmem>>) offsets(%arg7 : memref<80xi32, #tpu.memory_space<vmem>>) semaphore(%arg27 : memref<!tpu.dma_semaphore, #tpu.memory_space<semaphore_mem>>)
      } else {
      }
      %dma_wait3A_226 = arith.constant 0 : i32
      %dma_wait3A_227 = arith.constant 0 : i32
      %dma_wait3A_228 = tpu.memref_slice %arg5[%dma_wait3A_226, %dma_wait3A_227] : memref<160000x128xf32, #tpu.memory_space<hbm>> -> memref<160000x128xf32, #tpu.memory_space<hbm>>
      tpu.wait_indirect_dma semaphore(%arg30 : memref<!tpu.dma_semaphore, #tpu.memory_space<semaphore_mem>>) src(%dma_wait3A_228 : memref<160000x128xf32, #tpu.memory_space<hbm>>) dst(%arg22 : memref<80x128xf32, #tpu.memory_space<vmem>>)
      %dma_start3A_229 = arith.constant 0 : i32
      %dma_start3A_230 = arith.constant 0 : i32
      %dma_start3A_231 = tpu.memref_slice %arg25[%dma_start3A_229, %dma_start3A_230] : memref<10240x128xf32, #tpu.memory_space<vmem_shared>> -> memref<10240x128xf32, #tpu.memory_space<vmem_shared>>
      tpu.enqueue_indirect_dma source(%arg22 : memref<80x128xf32, #tpu.memory_space<vmem>>) target(%dma_start3A_231 : memref<10240x128xf32, #tpu.memory_space<vmem_shared>>) offsets(%arg14 : memref<80xi32, #tpu.memory_space<vmem>>) semaphore(%arg34 : memref<!tpu.dma_semaphore, #tpu.memory_space<semaphore_mem>>) {add = true}
    }
    %while3A_109 = arith.constant 1 : i32
    scf.for %while3A_124 = %while3A_107 to %while3A_103 step %while3A_109  : i32 {
      %mul3A_125 = arith.constant 4 : i32
      %mul3A_126 = arith.muli %while3A_124, %mul3A_125 : i32
      %add3A_127 = arith.constant 0 : i32
      %add3A_128 = arith.addi %mul3A_126, %add3A_127 : i32
      %ge3A = arith.constant 2 : i32
      %ge3A_129 = arith.cmpi sge, %add3A_128, %ge3A : i32
      %convert_element_type3A_130 = arith.extui %ge3A_129 : i1 to i32
      %cond3A_131 = arith.constant 0 : i32
      %cond3A_132 = arith.cmpi ne, %convert_element_type3A_130, %cond3A_131 : i32
      scf.if %cond3A_132 {
        %dma_wait3A_232 = arith.constant 0 : i32
        %dma_wait3A_233 = arith.constant 0 : i32
        %dma_wait3A_234 = tpu.memref_slice %arg25[%dma_wait3A_232, %dma_wait3A_233] : memref<10240x128xf32, #tpu.memory_space<vmem_shared>> -> memref<10240x128xf32, #tpu.memory_space<vmem_shared>>
        tpu.wait_indirect_dma semaphore(%arg33 : memref<!tpu.dma_semaphore, #tpu.memory_space<semaphore_mem>>) src(%arg21 : memref<80x128xf32, #tpu.memory_space<vmem>>) dst(%dma_wait3A_234 : memref<10240x128xf32, #tpu.memory_space<vmem_shared>>)
      } else {
      }
      %add3A_133 = arith.constant 2 : i32
      %add3A_134 = arith.addi %add3A_128, %add3A_133 : i32
      %lt3A_135 = arith.cmpi slt, %add3A_134, %select_n3A : i32
      %convert_element_type3A_136 = arith.extui %lt3A_135 : i1 to i32
      %cond3A_137 = arith.constant 0 : i32
      %cond3A_138 = arith.cmpi ne, %convert_element_type3A_136, %cond3A_137 : i32
      scf.if %cond3A_138 {
        %add3A_232 = arith.constant 2 : i32
        %add3A_233 = arith.addi %add3A_128, %add3A_232 : i32
        %mul3A_234 = arith.constant 80 : i32
        %mul3A_235 = arith.muli %add3A_233, %mul3A_234 : i32
        %add3A_236 = arith.addi %mul3A_51, %mul3A_235 : i32
        %dma_start3A_237 = tpu.memref_slice %arg2[%add3A_236] : memref<322560xi32, #tpu.memory_space<hbm>> -> memref<80xi32, #tpu.memory_space<hbm>>
        %dma_start3A_238 = tpu.memref_slice %arg2[%add3A_236] : memref<322560xi32, #tpu.memory_space<hbm>> -> memref<80xi32, #tpu.memory_space<hbm>>
        tpu.enqueue_dma source(%dma_start3A_238 : memref<80xi32, #tpu.memory_space<hbm>>) target(%arg9 : memref<80xi32, #tpu.memory_space<vmem>>) target_semaphore(%arg41 : memref<!tpu.dma_semaphore, #tpu.memory_space<semaphore_mem>>)
        %dma_start3A_239 = tpu.memref_slice %arg3[%add3A_236] : memref<322560xi32, #tpu.memory_space<hbm>> -> memref<80xi32, #tpu.memory_space<hbm>>
        %dma_start3A_240 = tpu.memref_slice %arg3[%add3A_236] : memref<322560xi32, #tpu.memory_space<hbm>> -> memref<80xi32, #tpu.memory_space<hbm>>
        tpu.enqueue_dma source(%dma_start3A_240 : memref<80xi32, #tpu.memory_space<hbm>>) target(%arg13 : memref<80xi32, #tpu.memory_space<vmem>>) target_semaphore(%arg41 : memref<!tpu.dma_semaphore, #tpu.memory_space<semaphore_mem>>)
        %dma_start3A_241 = tpu.memref_slice %arg4[%add3A_236] : memref<322560xi32, #tpu.memory_space<hbm>> -> memref<80xi32, #tpu.memory_space<hbm>>
        %dma_start3A_242 = tpu.memref_slice %arg4[%add3A_236] : memref<322560xi32, #tpu.memory_space<hbm>> -> memref<80xi32, #tpu.memory_space<hbm>>
        tpu.enqueue_dma source(%dma_start3A_242 : memref<80xi32, #tpu.memory_space<hbm>>) target(%arg17 : memref<80xi32, #tpu.memory_space<vmem>>) target_semaphore(%arg41 : memref<!tpu.dma_semaphore, #tpu.memory_space<semaphore_mem>>)
      } else {
      }
      %add3A_139 = arith.constant 1 : i32
      %add3A_140 = arith.addi %add3A_128, %add3A_139 : i32
      %lt3A_141 = arith.cmpi slt, %add3A_140, %select_n3A : i32
      %convert_element_type3A_142 = arith.extui %lt3A_141 : i1 to i32
      %cond3A_143 = arith.constant 0 : i32
      %cond3A_144 = arith.cmpi ne, %convert_element_type3A_142, %cond3A_143 : i32
      scf.if %cond3A_144 {
        %add3A_232 = arith.constant 1 : i32
        %add3A_233 = arith.addi %add3A_128, %add3A_232 : i32
        %mul3A_234 = arith.constant 80 : i32
        %mul3A_235 = arith.muli %add3A_233, %mul3A_234 : i32
        %add3A_236 = arith.addi %mul3A_51, %mul3A_235 : i32
        %dma_wait3A_237 = tpu.memref_slice %arg2[%add3A_236] : memref<322560xi32, #tpu.memory_space<hbm>> -> memref<80xi32, #tpu.memory_space<hbm>>
        %dma_wait3A_238 = tpu.memref_slice %arg2[%add3A_236] : memref<322560xi32, #tpu.memory_space<hbm>> -> memref<80xi32, #tpu.memory_space<hbm>>
        tpu.wait_dma2 semaphore(%arg40 : memref<!tpu.dma_semaphore, #tpu.memory_space<semaphore_mem>>) src(%dma_wait3A_238 : memref<80xi32, #tpu.memory_space<hbm>>) dst(%arg8 : memref<80xi32, #tpu.memory_space<vmem>>)
        %dma_wait3A_239 = tpu.memref_slice %arg3[%add3A_236] : memref<322560xi32, #tpu.memory_space<hbm>> -> memref<80xi32, #tpu.memory_space<hbm>>
        %dma_wait3A_240 = tpu.memref_slice %arg3[%add3A_236] : memref<322560xi32, #tpu.memory_space<hbm>> -> memref<80xi32, #tpu.memory_space<hbm>>
        tpu.wait_dma2 semaphore(%arg40 : memref<!tpu.dma_semaphore, #tpu.memory_space<semaphore_mem>>) src(%dma_wait3A_240 : memref<80xi32, #tpu.memory_space<hbm>>) dst(%arg12 : memref<80xi32, #tpu.memory_space<vmem>>)
        %dma_wait3A_241 = tpu.memref_slice %arg4[%add3A_236] : memref<322560xi32, #tpu.memory_space<hbm>> -> memref<80xi32, #tpu.memory_space<hbm>>
        %dma_wait3A_242 = tpu.memref_slice %arg4[%add3A_236] : memref<322560xi32, #tpu.memory_space<hbm>> -> memref<80xi32, #tpu.memory_space<hbm>>
        tpu.wait_dma2 semaphore(%arg40 : memref<!tpu.dma_semaphore, #tpu.memory_space<semaphore_mem>>) src(%dma_wait3A_242 : memref<80xi32, #tpu.memory_space<hbm>>) dst(%arg16 : memref<80xi32, #tpu.memory_space<vmem>>)
        %scan3A_243 = arith.constant 0 : i32
        %scan3A_244 = arith.constant 0 : i32
        %scan3A_245 = arith.constant 5 : i32
        %scan3A_246 = arith.addi %scan3A_244, %scan3A_245 : i32
        %scan3A_247 = arith.constant 1 : i32
        scf.for %scan3A_252 = %scan3A_244 to %scan3A_246 step %scan3A_247  : i32 {
          %mul3A_253 = arith.constant 16 : i32
          %mul3A_254 = arith.muli %scan3A_252, %mul3A_253 : i32
          %get3A = arith.index_cast %mul3A_254 : i32 to index
          %get3A_255 = tpu.vector_load %arg8[%get3A] {strides = array<i32>} : memref<80xi32, #tpu.memory_space<vmem>>, vector<16xi32>,
          %mul3A_256 = arith.constant 16 : i32
          %mul3A_257 = arith.muli %scan3A_252, %mul3A_256 : i32
          %get3A_258 = arith.index_cast %mul3A_257 : i32 to index
          %get3A_259 = tpu.vector_load %arg16[%get3A_258] {strides = array<i32>} : memref<80xi32, #tpu.memory_space<vmem>>, vector<16xi32>,
          %mul3A_260 = arith.constant 16 : i32
          %mul3A_261 = vector.broadcast %mul3A_260 : i32 to vector<16xi32>
          %mul3A_262 = arith.muli %get3A_255, %mul3A_261 : vector<16xi32>
          %add3A_263 = arith.addi %mul3A_262, %get3A_259 : vector<16xi32>
          %mul3A_264 = arith.constant 16 : i32
          %mul3A_265 = arith.muli %scan3A_252, %mul3A_264 : i32
          %swap3A = arith.index_cast %mul3A_265 : i32 to index
          %swap3A_266 = tpu.vector_load %arg8[%swap3A] {strides = array<i32>} : memref<80xi32, #tpu.memory_space<vmem>>, vector<16xi32>,
          tpu.vector_store %arg8[%swap3A], %add3A_263 {strides = array<i32>} : memref<80xi32, #tpu.memory_space<vmem>>, vector<16xi32>,
        }
        %scan3A_248 = arith.constant 5 : i32
        %dma_start3A_249 = arith.constant 0 : i32
        %dma_start3A_250 = arith.constant 0 : i32
        %dma_start3A_251 = tpu.memref_slice %arg5[%dma_start3A_249, %dma_start3A_250] : memref<160000x128xf32, #tpu.memory_space<hbm>> -> memref<160000x128xf32, #tpu.memory_space<hbm>>
        tpu.enqueue_indirect_dma source(%dma_start3A_251 : memref<160000x128xf32, #tpu.memory_space<hbm>>) target(%arg20 : memref<80x128xf32, #tpu.memory_space<vmem>>) offsets(%arg8 : memref<80xi32, #tpu.memory_space<vmem>>) semaphore(%arg28 : memref<!tpu.dma_semaphore, #tpu.memory_space<semaphore_mem>>)
      } else {
      }
      %dma_wait3A_145 = arith.constant 0 : i32
      %dma_wait3A_146 = arith.constant 0 : i32
      %dma_wait3A_147 = tpu.memref_slice %arg5[%dma_wait3A_145, %dma_wait3A_146] : memref<160000x128xf32, #tpu.memory_space<hbm>> -> memref<160000x128xf32, #tpu.memory_space<hbm>>
      tpu.wait_indirect_dma semaphore(%arg27 : memref<!tpu.dma_semaphore, #tpu.memory_space<semaphore_mem>>) src(%dma_wait3A_147 : memref<160000x128xf32, #tpu.memory_space<hbm>>) dst(%arg19 : memref<80x128xf32, #tpu.memory_space<vmem>>)
      %dma_start3A_148 = arith.constant 0 : i32
      %dma_start3A_149 = arith.constant 0 : i32
      %dma_start3A_150 = tpu.memref_slice %arg25[%dma_start3A_148, %dma_start3A_149] : memref<10240x128xf32, #tpu.memory_space<vmem_shared>> -> memref<10240x128xf32, #tpu.memory_space<vmem_shared>>
      tpu.enqueue_indirect_dma source(%arg19 : memref<80x128xf32, #tpu.memory_space<vmem>>) target(%dma_start3A_150 : memref<10240x128xf32, #tpu.memory_space<vmem_shared>>) offsets(%arg11 : memref<80xi32, #tpu.memory_space<vmem>>) semaphore(%arg31 : memref<!tpu.dma_semaphore, #tpu.memory_space<semaphore_mem>>) {add = true}
      %mul3A_151 = arith.constant 4 : i32
      %mul3A_152 = arith.muli %while3A_124, %mul3A_151 : i32
      %add3A_153 = arith.constant 1 : i32
      %add3A_154 = arith.addi %mul3A_152, %add3A_153 : i32
      %ge3A_155 = arith.constant 2 : i32
      %ge3A_156 = arith.cmpi sge, %add3A_154, %ge3A_155 : i32
      %convert_element_type3A_157 = arith.extui %ge3A_156 : i1 to i32
      %cond3A_158 = arith.constant 0 : i32
      %cond3A_159 = arith.cmpi ne, %convert_element_type3A_157, %cond3A_158 : i32
      scf.if %cond3A_159 {
        %dma_wait3A_232 = arith.constant 0 : i32
        %dma_wait3A_233 = arith.constant 0 : i32
        %dma_wait3A_234 = tpu.memref_slice %arg25[%dma_wait3A_232, %dma_wait3A_233] : memref<10240x128xf32, #tpu.memory_space<vmem_shared>> -> memref<10240x128xf32, #tpu.memory_space<vmem_shared>>
        tpu.wait_indirect_dma semaphore(%arg34 : memref<!tpu.dma_semaphore, #tpu.memory_space<semaphore_mem>>) src(%arg22 : memref<80x128xf32, #tpu.memory_space<vmem>>) dst(%dma_wait3A_234 : memref<10240x128xf32, #tpu.memory_space<vmem_shared>>)
      } else {
      }
      %add3A_160 = arith.constant 2 : i32
      %add3A_161 = arith.addi %add3A_154, %add3A_160 : i32
      %lt3A_162 = arith.cmpi slt, %add3A_161, %select_n3A : i32
      %convert_element_type3A_163 = arith.extui %lt3A_162 : i1 to i32
      %cond3A_164 = arith.constant 0 : i32
      %cond3A_165 = arith.cmpi ne, %convert_element_type3A_163, %cond3A_164 : i32
      scf.if %cond3A_165 {
        %add3A_232 = arith.constant 2 : i32
        %add3A_233 = arith.addi %add3A_154, %add3A_232 : i32
        %mul3A_234 = arith.constant 80 : i32
        %mul3A_235 = arith.muli %add3A_233, %mul3A_234 : i32
        %add3A_236 = arith.addi %mul3A_51, %mul3A_235 : i32
        %dma_start3A_237 = tpu.memref_slice %arg2[%add3A_236] : memref<322560xi32, #tpu.memory_space<hbm>> -> memref<80xi32, #tpu.memory_space<hbm>>
        %dma_start3A_238 = tpu.memref_slice %arg2[%add3A_236] : memref<322560xi32, #tpu.memory_space<hbm>> -> memref<80xi32, #tpu.memory_space<hbm>>
        tpu.enqueue_dma source(%dma_start3A_238 : memref<80xi32, #tpu.memory_space<hbm>>) target(%arg10 : memref<80xi32, #tpu.memory_space<vmem>>) target_semaphore(%arg42 : memref<!tpu.dma_semaphore, #tpu.memory_space<semaphore_mem>>)
        %dma_start3A_239 = tpu.memref_slice %arg3[%add3A_236] : memref<322560xi32, #tpu.memory_space<hbm>> -> memref<80xi32, #tpu.memory_space<hbm>>
        %dma_start3A_240 = tpu.memref_slice %arg3[%add3A_236] : memref<322560xi32, #tpu.memory_space<hbm>> -> memref<80xi32, #tpu.memory_space<hbm>>
        tpu.enqueue_dma source(%dma_start3A_240 : memref<80xi32, #tpu.memory_space<hbm>>) target(%arg14 : memref<80xi32, #tpu.memory_space<vmem>>) target_semaphore(%arg42 : memref<!tpu.dma_semaphore, #tpu.memory_space<semaphore_mem>>)
        %dma_start3A_241 = tpu.memref_slice %arg4[%add3A_236] : memref<322560xi32, #tpu.memory_space<hbm>> -> memref<80xi32, #tpu.memory_space<hbm>>
        %dma_start3A_242 = tpu.memref_slice %arg4[%add3A_236] : memref<322560xi32, #tpu.memory_space<hbm>> -> memref<80xi32, #tpu.memory_space<hbm>>
        tpu.enqueue_dma source(%dma_start3A_242 : memref<80xi32, #tpu.memory_space<hbm>>) target(%arg18 : memref<80xi32, #tpu.memory_space<vmem>>) target_semaphore(%arg42 : memref<!tpu.dma_semaphore, #tpu.memory_space<semaphore_mem>>)
      } else {
      }
      %add3A_166 = arith.constant 1 : i32
      %add3A_167 = arith.addi %add3A_154, %add3A_166 : i32
      %lt3A_168 = arith.cmpi slt, %add3A_167, %select_n3A : i32
      %convert_element_type3A_169 = arith.extui %lt3A_168 : i1 to i32
      %cond3A_170 = arith.constant 0 : i32
      %cond3A_171 = arith.cmpi ne, %convert_element_type3A_169, %cond3A_170 : i32
      scf.if %cond3A_171 {
        %add3A_232 = arith.constant 1 : i32
        %add3A_233 = arith.addi %add3A_154, %add3A_232 : i32
        %mul3A_234 = arith.constant 80 : i32
        %mul3A_235 = arith.muli %add3A_233, %mul3A_234 : i32
        %add3A_236 = arith.addi %mul3A_51, %mul3A_235 : i32
        %dma_wait3A_237 = tpu.memref_slice %arg2[%add3A_236] : memref<322560xi32, #tpu.memory_space<hbm>> -> memref<80xi32, #tpu.memory_space<hbm>>
        %dma_wait3A_238 = tpu.memref_slice %arg2[%add3A_236] : memref<322560xi32, #tpu.memory_space<hbm>> -> memref<80xi32, #tpu.memory_space<hbm>>
        tpu.wait_dma2 semaphore(%arg41 : memref<!tpu.dma_semaphore, #tpu.memory_space<semaphore_mem>>) src(%dma_wait3A_238 : memref<80xi32, #tpu.memory_space<hbm>>) dst(%arg9 : memref<80xi32, #tpu.memory_space<vmem>>)
        %dma_wait3A_239 = tpu.memref_slice %arg3[%add3A_236] : memref<322560xi32, #tpu.memory_space<hbm>> -> memref<80xi32, #tpu.memory_space<hbm>>
        %dma_wait3A_240 = tpu.memref_slice %arg3[%add3A_236] : memref<322560xi32, #tpu.memory_space<hbm>> -> memref<80xi32, #tpu.memory_space<hbm>>
        tpu.wait_dma2 semaphore(%arg41 : memref<!tpu.dma_semaphore, #tpu.memory_space<semaphore_mem>>) src(%dma_wait3A_240 : memref<80xi32, #tpu.memory_space<hbm>>) dst(%arg13 : memref<80xi32, #tpu.memory_space<vmem>>)
        %dma_wait3A_241 = tpu.memref_slice %arg4[%add3A_236] : memref<322560xi32, #tpu.memory_space<hbm>> -> memref<80xi32, #tpu.memory_space<hbm>>
        %dma_wait3A_242 = tpu.memref_slice %arg4[%add3A_236] : memref<322560xi32, #tpu.memory_space<hbm>> -> memref<80xi32, #tpu.memory_space<hbm>>
        tpu.wait_dma2 semaphore(%arg41 : memref<!tpu.dma_semaphore, #tpu.memory_space<semaphore_mem>>) src(%dma_wait3A_242 : memref<80xi32, #tpu.memory_space<hbm>>) dst(%arg17 : memref<80xi32, #tpu.memory_space<vmem>>)
        %scan3A_243 = arith.constant 0 : i32
        %scan3A_244 = arith.constant 0 : i32
        %scan3A_245 = arith.constant 5 : i32
        %scan3A_246 = arith.addi %scan3A_244, %scan3A_245 : i32
        %scan3A_247 = arith.constant 1 : i32
        scf.for %scan3A_252 = %scan3A_244 to %scan3A_246 step %scan3A_247  : i32 {
          %mul3A_253 = arith.constant 16 : i32
          %mul3A_254 = arith.muli %scan3A_252, %mul3A_253 : i32
          %get3A = arith.index_cast %mul3A_254 : i32 to index
          %get3A_255 = tpu.vector_load %arg9[%get3A] {strides = array<i32>} : memref<80xi32, #tpu.memory_space<vmem>>, vector<16xi32>,
          %mul3A_256 = arith.constant 16 : i32
          %mul3A_257 = arith.muli %scan3A_252, %mul3A_256 : i32
          %get3A_258 = arith.index_cast %mul3A_257 : i32 to index
          %get3A_259 = tpu.vector_load %arg17[%get3A_258] {strides = array<i32>} : memref<80xi32, #tpu.memory_space<vmem>>, vector<16xi32>,
          %mul3A_260 = arith.constant 16 : i32
          %mul3A_261 = vector.broadcast %mul3A_260 : i32 to vector<16xi32>
          %mul3A_262 = arith.muli %get3A_255, %mul3A_261 : vector<16xi32>
          %add3A_263 = arith.addi %mul3A_262, %get3A_259 : vector<16xi32>
          %mul3A_264 = arith.constant 16 : i32
          %mul3A_265 = arith.muli %scan3A_252, %mul3A_264 : i32
          %swap3A = arith.index_cast %mul3A_265 : i32 to index
          %swap3A_266 = tpu.vector_load %arg9[%swap3A] {strides = array<i32>} : memref<80xi32, #tpu.memory_space<vmem>>, vector<16xi32>,
          tpu.vector_store %arg9[%swap3A], %add3A_263 {strides = array<i32>} : memref<80xi32, #tpu.memory_space<vmem>>, vector<16xi32>,
        }
        %scan3A_248 = arith.constant 5 : i32
        %dma_start3A_249 = arith.constant 0 : i32
        %dma_start3A_250 = arith.constant 0 : i32
        %dma_start3A_251 = tpu.memref_slice %arg5[%dma_start3A_249, %dma_start3A_250] : memref<160000x128xf32, #tpu.memory_space<hbm>> -> memref<160000x128xf32, #tpu.memory_space<hbm>>
        tpu.enqueue_indirect_dma source(%dma_start3A_251 : memref<160000x128xf32, #tpu.memory_space<hbm>>) target(%arg21 : memref<80x128xf32, #tpu.memory_space<vmem>>) offsets(%arg9 : memref<80xi32, #tpu.memory_space<vmem>>) semaphore(%arg29 : memref<!tpu.dma_semaphore, #tpu.memory_space<semaphore_mem>>)
      } else {
      }
      %dma_wait3A_172 = arith.constant 0 : i32
      %dma_wait3A_173 = arith.constant 0 : i32
      %dma_wait3A_174 = tpu.memref_slice %arg5[%dma_wait3A_172, %dma_wait3A_173] : memref<160000x128xf32, #tpu.memory_space<hbm>> -> memref<160000x128xf32, #tpu.memory_space<hbm>>
      tpu.wait_indirect_dma semaphore(%arg28 : memref<!tpu.dma_semaphore, #tpu.memory_space<semaphore_mem>>) src(%dma_wait3A_174 : memref<160000x128xf32, #tpu.memory_space<hbm>>) dst(%arg20 : memref<80x128xf32, #tpu.memory_space<vmem>>)
      %dma_start3A_175 = arith.constant 0 : i32
      %dma_start3A_176 = arith.constant 0 : i32
      %dma_start3A_177 = tpu.memref_slice %arg25[%dma_start3A_175, %dma_start3A_176] : memref<10240x128xf32, #tpu.memory_space<vmem_shared>> -> memref<10240x128xf32, #tpu.memory_space<vmem_shared>>
      tpu.enqueue_indirect_dma source(%arg20 : memref<80x128xf32, #tpu.memory_space<vmem>>) target(%dma_start3A_177 : memref<10240x128xf32, #tpu.memory_space<vmem_shared>>) offsets(%arg12 : memref<80xi32, #tpu.memory_space<vmem>>) semaphore(%arg32 : memref<!tpu.dma_semaphore, #tpu.memory_space<semaphore_mem>>) {add = true}
      %mul3A_178 = arith.constant 4 : i32
      %mul3A_179 = arith.muli %while3A_124, %mul3A_178 : i32
      %add3A_180 = arith.constant 2 : i32
      %add3A_181 = arith.addi %mul3A_179, %add3A_180 : i32
      %ge3A_182 = arith.constant 2 : i32
      %ge3A_183 = arith.cmpi sge, %add3A_181, %ge3A_182 : i32
      %convert_element_type3A_184 = arith.extui %ge3A_183 : i1 to i32
      %cond3A_185 = arith.constant 0 : i32
      %cond3A_186 = arith.cmpi ne, %convert_element_type3A_184, %cond3A_185 : i32
      scf.if %cond3A_186 {
        %dma_wait3A_232 = arith.constant 0 : i32
        %dma_wait3A_233 = arith.constant 0 : i32
        %dma_wait3A_234 = tpu.memref_slice %arg25[%dma_wait3A_232, %dma_wait3A_233] : memref<10240x128xf32, #tpu.memory_space<vmem_shared>> -> memref<10240x128xf32, #tpu.memory_space<vmem_shared>>
        tpu.wait_indirect_dma semaphore(%arg31 : memref<!tpu.dma_semaphore, #tpu.memory_space<semaphore_mem>>) src(%arg19 : memref<80x128xf32, #tpu.memory_space<vmem>>) dst(%dma_wait3A_234 : memref<10240x128xf32, #tpu.memory_space<vmem_shared>>)
      } else {
      }
      %add3A_187 = arith.constant 2 : i32
      %add3A_188 = arith.addi %add3A_181, %add3A_187 : i32
      %lt3A_189 = arith.cmpi slt, %add3A_188, %select_n3A : i32
      %convert_element_type3A_190 = arith.extui %lt3A_189 : i1 to i32
      %cond3A_191 = arith.constant 0 : i32
      %cond3A_192 = arith.cmpi ne, %convert_element_type3A_190, %cond3A_191 : i32
      scf.if %cond3A_192 {
        %add3A_232 = arith.constant 2 : i32
        %add3A_233 = arith.addi %add3A_181, %add3A_232 : i32
        %mul3A_234 = arith.constant 80 : i32
        %mul3A_235 = arith.muli %add3A_233, %mul3A_234 : i32
        %add3A_236 = arith.addi %mul3A_51, %mul3A_235 : i32
        %dma_start3A_237 = tpu.memref_slice %arg2[%add3A_236] : memref<322560xi32, #tpu.memory_space<hbm>> -> memref<80xi32, #tpu.memory_space<hbm>>
        %dma_start3A_238 = tpu.memref_slice %arg2[%add3A_236] : memref<322560xi32, #tpu.memory_space<hbm>> -> memref<80xi32, #tpu.memory_space<hbm>>
        tpu.enqueue_dma source(%dma_start3A_238 : memref<80xi32, #tpu.memory_space<hbm>>) target(%arg7 : memref<80xi32, #tpu.memory_space<vmem>>) target_semaphore(%arg39 : memref<!tpu.dma_semaphore, #tpu.memory_space<semaphore_mem>>)
        %dma_start3A_239 = tpu.memref_slice %arg3[%add3A_236] : memref<322560xi32, #tpu.memory_space<hbm>> -> memref<80xi32, #tpu.memory_space<hbm>>
        %dma_start3A_240 = tpu.memref_slice %arg3[%add3A_236] : memref<322560xi32, #tpu.memory_space<hbm>> -> memref<80xi32, #tpu.memory_space<hbm>>
        tpu.enqueue_dma source(%dma_start3A_240 : memref<80xi32, #tpu.memory_space<hbm>>) target(%arg11 : memref<80xi32, #tpu.memory_space<vmem>>) target_semaphore(%arg39 : memref<!tpu.dma_semaphore, #tpu.memory_space<semaphore_mem>>)
        %dma_start3A_241 = tpu.memref_slice %arg4[%add3A_236] : memref<322560xi32, #tpu.memory_space<hbm>> -> memref<80xi32, #tpu.memory_space<hbm>>
        %dma_start3A_242 = tpu.memref_slice %arg4[%add3A_236] : memref<322560xi32, #tpu.memory_space<hbm>> -> memref<80xi32, #tpu.memory_space<hbm>>
        tpu.enqueue_dma source(%dma_start3A_242 : memref<80xi32, #tpu.memory_space<hbm>>) target(%arg15 : memref<80xi32, #tpu.memory_space<vmem>>) target_semaphore(%arg39 : memref<!tpu.dma_semaphore, #tpu.memory_space<semaphore_mem>>)
      } else {
      }
      %add3A_193 = arith.constant 1 : i32
      %add3A_194 = arith.addi %add3A_181, %add3A_193 : i32
      %lt3A_195 = arith.cmpi slt, %add3A_194, %select_n3A : i32
      %convert_element_type3A_196 = arith.extui %lt3A_195 : i1 to i32
      %cond3A_197 = arith.constant 0 : i32
      %cond3A_198 = arith.cmpi ne, %convert_element_type3A_196, %cond3A_197 : i32
      scf.if %cond3A_198 {
        %add3A_232 = arith.constant 1 : i32
        %add3A_233 = arith.addi %add3A_181, %add3A_232 : i32
        %mul3A_234 = arith.constant 80 : i32
        %mul3A_235 = arith.muli %add3A_233, %mul3A_234 : i32
        %add3A_236 = arith.addi %mul3A_51, %mul3A_235 : i32
        %dma_wait3A_237 = tpu.memref_slice %arg2[%add3A_236] : memref<322560xi32, #tpu.memory_space<hbm>> -> memref<80xi32, #tpu.memory_space<hbm>>
        %dma_wait3A_238 = tpu.memref_slice %arg2[%add3A_236] : memref<322560xi32, #tpu.memory_space<hbm>> -> memref<80xi32, #tpu.memory_space<hbm>>
        tpu.wait_dma2 semaphore(%arg42 : memref<!tpu.dma_semaphore, #tpu.memory_space<semaphore_mem>>) src(%dma_wait3A_238 : memref<80xi32, #tpu.memory_space<hbm>>) dst(%arg10 : memref<80xi32, #tpu.memory_space<vmem>>)
        %dma_wait3A_239 = tpu.memref_slice %arg3[%add3A_236] : memref<322560xi32, #tpu.memory_space<hbm>> -> memref<80xi32, #tpu.memory_space<hbm>>
        %dma_wait3A_240 = tpu.memref_slice %arg3[%add3A_236] : memref<322560xi32, #tpu.memory_space<hbm>> -> memref<80xi32, #tpu.memory_space<hbm>>
        tpu.wait_dma2 semaphore(%arg42 : memref<!tpu.dma_semaphore, #tpu.memory_space<semaphore_mem>>) src(%dma_wait3A_240 : memref<80xi32, #tpu.memory_space<hbm>>) dst(%arg14 : memref<80xi32, #tpu.memory_space<vmem>>)
        %dma_wait3A_241 = tpu.memref_slice %arg4[%add3A_236] : memref<322560xi32, #tpu.memory_space<hbm>> -> memref<80xi32, #tpu.memory_space<hbm>>
        %dma_wait3A_242 = tpu.memref_slice %arg4[%add3A_236] : memref<322560xi32, #tpu.memory_space<hbm>> -> memref<80xi32, #tpu.memory_space<hbm>>
        tpu.wait_dma2 semaphore(%arg42 : memref<!tpu.dma_semaphore, #tpu.memory_space<semaphore_mem>>) src(%dma_wait3A_242 : memref<80xi32, #tpu.memory_space<hbm>>) dst(%arg18 : memref<80xi32, #tpu.memory_space<vmem>>)
        %scan3A_243 = arith.constant 0 : i32
        %scan3A_244 = arith.constant 0 : i32
        %scan3A_245 = arith.constant 5 : i32
        %scan3A_246 = arith.addi %scan3A_244, %scan3A_245 : i32
        %scan3A_247 = arith.constant 1 : i32
        scf.for %scan3A_252 = %scan3A_244 to %scan3A_246 step %scan3A_247  : i32 {
          %mul3A_253 = arith.constant 16 : i32
          %mul3A_254 = arith.muli %scan3A_252, %mul3A_253 : i32
          %get3A = arith.index_cast %mul3A_254 : i32 to index
          %get3A_255 = tpu.vector_load %arg10[%get3A] {strides = array<i32>} : memref<80xi32, #tpu.memory_space<vmem>>, vector<16xi32>,
          %mul3A_256 = arith.constant 16 : i32
          %mul3A_257 = arith.muli %scan3A_252, %mul3A_256 : i32
          %get3A_258 = arith.index_cast %mul3A_257 : i32 to index
          %get3A_259 = tpu.vector_load %arg18[%get3A_258] {strides = array<i32>} : memref<80xi32, #tpu.memory_space<vmem>>, vector<16xi32>,
          %mul3A_260 = arith.constant 16 : i32
          %mul3A_261 = vector.broadcast %mul3A_260 : i32 to vector<16xi32>
          %mul3A_262 = arith.muli %get3A_255, %mul3A_261 : vector<16xi32>
          %add3A_263 = arith.addi %mul3A_262, %get3A_259 : vector<16xi32>
          %mul3A_264 = arith.constant 16 : i32
          %mul3A_265 = arith.muli %scan3A_252, %mul3A_264 : i32
          %swap3A = arith.index_cast %mul3A_265 : i32 to index
          %swap3A_266 = tpu.vector_load %arg10[%swap3A] {strides = array<i32>} : memref<80xi32, #tpu.memory_space<vmem>>, vector<16xi32>,
          tpu.vector_store %arg10[%swap3A], %add3A_263 {strides = array<i32>} : memref<80xi32, #tpu.memory_space<vmem>>, vector<16xi32>,
        }
        %scan3A_248 = arith.constant 5 : i32
        %dma_start3A_249 = arith.constant 0 : i32
        %dma_start3A_250 = arith.constant 0 : i32
        %dma_start3A_251 = tpu.memref_slice %arg5[%dma_start3A_249, %dma_start3A_250] : memref<160000x128xf32, #tpu.memory_space<hbm>> -> memref<160000x128xf32, #tpu.memory_space<hbm>>
        tpu.enqueue_indirect_dma source(%dma_start3A_251 : memref<160000x128xf32, #tpu.memory_space<hbm>>) target(%arg22 : memref<80x128xf32, #tpu.memory_space<vmem>>) offsets(%arg10 : memref<80xi32, #tpu.memory_space<vmem>>) semaphore(%arg30 : memref<!tpu.dma_semaphore, #tpu.memory_space<semaphore_mem>>)
      } else {
      }
      %dma_wait3A_199 = arith.constant 0 : i32
      %dma_wait3A_200 = arith.constant 0 : i32
      %dma_wait3A_201 = tpu.memref_slice %arg5[%dma_wait3A_199, %dma_wait3A_200] : memref<160000x128xf32, #tpu.memory_space<hbm>> -> memref<160000x128xf32, #tpu.memory_space<hbm>>
      tpu.wait_indirect_dma semaphore(%arg29 : memref<!tpu.dma_semaphore, #tpu.memory_space<semaphore_mem>>) src(%dma_wait3A_201 : memref<160000x128xf32, #tpu.memory_space<hbm>>) dst(%arg21 : memref<80x128xf32, #tpu.memory_space<vmem>>)
      %dma_start3A_202 = arith.constant 0 : i32
      %dma_start3A_203 = arith.constant 0 : i32
      %dma_start3A_204 = tpu.memref_slice %arg25[%dma_start3A_202, %dma_start3A_203] : memref<10240x128xf32, #tpu.memory_space<vmem_shared>> -> memref<10240x128xf32, #tpu.memory_space<vmem_shared>>
      tpu.enqueue_indirect_dma source(%arg21 : memref<80x128xf32, #tpu.memory_space<vmem>>) target(%dma_start3A_204 : memref<10240x128xf32, #tpu.memory_space<vmem_shared>>) offsets(%arg13 : memref<80xi32, #tpu.memory_space<vmem>>) semaphore(%arg33 : memref<!tpu.dma_semaphore, #tpu.memory_space<semaphore_mem>>) {add = true}
      %mul3A_205 = arith.constant 4 : i32
      %mul3A_206 = arith.muli %while3A_124, %mul3A_205 : i32
      %add3A_207 = arith.constant 3 : i32
      %add3A_208 = arith.addi %mul3A_206, %add3A_207 : i32
      %ge3A_209 = arith.constant 2 : i32
      %ge3A_210 = arith.cmpi sge, %add3A_208, %ge3A_209 : i32
      %convert_element_type3A_211 = arith.extui %ge3A_210 : i1 to i32
      %cond3A_212 = arith.constant 0 : i32
      %cond3A_213 = arith.cmpi ne, %convert_element_type3A_211, %cond3A_212 : i32
      scf.if %cond3A_213 {
        %dma_wait3A_232 = arith.constant 0 : i32
        %dma_wait3A_233 = arith.constant 0 : i32
        %dma_wait3A_234 = tpu.memref_slice %arg25[%dma_wait3A_232, %dma_wait3A_233] : memref<10240x128xf32, #tpu.memory_space<vmem_shared>> -> memref<10240x128xf32, #tpu.memory_space<vmem_shared>>
        tpu.wait_indirect_dma semaphore(%arg32 : memref<!tpu.dma_semaphore, #tpu.memory_space<semaphore_mem>>) src(%arg20 : memref<80x128xf32, #tpu.memory_space<vmem>>) dst(%dma_wait3A_234 : memref<10240x128xf32, #tpu.memory_space<vmem_shared>>)
      } else {
      }
      %add3A_214 = arith.constant 2 : i32
      %add3A_215 = arith.addi %add3A_208, %add3A_214 : i32
      %lt3A_216 = arith.cmpi slt, %add3A_215, %select_n3A : i32
      %convert_element_type3A_217 = arith.extui %lt3A_216 : i1 to i32
      %cond3A_218 = arith.constant 0 : i32
      %cond3A_219 = arith.cmpi ne, %convert_element_type3A_217, %cond3A_218 : i32
      scf.if %cond3A_219 {
        %add3A_232 = arith.constant 2 : i32
        %add3A_233 = arith.addi %add3A_208, %add3A_232 : i32
        %mul3A_234 = arith.constant 80 : i32
        %mul3A_235 = arith.muli %add3A_233, %mul3A_234 : i32
        %add3A_236 = arith.addi %mul3A_51, %mul3A_235 : i32
        %dma_start3A_237 = tpu.memref_slice %arg2[%add3A_236] : memref<322560xi32, #tpu.memory_space<hbm>> -> memref<80xi32, #tpu.memory_space<hbm>>
        %dma_start3A_238 = tpu.memref_slice %arg2[%add3A_236] : memref<322560xi32, #tpu.memory_space<hbm>> -> memref<80xi32, #tpu.memory_space<hbm>>
        tpu.enqueue_dma source(%dma_start3A_238 : memref<80xi32, #tpu.memory_space<hbm>>) target(%arg8 : memref<80xi32, #tpu.memory_space<vmem>>) target_semaphore(%arg40 : memref<!tpu.dma_semaphore, #tpu.memory_space<semaphore_mem>>)
        %dma_start3A_239 = tpu.memref_slice %arg3[%add3A_236] : memref<322560xi32, #tpu.memory_space<hbm>> -> memref<80xi32, #tpu.memory_space<hbm>>
        %dma_start3A_240 = tpu.memref_slice %arg3[%add3A_236] : memref<322560xi32, #tpu.memory_space<hbm>> -> memref<80xi32, #tpu.memory_space<hbm>>
        tpu.enqueue_dma source(%dma_start3A_240 : memref<80xi32, #tpu.memory_space<hbm>>) target(%arg12 : memref<80xi32, #tpu.memory_space<vmem>>) target_semaphore(%arg40 : memref<!tpu.dma_semaphore, #tpu.memory_space<semaphore_mem>>)
        %dma_start3A_241 = tpu.memref_slice %arg4[%add3A_236] : memref<322560xi32, #tpu.memory_space<hbm>> -> memref<80xi32, #tpu.memory_space<hbm>>
        %dma_start3A_242 = tpu.memref_slice %arg4[%add3A_236] : memref<322560xi32, #tpu.memory_space<hbm>> -> memref<80xi32, #tpu.memory_space<hbm>>
        tpu.enqueue_dma source(%dma_start3A_242 : memref<80xi32, #tpu.memory_space<hbm>>) target(%arg16 : memref<80xi32, #tpu.memory_space<vmem>>) target_semaphore(%arg40 : memref<!tpu.dma_semaphore, #tpu.memory_space<semaphore_mem>>)
      } else {
      }
      %add3A_220 = arith.constant 1 : i32
      %add3A_221 = arith.addi %add3A_208, %add3A_220 : i32
      %lt3A_222 = arith.cmpi slt, %add3A_221, %select_n3A : i32
      %convert_element_type3A_223 = arith.extui %lt3A_222 : i1 to i32
      %cond3A_224 = arith.constant 0 : i32
      %cond3A_225 = arith.cmpi ne, %convert_element_type3A_223, %cond3A_224 : i32
      scf.if %cond3A_225 {
        %add3A_232 = arith.constant 1 : i32
        %add3A_233 = arith.addi %add3A_208, %add3A_232 : i32
        %mul3A_234 = arith.constant 80 : i32
        %mul3A_235 = arith.muli %add3A_233, %mul3A_234 : i32
        %add3A_236 = arith.addi %mul3A_51, %mul3A_235 : i32
        %dma_wait3A_237 = tpu.memref_slice %arg2[%add3A_236] : memref<322560xi32, #tpu.memory_space<hbm>> -> memref<80xi32, #tpu.memory_space<hbm>>
        %dma_wait3A_238 = tpu.memref_slice %arg2[%add3A_236] : memref<322560xi32, #tpu.memory_space<hbm>> -> memref<80xi32, #tpu.memory_space<hbm>>
        tpu.wait_dma2 semaphore(%arg39 : memref<!tpu.dma_semaphore, #tpu.memory_space<semaphore_mem>>) src(%dma_wait3A_238 : memref<80xi32, #tpu.memory_space<hbm>>) dst(%arg7 : memref<80xi32, #tpu.memory_space<vmem>>)
        %dma_wait3A_239 = tpu.memref_slice %arg3[%add3A_236] : memref<322560xi32, #tpu.memory_space<hbm>> -> memref<80xi32, #tpu.memory_space<hbm>>
        %dma_wait3A_240 = tpu.memref_slice %arg3[%add3A_236] : memref<322560xi32, #tpu.memory_space<hbm>> -> memref<80xi32, #tpu.memory_space<hbm>>
        tpu.wait_dma2 semaphore(%arg39 : memref<!tpu.dma_semaphore, #tpu.memory_space<semaphore_mem>>) src(%dma_wait3A_240 : memref<80xi32, #tpu.memory_space<hbm>>) dst(%arg11 : memref<80xi32, #tpu.memory_space<vmem>>)
        %dma_wait3A_241 = tpu.memref_slice %arg4[%add3A_236] : memref<322560xi32, #tpu.memory_space<hbm>> -> memref<80xi32, #tpu.memory_space<hbm>>
        %dma_wait3A_242 = tpu.memref_slice %arg4[%add3A_236] : memref<322560xi32, #tpu.memory_space<hbm>> -> memref<80xi32, #tpu.memory_space<hbm>>
        tpu.wait_dma2 semaphore(%arg39 : memref<!tpu.dma_semaphore, #tpu.memory_space<semaphore_mem>>) src(%dma_wait3A_242 : memref<80xi32, #tpu.memory_space<hbm>>) dst(%arg15 : memref<80xi32, #tpu.memory_space<vmem>>)
        %scan3A_243 = arith.constant 0 : i32
        %scan3A_244 = arith.constant 0 : i32
        %scan3A_245 = arith.constant 5 : i32
        %scan3A_246 = arith.addi %scan3A_244, %scan3A_245 : i32
        %scan3A_247 = arith.constant 1 : i32
        scf.for %scan3A_252 = %scan3A_244 to %scan3A_246 step %scan3A_247  : i32 {
          %mul3A_253 = arith.constant 16 : i32
          %mul3A_254 = arith.muli %scan3A_252, %mul3A_253 : i32
          %get3A = arith.index_cast %mul3A_254 : i32 to index
          %get3A_255 = tpu.vector_load %arg7[%get3A] {strides = array<i32>} : memref<80xi32, #tpu.memory_space<vmem>>, vector<16xi32>,
          %mul3A_256 = arith.constant 16 : i32
          %mul3A_257 = arith.muli %scan3A_252, %mul3A_256 : i32
          %get3A_258 = arith.index_cast %mul3A_257 : i32 to index
          %get3A_259 = tpu.vector_load %arg15[%get3A_258] {strides = array<i32>} : memref<80xi32, #tpu.memory_space<vmem>>, vector<16xi32>,
          %mul3A_260 = arith.constant 16 : i32
          %mul3A_261 = vector.broadcast %mul3A_260 : i32 to vector<16xi32>
          %mul3A_262 = arith.muli %get3A_255, %mul3A_261 : vector<16xi32>
          %add3A_263 = arith.addi %mul3A_262, %get3A_259 : vector<16xi32>
          %mul3A_264 = arith.constant 16 : i32
          %mul3A_265 = arith.muli %scan3A_252, %mul3A_264 : i32
          %swap3A = arith.index_cast %mul3A_265 : i32 to index
          %swap3A_266 = tpu.vector_load %arg7[%swap3A] {strides = array<i32>} : memref<80xi32, #tpu.memory_space<vmem>>, vector<16xi32>,
          tpu.vector_store %arg7[%swap3A], %add3A_263 {strides = array<i32>} : memref<80xi32, #tpu.memory_space<vmem>>, vector<16xi32>,
        }
        %scan3A_248 = arith.constant 5 : i32
        %dma_start3A_249 = arith.constant 0 : i32
        %dma_start3A_250 = arith.constant 0 : i32
        %dma_start3A_251 = tpu.memref_slice %arg5[%dma_start3A_249, %dma_start3A_250] : memref<160000x128xf32, #tpu.memory_space<hbm>> -> memref<160000x128xf32, #tpu.memory_space<hbm>>
        tpu.enqueue_indirect_dma source(%dma_start3A_251 : memref<160000x128xf32, #tpu.memory_space<hbm>>) target(%arg19 : memref<80x128xf32, #tpu.memory_space<vmem>>) offsets(%arg7 : memref<80xi32, #tpu.memory_space<vmem>>) semaphore(%arg27 : memref<!tpu.dma_semaphore, #tpu.memory_space<semaphore_mem>>)
      } else {
      }
      %dma_wait3A_226 = arith.constant 0 : i32
      %dma_wait3A_227 = arith.constant 0 : i32
      %dma_wait3A_228 = tpu.memref_slice %arg5[%dma_wait3A_226, %dma_wait3A_227] : memref<160000x128xf32, #tpu.memory_space<hbm>> -> memref<160000x128xf32, #tpu.memory_space<hbm>>
      tpu.wait_indirect_dma semaphore(%arg30 : memref<!tpu.dma_semaphore, #tpu.memory_space<semaphore_mem>>) src(%dma_wait3A_228 : memref<160000x128xf32, #tpu.memory_space<hbm>>) dst(%arg22 : memref<80x128xf32, #tpu.memory_space<vmem>>)
      %dma_start3A_229 = arith.constant 0 : i32
      %dma_start3A_230 = arith.constant 0 : i32
      %dma_start3A_231 = tpu.memref_slice %arg25[%dma_start3A_229, %dma_start3A_230] : memref<10240x128xf32, #tpu.memory_space<vmem_shared>> -> memref<10240x128xf32, #tpu.memory_space<vmem_shared>>
      tpu.enqueue_indirect_dma source(%arg22 : memref<80x128xf32, #tpu.memory_space<vmem>>) target(%dma_start3A_231 : memref<10240x128xf32, #tpu.memory_space<vmem_shared>>) offsets(%arg14 : memref<80xi32, #tpu.memory_space<vmem>>) semaphore(%arg34 : memref<!tpu.dma_semaphore, #tpu.memory_space<semaphore_mem>>) {add = true}
    }
    %dma_wait3A_110 = arith.constant 0 : i32
    %dma_wait3A_111 = arith.constant 0 : i32
    %dma_wait3A_112 = tpu.memref_slice %arg25[%dma_wait3A_110, %dma_wait3A_111] : memref<10240x128xf32, #tpu.memory_space<vmem_shared>> -> memref<10240x128xf32, #tpu.memory_space<vmem_shared>>
    tpu.wait_indirect_dma semaphore(%arg33 : memref<!tpu.dma_semaphore, #tpu.memory_space<semaphore_mem>>) src(%arg21 : memref<80x128xf32, #tpu.memory_space<vmem>>) dst(%dma_wait3A_112 : memref<10240x128xf32, #tpu.memory_space<vmem_shared>>)
    %dma_wait3A_113 = arith.constant 0 : i32
    %dma_wait3A_114 = arith.constant 0 : i32
    %dma_wait3A_115 = tpu.memref_slice %arg25[%dma_wait3A_113, %dma_wait3A_114] : memref<10240x128xf32, #tpu.memory_space<vmem_shared>> -> memref<10240x128xf32, #tpu.memory_space<vmem_shared>>
    tpu.wait_indirect_dma semaphore(%arg34 : memref<!tpu.dma_semaphore, #tpu.memory_space<semaphore_mem>>) src(%arg22 : memref<80x128xf32, #tpu.memory_space<vmem>>) dst(%dma_wait3A_115 : memref<10240x128xf32, #tpu.memory_space<vmem_shared>>)
    %barrier3A_116 = arith.constant 0 : index
    tpu.barrier barrier_id(%barrier3A_116)
    %lt3A = arith.constant 15 : i32
    %lt3A_117 = arith.cmpi slt, %arg1, %lt3A : i32
    %convert_element_type3A = arith.extui %lt3A_117 : i1 to i32
    %cond3A = arith.constant 0 : i32
    %cond3A_118 = arith.cmpi ne, %convert_element_type3A, %cond3A : i32
    scf.if %cond3A_118 {
      %mul3A_124 = arith.constant 640 : i32
      %mul3A_125 = arith.muli %arg1, %mul3A_124 : i32
      %mul3A_126 = arith.constant 640 : i32
      %mul3A_127 = arith.muli %arg1, %mul3A_126 : i32
      "tpu.region"() ({
        %run_scoped3A = tpu.sem_alloc : memref<!tpu.dma_semaphore, #tpu.memory_space<semaphore_mem>>
        %dma_start3A_128 = arith.constant 0 : i32
        %dma_start3A_129 = arith.constant 0 : i32
        %dma_start3A_130 = tpu.memref_slice %arg6[%arg0, %dma_start3A_128, %dma_start3A_129] : memref<2x10000x128xf32, #tpu.memory_space<hbm>> -> memref<1x10000x128xf32, #tpu.memory_space<hbm>>
        %dma_start3A_131 = tpu.memref_squeeze %dma_start3A_130 : memref<1x10000x128xf32, #tpu.memory_space<hbm>> -> memref<10000x128xf32, #tpu.memory_space<hbm>>
        %dma_start3A_132 = arith.constant 0 : i32
        %dma_start3A_133 = tpu.memref_slice %dma_start3A_131[%mul3A_127, %dma_start3A_132] : memref<10000x128xf32, #tpu.memory_space<hbm>> -> memref<640x128xf32, #tpu.memory_space<hbm>>
        %dma_start3A_134 = arith.constant 0 : i32
        %dma_start3A_135 = tpu.memref_slice %arg25[%mul3A_125, %dma_start3A_134] : memref<10240x128xf32, #tpu.memory_space<vmem_shared>> -> memref<640x128xf32, #tpu.memory_space<vmem_shared>>
        tpu.enqueue_dma source(%dma_start3A_135 : memref<640x128xf32, #tpu.memory_space<vmem_shared>>) target(%dma_start3A_133 : memref<640x128xf32, #tpu.memory_space<hbm>>) target_semaphore(%run_scoped3A : memref<!tpu.dma_semaphore, #tpu.memory_space<semaphore_mem>>)
        %dma_wait3A_136 = arith.constant 0 : i32
        %dma_wait3A_137 = arith.constant 0 : i32
        %dma_wait3A_138 = tpu.memref_slice %arg6[%arg0, %dma_wait3A_136, %dma_wait3A_137] : memref<2x10000x128xf32, #tpu.memory_space<hbm>> -> memref<1x10000x128xf32, #tpu.memory_space<hbm>>
        %dma_wait3A_139 = tpu.memref_squeeze %dma_wait3A_138 : memref<1x10000x128xf32, #tpu.memory_space<hbm>> -> memref<10000x128xf32, #tpu.memory_space<hbm>>
        %dma_wait3A_140 = arith.constant 0 : i32
        %dma_wait3A_141 = tpu.memref_slice %dma_wait3A_139[%mul3A_127, %dma_wait3A_140] : memref<10000x128xf32, #tpu.memory_space<hbm>> -> memref<640x128xf32, #tpu.memory_space<hbm>>
        %dma_wait3A_142 = arith.constant 0 : i32
        %dma_wait3A_143 = tpu.memref_slice %arg25[%mul3A_125, %dma_wait3A_142] : memref<10240x128xf32, #tpu.memory_space<vmem_shared>> -> memref<640x128xf32, #tpu.memory_space<vmem_shared>>
        tpu.wait_dma2 semaphore(%run_scoped3A : memref<!tpu.dma_semaphore, #tpu.memory_space<semaphore_mem>>) src(%dma_wait3A_143 : memref<640x128xf32, #tpu.memory_space<vmem_shared>>) dst(%dma_wait3A_141 : memref<640x128xf32, #tpu.memory_space<hbm>>)
        tpu.yield
      }) : () -> ()
    } else {
    }
    %eq3A_119 = arith.constant 15 : i32
    %eq3A_120 = arith.cmpi eq, %arg1, %eq3A_119 : i32
    %convert_element_type3A_121 = arith.extui %eq3A_120 : i1 to i32
    %cond3A_122 = arith.constant 0 : i32
    %cond3A_123 = arith.cmpi ne, %convert_element_type3A_121, %cond3A_122 : i32
    scf.if %cond3A_123 {
      "tpu.region"() ({
        %run_scoped3A = tpu.sem_alloc : memref<!tpu.dma_semaphore, #tpu.memory_space<semaphore_mem>>
        %dma_start3A_124 = arith.constant 0 : i32
        %dma_start3A_125 = arith.constant 0 : i32
        %dma_start3A_126 = tpu.memref_slice %arg6[%arg0, %dma_start3A_124, %dma_start3A_125] : memref<2x10000x128xf32, #tpu.memory_space<hbm>> -> memref<1x10000x128xf32, #tpu.memory_space<hbm>>
        %dma_start3A_127 = tpu.memref_squeeze %dma_start3A_126 : memref<1x10000x128xf32, #tpu.memory_space<hbm>> -> memref<10000x128xf32, #tpu.memory_space<hbm>>
        %dma_start3A_128 = arith.constant 9600 : i32
        %dma_start3A_129 = arith.constant 0 : i32
        %dma_start3A_130 = tpu.memref_slice %dma_start3A_127[%dma_start3A_128, %dma_start3A_129] : memref<10000x128xf32, #tpu.memory_space<hbm>> -> memref<400x128xf32, #tpu.memory_space<hbm>>
        %dma_start3A_131 = arith.constant 9600 : i32
        %dma_start3A_132 = arith.constant 0 : i32
        %dma_start3A_133 = tpu.memref_slice %arg25[%dma_start3A_131, %dma_start3A_132] : memref<10240x128xf32, #tpu.memory_space<vmem_shared>> -> memref<400x128xf32, #tpu.memory_space<vmem_shared>>
        tpu.enqueue_dma source(%dma_start3A_133 : memref<400x128xf32, #tpu.memory_space<vmem_shared>>) target(%dma_start3A_130 : memref<400x128xf32, #tpu.memory_space<hbm>>) target_semaphore(%run_scoped3A : memref<!tpu.dma_semaphore, #tpu.memory_space<semaphore_mem>>)
        %dma_wait3A_134 = arith.constant 0 : i32
        %dma_wait3A_135 = arith.constant 0 : i32
        %dma_wait3A_136 = tpu.memref_slice %arg6[%arg0, %dma_wait3A_134, %dma_wait3A_135] : memref<2x10000x128xf32, #tpu.memory_space<hbm>> -> memref<1x10000x128xf32, #tpu.memory_space<hbm>>
        %dma_wait3A_137 = tpu.memref_squeeze %dma_wait3A_136 : memref<1x10000x128xf32, #tpu.memory_space<hbm>> -> memref<10000x128xf32, #tpu.memory_space<hbm>>
        %dma_wait3A_138 = arith.constant 9600 : i32
        %dma_wait3A_139 = arith.constant 0 : i32
        %dma_wait3A_140 = tpu.memref_slice %dma_wait3A_137[%dma_wait3A_138, %dma_wait3A_139] : memref<10000x128xf32, #tpu.memory_space<hbm>> -> memref<400x128xf32, #tpu.memory_space<hbm>>
        %dma_wait3A_141 = arith.constant 9600 : i32
        %dma_wait3A_142 = arith.constant 0 : i32
        %dma_wait3A_143 = tpu.memref_slice %arg25[%dma_wait3A_141, %dma_wait3A_142] : memref<10240x128xf32, #tpu.memory_space<vmem_shared>> -> memref<400x128xf32, #tpu.memory_space<vmem_shared>>
        tpu.wait_dma2 semaphore(%run_scoped3A : memref<!tpu.dma_semaphore, #tpu.memory_space<semaphore_mem>>) src(%dma_wait3A_143 : memref<400x128xf32, #tpu.memory_space<vmem_shared>>) dst(%dma_wait3A_140 : memref<400x128xf32, #tpu.memory_space<hbm>>)
        tpu.yield
      }) : () -> ()
    } else {
    }
    return
  }
}

module attributes {stable_mosaic.version = 14 : i64} {
  func.func @_scale_body(%arg0: i32, %arg1: memref<1000x128xf32, #tpu.memory_space<vmem>>, %arg2: memref<16x128xf32, #tpu.memory_space<vmem>>, %arg3: memref<1000x16x128xf32, #tpu.memory_space<vmem>>) attributes {dimension_semantics = [#tpu.dimension_semantics<arbitrary>], iteration_bounds = array<i64: 10>, scalar_prefetch = 0 : i64, scratch_operands = 0 : i64, tpu.core_type = #tpu.core_type<tc>, window_params = [{transform_indices = @transform_0, window_bounds = array<i64: 1000, 128>}, {pipeline_mode = #tpu.pipeline_mode<synchronous>, transform_indices = @transform_1, window_bounds = array<i64: 16, 128>}, {transform_indices = @transform_2, window_bounds = array<i64: 1000, 16, 128>}]} {
    %get3A = arith.constant 0 : index
    %get3A_0 = arith.constant 0 : index
    %get3A_1 = vector.load %arg1[%get3A, %get3A_0] : memref<1000x128xf32, #tpu.memory_space<vmem>>, vector<1000x128xf32>
    %broadcast_in_dim3A = vector.shape_cast %get3A_1 : vector<1000x128xf32> to vector<1000x1x128xf32>
    %get3A_2 = arith.constant 0 : index
    %get3A_3 = arith.constant 0 : index
    %get3A_4 = vector.load %arg2[%get3A_2, %get3A_3] : memref<16x128xf32, #tpu.memory_space<vmem>>, vector<16x128xf32>
    %broadcast_in_dim3A_5 = vector.shape_cast %get3A_4 : vector<16x128xf32> to vector<1x16x128xf32>
    %mul3A = vector.broadcast %broadcast_in_dim3A : vector<1000x1x128xf32> to vector<1000x16x128xf32>
    %mul3A_6 = vector.broadcast %broadcast_in_dim3A_5 : vector<1x16x128xf32> to vector<1000x16x128xf32>
    %mul3A_7 = arith.mulf %mul3A, %mul3A_6 : vector<1000x16x128xf32>
    %swap3A = arith.constant 0 : index
    %swap3A_8 = arith.constant 0 : index
    %swap3A_9 = arith.constant 0 : index
    %swap3A_10 = vector.load %arg3[%swap3A, %swap3A_8, %swap3A_9] : memref<1000x16x128xf32, #tpu.memory_space<vmem>>, vector<1000x16x128xf32>
    tpu.vector_store %arg3[%swap3A, %swap3A_8, %swap3A_9], %mul3A_7 {strides = array<i32>} : memref<1000x16x128xf32, #tpu.memory_space<vmem>>, vector<1000x16x128xf32>,
    return
  }
  func.func @transform_0(%arg0: i32) -> (i32, i32) {
    %c0_i32 = arith.constant 0 : i32
    %c0_i32_0 = arith.constant 0 : i32
    return %arg0, %c0_i32 : i32, i32
  }
  func.func @transform_1(%arg0: i32) -> (i32, i32) {
    %c0_i32 = arith.constant 0 : i32
    %c0_i32_0 = arith.constant 0 : i32
    %c0_i32_1 = arith.constant 0 : i32
    return %c0_i32, %c0_i32_0 : i32, i32
  }
  func.func @transform_2(%arg0: i32) -> (i32, i32, i32) {
    %c0_i32 = arith.constant 0 : i32
    %c0_i32_0 = arith.constant 0 : i32
    %c0_i32_1 = arith.constant 0 : i32
    return %arg0, %c0_i32, %c0_i32_0 : i32, i32, i32
  }
}

module attributes {stable_mosaic.version = 14 : i64} {
  func.func @_tc_body(%arg0: memref<10000x128xf32, #tpu.memory_space<vmem>>, %arg1: memref<2x10000x128xf32, #tpu.memory_space<vmem>>, %arg2: memref<2x10000x1xf32, #tpu.memory_space<vmem>>, %arg3: memref<128x128xf32, #tpu.memory_space<vmem>>, %arg4: memref<128x128xf32, #tpu.memory_space<vmem>>, %arg5: memref<1x128xf32, #tpu.memory_space<vmem>>, %arg6: memref<1x128xf32, #tpu.memory_space<vmem>>, %arg7: memref<1x128xf32, #tpu.memory_space<vmem>>, %arg8: memref<10000x128xf32, #tpu.memory_space<vmem>>) attributes {dimension_semantics = [], scalar_prefetch = 0 : i64, scratch_operands = 0 : i64, tpu.core_type = #tpu.core_type<tc>} {
    %get3A = arith.constant 0 : index
    %get3A_0 = arith.constant 0 : index
    %get3A_1 = vector.load %arg0[%get3A, %get3A_0] : memref<10000x128xf32, #tpu.memory_space<vmem>>, vector<10000x128xf32>
    %get3A_2 = arith.constant 0 : index
    %get3A_3 = arith.constant 0 : index
    %get3A_4 = arith.constant 0 : index
    %get3A_5 = vector.load %arg1[%get3A_2, %get3A_3, %get3A_4] : memref<2x10000x128xf32, #tpu.memory_space<vmem>>, vector<1x10000x128xf32>
    %get3A_6 = vector.shape_cast %get3A_5 : vector<1x10000x128xf32> to vector<10000x128xf32>
    %get3A_7 = arith.constant 1 : index
    %get3A_8 = arith.constant 0 : index
    %get3A_9 = arith.constant 0 : index
    %get3A_10 = vector.load %arg1[%get3A_7, %get3A_8, %get3A_9] : memref<2x10000x128xf32, #tpu.memory_space<vmem>>, vector<1x10000x128xf32>
    %get3A_11 = vector.shape_cast %get3A_10 : vector<1x10000x128xf32> to vector<10000x128xf32>
    %add3A = arith.addf %get3A_6, %get3A_11 : vector<10000x128xf32>
    %get3A_12 = arith.constant 0 : index
    %get3A_13 = arith.constant 0 : index
    %get3A_14 = arith.constant 0 : index
    %get3A_15 = vector.load %arg2[%get3A_12, %get3A_13, %get3A_14] : memref<2x10000x1xf32, #tpu.memory_space<vmem>>, vector<1x10000x1xf32>
    %get3A_16 = vector.shape_cast %get3A_15 : vector<1x10000x1xf32> to vector<10000x1xf32>
    %get3A_17 = arith.constant 1 : index
    %get3A_18 = arith.constant 0 : index
    %get3A_19 = arith.constant 0 : index
    %get3A_20 = vector.load %arg2[%get3A_17, %get3A_18, %get3A_19] : memref<2x10000x1xf32, #tpu.memory_space<vmem>>, vector<1x10000x1xf32>
    %get3A_21 = vector.shape_cast %get3A_20 : vector<1x10000x1xf32> to vector<10000x1xf32>
    %add3A_22 = arith.addf %get3A_16, %get3A_21 : vector<10000x1xf32>
    %max3A = arith.constant 1.000000e+00 : f32
    %max3A_23 = vector.broadcast %max3A : f32 to vector<10000x1xf32>
    %max3A_24 = arith.maximumf %add3A_22, %max3A_23 : vector<10000x1xf32>
    %div3A = arith.constant 1.000000e+00 : f32
    %div3A_25 = vector.broadcast %div3A : f32 to vector<10000x1xf32>
    %div3A_26 = arith.divf %div3A_25, %max3A_24 : vector<10000x1xf32>
    %mul3A = vector.broadcast %div3A_26 : vector<10000x1xf32> to vector<10000x128xf32>
    %mul3A_27 = arith.mulf %add3A, %mul3A : vector<10000x128xf32>
    %get3A_28 = arith.constant 0 : index
    %get3A_29 = arith.constant 0 : index
    %get3A_30 = vector.load %arg3[%get3A_28, %get3A_29] : memref<128x128xf32, #tpu.memory_space<vmem>>, vector<128x128xf32>
    %dot_general3A = arith.constant dense<0.000000e+00> : vector<10000x128xf32>
    %dot_general3A_31 = tpu.matmul %get3A_1, %get3A_30, %dot_general3A {dimension_numbers = #tpu.dot_dimension_numbers<[1], [0], [0], [1], [0, 0, 1, 1], [], []>, transpose_lhs_hint = false} : vector<10000x128xf32>, vector<128x128xf32>, vector<10000x128xf32> -> vector<10000x128xf32>
    %get3A_32 = arith.constant 0 : index
    %get3A_33 = arith.constant 0 : index
    %get3A_34 = vector.load %arg4[%get3A_32, %get3A_33] : memref<128x128xf32, #tpu.memory_space<vmem>>, vector<128x128xf32>
    %dot_general3A_35 = arith.constant dense<0.000000e+00> : vector<10000x128xf32>
    %dot_general3A_36 = tpu.matmul %mul3A_27, %get3A_34, %dot_general3A_35 {dimension_numbers = #tpu.dot_dimension_numbers<[1], [0], [0], [1], [0, 0, 1, 1], [], []>, transpose_lhs_hint = false} : vector<10000x128xf32>, vector<128x128xf32>, vector<10000x128xf32> -> vector<10000x128xf32>
    %add3A_37 = arith.addf %dot_general3A_31, %dot_general3A_36 : vector<10000x128xf32>
    %get3A_38 = arith.constant 0 : index
    %get3A_39 = arith.constant 0 : index
    %get3A_40 = vector.load %arg5[%get3A_38, %get3A_39] : memref<1x128xf32, #tpu.memory_space<vmem>>, vector<1x128xf32>
    %add3A_41 = vector.broadcast %get3A_40 : vector<1x128xf32> to vector<10000x128xf32>
    %add3A_42 = arith.addf %add3A_37, %add3A_41 : vector<10000x128xf32>
    %reduce_sum3A = arith.constant dense<0.000000e+00> : vector<128xf32>
    %reduce_sum3A_43 = vector.multi_reduction <add>, %add3A_42, %reduce_sum3A [0] : vector<10000x128xf32> to vector<128xf32>
    %broadcast_in_dim3A = vector.shape_cast %reduce_sum3A_43 : vector<128xf32> to vector<1x128xf32>
    %div3A_44 = arith.constant 1.000000e+04 : f32
    %div3A_45 = vector.broadcast %div3A_44 : f32 to vector<1x128xf32>
    %div3A_46 = arith.divf %broadcast_in_dim3A, %div3A_45 : vector<1x128xf32>
    %sub3A = vector.broadcast %div3A_46 : vector<1x128xf32> to vector<10000x128xf32>
    %sub3A_47 = arith.subf %add3A_42, %sub3A : vector<10000x128xf32>
    %mul3A_48 = arith.mulf %sub3A_47, %sub3A_47 : vector<10000x128xf32>
    %reduce_sum3A_49 = arith.constant dense<0.000000e+00> : vector<128xf32>
    %reduce_sum3A_50 = vector.multi_reduction <add>, %mul3A_48, %reduce_sum3A_49 [0] : vector<10000x128xf32> to vector<128xf32>
    %broadcast_in_dim3A_51 = vector.shape_cast %reduce_sum3A_50 : vector<128xf32> to vector<1x128xf32>
    %div3A_52 = arith.constant 1.000000e+04 : f32
    %div3A_53 = vector.broadcast %div3A_52 : f32 to vector<1x128xf32>
    %div3A_54 = arith.divf %broadcast_in_dim3A_51, %div3A_53 : vector<1x128xf32>
    %add3A_55 = arith.constant 9.99999974E-6 : f32
    %add3A_56 = vector.broadcast %add3A_55 : f32 to vector<1x128xf32>
    %add3A_57 = arith.addf %div3A_54, %add3A_56 : vector<1x128xf32>
    %rsqrt3A = math.rsqrt %add3A_57 : vector<1x128xf32>
    %mul3A_58 = vector.broadcast %rsqrt3A : vector<1x128xf32> to vector<10000x128xf32>
    %mul3A_59 = arith.mulf %sub3A_47, %mul3A_58 : vector<10000x128xf32>
    %get3A_60 = arith.constant 0 : index
    %get3A_61 = arith.constant 0 : index
    %get3A_62 = vector.load %arg6[%get3A_60, %get3A_61] : memref<1x128xf32, #tpu.memory_space<vmem>>, vector<1x128xf32>
    %mul3A_63 = vector.broadcast %get3A_62 : vector<1x128xf32> to vector<10000x128xf32>
    %mul3A_64 = arith.mulf %mul3A_59, %mul3A_63 : vector<10000x128xf32>
    %get3A_65 = arith.constant 0 : index
    %get3A_66 = arith.constant 0 : index
    %get3A_67 = vector.load %arg7[%get3A_65, %get3A_66] : memref<1x128xf32, #tpu.memory_space<vmem>>, vector<1x128xf32>
    %add3A_68 = vector.broadcast %get3A_67 : vector<1x128xf32> to vector<10000x128xf32>
    %add3A_69 = arith.addf %mul3A_64, %add3A_68 : vector<10000x128xf32>
    %max3A_70 = arith.constant 0.000000e+00 : f32
    %max3A_71 = vector.broadcast %max3A_70 : f32 to vector<10000x128xf32>
    %max3A_72 = arith.maximumf %add3A_69, %max3A_71 : vector<10000x128xf32>
    %swap3A = arith.constant 0 : index
    %swap3A_73 = arith.constant 0 : index
    %swap3A_74 = vector.load %arg8[%swap3A, %swap3A_73] : memref<10000x128xf32, #tpu.memory_space<vmem>>, vector<10000x128xf32>
    tpu.vector_store %arg8[%swap3A, %swap3A_73], %max3A_72 {strides = array<i32>} : memref<10000x128xf32, #tpu.memory_space<vmem>>, vector<10000x128xf32>,
    return
  }
}

module attributes {stable_mosaic.version = 14 : i64} {
  func.func @_tc_body(%arg0: memref<10000x128xf32, #tpu.memory_space<vmem>>, %arg1: memref<2x10000x128xf32, #tpu.memory_space<vmem>>, %arg2: memref<2x10000x1xf32, #tpu.memory_space<vmem>>, %arg3: memref<128x128xf32, #tpu.memory_space<vmem>>, %arg4: memref<128x128xf32, #tpu.memory_space<vmem>>, %arg5: memref<1x128xf32, #tpu.memory_space<vmem>>, %arg6: memref<1x128xf32, #tpu.memory_space<vmem>>, %arg7: memref<1x128xf32, #tpu.memory_space<vmem>>, %arg8: memref<10000x128xf32, #tpu.memory_space<vmem>>) attributes {dimension_semantics = [], scalar_prefetch = 0 : i64, scratch_operands = 0 : i64, tpu.core_type = #tpu.core_type<tc>} {
    %get3A = arith.constant 0 : index
    %get3A_0 = arith.constant 0 : index
    %get3A_1 = vector.load %arg0[%get3A, %get3A_0] : memref<10000x128xf32, #tpu.memory_space<vmem>>, vector<10000x128xf32>
    %get3A_2 = arith.constant 0 : index
    %get3A_3 = arith.constant 0 : index
    %get3A_4 = arith.constant 0 : index
    %get3A_5 = vector.load %arg1[%get3A_2, %get3A_3, %get3A_4] : memref<2x10000x128xf32, #tpu.memory_space<vmem>>, vector<1x10000x128xf32>
    %get3A_6 = vector.shape_cast %get3A_5 : vector<1x10000x128xf32> to vector<10000x128xf32>
    %get3A_7 = arith.constant 1 : index
    %get3A_8 = arith.constant 0 : index
    %get3A_9 = arith.constant 0 : index
    %get3A_10 = vector.load %arg1[%get3A_7, %get3A_8, %get3A_9] : memref<2x10000x128xf32, #tpu.memory_space<vmem>>, vector<1x10000x128xf32>
    %get3A_11 = vector.shape_cast %get3A_10 : vector<1x10000x128xf32> to vector<10000x128xf32>
    %add3A = arith.addf %get3A_6, %get3A_11 : vector<10000x128xf32>
    %get3A_12 = arith.constant 0 : index
    %get3A_13 = arith.constant 0 : index
    %get3A_14 = arith.constant 0 : index
    %get3A_15 = vector.load %arg2[%get3A_12, %get3A_13, %get3A_14] : memref<2x10000x1xf32, #tpu.memory_space<vmem>>, vector<1x10000x1xf32>
    %get3A_16 = vector.shape_cast %get3A_15 : vector<1x10000x1xf32> to vector<10000x1xf32>
    %get3A_17 = arith.constant 1 : index
    %get3A_18 = arith.constant 0 : index
    %get3A_19 = arith.constant 0 : index
    %get3A_20 = vector.load %arg2[%get3A_17, %get3A_18, %get3A_19] : memref<2x10000x1xf32, #tpu.memory_space<vmem>>, vector<1x10000x1xf32>
    %get3A_21 = vector.shape_cast %get3A_20 : vector<1x10000x1xf32> to vector<10000x1xf32>
    %add3A_22 = arith.addf %get3A_16, %get3A_21 : vector<10000x1xf32>
    %max3A = arith.constant 1.000000e+00 : f32
    %max3A_23 = vector.broadcast %max3A : f32 to vector<10000x1xf32>
    %max3A_24 = arith.maximumf %add3A_22, %max3A_23 : vector<10000x1xf32>
    %div3A = arith.constant 1.000000e+00 : f32
    %div3A_25 = vector.broadcast %div3A : f32 to vector<10000x1xf32>
    %div3A_26 = arith.divf %div3A_25, %max3A_24 : vector<10000x1xf32>
    %mul3A = vector.broadcast %div3A_26 : vector<10000x1xf32> to vector<10000x128xf32>
    %mul3A_27 = arith.mulf %add3A, %mul3A : vector<10000x128xf32>
    %get3A_28 = arith.constant 0 : index
    %get3A_29 = arith.constant 0 : index
    %get3A_30 = vector.load %arg3[%get3A_28, %get3A_29] : memref<128x128xf32, #tpu.memory_space<vmem>>, vector<128x128xf32>
    %dot_general3A = arith.constant dense<0.000000e+00> : vector<10000x128xf32>
    %dot_general3A_31 = tpu.matmul %get3A_1, %get3A_30, %dot_general3A {dimension_numbers = #tpu.dot_dimension_numbers<[1], [0], [0], [1], [0, 0, 1, 1], [], []>, transpose_lhs_hint = false} : vector<10000x128xf32>, vector<128x128xf32>, vector<10000x128xf32> -> vector<10000x128xf32>
    %get3A_32 = arith.constant 0 : index
    %get3A_33 = arith.constant 0 : index
    %get3A_34 = vector.load %arg4[%get3A_32, %get3A_33] : memref<128x128xf32, #tpu.memory_space<vmem>>, vector<128x128xf32>
    %dot_general3A_35 = arith.constant dense<0.000000e+00> : vector<10000x128xf32>
    %dot_general3A_36 = tpu.matmul %mul3A_27, %get3A_34, %dot_general3A_35 {dimension_numbers = #tpu.dot_dimension_numbers<[1], [0], [0], [1], [0, 0, 1, 1], [], []>, transpose_lhs_hint = false} : vector<10000x128xf32>, vector<128x128xf32>, vector<10000x128xf32> -> vector<10000x128xf32>
    %add3A_37 = arith.addf %dot_general3A_31, %dot_general3A_36 : vector<10000x128xf32>
    %get3A_38 = arith.constant 0 : index
    %get3A_39 = arith.constant 0 : index
    %get3A_40 = vector.load %arg5[%get3A_38, %get3A_39] : memref<1x128xf32, #tpu.memory_space<vmem>>, vector<1x128xf32>
    %add3A_41 = vector.broadcast %get3A_40 : vector<1x128xf32> to vector<10000x128xf32>
    %add3A_42 = arith.addf %add3A_37, %add3A_41 : vector<10000x128xf32>
    %reduce_sum3A = arith.constant dense<0.000000e+00> : vector<128xf32>
    %reduce_sum3A_43 = vector.multi_reduction <add>, %add3A_42, %reduce_sum3A [0] : vector<10000x128xf32> to vector<128xf32>
    %broadcast_in_dim3A = vector.shape_cast %reduce_sum3A_43 : vector<128xf32> to vector<1x128xf32>
    %div3A_44 = arith.constant 1.000000e+04 : f32
    %div3A_45 = vector.broadcast %div3A_44 : f32 to vector<1x128xf32>
    %div3A_46 = arith.divf %broadcast_in_dim3A, %div3A_45 : vector<1x128xf32>
    %sub3A = vector.broadcast %div3A_46 : vector<1x128xf32> to vector<10000x128xf32>
    %sub3A_47 = arith.subf %add3A_42, %sub3A : vector<10000x128xf32>
    %mul3A_48 = arith.mulf %sub3A_47, %sub3A_47 : vector<10000x128xf32>
    %reduce_sum3A_49 = arith.constant dense<0.000000e+00> : vector<128xf32>
    %reduce_sum3A_50 = vector.multi_reduction <add>, %mul3A_48, %reduce_sum3A_49 [0] : vector<10000x128xf32> to vector<128xf32>
    %broadcast_in_dim3A_51 = vector.shape_cast %reduce_sum3A_50 : vector<128xf32> to vector<1x128xf32>
    %div3A_52 = arith.constant 1.000000e+04 : f32
    %div3A_53 = vector.broadcast %div3A_52 : f32 to vector<1x128xf32>
    %div3A_54 = arith.divf %broadcast_in_dim3A_51, %div3A_53 : vector<1x128xf32>
    %add3A_55 = arith.constant 9.99999974E-6 : f32
    %add3A_56 = vector.broadcast %add3A_55 : f32 to vector<1x128xf32>
    %add3A_57 = arith.addf %div3A_54, %add3A_56 : vector<1x128xf32>
    %rsqrt3A = math.rsqrt %add3A_57 : vector<1x128xf32>
    %mul3A_58 = vector.broadcast %rsqrt3A : vector<1x128xf32> to vector<10000x128xf32>
    %mul3A_59 = arith.mulf %sub3A_47, %mul3A_58 : vector<10000x128xf32>
    %get3A_60 = arith.constant 0 : index
    %get3A_61 = arith.constant 0 : index
    %get3A_62 = vector.load %arg6[%get3A_60, %get3A_61] : memref<1x128xf32, #tpu.memory_space<vmem>>, vector<1x128xf32>
    %mul3A_63 = vector.broadcast %get3A_62 : vector<1x128xf32> to vector<10000x128xf32>
    %mul3A_64 = arith.mulf %mul3A_59, %mul3A_63 : vector<10000x128xf32>
    %get3A_65 = arith.constant 0 : index
    %get3A_66 = arith.constant 0 : index
    %get3A_67 = vector.load %arg7[%get3A_65, %get3A_66] : memref<1x128xf32, #tpu.memory_space<vmem>>, vector<1x128xf32>
    %add3A_68 = vector.broadcast %get3A_67 : vector<1x128xf32> to vector<10000x128xf32>
    %add3A_69 = arith.addf %mul3A_64, %add3A_68 : vector<10000x128xf32>
    %max3A_70 = arith.constant 0.000000e+00 : f32
    %max3A_71 = vector.broadcast %max3A_70 : f32 to vector<10000x128xf32>
    %max3A_72 = arith.maximumf %add3A_69, %max3A_71 : vector<10000x128xf32>
    %swap3A = arith.constant 0 : index
    %swap3A_73 = arith.constant 0 : index
    %swap3A_74 = vector.load %arg8[%swap3A, %swap3A_73] : memref<10000x128xf32, #tpu.memory_space<vmem>>, vector<10000x128xf32>
    tpu.vector_store %arg8[%swap3A, %swap3A_73], %max3A_72 {strides = array<i32>} : memref<10000x128xf32, #tpu.memory_space<vmem>>, vector<10000x128xf32>,
    return
  }
}

</mosaic_0001>

<sc_bundles>
// kernel: kernel.12.cloned.1.call-start
scs
__scs_entry_jumppad:
0x0: {  	(pc) =	sbr.rel $0x88, $3  }
0x1: {  	(tag) =	ssettag $0x0;
	lr =	simm.s32 $0x1  }
0x2: {  	[smem:$0x3F92] =	sst lr;
	_ =	strace $0xD0000000  }
0x3: {  	_ = 	snop  }
0x4: {  	_ = 	snop  }
0x5: {  	_ = 	snop  }
0x6: {  	_ = 	snop  }
0x7: {  	_ = 	snop  }
__scs_overlays_trampoline_lowered:
0x8: {  	[smem:$0x3FA1] =	sst s0  }
0x9: {  	[smem:$0x3FA2] =	sst s1  }
0xa: {  	[smem:$0x3FA3] =	sst s2  }
0xb: {  	[smem:$0x3FA4] =	sst s3  }
0xc: {  	[smem:$0x3FA5] =	sst s4  }
0xd: {  	[smem:$0x3FA6] =	sst s5  }
0xe: {  	[smem:$0x3FA7] =	sst s6  }
0xf: {  	[smem:$0x3FA8] =	sst s7  }
0x10: {  	[smem:$0x3FA9] =	sst s8  }
0x11: {  	[smem:$0x3FAA] =	sst s9;
	s0 =	simm.s32 @!p0 $0x0  }
0x12: {  	s1 =	sld [smem:$0x3F90];
	s0 =	simm.s32 @p0 $0x1  }
0x13: {  	[smem:$0x3FAB] =	sst s0;
	s0 =	simm.s32 @!p1 $0x0  }
0x14: {  	s2 =	sld [smem:$0x3F8F];
	s0 =	simm.s32 @p1 $0x1  }
0x15: {  	[smem:$0x3FAC] =	sst s0;
	s0 =	simm.s32 @!p2 $0x0  }
0x16: {  	s3 =	sld [smem:$0x3FDB];
	s0 =	simm.s32 @p2 $0x1  }
0x17: {  	s4 =	simm.s32 $0x1BF5;
	[smem:$0x3FAE] =	sst s0  }
0x18: {  	s0 =	sld [smem:$0x3F91];
	_ =	swait.ge [sflag:s4], $0x0  }
0x19: {  	s7 =	sld [smem:$0x3F92]  }
0x1a: {  	s8 =	sadd.s32 $0xFFFFE003, lr  }
0x1b: {  	s9 =	sadd.s32 $0xFFFFFEF7, lr;
	s5 =	simm.s32 $0xFFFFFFFF;
	p2 =	slt.u32 s8, $0xFFFFF086  }
0x1c: {  	p1 =	slt.u32 s9, $0xF7A;
	s5 =	simm.s32 @!p2 $0x0  }
0x1d: {  	s5 =	simm.s32 @p1 $0x1;
	p0 =	seq.s32 s7, s2  }
0x1e: {  	s7 =	smul.u32 @!p0 $0xF7A, s2;
	p2 =	seq.s32 @!p0 s5, $0x0  }
0x1f: {  	s9 =	smul.u32 $0xF7A, s1;
	s8 =	simm.s32 @!p0 $0x1BF5;
	p2 =	por !p2, p0  }
0x20: {  	[sflag:s8] =	ssyncset.s32 @!p0 $0xFFFFF086;
	s6 =	sadd.s32 @!p0 s3, s7;
	s7 =	simm.s32 @!p0 $0x108  }
0x21: {  	s3 =	sadd.s32 s3, s9;
	s6 =	sadd.s32 @!p0 $0x88, s6;
	s7 =	simm.s32 @p2 $0x1082  }
0x22: {  	[simem:s7], [sflag:s8] =	dma.local @!p0 [hbm:s6], $0xF7A  }
0x23: {  	s9 =	sor.u32 $0xD0000000, s2;
	s6 =	simm.s32 $0x108;
	_ =	swait.ge @!p0 [sflag:s8], $0x0  }
0x24: {  	s3 =	sadd.s32 $0x88, s3;
	s6 =	simm.s32 @!p1 $0x1082;
	[sflag:s4] =	ssyncset.s32 $0xFFFFF086  }
0x25: {  	[simem:s6], [sflag:s4] =	dma.local [hbm:s3], $0xF7A  }
0x26: {  	[smem:$0x3F92] =	sst s1;
	(tag) =	ssettag s2;
	_ =	strace s9  }
0x27: {  	s1 =	sld [smem:$0x3FA2]  }
0x28: {  	s2 =	sld [smem:$0x3FA3]  }
0x29: {  	s4 =	sld [smem:$0x3FA5]  }
0x2a: {  	p0 =	seq.s32 s5, $0x0;
	s5 =	sld [smem:$0x3FA6]  }
0x2b: {  	s6 =	sld [smem:$0x3FA7]  }
0x2c: {  	s7 =	sld [smem:$0x3FA8]  }
0x2d: {  	s3 =	simm.s32 $0x108;
	s8 =	sld [smem:$0x3FA9]  }
0x2e: {  	s3 =	simm.s32 @!p0 $0x1082;
	s9 =	sld [smem:$0x3FAA]  }
0x2f: {  	lr =	sadd.s32 s0, s3;
	s0 =	sld [smem:$0x3FA1]  }
0x30: {  	s3 =	sld [smem:$0x3FA4]  }
0x31: {  	[smem:$0x3FAD] =	sst s10  }
0x32: {  	s10 =	sld [smem:$0x3FAB];
	_ =	sdelay $0x3  }
0x33: {  	p0 =	seq.s32 s10, $0x1;
	s10 =	sld [smem:$0x3FAD];
	_ =	sdelay $0x3  }
0x34: {  	[smem:$0x3FAD] =	sst s10  }
0x35: {  	s10 =	sld [smem:$0x3FAC];
	_ =	sdelay $0x3  }
0x36: {  	p1 =	seq.s32 s10, $0x1;
	s10 =	sld [smem:$0x3FAD];
	_ =	sdelay $0x3  }
0x37: {  	[smem:$0x3FAD] =	sst s10  }
0x38: {  	s10 =	sld [smem:$0x3FAE]  }
0x39: {  	_ = 	snop;
	(pc) =	sbr.ind lr, $3  }
0x3a: {  	_ = 	snop  }
0x3b: {  	_ = 	snop  }
0x3c: {  	p2 =	seq.s32 s10, $0x1;
	s10 =	sld [smem:$0x3FAD]  }
0x3d: {  	_ =	shalt  }
0x3e: {  	_ =	shalt  }
0x3f: {  	_ =	shalt  }
0x40: {  	_ =	shalt  }
0x41: {  	_ =	shalt  }
0x42: {  	_ =	shalt  }
0x43: {  	_ =	shalt  }
0x44: {  	_ =	shalt  }
0x45: {  	_ =	shalt  }
0x46: {  	_ =	shalt  }
0x47: {  	_ =	shalt  }
0x48: {  	_ =	shalt  }
0x49: {  	_ =	shalt  }
0x4a: {  	_ =	shalt  }
0x4b: {  	_ =	shalt  }
0x4c: {  	_ =	shalt  }
0x4d: {  	_ =	shalt  }
0x4e: {  	_ =	shalt  }
0x4f: {  	_ =	shalt  }
0x50: {  	_ =	shalt  }
0x51: {  	_ =	shalt  }
0x52: {  	_ =	shalt  }
0x53: {  	_ =	shalt  }
0x54: {  	_ =	shalt  }
0x55: {  	_ =	shalt  }
0x56: {  	_ =	shalt  }
0x57: {  	_ =	shalt  }
0x58: {  	_ =	shalt  }
0x59: {  	_ =	shalt  }
0x5a: {  	_ =	shalt  }
0x5b: {  	_ =	shalt  }
0x5c: {  	_ =	shalt  }
0x5d: {  	_ =	shalt  }
0x5e: {  	_ =	shalt  }
0x5f: {  	_ =	shalt  }
0x60: {  	_ =	shalt  }
0x61: {  	_ =	shalt  }
0x62: {  	_ =	shalt  }
0x63: {  	_ =	shalt  }
0x64: {  	_ =	shalt  }
0x65: {  	_ =	shalt  }
0x66: {  	_ =	shalt  }
0x67: {  	_ =	shalt  }
0x68: {  	_ =	shalt  }
0x69: {  	_ =	shalt  }
0x6a: {  	_ =	shalt  }
0x6b: {  	_ =	shalt  }
0x6c: {  	_ =	shalt  }
0x6d: {  	_ =	shalt  }
0x6e: {  	_ =	shalt  }
0x6f: {  	_ =	shalt  }
0x70: {  	_ =	shalt  }
0x71: {  	_ =	shalt  }
0x72: {  	_ =	shalt  }
0x73: {  	_ =	shalt  }
0x74: {  	_ =	shalt  }
0x75: {  	_ =	shalt  }
0x76: {  	_ =	shalt  }
0x77: {  	_ =	shalt  }
0x78: {  	_ =	shalt  }
0x79: {  	_ =	shalt  }
0x7a: {  	_ =	shalt  }
0x7b: {  	_ =	shalt  }
0x7c: {  	_ =	shalt  }
0x7d: {  	_ =	shalt  }
0x7e: {  	_ =	shalt  }
0x7f: {  	_ =	shalt  }
0x80: {  	_ =	shalt  }
0x81: {  	_ =	shalt  }
0x82: {  	_ =	shalt  }
0x83: {  	_ =	shalt  }
0x84: {  	_ =	shalt  }
0x85: {  	_ =	shalt  }
0x86: {  	_ =	shalt  }
0x87: {  	_ =	shalt  }
.Lfunc_end0:
.L_simem_size_0:
called_computation.1_lowered:
.L_overlay_start_0:
0x88: {  	s2 =	sld [smem:$0x3FD9]  }
0x89: {  	s3 =	sld [smem:$0x3FFE];
	_ =	sdelay $0x1  }
0x8a: {  	s1 =	srdreg.scid  }
0x8b: {  	s0 =	sand.u32 $0x1, s1  }
0x8c: {  	s17 =	sshll.u32 s0, $0xA;
	s2 =	sadd.s32 s3, s2  }
0x8d: {  	s2 =	sadd.s32 s2, s17  }
0x8e: {  	[smem:$0x3FB9] =	sst s2  }
0x8f: {  	_ = 	snop  }
0x90: {  	s2 =	sld [smem:$0x3FD0];
	(tm) =	ssettm $0x1  }
0x91: {  	s18 =	sld [smem:$0x3FFB];
	_ =	sdelay $0x3  }
0x92: {  	_ =	strace s18  }
0x93: {  	s3 =	sld [smem:$0x3FFC];
	_ =	sdelay $0x3  }
0x94: {  	_ =	strace s3  }
0x95: {  	s3 =	sld [smem:$0x3FFD];
	_ =	sdelay $0x3  }
0x96: {  	_ =	strace s3  }
0x97: {  	_ =	strace $0x8FFFFFFF  }
0x98: {  	s19 =	sld [smem:$0x3FDB];
	_ =	sdelay $0x1  }
0x99: {  	s4 =	simm.s32 $_scs_section_size  }
0x9a: {  	s5 =	simm.s32 $_size__tile_overlayer_lowered;
	s6 =	simm.s32 $_tile_overlayer_lowered  }
0x9b: {  	s22 =	simm.s32 $0x1BFF;
	s21 =	sshll.u32 s6, $0x1;
	s3 =	sadd.s32 s4, s19  }
0x9c: {  	s7 =	simm.s32 $0x0;
	s20 =	sshll.u32 s5, $0x1;
	s5 =	sadd.s32 s21, s3  }
0x9d: {  	[timem:s7], [sflag:s22] =	dma.local [hbm:s5], s20  }
0x9e: {  	_ =	swait.ge [sflag:s22], s20  }
0x9f: {  	s4 =	ssub.s32 $0x0, s20;
	[sflag:s22] =	ssyncset.done $0x0  }
0xa0: {  	[sflag:s22] =	ssyncadd.s32 s4;
	_ =	sdelay $0x1  }
0xa1: {  	s23 =	simm.s32 $0x1B8B  }
0xa2: {  	_ =	swait.ge [sflag:s23], $0x1  }
0xa3: {  	[sflag:s23] =	ssyncset.done $0x0  }
0xa4: {  	s25 =	simm.s32 $0x1B8E;
	s24 =	sld [smem:$0x3FFE];
	[sflag:s23] =	ssyncadd.s32 $0xFFFFFFFF  }
0xa5: {  	s26 =	simm.s32 $execute0_lowered;
	[smem:$0x3FD2] =	sst s25  }
0xa6: {  	s5 =	sshll.u32 s26, $0x1;
	_ =	strace $0x80000049;
	[dreg:$0x1] =	wrdreg $0xFFFFFFFF  }
0xa7: {  	s28 =	simm.s32 $_size_execute0_lowered;
	s3 =	sadd.s32 s3, s5;
	[dreg:$0x0] =	wrdreg $0x0  }
0xa8: {  	s5 =	sshll.u32 s28, $0x1;
	[dreg:$0x2] =	wrdreg s3  }
0xa9: {  	[dreg:$0x3] =	wrdreg s5  }
0xaa: {  	[dreg:$0x4] =	wrdreg $0xC0  }
0xab: {  	_ =	task [dreg:s7], $0x5FFFF  }
0xac: {  	[dreg:$0x1] =	wrdreg $0xFFFFFFFF  }
0xad: {  	[dreg:$0x0] =	wrdreg $0x60  }
0xae: {  	[dreg:$0x2] =	wrdreg s24  }
0xaf: {  	[dreg:$0x3] =	wrdreg s2  }
0xb0: {  	[dreg:$0x4] =	wrdreg $0xA9000  }
0xb1: {  	[dreg:$0x5] =	wrdreg $0x1E9000  }
0xb2: {  	[dreg:$0x6] =	wrdreg $0x9  }
0xb3: {  	_ =	task.clear_ibuf [dreg:s7], $0x7FFFF;
	_ =	strace $0x90000049  }
0xb4: {  	s29 =	simm.s32 $0x9;
	_ =	strace $0x8000004B  }
0xb5: {  	_ =	swait.ge [sflag:s29], $0x1  }
0xb6: {  	[sflag:s29] =	ssyncadd.s32 $0xFFFFFFFF  }
0xb7: {  	_ =	strace $0x9000004B  }
0xb8: {  	_ =	sfence  }
0xb9: {  	s30 =	sld [smem:$0x0];
	_ =	sdelay $0x2  }
0xba: {  	s31 =	sshll.u32 s1, $0xD;
	s1 =	sshrl.u32 s1, $0x2  }
0xbb: {  	s3 =	sand.u32 $0x4000, s31;
	s1 =	sadd.s32 s1, s30  }
0xbc: {  	s0 =	sor.u32 s3, s0;
	s1 =	sshll.u32 s1, $0x11  }
0xbd: {  	s0 =	sor.u32 s1, s0  }
0xbe: {  	s0 =	sadd.s32 $0x8F2B, s0  }
0xbf: {  	[sflag:s0] =	ssyncadd.remote.s32 $0x1  }
0xc0: {  	_ =	sfence.sel $0xFFFF  }
0xc1: {  	[dreg:$0x0] =	wrdreg $0xFFFFFFFF;
	(pc) =	sbr.abs _section_cstart, $3  }
0xc2: {  	[dreg:$0x1] =	wrdreg $0xFFFFFFFF  }
0xc3: {  	_ =	task.clear_ibuf [dreg:s7], $0x2FFFF;
	_ =	strace $0x9FFFFFFF  }
0xc4: {  	(tm) =	ssettm $0x7FFFFFFF  }
0xc5: {  	_ =	shalt  }
tec
execute0_lowered:
.L_overlay_start_1:
0x0: {  	(tag) =	ssettag $0x1  }
0x1: {  	s0 =	rddreg [dreg:$0x0]  }
0x2: {  	s3 =	rddreg [dreg:$0x1]  }
0x3: {  	s1 =	rddreg [dreg:$0x2]  }
0x4: {  	s2 =	rddreg [dreg:$0x3];
	s5 =	simm.s32 $0x0  }
0x5: {  	s4 =	srdreg.scid;
	s12 =	stileid.u32;
	s13 =	simm.s32 $0xCC  }
0x6: {  	s19 =	simm.s32 $0x2E00;
	s21 =	simm.s32 $0x5600;
	[smem:$0x7FF] =	sst s5  }
0x7: {  	s4 =	sand.u32 $0x1, s4;
	s14 =	sadd.s32 $0xC800, s0;
	s6 =	smul.u32 $0x50000, s12  }
0x8: {  	s15 =	sadd.s32 $0x16600, s0;
	s16 =	sadd.s32 $0x2A00, s0;
	s7 =	smul.u32 $0x30, s12  }
0x9: {  	s5 =	smul.u32 $0xCC, s12;
	_ =	strace $0x8000004A;
	[dreg:$0x9] =	wrdreg s14  }
0xa: {  	s8 =	sadd.s32 $0x20400, s0;
	s10 =	smul.u32 $0x280, s12;
	[dreg:$0xa] =	wrdreg s15  }
0xb: {  	s22 =	smul.u32 $0x27100, s4;
	s9 =	ssub.s32 $0x2, s4;
	[dreg:$0xb] =	wrdreg s16  }
0xc: {  	p0 =	seq.s32 s4, $0x0;
	s4 =	smul.u32 $0x2800, s4;
	[dreg:$0x6] =	wrdreg s19  }
0xd: {  	[dreg:$0x7] =	wrdreg s21;
	s19 =	simm.s32 $0x2;
	s21 =	simm.s32 $0x5  }
0xe: {  	s7 =	sadd.s32 $0xCC0, s7;
	s6 =	sshrl.u32 s6, $0x2;
	s23 =	sshrl.u32 s9, $0x1  }
0xf: {  	s28 =	sadd.s32 s10, s2;
	s13 =	simm.s32 @!p0 $0x30;
	s0 =	sadd.s32 s22, s0  }
0x10: {  	s7 =	smov.u32 @p0 s5;
	s20 =	sadd.s32 s6, s1;
	s5 =	ssub.s32 s9, s23  }
0x11: {  	s11 =	sadd.s32 $0xFFFFFFFF, s13;
	s4 =	sadd.s32 s10, s4;
	[dreg:$0xf] =	wrdreg s28  }
0x12: {  	s22 =	simm.s32 $0x7E00;
	p0 =	seq.s32 s12, $0xF;
	[dreg:$0x5] =	wrdreg s11  }
0x13: {  	s10 =	simm.s32 $0xA680;
	s9 =	simm.s32 $0x0;
	[dreg:$0x8] =	wrdreg s22  }
0x14: {  	s24 =	smul.u32 $0x50, s7;
	s25 =	sadd.s32 $0x2800, s20;
	[dreg:$0xc] =	wrdreg s20  }
0x15: {  	s26 =	sadd.s32 $0x5000, s20;
	s18 =	sshrl.u32 s4, $0x3;
	[dreg:$0xd] =	wrdreg s25  }
0x16: {  	s23 =	smax.u32 s5, $0x1;
	s4 =	simm.s32 $0x11;
	[dreg:$0xe] =	wrdreg s26  }
0x17: {  	s11 =	simm.s32 $0x200;
	[dreg:$0x18] =	wrdreg s23;
	s25 =	sadd.s32 $0xA000, s20  }
0x18: {  	s5 =	simm.s32 $0x9;
	s26 =	sadd.s32 $0xC800, s20;
	[dreg:$0x1c] =	wrdreg s25  }
0x19: {  	s6 =	sshrl.u32 s24, $0x3;
	s24 =	sadd.s32 $0x7800, s20;
	[dreg:$0x1d] =	wrdreg s26  }
0x1a: {  	s22 =	simm.s32 $0x6;
	s29 =	sadd.s32 s14, s6;
	[dreg:$0x1b] =	wrdreg s24  }
0x1b: {  	s23 =	smul.u32 $0xA, s7;
	s30 =	sadd.s32 s15, s6;
	[dreg:$0x10] =	wrdreg s29  }
0x1c: {  	s31 =	sadd.s32 $0xA, s6;
	s6 =	sadd.s32 s16, s6;
	[dreg:$0x11] =	wrdreg s30  }
0x1d: {  	s7 =	simm.s32 $0x300;
	[dreg:$0x12] =	wrdreg s6;
	s14 =	sadd.s32 s14, s31  }
0x1e: {  	s25 =	simm.s32 $0x4;
	s15 =	sadd.s32 s15, s31;
	[dreg:$0x13] =	wrdreg s14  }
0x1f: {  	s26 =	simm.s32 $0x380;
	s17 =	sadd.s32 s16, s31;
	[dreg:$0x14] =	wrdreg s15  }
0x20: {  	s6 =	sadd.s32 $0x291400, s0;
	s0 =	sadd.s32 s3, s18;
	[dreg:$0x15] =	wrdreg s17  }
0x21: {  	s24 =	simm.s32 $0xA;
	s3 =	smul.u32 $0x2800, s12;
	[dreg:$0x17] =	wrdreg s0  }
0x22: {  	s29 =	sadd.s32 $0xF000, s20;
	s30 =	sadd.s32 $0x11800, s20;
	[dreg:$0x16] =	wrdreg s6  }
0x23: {  	s31 =	sshrl.u32 s13, $0x2;
	s16 =	simm.s32 $0x50;
	[dreg:$0x1e] =	wrdreg s29  }
0x24: {  	s18 =	simm.s32 $0xA600;
	s0 =	sadd.s32 $0x12C000, s1;
	[dreg:$0x1f] =	wrdreg s30  }
0x25: {  	[smem:$0x7FD] =	sst s31;
	s15 =	simm.s32 $0x280;
	s0 =	sshrl.u32 @p0 s0, $0x3  }
0x26: {  	s17 =	simm.s32 $0x1;
	[dreg:$0x19] =	wrdreg s0;
	s0 =	sadd.s32 @!p0 s3, s6  }
0x27: {  	v0 =	vimm.f32 $0.0e+00;
	v1 =	vimm.f32 $1.000000000e+00;
	s3 =	simm.s32 $0x600;
	s6 =	simm.s32 $0x3;
	[dreg:$0x1a] =	wrdreg s0  }
.LBB2_1:
0x28: {  	[smem:$0x7FC] =	sst s9;
	s0 =	simm.s32 $0x0;
	s9 =	simm.s32 $0x200  }
.LBB2_2:
0x29: {  	p1 =	sne.s32 s9, $0x9E00;
	[tilespmem:s0+$0x670] =	vst v0  }
0x2a: {  	[tilespmem:s0+$0x600] =	vst v0  }
0x2b: {  	[tilespmem:s0+$0x610] =	vst v0  }
.Ltmp0:
0x2c: {  	[tilespmem:s0+$0x620] =	vst v0;
	(pc) =	sbr.rel @p1 .LBB2_2-.Ltmp0, $4  }
0x2d: {  	[tilespmem:s0+$0x630] =	vst v0  }
0x2e: {  	[tilespmem:s0+$0x640] =	vst v0  }
0x2f: {  	[tilespmem:s0+$0x650] =	vst v0  }
0x30: {  	[tilespmem:s0+$0x660] =	vst v0;
	s0 =	sshra.s32 s9, $0x2;
	s9 =	sadd.s32 $0x200, s9  }
0x31: {  	[tilespmem:s0+$0x670] =	vst v0  }
0x32: {  	[tilespmem:s0+$0x600] =	vst v0  }
0x33: {  	[tilespmem:s0+$0x610] =	vst v0  }
0x34: {  	[tilespmem:s0+$0x620] =	vst v0  }
0x35: {  	[tilespmem:s0+$0x630] =	vst v0  }
0x36: {  	[tilespmem:s0+$0x640] =	vst v0  }
0x37: {  	[tilespmem:s0+$0x650] =	vst v0  }
0x38: {  	[tilespmem:s0+$0x660] =	vst v0  }
0x39: {  	[tilespmem:$0xA680] =	vst v0  }
0x3a: {  	[tilespmem:$0xA690] =	vst v0  }
0x3b: {  	[tilespmem:$0xA6A0] =	vst v0  }
0x3c: {  	[tilespmem:$0xA6B0] =	vst v0  }
0x3d: {  	[tilespmem:$0xA6C0] =	vst v0  }
0x3e: {  	[tilespmem:$0xA6D0] =	vst v0  }
0x3f: {  	[tilespmem:$0xA6E0] =	vst v0  }
0x40: {  	[tilespmem:$0xA6F0] =	vst v0  }
0x41: {  	[tilespmem:$0xA700] =	vst v0  }
0x42: {  	[tilespmem:$0xA710] =	vst v0  }
0x43: {  	[tilespmem:$0xA720] =	vst v0  }
0x44: {  	[tilespmem:$0xA730] =	vst v0  }
0x45: {  	[tilespmem:$0xA740] =	vst v0  }
0x46: {  	[tilespmem:$0xA750] =	vst v0  }
0x47: {  	[tilespmem:$0xA760] =	vst v0  }
0x48: {  	[tilespmem:$0xA770] =	vst v0  }
0x49: {  	[tilespmem:$0xA780] =	vst v0  }
0x4a: {  	[tilespmem:$0xA790] =	vst v0  }
0x4b: {  	[tilespmem:$0xA7A0] =	vst v0  }
0x4c: {  	[tilespmem:$0xA7B0] =	vst v0  }
0x4d: {  	[tilespmem:$0xA7C0] =	vst v0  }
0x4e: {  	[tilespmem:$0xA7D0] =	vst v0  }
0x4f: {  	[tilespmem:$0xA7E0] =	vst v0  }
0x50: {  	[tilespmem:$0xA7F0] =	vst v0  }
0x51: {  	[tilespmem:$0xA800] =	vst v0  }
0x52: {  	[tilespmem:$0xA810] =	vst v0  }
0x53: {  	[tilespmem:$0xA820] =	vst v0  }
0x54: {  	[tilespmem:$0xA830] =	vst v0  }
0x55: {  	[tilespmem:$0xA840] =	vst v0  }
0x56: {  	[tilespmem:$0xA850] =	vst v0  }
0x57: {  	[tilespmem:$0xA860] =	vst v0  }
0x58: {  	[tilespmem:$0xA870] =	vst v0  }
0x59: {  	[tilespmem:$0xA880] =	vst v0  }
0x5a: {  	[tilespmem:$0xA890] =	vst v0  }
0x5b: {  	[tilespmem:$0xA8A0] =	vst v0  }
0x5c: {  	[tilespmem:$0xA8B0] =	vst v0  }
0x5d: {  	[tilespmem:$0xA8C0] =	vst v0  }
0x5e: {  	[tilespmem:$0xA8D0] =	vst v0  }
0x5f: {  	[tilespmem:$0xA8E0] =	vst v0  }
0x60: {  	[tilespmem:$0xA8F0] =	vst v0  }
0x61: {  	[tilespmem:$0xA600] =	vst v1  }
0x62: {  	[tilespmem:$0xA610] =	vst v1  }
0x63: {  	[tilespmem:$0xA620] =	vst v1  }
0x64: {  	[tilespmem:$0xA630] =	vst v1  }
0x65: {  	[tilespmem:$0xA640] =	vst v1  }
0x66: {  	[spmem:s20] =	stream.linear.scatter [tilespmem:s3], [sflag:$0x11], $0x2800, $0x38;
	[tilespmem:$0x1EB80] =	vst v63  }
0x67: {  	_ =	swait.ge [sflag:s4], $0x2800  }
0x68: {  	[sflag:s4] =	ssyncset.done $0x0  }
0x69: {  	s14 =	rddreg [dreg:$0xd];
	[sflag:s4] =	ssyncadd.s32 $0xFFFFD800  }
0x6a: {  	[spmem:s14] =	stream.linear.scatter [tilespmem:s3], [sflag:$0x11], $0x2800, $0x38;
	[tilespmem:$0x1EB80] =	vst v63  }
0x6b: {  	_ =	swait.ge [sflag:s4], $0x2800  }
0x6c: {  	[sflag:s4] =	ssyncset.done $0x0  }
0x6d: {  	s20 =	rddreg [dreg:$0xe];
	[sflag:s4] =	ssyncadd.s32 $0xFFFFD800  }
0x6e: {  	[spmem:s20] =	stream.linear.scatter [tilespmem:s3], [sflag:$0x11], $0x2800, $0x38;
	[tilespmem:$0x1EB80] =	vst v63  }
0x6f: {  	_ =	swait.ge [sflag:s4], $0x2800  }
0x70: {  	[sflag:s4] =	ssyncset.done $0x0  }
0x71: {  	s30 =	rddreg [dreg:$0x1b];
	[sflag:s4] =	ssyncadd.s32 $0xFFFFD800  }
0x72: {  	[spmem:s30] =	stream.linear.scatter [tilespmem:s3], [sflag:$0x11], $0x2800, $0x38;
	[tilespmem:$0x1EB80] =	vst v63  }
0x73: {  	_ =	swait.ge [sflag:s4], $0x2800  }
0x74: {  	[sflag:s4] =	ssyncset.done $0x0  }
0x75: {  	s31 =	rddreg [dreg:$0x1c];
	[sflag:s4] =	ssyncadd.s32 $0xFFFFD800  }
0x76: {  	[spmem:s31] =	stream.linear.scatter [tilespmem:s3], [sflag:$0x11], $0x2800, $0x38;
	[tilespmem:$0x1EB80] =	vst v63  }
0x77: {  	_ =	swait.ge [sflag:s4], $0x2800  }
0x78: {  	[sflag:s4] =	ssyncset.done $0x0  }
0x79: {  	s9 =	rddreg [dreg:$0x1d];
	[sflag:s4] =	ssyncadd.s32 $0xFFFFD800  }
0x7a: {  	[spmem:s9] =	stream.linear.scatter [tilespmem:s3], [sflag:$0x11], $0x2800, $0x38;
	[tilespmem:$0x1EB80] =	vst v63  }
0x7b: {  	_ =	swait.ge [sflag:s4], $0x2800  }
0x7c: {  	[sflag:s4] =	ssyncset.done $0x0  }
0x7d: {  	s12 =	rddreg [dreg:$0x1e];
	[sflag:s4] =	ssyncadd.s32 $0xFFFFD800  }
0x7e: {  	[spmem:s12] =	stream.linear.scatter [tilespmem:s3], [sflag:$0x11], $0x2800, $0x38;
	[tilespmem:$0x1EB80] =	vst v63  }
0x7f: {  	_ =	swait.ge [sflag:s4], $0x2800  }
0x80: {  	[sflag:s4] =	ssyncset.done $0x0  }
0x81: {  	s14 =	rddreg [dreg:$0x1f];
	[sflag:s4] =	ssyncadd.s32 $0xFFFFD800  }
0x82: {  	[spmem:s14] =	stream.linear.scatter [tilespmem:s3], [sflag:$0x11], $0x2800, $0x38;
	[tilespmem:$0x1EB80] =	vst v63  }
0x83: {  	_ =	swait.ge [sflag:s4], $0x2800  }
0x84: {  	[sflag:s4] =	ssyncset.done $0x0  }
0x85: {  	[sflag:s4] =	ssyncadd.s32 $0xFFFFD800  }
0x86: {  	[spmem:s28] =	stream.linear.scatter [tilespmem:s10], [sflag:$0x11], $0x280, $0x38;
	[tilespmem:$0x1EB80] =	vst v63  }
0x87: {  	_ =	swait.ge [sflag:s4], $0x280  }
0x88: {  	[sflag:s4] =	ssyncset.done $0x0  }
0x89: {  	[sflag:s4] =	ssyncadd.s32 $0xFFFFFD80  }
0x8a: {  	[bflag:$0x0] =	sbarrier.arrive $0xFFFF  }
0x8b: {  	s29 =	simm.s32 $0x0;
	s20 =	rddreg [dreg:$0x10]  }
0x8c: {  	[tilespmem:s29], [sflag:$0xD] =	stream.linear.gather [hbm4b:s20+s29], $0x50, $0x38;
	[tilespmem:$0x1EB80] =	vst v63  }
0x8d: {  	s30 =	rddreg [dreg:$0x11]  }
0x8e: {  	[tilespmem:s11], [sflag:$0xD] =	stream.linear.gather [hbm4b:s30+s29], $0x50, $0x38;
	[tilespmem:$0x1EB80] =	vst v63  }
0x8f: {  	s9 =	simm.s32 $0x400;
	s10 =	simm.s32 $0xD;
	s31 =	rddreg [dreg:$0x12]  }
0x90: {  	[tilespmem:s9], [sflag:$0xD] =	stream.linear.gather [hbm4b:s31+s29], $0x50, $0x38;
	[tilespmem:$0x1EB80] =	vst v63  }
0x91: {  	_ =	swait.ge [sflag:s10], $0x50  }
0x92: {  	[sflag:s10] =	ssyncset.done $0x0  }
0x93: {  	[sflag:s10] =	ssyncadd.s32 $0xFFFFFFB0  }
0x94: {  	_ =	swait.ge [sflag:s10], $0x50  }
0x95: {  	[sflag:s10] =	ssyncset.done $0x0  }
0x96: {  	[sflag:s10] =	ssyncadd.s32 $0xFFFFFFB0  }
0x97: {  	_ =	swait.ge [sflag:s10], $0x50  }
0x98: {  	[sflag:s10] =	ssyncset.done $0x0  }
0x99: {  	[sflag:s10] =	ssyncadd.s32 $0xFFFFFFB0  }
0x9a: {  	v2 =	vld [tilespmem:$0x0]  }
0x9b: {  	v3 =	vld [tilespmem:$0x400]  }
0x9c: {  	v4 =	vld [tilespmem:$0x10]  }
0x9d: {  	v5 =	vld [tilespmem:$0x410]  }
0x9e: {  	v6 =	vld [tilespmem:$0x20]  }
0x9f: {  	v7 =	vld [tilespmem:$0x420]  }
0xa0: {  	v8 =	vld [tilespmem:$0x30]  }
0xa1: {  	v9 =	vld [tilespmem:$0x430]  }
0xa2: {  	v10 =	vld [tilespmem:$0x40]  }
0xa3: {  	v11 =	vld [tilespmem:$0x440];
	v2 =	vshll.u32 v2, $0x4  }
0xa4: {  	v2 =	vadd.s32 v3, v2;
	v3 =	vshll.u32 v4, $0x4  }
0xa5: {  	[tilespmem:$0x0] =	vst v2;
	v2 =	vadd.s32 v5, v3;
	v3 =	vshll.u32 v6, $0x4  }
0xa6: {  	s12 =	rddreg [dreg:$0x13];
	[tilespmem:$0x10] =	vst v2;
	v2 =	vadd.s32 v7, v3;
	v3 =	vshll.u32 v8, $0x4  }
0xa7: {  	s20 =	rddreg [dreg:$0x14];
	[tilespmem:$0x20] =	vst v2;
	v2 =	vadd.s32 v9, v3;
	v3 =	vshll.u32 v10, $0x4  }
0xa8: {  	s30 =	rddreg [dreg:$0x15];
	[tilespmem:$0x30] =	vst v2;
	v2 =	vadd.s32 v11, v3  }
0xa9: {  	s14 =	simm.s32 $0x80;
	s0 =	rddreg [dreg:$0xb];
	[tilespmem:$0x40] =	vst v2  }
0xaa: {  	[tilespmem:s14], [sflag:$0xE] =	stream.linear.gather [hbm4b:s12+s29], $0x50, $0x38;
	[tilespmem:$0x1EB80] =	vst v63  }
0xab: {  	s28 =	sld [smem:$0x7FD]  }
0xac: {  	[tilespmem:s15], [sflag:$0xE] =	stream.linear.gather [hbm4b:s20+s29], $0x50, $0x38;
	[tilespmem:$0x1EB80] =	vst v63  }
0xad: {  	s31 =	simm.s32 $0x480;
	s10 =	rddreg [dreg:$0xa]  }
0xae: {  	[tilespmem:s31], [sflag:$0xE] =	stream.linear.gather [hbm4b:s30+s29], $0x50, $0x38;
	[tilespmem:$0x1EB80] =	vst v63  }
0xaf: {  	s20 =	rddreg [dreg:$0x9]  }
0xb0: {  	[tilespmem:s3], [sflag:$0x1] =	stream.indirect.gather [hbm4b:s8+s16], $0x80, s29, s16, $0xb8;
	[tilespmem:$0x1EB80] =	vst v63  }
.LBB2_4:
0xb1: {  	p3 =	seq.s32 s29, $0x0  }
0xb2: {  	s9 =	simm.s32 @!p3 $0x7  }
0xb3: {  	_ =	swait.ge @!p3 [sflag:s9], $0x2800  }
0xb4: {  	[sflag:s9] =	ssyncset.done @!p3 $0x0  }
0xb5: {  	[sflag:s9] =	ssyncadd.s32 @!p3 $0xFFFFD800;
	s9 =	simm.s32 @!p3 $0xB  }
0xb6: {  	s12 =	sadd.s32 $0x2, s29;
	_ =	swait.ge @!p3 [sflag:s9], $0x50  }
0xb7: {  	p1 =	sge.u32 s12, s13;
	[sflag:s9] =	ssyncset.done @!p3 $0x0  }
0xb8: {  	[sflag:s9] =	ssyncadd.s32 @!p3 $0xFFFFFFB0;
	s9 =	sadd.s32 @!p1 s20, s23  }
0xb9: {  	s12 =	simm.s32 @!p1 $0x0;
	s30 =	simm.s32 @!p1 $0x100;
	s9 =	sadd.s32 @!p1 $0x14, s9  }
0xba: {  	[tilespmem:s30], [sflag:$0xF] =	stream.linear.gather @!p1 [hbm4b:s9+s12], $0x50, $0x38;
	[tilespmem:$0x1EB80] =	vst v63  }
0xbb: {  	s9 =	sadd.s32 @!p1 s10, s23  }
0xbc: {  	s14 =	simm.s32 @!p1 $0x300;
	s9 =	sadd.s32 @!p1 $0x14, s9  }
0xbd: {  	[tilespmem:s14], [sflag:$0xF] =	stream.linear.gather @!p1 [hbm4b:s9+s12], $0x50, $0x38;
	[tilespmem:$0x1EB80] =	vst v63  }
0xbe: {  	s9 =	sadd.s32 @!p1 s0, s23;
	s14 =	rddreg [dreg:$0x5]  }
0xbf: {  	s31 =	simm.s32 @!p1 $0x500;
	s9 =	sadd.s32 @!p1 $0x14, s9;
	p2 =	sge.s32 s29, s14  }
0xc0: {  	[tilespmem:s31], [sflag:$0xF] =	stream.linear.gather @!p1 [hbm4b:s9+s12], $0x50, $0x38;
	[tilespmem:$0x1EB80] =	vst v63  }
0xc1: {  	s9 =	simm.s32 @!p2 $0xE  }
0xc2: {  	_ =	swait.ge @!p2 [sflag:s9], $0x50  }
0xc3: {  	[sflag:s9] =	ssyncset.done @!p2 $0x0  }
0xc4: {  	[sflag:s9] =	ssyncadd.s32 @!p2 $0xFFFFFFB0  }
0xc5: {  	_ =	swait.ge @!p2 [sflag:s9], $0x50  }
0xc6: {  	[sflag:s9] =	ssyncset.done @!p2 $0x0  }
0xc7: {  	[sflag:s9] =	ssyncadd.s32 @!p2 $0xFFFFFFB0  }
0xc8: {  	_ =	swait.ge @!p2 [sflag:s9], $0x50  }
0xc9: {  	[sflag:s9] =	ssyncset.done @!p2 $0x0  }
0xca: {  	[sflag:s9] =	ssyncadd.s32 @!p2 $0xFFFFFFB0  }
0xcb: {  	v2 =	vld @!p2 [tilespmem:$0x80]  }
0xcc: {  	v3 =	vld @!p2 [tilespmem:$0x480]  }
0xcd: {  	v4 =	vld @!p2 [tilespmem:$0x90]  }
0xce: {  	v5 =	vld @!p2 [tilespmem:$0x490]  }
0xcf: {  	v6 =	vld @!p2 [tilespmem:$0xA0]  }
0xd0: {  	v7 =	vld @!p2 [tilespmem:$0x4A0]  }
0xd1: {  	v8 =	vld @!p2 [tilespmem:$0xB0]  }
0xd2: {  	v9 =	vld @!p2 [tilespmem:$0x4B0]  }
0xd3: {  	v10 =	vld @!p2 [tilespmem:$0xC0]  }
0xd4: {  	v11 =	vld @!p2 [tilespmem:$0x4C0];
	v2 =	vshll.u32 @!p2 v2, $0x4  }
0xd5: {  	v2 =	vadd.s32 @!p2 v3, v2;
	v3 =	vshll.u32 @!p2 v4, $0x4  }
0xd6: {  	[tilespmem:$0x80] =	vst @!p2 v2;
	v2 =	vadd.s32 @!p2 v5, v3;
	v3 =	vshll.u32 @!p2 v6, $0x4  }
0xd7: {  	[tilespmem:$0x90] =	vst @!p2 v2;
	v2 =	vadd.s32 @!p2 v7, v3;
	v3 =	vshll.u32 @!p2 v8, $0x4  }
0xd8: {  	[tilespmem:$0xA0] =	vst @!p2 v2;
	v2 =	vadd.s32 @!p2 v9, v3;
	v3 =	vshll.u32 @!p2 v10, $0x4  }
0xd9: {  	[tilespmem:$0xB0] =	vst @!p2 v2;
	v2 =	vadd.s32 @!p2 v11, v3  }
0xda: {  	s12 =	simm.s32 @!p2 $0x80;
	s14 =	simm.s32 @!p2 $0x2E00;
	s9 =	simm.s32 @!p2 $0x50;
	[tilespmem:$0xC0] =	vst @!p2 v2  }
0xdb: {  	[tilespmem:s14], [sflag:$0x2] =	stream.indirect.gather @!p2 [hbm4b:s8+s9], $0x80, s12, s9, $0xb8;
	[tilespmem:$0x1EB80] =	vst v63  }
0xdc: {  	_ =	swait.ge [sflag:s17], $0x2800  }
0xdd: {  	[sflag:s17] =	ssyncset.done $0x0  }
0xde: {  	[sflag:s17] =	ssyncadd.s32 $0xFFFFD800  }
0xdf: {  	[spmem:s1] =	stream.indirect.scatter.add.f32 [tilespmem:s3], [sflag:$0x5], $0x80, s11, s16, $0xb8;
	[tilespmem:$0x1EB80] =	vst v63  }
0xe0: {  	s9 =	simm.s32 @!p3 $0x8  }
0xe1: {  	[spmem:s2] =	stream.indirect.scatter.add.f32 [tilespmem:s18], [sflag:$0x9], $0x1, s11, s16, $0xb8;
	[tilespmem:$0x1EB80] =	vst v63  }
0xe2: {  	_ =	swait.ge @!p3 [sflag:s9], $0x2800  }
0xe3: {  	[sflag:s9] =	ssyncset.done @!p3 $0x0  }
0xe4: {  	[sflag:s9] =	ssyncadd.s32 @!p3 $0xFFFFD800;
	s9 =	simm.s32 @!p3 $0xC  }
0xe5: {  	s14 =	sadd.s32 $0x3, s29;
	_ =	swait.ge @!p3 [sflag:s9], $0x50  }
0xe6: {  	p2 =	sge.u32 s14, s13;
	[sflag:s9] =	ssyncset.done @!p3 $0x0  }
0xe7: {  	[sflag:s9] =	ssyncadd.s32 @!p3 $0xFFFFFFB0;
	s9 =	sadd.s32 @!p2 s20, s23  }
0xe8: {  	s14 =	simm.s32 @!p2 $0x0;
	s12 =	sadd.s32 @!p2 $0x1E, s9;
	s9 =	simm.s32 @!p2 $0x180  }
0xe9: {  	[tilespmem:s9], [sflag:$0x10] =	stream.linear.gather @!p2 [hbm4b:s12+s14], $0x50, $0x38;
	[tilespmem:$0x1EB80] =	vst v63  }
0xea: {  	s12 =	sadd.s32 @!p2 s10, s23  }
0xeb: {  	s31 =	simm.s32 @!p2 $0x380;
	s12 =	sadd.s32 @!p2 $0x1E, s12  }
0xec: {  	[tilespmem:s31], [sflag:$0x10] =	stream.linear.gather @!p2 [hbm4b:s12+s14], $0x50, $0x38;
	[tilespmem:$0x1EB80] =	vst v63  }
0xed: {  	s12 =	sadd.s32 @!p2 s0, s23  }
0xee: {  	s31 =	simm.s32 @!p2 $0x580;
	s12 =	sadd.s32 @!p2 $0x1E, s12  }
0xef: {  	[tilespmem:s31], [sflag:$0x10] =	stream.linear.gather @!p2 [hbm4b:s12+s14], $0x50, $0x38;
	[tilespmem:$0x1EB80] =	vst v63  }
0xf0: {  	s12 =	simm.s32 @!p1 $0xF  }
0xf1: {  	_ =	swait.ge @!p1 [sflag:s12], $0x50  }
0xf2: {  	[sflag:s12] =	ssyncset.done @!p1 $0x0  }
0xf3: {  	[sflag:s12] =	ssyncadd.s32 @!p1 $0xFFFFFFB0  }
0xf4: {  	_ =	swait.ge @!p1 [sflag:s12], $0x50  }
0xf5: {  	[sflag:s12] =	ssyncset.done @!p1 $0x0  }
0xf6: {  	[sflag:s12] =	ssyncadd.s32 @!p1 $0xFFFFFFB0  }
0xf7: {  	_ =	swait.ge @!p1 [sflag:s12], $0x50  }
0xf8: {  	[sflag:s12] =	ssyncset.done @!p1 $0x0  }
0xf9: {  	[sflag:s12] =	ssyncadd.s32 @!p1 $0xFFFFFFB0  }
0xfa: {  	v2 =	vld @!p1 [tilespmem:$0x100]  }
0xfb: {  	v3 =	vld @!p1 [tilespmem:$0x500]  }
0xfc: {  	v4 =	vld @!p1 [tilespmem:$0x110]  }
0xfd: {  	v5 =	vld @!p1 [tilespmem:$0x510]  }
0xfe: {  	v6 =	vld @!p1 [tilespmem:$0x120]  }
0xff: {  	v7 =	vld @!p1 [tilespmem:$0x520]  }
0x100: {  	v8 =	vld @!p1 [tilespmem:$0x130]  }
0x101: {  	v9 =	vld @!p1 [tilespmem:$0x530]  }
0x102: {  	v10 =	vld @!p1 [tilespmem:$0x140]  }
0x103: {  	v11 =	vld @!p1 [tilespmem:$0x540];
	v2 =	vshll.u32 @!p1 v2, $0x4  }
0x104: {  	v2 =	vadd.s32 @!p1 v3, v2;
	v3 =	vshll.u32 @!p1 v4, $0x4  }
0x105: {  	[tilespmem:$0x100] =	vst @!p1 v2;
	v2 =	vadd.s32 @!p1 v5, v3;
	v3 =	vshll.u32 @!p1 v6, $0x4  }
0x106: {  	[tilespmem:$0x110] =	vst @!p1 v2;
	v2 =	vadd.s32 @!p1 v7, v3;
	v3 =	vshll.u32 @!p1 v8, $0x4  }
0x107: {  	[tilespmem:$0x120] =	vst @!p1 v2;
	v2 =	vadd.s32 @!p1 v9, v3;
	v3 =	vshll.u32 @!p1 v10, $0x4  }
0x108: {  	[tilespmem:$0x130] =	vst @!p1 v2;
	v2 =	vadd.s32 @!p1 v11, v3  }
0x109: {  	s14 =	simm.s32 @!p1 $0x5600;
	s12 =	simm.s32 @!p1 $0x50;
	[tilespmem:$0x140] =	vst @!p1 v2  }
0x10a: {  	[tilespmem:s14], [sflag:$0x3] =	stream.indirect.gather @!p1 [hbm4b:s8+s12], $0x80, s30, s12, $0xb8;
	[tilespmem:$0x1EB80] =	vst v63  }
0x10b: {  	_ =	swait.ge [sflag:s19], $0x2800  }
0x10c: {  	[sflag:s19] =	ssyncset.done $0x0  }
0x10d: {  	s30 =	rddreg [dreg:$0x6];
	[sflag:s19] =	ssyncadd.s32 $0xFFFFD800  }
0x10e: {  	[spmem:s1] =	stream.indirect.scatter.add.f32 [tilespmem:s30], [sflag:$0x6], $0x80, s15, s16, $0xb8;
	[tilespmem:$0x1EB80] =	vst v63  }
0x10f: {  	_ = 	snop  }
0x110: {  	[spmem:s2] =	stream.indirect.scatter.add.f32 [tilespmem:s18], [sflag:$0xA], $0x1, s15, s16, $0xb8;
	[tilespmem:$0x1EB80] =	vst v63  }
0x111: {  	_ =	swait.ge [sflag:s21], $0x2800  }
0x112: {  	[sflag:s21] =	ssyncset.done $0x0  }
0x113: {  	s30 =	sadd.s32 $0x4, s29;
	[sflag:s21] =	ssyncadd.s32 $0xFFFFD800  }
0x114: {  	p1 =	sge.u32 s30, s13;
	_ =	swait.ge [sflag:s5], $0x50  }
0x115: {  	s12 =	sadd.s32 @!p1 s20, s23;
	[sflag:s5] =	ssyncset.done $0x0  }
0x116: {  	s14 =	sadd.s32 @!p1 $0x28, s12;
	s12 =	simm.s32 @!p1 $0x0;
	[sflag:s5] =	ssyncadd.s32 $0xFFFFFFB0  }
0x117: {  	[tilespmem:s12], [sflag:$0xD] =	stream.linear.gather @!p1 [hbm4b:s14+s12], $0x50, $0x38;
	[tilespmem:$0x1EB80] =	vst v63  }
0x118: {  	s14 =	sadd.s32 @!p1 s10, s23  }
0x119: {  	s31 =	simm.s32 @!p1 $0x200;
	s14 =	sadd.s32 @!p1 $0x28, s14  }
0x11a: {  	[tilespmem:s31], [sflag:$0xD] =	stream.linear.gather @!p1 [hbm4b:s14+s12], $0x50, $0x38;
	[tilespmem:$0x1EB80] =	vst v63  }
0x11b: {  	s14 =	sadd.s32 @!p1 s0, s23  }
0x11c: {  	s31 =	simm.s32 @!p1 $0x400;
	s14 =	sadd.s32 @!p1 $0x28, s14  }
0x11d: {  	[tilespmem:s31], [sflag:$0xD] =	stream.linear.gather @!p1 [hbm4b:s14+s12], $0x50, $0x38;
	[tilespmem:$0x1EB80] =	vst v63  }
0x11e: {  	s14 =	simm.s32 @!p2 $0x10  }
0x11f: {  	_ =	swait.ge @!p2 [sflag:s14], $0x50  }
0x120: {  	[sflag:s14] =	ssyncset.done @!p2 $0x0  }
0x121: {  	[sflag:s14] =	ssyncadd.s32 @!p2 $0xFFFFFFB0  }
0x122: {  	_ =	swait.ge @!p2 [sflag:s14], $0x50  }
0x123: {  	[sflag:s14] =	ssyncset.done @!p2 $0x0  }
0x124: {  	[sflag:s14] =	ssyncadd.s32 @!p2 $0xFFFFFFB0  }
0x125: {  	_ =	swait.ge @!p2 [sflag:s14], $0x50  }
0x126: {  	[sflag:s14] =	ssyncset.done @!p2 $0x0  }
0x127: {  	[sflag:s14] =	ssyncadd.s32 @!p2 $0xFFFFFFB0  }
0x128: {  	v2 =	vld @!p2 [tilespmem:$0x180]  }
0x129: {  	v3 =	vld @!p2 [tilespmem:$0x580]  }
0x12a: {  	v4 =	vld @!p2 [tilespmem:$0x190]  }
0x12b: {  	v5 =	vld @!p2 [tilespmem:$0x590]  }
0x12c: {  	v6 =	vld @!p2 [tilespmem:$0x1A0]  }
0x12d: {  	v7 =	vld @!p2 [tilespmem:$0x5A0]  }
0x12e: {  	v8 =	vld @!p2 [tilespmem:$0x1B0]  }
0x12f: {  	v9 =	vld @!p2 [tilespmem:$0x5B0]  }
0x130: {  	v10 =	vld @!p2 [tilespmem:$0x1C0]  }
0x131: {  	v11 =	vld @!p2 [tilespmem:$0x5C0];
	v2 =	vshll.u32 @!p2 v2, $0x4  }
0x132: {  	v2 =	vadd.s32 @!p2 v3, v2;
	v3 =	vshll.u32 @!p2 v4, $0x4  }
0x133: {  	[tilespmem:$0x180] =	vst @!p2 v2;
	v2 =	vadd.s32 @!p2 v5, v3;
	v3 =	vshll.u32 @!p2 v6, $0x4  }
0x134: {  	[tilespmem:$0x190] =	vst @!p2 v2;
	v2 =	vadd.s32 @!p2 v7, v3;
	v3 =	vshll.u32 @!p2 v8, $0x4  }
0x135: {  	[tilespmem:$0x1A0] =	vst @!p2 v2;
	v2 =	vadd.s32 @!p2 v9, v3;
	v3 =	vshll.u32 @!p2 v10, $0x4  }
0x136: {  	[tilespmem:$0x1B0] =	vst @!p2 v2;
	v2 =	vadd.s32 @!p2 v11, v3  }
0x137: {  	s31 =	simm.s32 @!p2 $0x7E00;
	s14 =	simm.s32 @!p2 $0x50;
	[tilespmem:$0x1C0] =	vst @!p2 v2  }
0x138: {  	[tilespmem:s31], [sflag:$0x4] =	stream.indirect.gather @!p2 [hbm4b:s8+s14], $0x80, s9, s14, $0xb8;
	[tilespmem:$0x1EB80] =	vst v63  }
0x139: {  	_ =	swait.ge [sflag:s6], $0x2800  }
0x13a: {  	[sflag:s6] =	ssyncset.done $0x0  }
0x13b: {  	s31 =	rddreg [dreg:$0x7];
	[sflag:s6] =	ssyncadd.s32 $0xFFFFD800  }
0x13c: {  	[spmem:s1] =	stream.indirect.scatter.add.f32 [tilespmem:s31], [sflag:$0x7], $0x80, s7, s16, $0xb8;
	[tilespmem:$0x1EB80] =	vst v63  }
0x13d: {  	_ = 	snop  }
0x13e: {  	[spmem:s2] =	stream.indirect.scatter.add.f32 [tilespmem:s18], [sflag:$0xB], $0x1, s7, s16, $0xb8;
	[tilespmem:$0x1EB80] =	vst v63  }
0x13f: {  	_ =	swait.ge [sflag:s22], $0x2800  }
0x140: {  	[sflag:s22] =	ssyncset.done $0x0  }
0x141: {  	s14 =	sadd.s32 $0x5, s29;
	[sflag:s22] =	ssyncadd.s32 $0xFFFFD800  }
0x142: {  	p2 =	sge.u32 s14, s13;
	_ =	swait.ge [sflag:s24], $0x50  }
0x143: {  	s9 =	sadd.s32 @!p2 s20, s23;
	s14 =	simm.s32 @!p2 $0x0;
	[sflag:s24] =	ssyncset.done $0x0  }
0x144: {  	s29 =	simm.s32 @!p2 $0x80;
	s9 =	sadd.s32 @!p2 $0x32, s9;
	[sflag:s24] =	ssyncadd.s32 $0xFFFFFFB0  }
0x145: {  	[tilespmem:s29], [sflag:$0xE] =	stream.linear.gather @!p2 [hbm4b:s9+s14], $0x50, $0x38;
	[tilespmem:$0x1EB80] =	vst v63  }
0x146: {  	s9 =	sadd.s32 @!p2 s10, s23  }
0x147: {  	s29 =	simm.s32 @!p2 $0x280;
	s9 =	sadd.s32 @!p2 $0x32, s9  }
0x148: {  	[tilespmem:s29], [sflag:$0xE] =	stream.linear.gather @!p2 [hbm4b:s9+s14], $0x50, $0x38;
	[tilespmem:$0x1EB80] =	vst v63  }
0x149: {  	s9 =	sadd.s32 @!p2 s0, s23  }
0x14a: {  	s29 =	simm.s32 @!p2 $0x480;
	s9 =	sadd.s32 @!p2 $0x32, s9  }
0x14b: {  	[tilespmem:s29], [sflag:$0xE] =	stream.linear.gather @!p2 [hbm4b:s9+s14], $0x50, $0x38;
	[tilespmem:$0x1EB80] =	vst v63  }
0x14c: {  	s9 =	simm.s32 @!p1 $0xD  }
0x14d: {  	_ =	swait.ge @!p1 [sflag:s9], $0x50  }
0x14e: {  	[sflag:s9] =	ssyncset.done @!p1 $0x0  }
0x14f: {  	[sflag:s9] =	ssyncadd.s32 @!p1 $0xFFFFFFB0  }
0x150: {  	_ =	swait.ge @!p1 [sflag:s9], $0x50  }
0x151: {  	[sflag:s9] =	ssyncset.done @!p1 $0x0  }
0x152: {  	[sflag:s9] =	ssyncadd.s32 @!p1 $0xFFFFFFB0  }
0x153: {  	_ =	swait.ge @!p1 [sflag:s9], $0x50  }
0x154: {  	[sflag:s9] =	ssyncset.done @!p1 $0x0  }
0x155: {  	[sflag:s9] =	ssyncadd.s32 @!p1 $0xFFFFFFB0  }
0x156: {  	v2 =	vld @!p1 [tilespmem:$0x0]  }
0x157: {  	v3 =	vld @!p1 [tilespmem:$0x400]  }
0x158: {  	v4 =	vld @!p1 [tilespmem:$0x10]  }
0x159: {  	v5 =	vld @!p1 [tilespmem:$0x410]  }
0x15a: {  	v6 =	vld @!p1 [tilespmem:$0x20]  }
0x15b: {  	v7 =	vld @!p1 [tilespmem:$0x420]  }
0x15c: {  	v8 =	vld @!p1 [tilespmem:$0x30]  }
0x15d: {  	v9 =	vld @!p1 [tilespmem:$0x430]  }
0x15e: {  	v10 =	vld @!p1 [tilespmem:$0x40]  }
0x15f: {  	v11 =	vld @!p1 [tilespmem:$0x440];
	v2 =	vshll.u32 @!p1 v2, $0x4  }
0x160: {  	v2 =	vadd.s32 @!p1 v3, v2;
	v3 =	vshll.u32 @!p1 v4, $0x4  }
0x161: {  	[tilespmem:$0x0] =	vst @!p1 v2;
	v2 =	vadd.s32 @!p1 v5, v3;
	v3 =	vshll.u32 @!p1 v6, $0x4  }
0x162: {  	[tilespmem:$0x10] =	vst @!p1 v2;
	v2 =	vadd.s32 @!p1 v7, v3;
	v3 =	vshll.u32 @!p1 v8, $0x4  }
0x163: {  	[tilespmem:$0x20] =	vst @!p1 v2;
	v2 =	vadd.s32 @!p1 v9, v3;
	v3 =	vshll.u32 @!p1 v10, $0x4  }
0x164: {  	[tilespmem:$0x30] =	vst @!p1 v2;
	v2 =	vadd.s32 @!p1 v11, v3  }
0x165: {  	s28 =	sadd.s32 $0xFFFFFFFF, s28;
	s14 =	simm.s32 @!p1 $0x600;
	s9 =	simm.s32 @!p1 $0x50;
	[tilespmem:$0x40] =	vst @!p1 v2  }
0x166: {  	[tilespmem:s14], [sflag:$0x1] =	stream.indirect.gather @!p1 [hbm4b:s8+s9], $0x80, s12, s9, $0xb8;
	[tilespmem:$0x1EB80] =	vst v63  }
0x167: {  	p1 =	sne.s32 s28, $0x0;
	_ =	swait.ge [sflag:s25], $0x2800  }
.Ltmp1:
0x168: {  	[sflag:s25] =	ssyncset.done $0x0;
	(pc) =	sbr.rel @p1 .LBB2_4-.Ltmp1, $4  }
0x169: {  	s20 =	sadd.s32 $0x28, s20;
	s31 =	rddreg [dreg:$0x8];
	[sflag:s25] =	ssyncadd.s32 $0xFFFFD800  }
0x16a: {  	[spmem:s1] =	stream.indirect.scatter.add.f32 [tilespmem:s31], [sflag:$0x8], $0x80, s26, s16, $0xb8;
	[tilespmem:$0x1EB80] =	vst v63  }
0x16b: {  	s10 =	sadd.s32 $0x28, s10;
	s0 =	sadd.s32 $0x28, s0;
	s29 =	smov.u32 s30  }
0x16c: {  	[spmem:s2] =	stream.indirect.scatter.add.f32 [tilespmem:s18], [sflag:$0xC], $0x1, s26, s16, $0xb8;
	[tilespmem:$0x1EB80] =	vst v63  }
0x16d: {  	s0 =	simm.s32 $0x7  }
0x16e: {  	_ =	swait.ge [sflag:s0], $0x2800  }
0x16f: {  	[sflag:s0] =	ssyncset.done $0x0  }
0x170: {  	s9 =	simm.s32 $0xB;
	[sflag:s0] =	ssyncadd.s32 $0xFFFFD800  }
0x171: {  	_ =	swait.ge [sflag:s9], $0x50  }
0x172: {  	[sflag:s9] =	ssyncset.done $0x0  }
0x173: {  	s10 =	simm.s32 $0x8;
	[sflag:s9] =	ssyncadd.s32 $0xFFFFFFB0  }
0x174: {  	_ =	swait.ge [sflag:s10], $0x2800  }
0x175: {  	[sflag:s10] =	ssyncset.done $0x0  }
0x176: {  	s12 =	simm.s32 $0xC;
	[sflag:s10] =	ssyncadd.s32 $0xFFFFD800  }
0x177: {  	_ =	swait.ge [sflag:s12], $0x50  }
0x178: {  	[sflag:s12] =	ssyncset.done $0x0  }
0x179: {  	[sflag:s12] =	ssyncadd.s32 $0xFFFFFFB0  }
0x17a: {  	[bflag:$0x0] =	sbarrier.arrive $0xFFFF  }
0x17b: {  	s0 =	rddreg [dreg:$0x16]  }
0x17c: {  	s9 =	simm.s32 @p0 $0x1FD1;
	s10 =	rddreg [dreg:$0x19];
	s0 =	sadd.s32 @p0 $0x25800, s0  }
0x17d: {  	[hbm:s0], [sflag:s9] =	dma.local @p0 [spmem:s10], $0x1900  }
0x17e: {  	s0 =	simm.s32 @p0 $0x11  }
0x17f: {  	_ =	swait.ge @p0 [sflag:s0], $0x1900  }
0x180: {  	s9 =	stileid.u32;
	s20 =	rddreg [dreg:$0xc]  }
0x181: {  	s9 =	sshll.u32 @!p0 s9, $0x6;
	[sflag:s0] =	ssyncset.done @p0 $0x0;
	s10 =	rddreg [dreg:$0x1a]  }
0x182: {  	[sflag:s0] =	ssyncadd.s32 @p0 $0xFFFFE700;
	s0 =	sor.u32 @!p0 $0x1C11, s9;
	s9 =	sshrl.u32 @!p0 s20, $0x3  }
0x183: {  	[hbm:s10], [sflag:s0] =	dma.local @!p0 [spmem:s9], $0x2800  }
0x184: {  	s0 =	simm.s32 @!p0 $0x11  }
0x185: {  	_ =	swait.ge @!p0 [sflag:s0], $0x2800  }
0x186: {  	[sflag:s0] =	ssyncset.done @!p0 $0x0  }
0x187: {  	s10 =	simm.s32 $0xA680;
	s28 =	rddreg [dreg:$0xf];
	[sflag:s0] =	ssyncadd.s32 @!p0 $0xFFFFD800  }
0x188: {  	[tilespmem:s10], [sflag:$0x11] =	stream.linear.gather [spmem:s28], $0x280, $0x38;
	[tilespmem:$0x1EB80] =	vst v63  }
0x189: {  	_ =	swait.ge [sflag:s4], $0x280  }
0x18a: {  	[sflag:s4] =	ssyncset.done $0x0  }
0x18b: {  	s14 =	simm.s32 $0x0;
	s29 =	rddreg [dreg:$0x17];
	[sflag:s4] =	ssyncadd.s32 $0xFFFFFD80  }
0x18c: {  	[hbm4b:s29+s14] =	stream.linear.scatter [tilespmem:s10], [sflag:$0x11], $0x280, $0x38;
	[tilespmem:$0x1EB80] =	vst v63  }
0x18d: {  	_ =	swait.ge [sflag:s4], $0x280  }
0x18e: {  	s30 =	sld [smem:$0x7FC];
	_ =	sdelay $0x2  }
0x18f: {  	s31 =	rddreg [dreg:$0x18];
	s9 =	sadd.s32 $0x1, s30  }
0x190: {  	p1 =	sne.s32 s9, s31  }
.Ltmp2:
0x191: {  	_ = 	snop;
	(pc) =	sbr.rel @p1 .LBB2_1-.Ltmp2, $3  }
0x192: {  	_ =	sdelay $0x1  }
0x193: {  	[sflag:s4] =	ssyncset.done $0x0  }
0x194: {  	[sflag:s4] =	ssyncadd.s32 $0xFFFFFD80  }
0x195: {  	_ =	sfence.sel $0x180000  }
0x196: {  	[bflag:$0x0] =	sbarrier.arrive $0xFFFF  }
0x197: {  	_ =	strace $0x9000004A  }
0x198: {  	s0 =	stileid.u32;
	[bflag:$0x2] =	sbarrier.arrive $0xFFFF  }
0x199: {  	p0 =	sne.s32 s0, $0x0;
	s0 =	rddreg [dreg:$0x4]  }
0x19a: {  	s0 =	sadd.s32 @!p0 $0x100000, s0  }
0x19b: {  	[sflag:s0] =	ssyncadd.tile.s32 @!p0 $0x1;
	_ =	shalt  }
.Lfunc_end2:
_tile_overlayer_lowered:
.L_overlay_start_2:
0x19c: {  	(tag) =	ssettag $0x2  }
0x19d: {  	s0 =	rddreg [dreg:$0x0];
	s2 =	stileid.u32  }
0x19e: {  	s1 =	rddreg [dreg:$0x1];
	p0 =	sne.s32 s2, $0x0  }
0x19f: {  	s3 =	rddreg [dreg:$0x2];
	[bflag:$0x3] =	sbarrier.arrive $0xFFFF;
	s2 =	simm.s32 @!p0 $0x1C11  }
0x1a0: {  	[timem:s3], [sflag:s2] =	dma.local @!p0 [hbm:s0], s1  }
0x1a1: {  	s0 =	simm.s32 @!p0 $0x11  }
0x1a2: {  	_ =	swait.ge @!p0 [sflag:s0], s1  }
0x1a3: {  	s1 =	ssub.s32 @!p0 $0x0, s1;
	[sflag:s0] =	ssyncset.done @!p0 $0x0  }
0x1a4: {  	[sflag:s0] =	ssyncadd.s32 @!p0 s1  }
0x1a5: {  	[bflag:$0x3] =	sbarrier.arrive $0xFFFF  }
0x1a6: {  	_ =	shalt  }

// kernel: kernel.15.cloned.1.call-start
scs
__scs_entry_jumppad:
0x0: {  	(pc) =	sbr.rel $0x88, $3  }
0x1: {  	(tag) =	ssettag $0x0;
	lr =	simm.s32 $0x1  }
0x2: {  	[smem:$0x3F92] =	sst lr;
	_ =	strace $0xD0000000  }
0x3: {  	_ = 	snop  }
0x4: {  	_ = 	snop  }
0x5: {  	_ = 	snop  }
0x6: {  	_ = 	snop  }
0x7: {  	_ = 	snop  }
__scs_overlays_trampoline_lowered:
0x8: {  	[smem:$0x3FA1] =	sst s0  }
0x9: {  	[smem:$0x3FA2] =	sst s1  }
0xa: {  	[smem:$0x3FA3] =	sst s2  }
0xb: {  	[smem:$0x3FA4] =	sst s3  }
0xc: {  	[smem:$0x3FA5] =	sst s4  }
0xd: {  	[smem:$0x3FA6] =	sst s5  }
0xe: {  	[smem:$0x3FA7] =	sst s6  }
0xf: {  	[smem:$0x3FA8] =	sst s7  }
0x10: {  	[smem:$0x3FA9] =	sst s8  }
0x11: {  	[smem:$0x3FAA] =	sst s9;
	s0 =	simm.s32 @!p0 $0x0  }
0x12: {  	s1 =	sld [smem:$0x3F90];
	s0 =	simm.s32 @p0 $0x1  }
0x13: {  	[smem:$0x3FAB] =	sst s0;
	s0 =	simm.s32 @!p1 $0x0  }
0x14: {  	s2 =	sld [smem:$0x3F8F];
	s0 =	simm.s32 @p1 $0x1  }
0x15: {  	[smem:$0x3FAC] =	sst s0;
	s0 =	simm.s32 @!p2 $0x0  }
0x16: {  	s3 =	sld [smem:$0x3FDB];
	s0 =	simm.s32 @p2 $0x1  }
0x17: {  	s4 =	simm.s32 $0x1BF5;
	[smem:$0x3FAE] =	sst s0  }
0x18: {  	s0 =	sld [smem:$0x3F91];
	_ =	swait.ge [sflag:s4], $0x0  }
0x19: {  	s7 =	sld [smem:$0x3F92]  }
0x1a: {  	s8 =	sadd.s32 $0xFFFFE003, lr  }
0x1b: {  	s9 =	sadd.s32 $0xFFFFFEF7, lr;
	s5 =	simm.s32 $0xFFFFFFFF;
	p2 =	slt.u32 s8, $0xFFFFF086  }
0x1c: {  	p1 =	slt.u32 s9, $0xF7A;
	s5 =	simm.s32 @!p2 $0x0  }
0x1d: {  	s5 =	simm.s32 @p1 $0x1;
	p0 =	seq.s32 s7, s2  }
0x1e: {  	s7 =	smul.u32 @!p0 $0xF7A, s2;
	p2 =	seq.s32 @!p0 s5, $0x0  }
0x1f: {  	s9 =	smul.u32 $0xF7A, s1;
	s8 =	simm.s32 @!p0 $0x1BF5;
	p2 =	por !p2, p0  }
0x20: {  	[sflag:s8] =	ssyncset.s32 @!p0 $0xFFFFF086;
	s6 =	sadd.s32 @!p0 s3, s7;
	s7 =	simm.s32 @!p0 $0x108  }
0x21: {  	s3 =	sadd.s32 s3, s9;
	s6 =	sadd.s32 @!p0 $0x88, s6;
	s7 =	simm.s32 @p2 $0x1082  }
0x22: {  	[simem:s7], [sflag:s8] =	dma.local @!p0 [hbm:s6], $0xF7A  }
0x23: {  	s9 =	sor.u32 $0xD0000000, s2;
	s6 =	simm.s32 $0x108;
	_ =	swait.ge @!p0 [sflag:s8], $0x0  }
0x24: {  	s3 =	sadd.s32 $0x88, s3;
	s6 =	simm.s32 @!p1 $0x1082;
	[sflag:s4] =	ssyncset.s32 $0xFFFFF086  }
0x25: {  	[simem:s6], [sflag:s4] =	dma.local [hbm:s3], $0xF7A  }
0x26: {  	[smem:$0x3F92] =	sst s1;
	(tag) =	ssettag s2;
	_ =	strace s9  }
0x27: {  	s1 =	sld [smem:$0x3FA2]  }
0x28: {  	s2 =	sld [smem:$0x3FA3]  }
0x29: {  	s4 =	sld [smem:$0x3FA5]  }
0x2a: {  	p0 =	seq.s32 s5, $0x0;
	s5 =	sld [smem:$0x3FA6]  }
0x2b: {  	s6 =	sld [smem:$0x3FA7]  }
0x2c: {  	s7 =	sld [smem:$0x3FA8]  }
0x2d: {  	s3 =	simm.s32 $0x108;
	s8 =	sld [smem:$0x3FA9]  }
0x2e: {  	s3 =	simm.s32 @!p0 $0x1082;
	s9 =	sld [smem:$0x3FAA]  }
0x2f: {  	lr =	sadd.s32 s0, s3;
	s0 =	sld [smem:$0x3FA1]  }
0x30: {  	s3 =	sld [smem:$0x3FA4]  }
0x31: {  	[smem:$0x3FAD] =	sst s10  }
0x32: {  	s10 =	sld [smem:$0x3FAB];
	_ =	sdelay $0x3  }
0x33: {  	p0 =	seq.s32 s10, $0x1;
	s10 =	sld [smem:$0x3FAD];
	_ =	sdelay $0x3  }
0x34: {  	[smem:$0x3FAD] =	sst s10  }
0x35: {  	s10 =	sld [smem:$0x3FAC];
	_ =	sdelay $0x3  }
0x36: {  	p1 =	seq.s32 s10, $0x1;
	s10 =	sld [smem:$0x3FAD];
	_ =	sdelay $0x3  }
0x37: {  	[smem:$0x3FAD] =	sst s10  }
0x38: {  	s10 =	sld [smem:$0x3FAE]  }
0x39: {  	_ = 	snop;
	(pc) =	sbr.ind lr, $3  }
0x3a: {  	_ = 	snop  }
0x3b: {  	_ = 	snop  }
0x3c: {  	p2 =	seq.s32 s10, $0x1;
	s10 =	sld [smem:$0x3FAD]  }
0x3d: {  	_ =	shalt  }
0x3e: {  	_ =	shalt  }
0x3f: {  	_ =	shalt  }
0x40: {  	_ =	shalt  }
0x41: {  	_ =	shalt  }
0x42: {  	_ =	shalt  }
0x43: {  	_ =	shalt  }
0x44: {  	_ =	shalt  }
0x45: {  	_ =	shalt  }
0x46: {  	_ =	shalt  }
0x47: {  	_ =	shalt  }
0x48: {  	_ =	shalt  }
0x49: {  	_ =	shalt  }
0x4a: {  	_ =	shalt  }
0x4b: {  	_ =	shalt  }
0x4c: {  	_ =	shalt  }
0x4d: {  	_ =	shalt  }
0x4e: {  	_ =	shalt  }
0x4f: {  	_ =	shalt  }
0x50: {  	_ =	shalt  }
0x51: {  	_ =	shalt  }
0x52: {  	_ =	shalt  }
0x53: {  	_ =	shalt  }
0x54: {  	_ =	shalt  }
0x55: {  	_ =	shalt  }
0x56: {  	_ =	shalt  }
0x57: {  	_ =	shalt  }
0x58: {  	_ =	shalt  }
0x59: {  	_ =	shalt  }
0x5a: {  	_ =	shalt  }
0x5b: {  	_ =	shalt  }
0x5c: {  	_ =	shalt  }
0x5d: {  	_ =	shalt  }
0x5e: {  	_ =	shalt  }
0x5f: {  	_ =	shalt  }
0x60: {  	_ =	shalt  }
0x61: {  	_ =	shalt  }
0x62: {  	_ =	shalt  }
0x63: {  	_ =	shalt  }
0x64: {  	_ =	shalt  }
0x65: {  	_ =	shalt  }
0x66: {  	_ =	shalt  }
0x67: {  	_ =	shalt  }
0x68: {  	_ =	shalt  }
0x69: {  	_ =	shalt  }
0x6a: {  	_ =	shalt  }
0x6b: {  	_ =	shalt  }
0x6c: {  	_ =	shalt  }
0x6d: {  	_ =	shalt  }
0x6e: {  	_ =	shalt  }
0x6f: {  	_ =	shalt  }
0x70: {  	_ =	shalt  }
0x71: {  	_ =	shalt  }
0x72: {  	_ =	shalt  }
0x73: {  	_ =	shalt  }
0x74: {  	_ =	shalt  }
0x75: {  	_ =	shalt  }
0x76: {  	_ =	shalt  }
0x77: {  	_ =	shalt  }
0x78: {  	_ =	shalt  }
0x79: {  	_ =	shalt  }
0x7a: {  	_ =	shalt  }
0x7b: {  	_ =	shalt  }
0x7c: {  	_ =	shalt  }
0x7d: {  	_ =	shalt  }
0x7e: {  	_ =	shalt  }
0x7f: {  	_ =	shalt  }
0x80: {  	_ =	shalt  }
0x81: {  	_ =	shalt  }
0x82: {  	_ =	shalt  }
0x83: {  	_ =	shalt  }
0x84: {  	_ =	shalt  }
0x85: {  	_ =	shalt  }
0x86: {  	_ =	shalt  }
0x87: {  	_ =	shalt  }
.Lfunc_end0:
.L_simem_size_0:
called_computation.2_lowered:
.L_overlay_start_0:
0x88: {  	s2 =	sld [smem:$0x3FD9]  }
0x89: {  	s3 =	sld [smem:$0x3FFE];
	_ =	sdelay $0x1  }
0x8a: {  	s1 =	srdreg.scid  }
0x8b: {  	s0 =	sand.u32 $0x1, s1  }
0x8c: {  	s16 =	sshll.u32 s0, $0xA;
	s2 =	sadd.s32 s3, s2  }
0x8d: {  	s2 =	sadd.s32 s2, s16  }
0x8e: {  	[smem:$0x3FB9] =	sst s2  }
0x8f: {  	_ = 	snop  }
0x90: {  	(tm) =	ssettm $0x1  }
0x91: {  	s17 =	sld [smem:$0x3FFB];
	_ =	sdelay $0x3  }
0x92: {  	_ =	strace s17  }
0x93: {  	s2 =	sld [smem:$0x3FFC];
	_ =	sdelay $0x3  }
0x94: {  	_ =	strace s2  }
0x95: {  	s2 =	sld [smem:$0x3FFD];
	_ =	sdelay $0x3  }
0x96: {  	_ =	strace s2  }
0x97: {  	_ =	strace $0x8FFFFFFF  }
0x98: {  	s18 =	sld [smem:$0x3FDB];
	_ =	sdelay $0x1  }
0x99: {  	s19 =	simm.s32 $_scs_section_size  }
0x9a: {  	s4 =	simm.s32 $_size__tile_overlayer_lowered;
	s5 =	simm.s32 $_tile_overlayer_lowered  }
0x9b: {  	s22 =	simm.s32 $0x1BFF;
	s21 =	sshll.u32 s5, $0x1;
	s2 =	sadd.s32 s19, s18  }
0x9c: {  	s6 =	simm.s32 $0x0;
	s20 =	sshll.u32 s4, $0x1;
	s4 =	sadd.s32 s21, s2  }
0x9d: {  	[timem:s6], [sflag:s22] =	dma.local [hbm:s4], s20  }
0x9e: {  	_ =	swait.ge [sflag:s22], s20  }
0x9f: {  	s3 =	ssub.s32 $0x0, s20;
	[sflag:s22] =	ssyncset.done $0x0  }
0xa0: {  	[sflag:s22] =	ssyncadd.s32 s3;
	_ =	sdelay $0x1  }
0xa1: {  	s23 =	simm.s32 $0x1B8B  }
0xa2: {  	_ =	swait.ge [sflag:s23], $0x1  }
0xa3: {  	[sflag:s23] =	ssyncset.done $0x0  }
0xa4: {  	s25 =	simm.s32 $0x1B8E;
	s24 =	sld [smem:$0x3FFE];
	[sflag:s23] =	ssyncadd.s32 $0xFFFFFFFF  }
0xa5: {  	s26 =	simm.s32 $execute0_lowered;
	[smem:$0x3FD2] =	sst s25  }
0xa6: {  	s4 =	sshll.u32 s26, $0x1;
	_ =	strace $0x8000004C;
	[dreg:$0x1] =	wrdreg $0xFFFFFFFF  }
0xa7: {  	s28 =	simm.s32 $_size_execute0_lowered;
	s2 =	sadd.s32 s2, s4;
	[dreg:$0x0] =	wrdreg $0x0  }
0xa8: {  	s4 =	sshll.u32 s28, $0x1;
	[dreg:$0x2] =	wrdreg s2  }
0xa9: {  	[dreg:$0x3] =	wrdreg s4  }
0xaa: {  	[dreg:$0x4] =	wrdreg $0xC0  }
0xab: {  	_ =	task [dreg:s6], $0x5FFFF  }
0xac: {  	[dreg:$0x1] =	wrdreg $0xFFFFFFFF  }
0xad: {  	[dreg:$0x0] =	wrdreg $0x60  }
0xae: {  	[dreg:$0x2] =	wrdreg s24  }
0xaf: {  	[dreg:$0x3] =	wrdreg $0xA9000  }
0xb0: {  	[dreg:$0x4] =	wrdreg $0x9  }
0xb1: {  	_ =	task.clear_ibuf [dreg:s6], $0x5FFFF;
	_ =	strace $0x9000004C  }
0xb2: {  	s29 =	simm.s32 $0x9;
	_ =	strace $0x8000004E  }
0xb3: {  	_ =	swait.ge [sflag:s29], $0x1  }
0xb4: {  	[sflag:s29] =	ssyncadd.s32 $0xFFFFFFFF  }
0xb5: {  	_ =	strace $0x9000004E  }
0xb6: {  	_ =	sfence  }
0xb7: {  	s30 =	sld [smem:$0x0];
	_ =	sdelay $0x2  }
0xb8: {  	s31 =	sshll.u32 s1, $0xD;
	s1 =	sshrl.u32 s1, $0x2  }
0xb9: {  	s3 =	sand.u32 $0x4000, s31;
	s1 =	sadd.s32 s1, s30  }
0xba: {  	s0 =	sor.u32 s3, s0;
	s1 =	sshll.u32 s1, $0x11  }
0xbb: {  	s0 =	sor.u32 s1, s0  }
0xbc: {  	s0 =	sadd.s32 $0x8F2B, s0  }
0xbd: {  	[sflag:s0] =	ssyncadd.remote.s32 $0x1  }
0xbe: {  	_ =	sfence.sel $0xFFFF  }
0xbf: {  	[dreg:$0x0] =	wrdreg $0xFFFFFFFF;
	(pc) =	sbr.abs _section_cstart, $3  }
0xc0: {  	[dreg:$0x1] =	wrdreg $0xFFFFFFFF  }
0xc1: {  	_ =	task.clear_ibuf [dreg:s6], $0x2FFFF;
	_ =	strace $0x9FFFFFFF  }
0xc2: {  	(tm) =	ssettm $0x7FFFFFFF  }
0xc3: {  	_ =	shalt  }
tec
execute0_lowered:
.L_overlay_start_1:
0x0: {  	(tag) =	ssettag $0x1  }
0x1: {  	s0 =	rddreg [dreg:$0x0]  }
0x2: {  	s1 =	rddreg [dreg:$0x1]  }
0x3: {  	s2 =	simm.s32 $0x0;
	s3 =	srdreg.scid;
	s10 =	stileid.u32  }
0x4: {  	s21 =	simm.s32 $0x2E00;
	s23 =	simm.s32 $0x300;
	s24 =	simm.s32 $0x5600  }
0x5: {  	s30 =	simm.s32 $0x600;
	[smem:$0x7FF] =	sst s2;
	s11 =	sadd.s32 $0xC800, s0  }
0x6: {  	s12 =	sadd.s32 $0x16600, s0;
	_ =	strace $0x8000004D;
	[dreg:$0x9] =	wrdreg s11  }
0x7: {  	s3 =	sand.u32 $0x1, s3;
	s5 =	smul.u32 $0x50000, s10;
	[dreg:$0xa] =	wrdreg s12  }
0x8: {  	s13 =	sadd.s32 $0x2A00, s0;
	s6 =	smul.u32 $0x30, s10;
	[dreg:$0x4] =	wrdreg s21  }
0x9: {  	s7 =	sadd.s32 $0x6E600, s0;
	s9 =	smul.u32 $0xCC, s10;
	[dreg:$0xb] =	wrdreg s13  }
0xa: {  	s4 =	smul.u32 $0x27100, s3;
	s25 =	ssub.s32 $0x2, s3;
	[dreg:$0x5] =	wrdreg s23  }
0xb: {  	[dreg:$0x6] =	wrdreg s24;
	s5 =	sshrl.u32 s5, $0x2;
	s26 =	sshrl.u32 s25, $0x1  }
0xc: {  	s0 =	sadd.s32 s4, s0;
	s4 =	ssub.s32 s25, s26;
	s25 =	simm.s32 $0x380  }
0xd: {  	s8 =	sadd.s32 s5, s1;
	s26 =	simm.s32 $0x7E00;
	[dreg:$0x7] =	wrdreg s25  }
0xe: {  	p0 =	seq.s32 s3, $0x0;
	s5 =	sadd.s32 $0x2800, s8;
	[dreg:$0x8] =	wrdreg s26  }
0xf: {  	s3 =	sadd.s32 $0xCC0, s6;
	s29 =	sadd.s32 $0x5000, s8;
	[dreg:$0xc] =	wrdreg s5  }
0x10: {  	s3 =	smov.u32 @p0 s9;
	s9 =	sadd.s32 $0x7800, s8;
	[dreg:$0xd] =	wrdreg s29  }
0x11: {  	s31 =	simm.s32 $0xD;
	s14 =	sadd.s32 $0xA000, s8;
	[dreg:$0xe] =	wrdreg s9  }
0x12: {  	s28 =	smul.u32 $0x50, s3;
	s15 =	sadd.s32 $0xC800, s8;
	[dreg:$0xf] =	wrdreg s14  }
0x13: {  	s6 =	sadd.s32 $0x2DF600, s0;
	s4 =	smax.u32 s4, $0x1;
	[dreg:$0x10] =	wrdreg s15  }
0x14: {  	s0 =	sadd.s32 $0x12C000, s1;
	s23 =	smul.u32 $0xA, s3;
	[dreg:$0x18] =	wrdreg s4  }
0x15: {  	s3 =	simm.s32 $0x9;
	s14 =	simm.s32 $0xCC;
	[dreg:$0x17] =	wrdreg s6  }
0x16: {  	s29 =	sadd.s32 $0x11800, s8;
	s9 =	simm.s32 $0x280;
	s15 =	simm.s32 $0x3  }
0x17: {  	s5 =	sshrl.u32 s28, $0x3;
	s28 =	sadd.s32 $0xF000, s8;
	[dreg:$0x1c] =	wrdreg s29  }
0x18: {  	s14 =	simm.s32 @!p0 $0x30;
	s16 =	sadd.s32 s11, s5;
	[dreg:$0x1b] =	wrdreg s28  }
0x19: {  	p0 =	seq.s32 s10, $0xF;
	s17 =	sadd.s32 s12, s5;
	[dreg:$0x11] =	wrdreg s16  }
0x1a: {  	s18 =	sadd.s32 s13, s5;
	s5 =	sadd.s32 $0xA, s5;
	[dreg:$0x12] =	wrdreg s17  }
0x1b: {  	s19 =	sadd.s32 $0xFFFFFFFF, s14;
	s0 =	sshrl.u32 @p0 s0, $0x3;
	[dreg:$0x13] =	wrdreg s18  }
0x1c: {  	s20 =	sadd.s32 s11, s5;
	[dreg:$0x3] =	wrdreg s19;
	s22 =	sadd.s32 s12, s5  }
0x1d: {  	s5 =	sadd.s32 s13, s5;
	[dreg:$0x19] =	wrdreg s0;
	s11 =	simm.s32 $0x1  }
0x1e: {  	s12 =	simm.s32 $0x2;
	s13 =	simm.s32 $0x5;
	s16 =	simm.s32 $0x6  }
0x1f: {  	s17 =	simm.s32 $0x4;
	[dreg:$0x16] =	wrdreg s5;
	s5 =	smul.u32 $0x2800, s10  }
0x20: {  	s18 =	simm.s32 $0x7;
	s19 =	simm.s32 $0x8;
	[dreg:$0x14] =	wrdreg s20  }
0x21: {  	[dreg:$0x15] =	wrdreg s22;
	s20 =	sshrl.u32 s14, $0x2;
	s0 =	sadd.s32 @!p0 s5, s6  }
0x22: {  	v0 =	vimm.f32 $0.0e+00;
	v1 =	vimm.f32 $1.000000000e+00;
	s10 =	simm.s32 $0x50;
	[dreg:$0x1a] =	wrdreg s0;
	s0 =	simm.s32 $0x200  }
.LBB2_1:
0x23: {  	s4 =	simm.s32 $0x0;
	s5 =	simm.s32 $0x200  }
.LBB2_2:
0x24: {  	p1 =	sne.s32 s5, $0x9E00;
	[tilespmem:s4+$0x670] =	vst v0  }
0x25: {  	[tilespmem:s4+$0x600] =	vst v0  }
0x26: {  	[tilespmem:s4+$0x610] =	vst v0  }
.Ltmp0:
0x27: {  	[tilespmem:s4+$0x620] =	vst v0;
	(pc) =	sbr.rel @p1 .LBB2_2-.Ltmp0, $4  }
0x28: {  	[tilespmem:s4+$0x630] =	vst v0  }
0x29: {  	[tilespmem:s4+$0x640] =	vst v0  }
0x2a: {  	[tilespmem:s4+$0x650] =	vst v0  }
0x2b: {  	[tilespmem:s4+$0x660] =	vst v0;
	s4 =	sshra.s32 s5, $0x2;
	s5 =	sadd.s32 $0x200, s5  }
0x2c: {  	[tilespmem:s4+$0x670] =	vst v0  }
0x2d: {  	[tilespmem:s4+$0x600] =	vst v0  }
0x2e: {  	[tilespmem:s4+$0x610] =	vst v0  }
0x2f: {  	[tilespmem:s4+$0x620] =	vst v0  }
0x30: {  	[tilespmem:s4+$0x630] =	vst v0  }
0x31: {  	[tilespmem:s4+$0x640] =	vst v0  }
0x32: {  	[tilespmem:s4+$0x650] =	vst v0  }
0x33: {  	[tilespmem:s4+$0x660] =	vst v0  }
0x34: {  	[tilespmem:$0xA680] =	vst v0  }
0x35: {  	[tilespmem:$0xA690] =	vst v0  }
0x36: {  	[tilespmem:$0xA6A0] =	vst v0  }
0x37: {  	[tilespmem:$0xA6B0] =	vst v0  }
0x38: {  	[tilespmem:$0xA6C0] =	vst v0  }
0x39: {  	[tilespmem:$0xA6D0] =	vst v0  }
0x3a: {  	[tilespmem:$0xA6E0] =	vst v0  }
0x3b: {  	[tilespmem:$0xA6F0] =	vst v0  }
0x3c: {  	[tilespmem:$0xA700] =	vst v0  }
0x3d: {  	[tilespmem:$0xA710] =	vst v0  }
0x3e: {  	[tilespmem:$0xA720] =	vst v0  }
0x3f: {  	[tilespmem:$0xA730] =	vst v0  }
0x40: {  	[tilespmem:$0xA740] =	vst v0  }
0x41: {  	[tilespmem:$0xA750] =	vst v0  }
0x42: {  	[tilespmem:$0xA760] =	vst v0  }
0x43: {  	[tilespmem:$0xA770] =	vst v0  }
0x44: {  	[tilespmem:$0xA780] =	vst v0  }
0x45: {  	[tilespmem:$0xA790] =	vst v0  }
0x46: {  	[tilespmem:$0xA7A0] =	vst v0  }
0x47: {  	[tilespmem:$0xA7B0] =	vst v0  }
0x48: {  	[tilespmem:$0xA7C0] =	vst v0  }
0x49: {  	[tilespmem:$0xA7D0] =	vst v0  }
0x4a: {  	[tilespmem:$0xA7E0] =	vst v0  }
0x4b: {  	[tilespmem:$0xA7F0] =	vst v0  }
0x4c: {  	[tilespmem:$0xA800] =	vst v0  }
0x4d: {  	[tilespmem:$0xA810] =	vst v0  }
0x4e: {  	[tilespmem:$0xA820] =	vst v0  }
0x4f: {  	[tilespmem:$0xA830] =	vst v0  }
0x50: {  	[tilespmem:$0xA840] =	vst v0  }
0x51: {  	[tilespmem:$0xA850] =	vst v0  }
0x52: {  	[tilespmem:$0xA860] =	vst v0  }
0x53: {  	[tilespmem:$0xA870] =	vst v0  }
0x54: {  	[tilespmem:$0xA880] =	vst v0  }
0x55: {  	[tilespmem:$0xA890] =	vst v0  }
0x56: {  	[tilespmem:$0xA8A0] =	vst v0  }
0x57: {  	[tilespmem:$0xA8B0] =	vst v0  }
0x58: {  	[tilespmem:$0xA8C0] =	vst v0  }
0x59: {  	[tilespmem:$0xA8D0] =	vst v0  }
0x5a: {  	[tilespmem:$0xA8E0] =	vst v0  }
0x5b: {  	[tilespmem:$0xA8F0] =	vst v0  }
0x5c: {  	[tilespmem:$0xA600] =	vst v1  }
0x5d: {  	[tilespmem:$0xA610] =	vst v1  }
0x5e: {  	[tilespmem:$0xA620] =	vst v1  }
0x5f: {  	[tilespmem:$0xA630] =	vst v1  }
0x60: {  	[tilespmem:$0xA640] =	vst v1  }
0x61: {  	[spmem:s8] =	stream.linear.scatter [tilespmem:s30], [sflag:$0xD], $0x2800, $0x38;
	[tilespmem:$0x1E900] =	vst v63  }
0x62: {  	_ =	swait.ge [sflag:s31], $0x2800  }
0x63: {  	[sflag:s31] =	ssyncset.done $0x0  }
0x64: {  	s5 =	rddreg [dreg:$0xc];
	[sflag:s31] =	ssyncadd.s32 $0xFFFFD800  }
0x65: {  	[spmem:s5] =	stream.linear.scatter [tilespmem:s30], [sflag:$0xD], $0x2800, $0x38;
	[tilespmem:$0x1E900] =	vst v63  }
0x66: {  	_ =	swait.ge [sflag:s31], $0x2800  }
0x67: {  	[sflag:s31] =	ssyncset.done $0x0  }
0x68: {  	s6 =	rddreg [dreg:$0xd];
	[sflag:s31] =	ssyncadd.s32 $0xFFFFD800  }
0x69: {  	[spmem:s6] =	stream.linear.scatter [tilespmem:s30], [sflag:$0xD], $0x2800, $0x38;
	[tilespmem:$0x1E900] =	vst v63  }
0x6a: {  	_ =	swait.ge [sflag:s31], $0x2800  }
0x6b: {  	[sflag:s31] =	ssyncset.done $0x0  }
0x6c: {  	s21 =	rddreg [dreg:$0xe];
	[sflag:s31] =	ssyncadd.s32 $0xFFFFD800  }
0x6d: {  	[spmem:s21] =	stream.linear.scatter [tilespmem:s30], [sflag:$0xD], $0x2800, $0x38;
	[tilespmem:$0x1E900] =	vst v63  }
0x6e: {  	_ =	swait.ge [sflag:s31], $0x2800  }
0x6f: {  	[sflag:s31] =	ssyncset.done $0x0  }
0x70: {  	s22 =	rddreg [dreg:$0xf];
	[sflag:s31] =	ssyncadd.s32 $0xFFFFD800  }
0x71: {  	[spmem:s22] =	stream.linear.scatter [tilespmem:s30], [sflag:$0xD], $0x2800, $0x38;
	[tilespmem:$0x1E900] =	vst v63  }
0x72: {  	_ =	swait.ge [sflag:s31], $0x2800  }
0x73: {  	[sflag:s31] =	ssyncset.done $0x0  }
0x74: {  	s24 =	rddreg [dreg:$0x10];
	[sflag:s31] =	ssyncadd.s32 $0xFFFFD800  }
0x75: {  	[spmem:s24] =	stream.linear.scatter [tilespmem:s30], [sflag:$0xD], $0x2800, $0x38;
	[tilespmem:$0x1E900] =	vst v63  }
0x76: {  	_ =	swait.ge [sflag:s31], $0x2800  }
0x77: {  	[sflag:s31] =	ssyncset.done $0x0  }
0x78: {  	s25 =	rddreg [dreg:$0x1b];
	[sflag:s31] =	ssyncadd.s32 $0xFFFFD800  }
0x79: {  	[spmem:s25] =	stream.linear.scatter [tilespmem:s30], [sflag:$0xD], $0x2800, $0x38;
	[tilespmem:$0x1E900] =	vst v63  }
0x7a: {  	_ =	swait.ge [sflag:s31], $0x2800  }
0x7b: {  	[sflag:s31] =	ssyncset.done $0x0  }
0x7c: {  	s26 =	rddreg [dreg:$0x1c];
	[sflag:s31] =	ssyncadd.s32 $0xFFFFD800  }
0x7d: {  	[spmem:s26] =	stream.linear.scatter [tilespmem:s30], [sflag:$0xD], $0x2800, $0x38;
	[tilespmem:$0x1E900] =	vst v63  }
0x7e: {  	_ =	swait.ge [sflag:s31], $0x2800  }
0x7f: {  	[sflag:s31] =	ssyncset.done $0x0  }
0x80: {  	[sflag:s31] =	ssyncadd.s32 $0xFFFFD800  }
0x81: {  	[bflag:$0x0] =	sbarrier.arrive $0xFFFF  }
0x82: {  	s22 =	simm.s32 $0x0;
	s28 =	rddreg [dreg:$0x11]  }
0x83: {  	[tilespmem:s22], [sflag:$0x9] =	stream.linear.gather [hbm4b:s28+s22], $0x50, $0x38;
	[tilespmem:$0x1E900] =	vst v63  }
0x84: {  	s5 =	rddreg [dreg:$0x12]  }
0x85: {  	[tilespmem:s0], [sflag:$0x9] =	stream.linear.gather [hbm4b:s5+s22], $0x50, $0x38;
	[tilespmem:$0x1E900] =	vst v63  }
0x86: {  	s6 =	rddreg [dreg:$0x13];
	s5 =	simm.s32 $0x400  }
0x87: {  	[tilespmem:s5], [sflag:$0x9] =	stream.linear.gather [hbm4b:s6+s22], $0x50, $0x38;
	[tilespmem:$0x1E900] =	vst v63  }
0x88: {  	_ =	swait.ge [sflag:s3], $0x50  }
0x89: {  	[sflag:s3] =	ssyncset.done $0x0  }
0x8a: {  	[sflag:s3] =	ssyncadd.s32 $0xFFFFFFB0  }
0x8b: {  	_ =	swait.ge [sflag:s3], $0x50  }
0x8c: {  	[sflag:s3] =	ssyncset.done $0x0  }
0x8d: {  	[sflag:s3] =	ssyncadd.s32 $0xFFFFFFB0  }
0x8e: {  	_ =	swait.ge [sflag:s3], $0x50  }
0x8f: {  	[sflag:s3] =	ssyncset.done $0x0  }
0x90: {  	[sflag:s3] =	ssyncadd.s32 $0xFFFFFFB0  }
0x91: {  	v2 =	vld [tilespmem:$0x0]  }
0x92: {  	v3 =	vld [tilespmem:$0x400]  }
0x93: {  	v4 =	vld [tilespmem:$0x10]  }
0x94: {  	v5 =	vld [tilespmem:$0x410]  }
0x95: {  	v6 =	vld [tilespmem:$0x20]  }
0x96: {  	v7 =	vld [tilespmem:$0x420]  }
0x97: {  	v8 =	vld [tilespmem:$0x30]  }
0x98: {  	v9 =	vld [tilespmem:$0x430]  }
0x99: {  	v10 =	vld [tilespmem:$0x40]  }
0x9a: {  	v11 =	vld [tilespmem:$0x440];
	v2 =	vshll.u32 v2, $0x4  }
0x9b: {  	v2 =	vadd.s32 v3, v2;
	v3 =	vshll.u32 v4, $0x4  }
0x9c: {  	[tilespmem:$0x0] =	vst v2;
	v2 =	vadd.s32 v5, v3;
	v3 =	vshll.u32 v6, $0x4  }
0x9d: {  	[tilespmem:$0x10] =	vst v2;
	v2 =	vadd.s32 v7, v3;
	v3 =	vshll.u32 v8, $0x4  }
0x9e: {  	s21 =	rddreg [dreg:$0x14];
	[tilespmem:$0x20] =	vst v2;
	v2 =	vadd.s32 v9, v3;
	v3 =	vshll.u32 v10, $0x4  }
0x9f: {  	s25 =	rddreg [dreg:$0x15];
	[tilespmem:$0x30] =	vst v2;
	v2 =	vadd.s32 v11, v3  }
0xa0: {  	s24 =	simm.s32 $0x80;
	s26 =	rddreg [dreg:$0x16];
	[tilespmem:$0x40] =	vst v2  }
0xa1: {  	[tilespmem:s24], [sflag:$0xA] =	stream.linear.gather [hbm4b:s21+s22], $0x50, $0x38;
	[tilespmem:$0x1E900] =	vst v63  }
0xa2: {  	s6 =	rddreg [dreg:$0xb]  }
0xa3: {  	[tilespmem:s9], [sflag:$0xA] =	stream.linear.gather [hbm4b:s25+s22], $0x50, $0x38;
	[tilespmem:$0x1E900] =	vst v63  }
0xa4: {  	s28 =	simm.s32 $0x480;
	s5 =	rddreg [dreg:$0xa]  }
0xa5: {  	[tilespmem:s28], [sflag:$0xA] =	stream.linear.gather [hbm4b:s26+s22], $0x50, $0x38;
	[tilespmem:$0x1E900] =	vst v63  }
0xa6: {  	s29 =	smov.u32 s20;
	s4 =	rddreg [dreg:$0x9]  }
0xa7: {  	[tilespmem:s30], [sflag:$0x1] =	stream.indirect.gather [hbm4b:s7+s10], $0x80, s22, s10, $0xb8;
	[tilespmem:$0x1E900] =	vst v63  }
.LBB2_4:
0xa8: {  	p3 =	seq.s32 s22, $0x0  }
0xa9: {  	s24 =	simm.s32 @!p3 $0x7  }
0xaa: {  	s25 =	sadd.s32 $0x2, s22;
	_ =	swait.ge @!p3 [sflag:s24], $0x2800  }
0xab: {  	p1 =	sge.u32 s25, s14;
	[sflag:s24] =	ssyncset.done @!p3 $0x0  }
0xac: {  	[sflag:s24] =	ssyncadd.s32 @!p3 $0xFFFFD800;
	s24 =	sadd.s32 @!p1 s4, s23  }
0xad: {  	s26 =	simm.s32 @!p1 $0x0;
	s25 =	sadd.s32 @!p1 $0x14, s24;
	s24 =	simm.s32 @!p1 $0x100  }
0xae: {  	[tilespmem:s24], [sflag:$0xB] =	stream.linear.gather @!p1 [hbm4b:s25+s26], $0x50, $0x38;
	[tilespmem:$0x1E900] =	vst v63  }
0xaf: {  	s25 =	sadd.s32 @!p1 s5, s23  }
0xb0: {  	s28 =	simm.s32 @!p1 $0x300;
	s25 =	sadd.s32 @!p1 $0x14, s25  }
0xb1: {  	[tilespmem:s28], [sflag:$0xB] =	stream.linear.gather @!p1 [hbm4b:s25+s26], $0x50, $0x38;
	[tilespmem:$0x1E900] =	vst v63  }
0xb2: {  	s25 =	sadd.s32 @!p1 s6, s23;
	s28 =	rddreg [dreg:$0x3]  }
0xb3: {  	s21 =	simm.s32 @!p1 $0x500;
	s25 =	sadd.s32 @!p1 $0x14, s25;
	p2 =	sge.s32 s22, s28  }
0xb4: {  	[tilespmem:s21], [sflag:$0xB] =	stream.linear.gather @!p1 [hbm4b:s25+s26], $0x50, $0x38;
	[tilespmem:$0x1E900] =	vst v63  }
0xb5: {  	s21 =	simm.s32 @!p2 $0xA  }
0xb6: {  	_ =	swait.ge @!p2 [sflag:s21], $0x50  }
0xb7: {  	[sflag:s21] =	ssyncset.done @!p2 $0x0  }
0xb8: {  	[sflag:s21] =	ssyncadd.s32 @!p2 $0xFFFFFFB0  }
0xb9: {  	_ =	swait.ge @!p2 [sflag:s21], $0x50  }
0xba: {  	[sflag:s21] =	ssyncset.done @!p2 $0x0  }
0xbb: {  	[sflag:s21] =	ssyncadd.s32 @!p2 $0xFFFFFFB0  }
0xbc: {  	_ =	swait.ge @!p2 [sflag:s21], $0x50  }
0xbd: {  	[sflag:s21] =	ssyncset.done @!p2 $0x0  }
0xbe: {  	[sflag:s21] =	ssyncadd.s32 @!p2 $0xFFFFFFB0  }
0xbf: {  	v2 =	vld @!p2 [tilespmem:$0x80]  }
0xc0: {  	v3 =	vld @!p2 [tilespmem:$0x480]  }
0xc1: {  	v4 =	vld @!p2 [tilespmem:$0x90]  }
0xc2: {  	v5 =	vld @!p2 [tilespmem:$0x490]  }
0xc3: {  	v6 =	vld @!p2 [tilespmem:$0xA0]  }
0xc4: {  	v7 =	vld @!p2 [tilespmem:$0x4A0]  }
0xc5: {  	v8 =	vld @!p2 [tilespmem:$0xB0]  }
0xc6: {  	v9 =	vld @!p2 [tilespmem:$0x4B0]  }
0xc7: {  	v10 =	vld @!p2 [tilespmem:$0xC0]  }
0xc8: {  	v11 =	vld @!p2 [tilespmem:$0x4C0];
	v2 =	vshll.u32 @!p2 v2, $0x4  }
0xc9: {  	v2 =	vadd.s32 @!p2 v3, v2;
	v3 =	vshll.u32 @!p2 v4, $0x4  }
0xca: {  	[tilespmem:$0x80] =	vst @!p2 v2;
	v2 =	vadd.s32 @!p2 v5, v3;
	v3 =	vshll.u32 @!p2 v6, $0x4  }
0xcb: {  	[tilespmem:$0x90] =	vst @!p2 v2;
	v2 =	vadd.s32 @!p2 v7, v3;
	v3 =	vshll.u32 @!p2 v8, $0x4  }
0xcc: {  	[tilespmem:$0xA0] =	vst @!p2 v2;
	v2 =	vadd.s32 @!p2 v9, v3;
	v3 =	vshll.u32 @!p2 v10, $0x4  }
0xcd: {  	[tilespmem:$0xB0] =	vst @!p2 v2;
	v2 =	vadd.s32 @!p2 v11, v3  }
0xce: {  	s25 =	simm.s32 @!p2 $0x80;
	s26 =	simm.s32 @!p2 $0x2E00;
	s21 =	simm.s32 @!p2 $0x50;
	[tilespmem:$0xC0] =	vst @!p2 v2  }
0xcf: {  	[tilespmem:s26], [sflag:$0x2] =	stream.indirect.gather @!p2 [hbm4b:s7+s21], $0x80, s25, s21, $0xb8;
	[tilespmem:$0x1E900] =	vst v63  }
0xd0: {  	_ =	swait.ge [sflag:s11], $0x2800  }
0xd1: {  	[sflag:s11] =	ssyncset.done $0x0  }
0xd2: {  	s21 =	simm.s32 @!p3 $0x8;
	[sflag:s11] =	ssyncadd.s32 $0xFFFFD800  }
0xd3: {  	[spmem:s1] =	stream.indirect.scatter.add.f32 [tilespmem:s30], [sflag:$0x5], $0x80, s0, s10, $0xb8;
	[tilespmem:$0x1E900] =	vst v63  }
0xd4: {  	s28 =	sadd.s32 $0x3, s22;
	_ =	swait.ge @!p3 [sflag:s21], $0x2800  }
0xd5: {  	p2 =	sge.u32 s28, s14;
	[sflag:s21] =	ssyncset.done @!p3 $0x0  }
0xd6: {  	[sflag:s21] =	ssyncadd.s32 @!p3 $0xFFFFD800;
	s21 =	sadd.s32 @!p2 s4, s23  }
0xd7: {  	s25 =	simm.s32 @!p2 $0x0;
	s26 =	simm.s32 @!p2 $0x180;
	s21 =	sadd.s32 @!p2 $0x1E, s21  }
0xd8: {  	[tilespmem:s26], [sflag:$0xC] =	stream.linear.gather @!p2 [hbm4b:s21+s25], $0x50, $0x38;
	[tilespmem:$0x1E900] =	vst v63  }
0xd9: {  	s21 =	sadd.s32 @!p2 s5, s23  }
0xda: {  	s28 =	simm.s32 @!p2 $0x380;
	s21 =	sadd.s32 @!p2 $0x1E, s21  }
0xdb: {  	[tilespmem:s28], [sflag:$0xC] =	stream.linear.gather @!p2 [hbm4b:s21+s25], $0x50, $0x38;
	[tilespmem:$0x1E900] =	vst v63  }
0xdc: {  	s21 =	sadd.s32 @!p2 s6, s23  }
0xdd: {  	s28 =	simm.s32 @!p2 $0x580;
	s21 =	sadd.s32 @!p2 $0x1E, s21  }
0xde: {  	[tilespmem:s28], [sflag:$0xC] =	stream.linear.gather @!p2 [hbm4b:s21+s25], $0x50, $0x38;
	[tilespmem:$0x1E900] =	vst v63  }
0xdf: {  	s21 =	simm.s32 @!p1 $0xB  }
0xe0: {  	_ =	swait.ge @!p1 [sflag:s21], $0x50  }
0xe1: {  	[sflag:s21] =	ssyncset.done @!p1 $0x0  }
0xe2: {  	[sflag:s21] =	ssyncadd.s32 @!p1 $0xFFFFFFB0  }
0xe3: {  	_ =	swait.ge @!p1 [sflag:s21], $0x50  }
0xe4: {  	[sflag:s21] =	ssyncset.done @!p1 $0x0  }
0xe5: {  	[sflag:s21] =	ssyncadd.s32 @!p1 $0xFFFFFFB0  }
0xe6: {  	_ =	swait.ge @!p1 [sflag:s21], $0x50  }
0xe7: {  	[sflag:s21] =	ssyncset.done @!p1 $0x0  }
0xe8: {  	[sflag:s21] =	ssyncadd.s32 @!p1 $0xFFFFFFB0  }
0xe9: {  	v2 =	vld @!p1 [tilespmem:$0x100]  }
0xea: {  	v3 =	vld @!p1 [tilespmem:$0x500]  }
0xeb: {  	v4 =	vld @!p1 [tilespmem:$0x110]  }
0xec: {  	v5 =	vld @!p1 [tilespmem:$0x510]  }
0xed: {  	v6 =	vld @!p1 [tilespmem:$0x120]  }
0xee: {  	v7 =	vld @!p1 [tilespmem:$0x520]  }
0xef: {  	v8 =	vld @!p1 [tilespmem:$0x130]  }
0xf0: {  	v9 =	vld @!p1 [tilespmem:$0x530]  }
0xf1: {  	v10 =	vld @!p1 [tilespmem:$0x140]  }
0xf2: {  	v11 =	vld @!p1 [tilespmem:$0x540];
	v2 =	vshll.u32 @!p1 v2, $0x4  }
0xf3: {  	v2 =	vadd.s32 @!p1 v3, v2;
	v3 =	vshll.u32 @!p1 v4, $0x4  }
0xf4: {  	[tilespmem:$0x100] =	vst @!p1 v2;
	v2 =	vadd.s32 @!p1 v5, v3;
	v3 =	vshll.u32 @!p1 v6, $0x4  }
0xf5: {  	[tilespmem:$0x110] =	vst @!p1 v2;
	v2 =	vadd.s32 @!p1 v7, v3;
	v3 =	vshll.u32 @!p1 v8, $0x4  }
0xf6: {  	[tilespmem:$0x120] =	vst @!p1 v2;
	v2 =	vadd.s32 @!p1 v9, v3;
	v3 =	vshll.u32 @!p1 v10, $0x4  }
0xf7: {  	[tilespmem:$0x130] =	vst @!p1 v2;
	v2 =	vadd.s32 @!p1 v11, v3  }
0xf8: {  	s25 =	simm.s32 @!p1 $0x5600;
	s21 =	simm.s32 @!p1 $0x50;
	[tilespmem:$0x140] =	vst @!p1 v2  }
0xf9: {  	[tilespmem:s25], [sflag:$0x3] =	stream.indirect.gather @!p1 [hbm4b:s7+s21], $0x80, s24, s21, $0xb8;
	[tilespmem:$0x1E900] =	vst v63  }
0xfa: {  	_ =	swait.ge [sflag:s12], $0x2800  }
0xfb: {  	[sflag:s12] =	ssyncset.done $0x0  }
0xfc: {  	s24 =	sadd.s32 $0x4, s22;
	s25 =	rddreg [dreg:$0x4];
	[sflag:s12] =	ssyncadd.s32 $0xFFFFD800  }
0xfd: {  	[spmem:s1] =	stream.indirect.scatter.add.f32 [tilespmem:s25], [sflag:$0x6], $0x80, s9, s10, $0xb8;
	[tilespmem:$0x1E900] =	vst v63  }
0xfe: {  	p1 =	sge.u32 s24, s14;
	_ =	swait.ge [sflag:s13], $0x2800  }
0xff: {  	s21 =	sadd.s32 @!p1 s4, s23;
	[sflag:s13] =	ssyncset.done $0x0  }
0x100: {  	s21 =	sadd.s32 @!p1 $0x28, s21;
	s25 =	simm.s32 @!p1 $0x0;
	[sflag:s13] =	ssyncadd.s32 $0xFFFFD800  }
0x101: {  	[tilespmem:s25], [sflag:$0x9] =	stream.linear.gather @!p1 [hbm4b:s21+s25], $0x50, $0x38;
	[tilespmem:$0x1E900] =	vst v63  }
0x102: {  	s21 =	sadd.s32 @!p1 s5, s23  }
0x103: {  	s28 =	simm.s32 @!p1 $0x200;
	s21 =	sadd.s32 @!p1 $0x28, s21  }
0x104: {  	[tilespmem:s28], [sflag:$0x9] =	stream.linear.gather @!p1 [hbm4b:s21+s25], $0x50, $0x38;
	[tilespmem:$0x1E900] =	vst v63  }
0x105: {  	s21 =	sadd.s32 @!p1 s6, s23  }
0x106: {  	s28 =	simm.s32 @!p1 $0x400;
	s21 =	sadd.s32 @!p1 $0x28, s21  }
0x107: {  	[tilespmem:s28], [sflag:$0x9] =	stream.linear.gather @!p1 [hbm4b:s21+s25], $0x50, $0x38;
	[tilespmem:$0x1E900] =	vst v63  }
0x108: {  	s21 =	simm.s32 @!p2 $0xC  }
0x109: {  	_ =	swait.ge @!p2 [sflag:s21], $0x50  }
0x10a: {  	[sflag:s21] =	ssyncset.done @!p2 $0x0  }
0x10b: {  	[sflag:s21] =	ssyncadd.s32 @!p2 $0xFFFFFFB0  }
0x10c: {  	_ =	swait.ge @!p2 [sflag:s21], $0x50  }
0x10d: {  	[sflag:s21] =	ssyncset.done @!p2 $0x0  }
0x10e: {  	[sflag:s21] =	ssyncadd.s32 @!p2 $0xFFFFFFB0  }
0x10f: {  	_ =	swait.ge @!p2 [sflag:s21], $0x50  }
0x110: {  	[sflag:s21] =	ssyncset.done @!p2 $0x0  }
0x111: {  	[sflag:s21] =	ssyncadd.s32 @!p2 $0xFFFFFFB0  }
0x112: {  	v2 =	vld @!p2 [tilespmem:$0x180]  }
0x113: {  	v3 =	vld @!p2 [tilespmem:$0x580]  }
0x114: {  	v4 =	vld @!p2 [tilespmem:$0x190]  }
0x115: {  	v5 =	vld @!p2 [tilespmem:$0x590]  }
0x116: {  	v6 =	vld @!p2 [tilespmem:$0x1A0]  }
0x117: {  	v7 =	vld @!p2 [tilespmem:$0x5A0]  }
0x118: {  	v8 =	vld @!p2 [tilespmem:$0x1B0]  }
0x119: {  	v9 =	vld @!p2 [tilespmem:$0x5B0]  }
0x11a: {  	v10 =	vld @!p2 [tilespmem:$0x1C0]  }
0x11b: {  	v11 =	vld @!p2 [tilespmem:$0x5C0];
	v2 =	vshll.u32 @!p2 v2, $0x4  }
0x11c: {  	v2 =	vadd.s32 @!p2 v3, v2;
	v3 =	vshll.u32 @!p2 v4, $0x4  }
0x11d: {  	[tilespmem:$0x180] =	vst @!p2 v2;
	v2 =	vadd.s32 @!p2 v5, v3;
	v3 =	vshll.u32 @!p2 v6, $0x4  }
0x11e: {  	[tilespmem:$0x190] =	vst @!p2 v2;
	v2 =	vadd.s32 @!p2 v7, v3;
	v3 =	vshll.u32 @!p2 v8, $0x4  }
0x11f: {  	[tilespmem:$0x1A0] =	vst @!p2 v2;
	v2 =	vadd.s32 @!p2 v9, v3;
	v3 =	vshll.u32 @!p2 v10, $0x4  }
0x120: {  	[tilespmem:$0x1B0] =	vst @!p2 v2;
	v2 =	vadd.s32 @!p2 v11, v3  }
0x121: {  	s28 =	simm.s32 @!p2 $0x7E00;
	s21 =	simm.s32 @!p2 $0x50;
	[tilespmem:$0x1C0] =	vst @!p2 v2  }
0x122: {  	[tilespmem:s28], [sflag:$0x4] =	stream.indirect.gather @!p2 [hbm4b:s7+s21], $0x80, s26, s21, $0xb8;
	[tilespmem:$0x1E900] =	vst v63  }
0x123: {  	_ =	swait.ge [sflag:s15], $0x2800  }
0x124: {  	s26 =	rddreg [dreg:$0x5];
	[sflag:s15] =	ssyncset.done $0x0  }
0x125: {  	s22 =	sadd.s32 $0x5, s22;
	s28 =	rddreg [dreg:$0x6];
	[sflag:s15] =	ssyncadd.s32 $0xFFFFD800  }
0x126: {  	[spmem:s1] =	stream.indirect.scatter.add.f32 [tilespmem:s28], [sflag:$0x7], $0x80, s26, s10, $0xb8;
	[tilespmem:$0x1E900] =	vst v63  }
0x127: {  	p2 =	sge.u32 s22, s14;
	_ =	swait.ge [sflag:s16], $0x2800  }
0x128: {  	s21 =	sadd.s32 @!p2 s4, s23;
	s22 =	simm.s32 @!p2 $0x0;
	[sflag:s16] =	ssyncset.done $0x0  }
0x129: {  	s21 =	sadd.s32 @!p2 $0x32, s21;
	s26 =	simm.s32 @!p2 $0x80;
	[sflag:s16] =	ssyncadd.s32 $0xFFFFD800  }
0x12a: {  	[tilespmem:s26], [sflag:$0xA] =	stream.linear.gather @!p2 [hbm4b:s21+s22], $0x50, $0x38;
	[tilespmem:$0x1E900] =	vst v63  }
0x12b: {  	s21 =	sadd.s32 @!p2 s5, s23  }
0x12c: {  	s26 =	simm.s32 @!p2 $0x280;
	s21 =	sadd.s32 @!p2 $0x32, s21  }
0x12d: {  	[tilespmem:s26], [sflag:$0xA] =	stream.linear.gather @!p2 [hbm4b:s21+s22], $0x50, $0x38;
	[tilespmem:$0x1E900] =	vst v63  }
0x12e: {  	s21 =	sadd.s32 @!p2 s6, s23  }
0x12f: {  	s26 =	simm.s32 @!p2 $0x480;
	s21 =	sadd.s32 @!p2 $0x32, s21  }
0x130: {  	[tilespmem:s26], [sflag:$0xA] =	stream.linear.gather @!p2 [hbm4b:s21+s22], $0x50, $0x38;
	[tilespmem:$0x1E900] =	vst v63  }
0x131: {  	s21 =	simm.s32 @!p1 $0x9  }
0x132: {  	_ =	swait.ge @!p1 [sflag:s21], $0x50  }
0x133: {  	[sflag:s21] =	ssyncset.done @!p1 $0x0  }
0x134: {  	[sflag:s21] =	ssyncadd.s32 @!p1 $0xFFFFFFB0  }
0x135: {  	_ =	swait.ge @!p1 [sflag:s21], $0x50  }
0x136: {  	[sflag:s21] =	ssyncset.done @!p1 $0x0  }
0x137: {  	[sflag:s21] =	ssyncadd.s32 @!p1 $0xFFFFFFB0  }
0x138: {  	_ =	swait.ge @!p1 [sflag:s21], $0x50  }
0x139: {  	[sflag:s21] =	ssyncset.done @!p1 $0x0  }
0x13a: {  	[sflag:s21] =	ssyncadd.s32 @!p1 $0xFFFFFFB0  }
0x13b: {  	v2 =	vld @!p1 [tilespmem:$0x0]  }
0x13c: {  	v3 =	vld @!p1 [tilespmem:$0x400]  }
0x13d: {  	v4 =	vld @!p1 [tilespmem:$0x10]  }
0x13e: {  	v5 =	vld @!p1 [tilespmem:$0x410]  }
0x13f: {  	v6 =	vld @!p1 [tilespmem:$0x20]  }
0x140: {  	v7 =	vld @!p1 [tilespmem:$0x420]  }
0x141: {  	v8 =	vld @!p1 [tilespmem:$0x30]  }
0x142: {  	v9 =	vld @!p1 [tilespmem:$0x430]  }
0x143: {  	v10 =	vld @!p1 [tilespmem:$0x40]  }
0x144: {  	v11 =	vld @!p1 [tilespmem:$0x440];
	v2 =	vshll.u32 @!p1 v2, $0x4  }
0x145: {  	v2 =	vadd.s32 @!p1 v3, v2;
	v3 =	vshll.u32 @!p1 v4, $0x4  }
0x146: {  	[tilespmem:$0x0] =	vst @!p1 v2;
	v2 =	vadd.s32 @!p1 v5, v3;
	v3 =	vshll.u32 @!p1 v6, $0x4  }
0x147: {  	[tilespmem:$0x10] =	vst @!p1 v2;
	v2 =	vadd.s32 @!p1 v7, v3;
	v3 =	vshll.u32 @!p1 v8, $0x4  }
0x148: {  	[tilespmem:$0x20] =	vst @!p1 v2;
	v2 =	vadd.s32 @!p1 v9, v3;
	v3 =	vshll.u32 @!p1 v10, $0x4  }
0x149: {  	[tilespmem:$0x30] =	vst @!p1 v2;
	v2 =	vadd.s32 @!p1 v11, v3  }
0x14a: {  	s29 =	sadd.s32 $0xFFFFFFFF, s29;
	s22 =	simm.s32 @!p1 $0x600;
	s21 =	simm.s32 @!p1 $0x50;
	[tilespmem:$0x40] =	vst @!p1 v2  }
0x14b: {  	[tilespmem:s22], [sflag:$0x1] =	stream.indirect.gather @!p1 [hbm4b:s7+s21], $0x80, s25, s21, $0xb8;
	[tilespmem:$0x1E900] =	vst v63  }
0x14c: {  	p1 =	sne.s32 s29, $0x0  }
.Ltmp1:
0x14d: {  	_ = 	snop;
	(pc) =	sbr.rel @p1 .LBB2_4-.Ltmp1, $4  }
0x14e: {  	s4 =	sadd.s32 $0x28, s4;
	s5 =	sadd.s32 $0x28, s5;
	_ =	swait.ge [sflag:s17], $0x2800  }
0x14f: {  	s6 =	sadd.s32 $0x28, s6;
	s26 =	rddreg [dreg:$0x7];
	[sflag:s17] =	ssyncset.done $0x0  }
0x150: {  	s22 =	smov.u32 s24;
	s28 =	rddreg [dreg:$0x8];
	[sflag:s17] =	ssyncadd.s32 $0xFFFFD800  }
0x151: {  	[spmem:s1] =	stream.indirect.scatter.add.f32 [tilespmem:s28], [sflag:$0x8], $0x80, s26, s10, $0xb8;
	[tilespmem:$0x1E900] =	vst v63  }
0x152: {  	_ =	swait.ge [sflag:s18], $0x2800  }
0x153: {  	[sflag:s18] =	ssyncset.done $0x0  }
0x154: {  	[sflag:s18] =	ssyncadd.s32 $0xFFFFD800  }
0x155: {  	_ =	swait.ge [sflag:s19], $0x2800  }
0x156: {  	[sflag:s19] =	ssyncset.done $0x0  }
0x157: {  	[sflag:s19] =	ssyncadd.s32 $0xFFFFD800  }
0x158: {  	[bflag:$0x0] =	sbarrier.arrive $0xFFFF  }
0x159: {  	s4 =	rddreg [dreg:$0x17]  }
0x15a: {  	s5 =	simm.s32 @p0 $0x1FCD;
	s6 =	rddreg [dreg:$0x19];
	s4 =	sadd.s32 @p0 $0x25800, s4  }
0x15b: {  	[hbm:s4], [sflag:s5] =	dma.local @p0 [spmem:s6], $0x1900  }
0x15c: {  	s4 =	simm.s32 @p0 $0xD  }
0x15d: {  	s5 =	stileid.u32;
	_ =	swait.ge @p0 [sflag:s4], $0x1900  }
0x15e: {  	s5 =	sshll.u32 @!p0 s5, $0x6;
	[sflag:s4] =	ssyncset.done @p0 $0x0;
	s6 =	rddreg [dreg:$0x1a]  }
0x15f: {  	[sflag:s4] =	ssyncadd.s32 @p0 $0xFFFFE700;
	s4 =	sor.u32 @!p0 $0x1C0D, s5;
	s5 =	sshrl.u32 @!p0 s8, $0x3  }
0x160: {  	[hbm:s6], [sflag:s4] =	dma.local @!p0 [spmem:s5], $0x2800  }
0x161: {  	s4 =	simm.s32 @!p0 $0xD  }
0x162: {  	_ =	swait.ge @!p0 [sflag:s4], $0x2800  }
0x163: {  	s2 =	sadd.s32 $0x1, s2;
	s29 =	rddreg [dreg:$0x18]  }
0x164: {  	p1 =	sne.s32 s2, s29  }
.Ltmp2:
0x165: {  	_ = 	snop;
	(pc) =	sbr.rel @p1 .LBB2_1-.Ltmp2, $3  }
0x166: {  	_ =	sdelay $0x1  }
0x167: {  	[sflag:s4] =	ssyncset.done @!p0 $0x0  }
0x168: {  	[sflag:s4] =	ssyncadd.s32 @!p0 $0xFFFFD800  }
0x169: {  	_ =	sfence.sel $0x180000  }
0x16a: {  	[bflag:$0x0] =	sbarrier.arrive $0xFFFF  }
0x16b: {  	_ =	strace $0x9000004D  }
0x16c: {  	s0 =	stileid.u32;
	[bflag:$0x2] =	sbarrier.arrive $0xFFFF  }
0x16d: {  	p0 =	sne.s32 s0, $0x0;
	s0 =	rddreg [dreg:$0x2]  }
0x16e: {  	s0 =	sadd.s32 @!p0 $0x100000, s0  }
0x16f: {  	[sflag:s0] =	ssyncadd.tile.s32 @!p0 $0x1;
	_ =	shalt  }
.Lfunc_end2:
_tile_overlayer_lowered:
.L_overlay_start_2:
0x170: {  	(tag) =	ssettag $0x2  }
0x171: {  	s0 =	rddreg [dreg:$0x0];
	s2 =	stileid.u32  }
0x172: {  	s1 =	rddreg [dreg:$0x1];
	p0 =	sne.s32 s2, $0x0  }
0x173: {  	s3 =	rddreg [dreg:$0x2];
	[bflag:$0x3] =	sbarrier.arrive $0xFFFF;
	s2 =	simm.s32 @!p0 $0x1C0D  }
0x174: {  	[timem:s3], [sflag:s2] =	dma.local @!p0 [hbm:s0], s1  }
0x175: {  	s0 =	simm.s32 @!p0 $0xD  }
0x176: {  	_ =	swait.ge @!p0 [sflag:s0], s1  }
0x177: {  	s1 =	ssub.s32 @!p0 $0x0, s1;
	[sflag:s0] =	ssyncset.done @!p0 $0x0  }
0x178: {  	[sflag:s0] =	ssyncadd.s32 @!p0 s1  }
0x179: {  	[bflag:$0x3] =	sbarrier.arrive $0xFFFF  }
0x17a: {  	_ =	shalt  }

// kernel: kernel.9.cloned.1.call-start
scs
__scs_entry_jumppad:
0x0: {  	(pc) =	sbr.rel $0x88, $3  }
0x1: {  	(tag) =	ssettag $0x0;
	lr =	simm.s32 $0x1  }
0x2: {  	[smem:$0x3F92] =	sst lr;
	_ =	strace $0xD0000000  }
0x3: {  	_ = 	snop  }
0x4: {  	_ = 	snop  }
0x5: {  	_ = 	snop  }
0x6: {  	_ = 	snop  }
0x7: {  	_ = 	snop  }
__scs_overlays_trampoline_lowered:
0x8: {  	[smem:$0x3FA1] =	sst s0  }
0x9: {  	[smem:$0x3FA2] =	sst s1  }
0xa: {  	[smem:$0x3FA3] =	sst s2  }
0xb: {  	[smem:$0x3FA4] =	sst s3  }
0xc: {  	[smem:$0x3FA5] =	sst s4  }
0xd: {  	[smem:$0x3FA6] =	sst s5  }
0xe: {  	[smem:$0x3FA7] =	sst s6  }
0xf: {  	[smem:$0x3FA8] =	sst s7  }
0x10: {  	[smem:$0x3FA9] =	sst s8  }
0x11: {  	[smem:$0x3FAA] =	sst s9;
	s0 =	simm.s32 @!p0 $0x0  }
0x12: {  	s1 =	sld [smem:$0x3F90];
	s0 =	simm.s32 @p0 $0x1  }
0x13: {  	[smem:$0x3FAB] =	sst s0;
	s0 =	simm.s32 @!p1 $0x0  }
0x14: {  	s2 =	sld [smem:$0x3F8F];
	s0 =	simm.s32 @p1 $0x1  }
0x15: {  	[smem:$0x3FAC] =	sst s0;
	s0 =	simm.s32 @!p2 $0x0  }
0x16: {  	s3 =	sld [smem:$0x3FDB];
	s0 =	simm.s32 @p2 $0x1  }
0x17: {  	s4 =	simm.s32 $0x1BF5;
	[smem:$0x3FAE] =	sst s0  }
0x18: {  	s0 =	sld [smem:$0x3F91];
	_ =	swait.ge [sflag:s4], $0x0  }
0x19: {  	s7 =	sld [smem:$0x3F92]  }
0x1a: {  	s8 =	sadd.s32 $0xFFFFE003, lr  }
0x1b: {  	s9 =	sadd.s32 $0xFFFFFEF7, lr;
	s5 =	simm.s32 $0xFFFFFFFF;
	p2 =	slt.u32 s8, $0xFFFFF086  }
0x1c: {  	p1 =	slt.u32 s9, $0xF7A;
	s5 =	simm.s32 @!p2 $0x0  }
0x1d: {  	s5 =	simm.s32 @p1 $0x1;
	p0 =	seq.s32 s7, s2  }
0x1e: {  	s7 =	smul.u32 @!p0 $0xF7A, s2;
	p2 =	seq.s32 @!p0 s5, $0x0  }
0x1f: {  	s9 =	smul.u32 $0xF7A, s1;
	s8 =	simm.s32 @!p0 $0x1BF5;
	p2 =	por !p2, p0  }
0x20: {  	[sflag:s8] =	ssyncset.s32 @!p0 $0xFFFFF086;
	s6 =	sadd.s32 @!p0 s3, s7;
	s7 =	simm.s32 @!p0 $0x108  }
0x21: {  	s3 =	sadd.s32 s3, s9;
	s6 =	sadd.s32 @!p0 $0x88, s6;
	s7 =	simm.s32 @p2 $0x1082  }
0x22: {  	[simem:s7], [sflag:s8] =	dma.local @!p0 [hbm:s6], $0xF7A  }
0x23: {  	s9 =	sor.u32 $0xD0000000, s2;
	s6 =	simm.s32 $0x108;
	_ =	swait.ge @!p0 [sflag:s8], $0x0  }
0x24: {  	s3 =	sadd.s32 $0x88, s3;
	s6 =	simm.s32 @!p1 $0x1082;
	[sflag:s4] =	ssyncset.s32 $0xFFFFF086  }
0x25: {  	[simem:s6], [sflag:s4] =	dma.local [hbm:s3], $0xF7A  }
0x26: {  	[smem:$0x3F92] =	sst s1;
	(tag) =	ssettag s2;
	_ =	strace s9  }
0x27: {  	s1 =	sld [smem:$0x3FA2]  }
0x28: {  	s2 =	sld [smem:$0x3FA3]  }
0x29: {  	s4 =	sld [smem:$0x3FA5]  }
0x2a: {  	p0 =	seq.s32 s5, $0x0;
	s5 =	sld [smem:$0x3FA6]  }
0x2b: {  	s6 =	sld [smem:$0x3FA7]  }
0x2c: {  	s7 =	sld [smem:$0x3FA8]  }
0x2d: {  	s3 =	simm.s32 $0x108;
	s8 =	sld [smem:$0x3FA9]  }
0x2e: {  	s3 =	simm.s32 @!p0 $0x1082;
	s9 =	sld [smem:$0x3FAA]  }
0x2f: {  	lr =	sadd.s32 s0, s3;
	s0 =	sld [smem:$0x3FA1]  }
0x30: {  	s3 =	sld [smem:$0x3FA4]  }
0x31: {  	[smem:$0x3FAD] =	sst s10  }
0x32: {  	s10 =	sld [smem:$0x3FAB];
	_ =	sdelay $0x3  }
0x33: {  	p0 =	seq.s32 s10, $0x1;
	s10 =	sld [smem:$0x3FAD];
	_ =	sdelay $0x3  }
0x34: {  	[smem:$0x3FAD] =	sst s10  }
0x35: {  	s10 =	sld [smem:$0x3FAC];
	_ =	sdelay $0x3  }
0x36: {  	p1 =	seq.s32 s10, $0x1;
	s10 =	sld [smem:$0x3FAD];
	_ =	sdelay $0x3  }
0x37: {  	[smem:$0x3FAD] =	sst s10  }
0x38: {  	s10 =	sld [smem:$0x3FAE]  }
0x39: {  	_ = 	snop;
	(pc) =	sbr.ind lr, $3  }
0x3a: {  	_ = 	snop  }
0x3b: {  	_ = 	snop  }
0x3c: {  	p2 =	seq.s32 s10, $0x1;
	s10 =	sld [smem:$0x3FAD]  }
0x3d: {  	_ =	shalt  }
0x3e: {  	_ =	shalt  }
0x3f: {  	_ =	shalt  }
0x40: {  	_ =	shalt  }
0x41: {  	_ =	shalt  }
0x42: {  	_ =	shalt  }
0x43: {  	_ =	shalt  }
0x44: {  	_ =	shalt  }
0x45: {  	_ =	shalt  }
0x46: {  	_ =	shalt  }
0x47: {  	_ =	shalt  }
0x48: {  	_ =	shalt  }
0x49: {  	_ =	shalt  }
0x4a: {  	_ =	shalt  }
0x4b: {  	_ =	shalt  }
0x4c: {  	_ =	shalt  }
0x4d: {  	_ =	shalt  }
0x4e: {  	_ =	shalt  }
0x4f: {  	_ =	shalt  }
0x50: {  	_ =	shalt  }
0x51: {  	_ =	shalt  }
0x52: {  	_ =	shalt  }
0x53: {  	_ =	shalt  }
0x54: {  	_ =	shalt  }
0x55: {  	_ =	shalt  }
0x56: {  	_ =	shalt  }
0x57: {  	_ =	shalt  }
0x58: {  	_ =	shalt  }
0x59: {  	_ =	shalt  }
0x5a: {  	_ =	shalt  }
0x5b: {  	_ =	shalt  }
0x5c: {  	_ =	shalt  }
0x5d: {  	_ =	shalt  }
0x5e: {  	_ =	shalt  }
0x5f: {  	_ =	shalt  }
0x60: {  	_ =	shalt  }
0x61: {  	_ =	shalt  }
0x62: {  	_ =	shalt  }
0x63: {  	_ =	shalt  }
0x64: {  	_ =	shalt  }
0x65: {  	_ =	shalt  }
0x66: {  	_ =	shalt  }
0x67: {  	_ =	shalt  }
0x68: {  	_ =	shalt  }
0x69: {  	_ =	shalt  }
0x6a: {  	_ =	shalt  }
0x6b: {  	_ =	shalt  }
0x6c: {  	_ =	shalt  }
0x6d: {  	_ =	shalt  }
0x6e: {  	_ =	shalt  }
0x6f: {  	_ =	shalt  }
0x70: {  	_ =	shalt  }
0x71: {  	_ =	shalt  }
0x72: {  	_ =	shalt  }
0x73: {  	_ =	shalt  }
0x74: {  	_ =	shalt  }
0x75: {  	_ =	shalt  }
0x76: {  	_ =	shalt  }
0x77: {  	_ =	shalt  }
0x78: {  	_ =	shalt  }
0x79: {  	_ =	shalt  }
0x7a: {  	_ =	shalt  }
0x7b: {  	_ =	shalt  }
0x7c: {  	_ =	shalt  }
0x7d: {  	_ =	shalt  }
0x7e: {  	_ =	shalt  }
0x7f: {  	_ =	shalt  }
0x80: {  	_ =	shalt  }
0x81: {  	_ =	shalt  }
0x82: {  	_ =	shalt  }
0x83: {  	_ =	shalt  }
0x84: {  	_ =	shalt  }
0x85: {  	_ =	shalt  }
0x86: {  	_ =	shalt  }
0x87: {  	_ =	shalt  }
.Lfunc_end0:
.L_simem_size_0:
called_computation_lowered:
.L_overlay_start_0:
0x88: {  	s2 =	sld [smem:$0x3FD9]  }
0x89: {  	s3 =	sld [smem:$0x3FFE];
	_ =	sdelay $0x1  }
0x8a: {  	s1 =	srdreg.scid  }
0x8b: {  	s0 =	sand.u32 $0x1, s1  }
0x8c: {  	s18 =	sshll.u32 s0, $0xA;
	s2 =	sadd.s32 s3, s2  }
0x8d: {  	s2 =	sadd.s32 s2, s18  }
0x8e: {  	[smem:$0x3FB9] =	sst s2  }
0x8f: {  	_ = 	snop  }
0x90: {  	s2 =	sld [smem:$0x3FC9]  }
0x91: {  	s19 =	sld [smem:$0x3FC6]  }
0x92: {  	s4 =	sld [smem:$0x3FD0];
	(tm) =	ssettm $0x1  }
0x93: {  	s5 =	sld [smem:$0x3FFB];
	_ =	sdelay $0x3  }
0x94: {  	_ =	strace s5  }
0x95: {  	s5 =	sld [smem:$0x3FFC];
	_ =	sdelay $0x3  }
0x96: {  	_ =	strace s5  }
0x97: {  	s5 =	sld [smem:$0x3FFD];
	_ =	sdelay $0x3  }
0x98: {  	_ =	strace s5  }
0x99: {  	_ =	strace $0x8FFFFFFF  }
0x9a: {  	s20 =	sld [smem:$0x3FDB];
	_ =	sdelay $0x1  }
0x9b: {  	s6 =	simm.s32 $_scs_section_size  }
0x9c: {  	s7 =	simm.s32 $_size__tile_overlayer_lowered;
	s8 =	simm.s32 $_tile_overlayer_lowered  }
0x9d: {  	s23 =	simm.s32 $0x1BFF;
	s22 =	sshll.u32 s8, $0x1;
	s5 =	sadd.s32 s6, s20  }
0x9e: {  	s9 =	simm.s32 $0x0;
	s21 =	sshll.u32 s7, $0x1;
	s7 =	sadd.s32 s22, s5  }
0x9f: {  	[timem:s9], [sflag:s23] =	dma.local [hbm:s7], s21  }
0xa0: {  	_ =	swait.ge [sflag:s23], s21  }
0xa1: {  	s6 =	ssub.s32 $0x0, s21;
	[sflag:s23] =	ssyncset.done $0x0  }
0xa2: {  	[sflag:s23] =	ssyncadd.s32 s6;
	_ =	sdelay $0x1  }
0xa3: {  	s24 =	simm.s32 $0x1B8B  }
0xa4: {  	_ =	swait.ge [sflag:s24], $0x1  }
0xa5: {  	[sflag:s24] =	ssyncset.done $0x0  }
0xa6: {  	s25 =	simm.s32 $0x1B8E;
	[sflag:s24] =	ssyncadd.s32 $0xFFFFFFFF  }
0xa7: {  	s26 =	simm.s32 $execute0_lowered;
	[smem:$0x3FD2] =	sst s25  }
0xa8: {  	s6 =	sshll.u32 s26, $0x1;
	_ =	strace $0x80000046;
	[dreg:$0x1] =	wrdreg $0xFFFFFFFF  }
0xa9: {  	s28 =	simm.s32 $_size_execute0_lowered;
	s5 =	sadd.s32 s5, s6;
	[dreg:$0x0] =	wrdreg $0x0  }
0xaa: {  	s6 =	sshll.u32 s28, $0x1;
	[dreg:$0x2] =	wrdreg s5  }
0xab: {  	[dreg:$0x3] =	wrdreg s6  }
0xac: {  	[dreg:$0x4] =	wrdreg $0xC0  }
0xad: {  	_ =	task [dreg:s9], $0x5FFFF  }
0xae: {  	[dreg:$0x1] =	wrdreg $0xFFFFFFFF  }
0xaf: {  	[dreg:$0x0] =	wrdreg $0x60  }
0xb0: {  	[dreg:$0x2] =	wrdreg s2  }
0xb1: {  	[dreg:$0x3] =	wrdreg s19  }
0xb2: {  	[dreg:$0x4] =	wrdreg s4  }
0xb3: {  	[dreg:$0x5] =	wrdreg $0x9  }
0xb4: {  	_ =	task.clear_ibuf [dreg:s9], $0x6FFFF;
	_ =	strace $0x90000046  }
0xb5: {  	s29 =	simm.s32 $0x9;
	_ =	strace $0x80000048  }
0xb6: {  	_ =	swait.ge [sflag:s29], $0x1  }
0xb7: {  	[sflag:s29] =	ssyncadd.s32 $0xFFFFFFFF  }
0xb8: {  	_ =	strace $0x90000048  }
0xb9: {  	_ =	sfence  }
0xba: {  	s30 =	sld [smem:$0x0];
	_ =	sdelay $0x2  }
0xbb: {  	s31 =	sshll.u32 s1, $0xD;
	s1 =	sshrl.u32 s1, $0x2  }
0xbc: {  	s3 =	sand.u32 $0x4000, s31;
	s1 =	sadd.s32 s1, s30  }
0xbd: {  	s0 =	sor.u32 s3, s0;
	s1 =	sshll.u32 s1, $0x11  }
0xbe: {  	s0 =	sor.u32 s1, s0  }
0xbf: {  	s0 =	sadd.s32 $0x8F2B, s0  }
0xc0: {  	[sflag:s0] =	ssyncadd.remote.s32 $0x1  }
0xc1: {  	_ =	sfence.sel $0xFFFF  }
0xc2: {  	[dreg:$0x0] =	wrdreg $0xFFFFFFFF;
	(pc) =	sbr.abs _section_cstart, $3  }
0xc3: {  	[dreg:$0x1] =	wrdreg $0xFFFFFFFF  }
0xc4: {  	_ =	task.clear_ibuf [dreg:s9], $0x2FFFF;
	_ =	strace $0x9FFFFFFF  }
0xc5: {  	(tm) =	ssettm $0x7FFFFFFF  }
tec
execute0_lowered:
.L_overlay_start_1:
0x0: {  	(tag) =	ssettag $0x1  }
0x1: {  	s0 =	srdreg.scid  }
0x2: {  	s17 =	sand.u32 $0x1, s0  }
0x3: {  	s0 =	stileid.u32;
	s1 =	sshll.u32 s17, $0x4  }
0x4: {  	s14 =	rddreg [dreg:$0x0];
	s15 =	sor.u32 s0, s1  }
0x5: {  	s2 =	rddreg [dreg:$0x1];
	s12 =	smul.u32 $0x138, s15  }
0x6: {  	s20 =	rddreg [dreg:$0x2];
	s3 =	simm.s32 $0x0  }
0x7: {  	s5 =	simm.s32 $0x2;
	[smem:$0x7FF] =	sst s3;
	s4 =	sshrl.u32 s12, $0x3  }
0x8: {  	s1 =	rddreg [dreg:$0x3];
	_ =	strace $0x80000047;
	s4 =	sadd.s32 s14, s4  }
0x9: {  	[tilespmem:s3], [sflag:$0x2] =	stream.linear.gather [hbm4b:s4+s3], $0x68, $0x38;
	[tilespmem:$0x3480] =	vst v63  }
0xa: {  	_ =	swait.ge [sflag:s5], $0x68  }
0xb: {  	s6 =	simm.s32 $0x68;
	[sflag:s5] =	ssyncset.done $0x0  }
0xc: {  	s7 =	simm.s32 $0x80;
	s8 =	simm.s32 $0x1;
	[sflag:s5] =	ssyncadd.s32 $0xFFFFFF98  }
0xd: {  	[tilespmem:s7], [sflag:$0x1] =	stream.indirect.gather [hbm4b:s2+s6], $0x80, s3, s6, $0xb8;
	[tilespmem:$0x3480] =	vst v63  }
0xe: {  	s9 =	smul.u32 $0x1380, s15;
	_ =	swait.ge [sflag:s8], $0x3400  }
0xf: {  	[sflag:s8] =	ssyncset.done $0x0  }
0x10: {  	s9 =	sadd.s32 s20, s9;
	[sflag:s8] =	ssyncadd.s32 $0xFFFFCC00  }
0x11: {  	[hbm4b:s9+s3] =	stream.linear.scatter [tilespmem:s7], [sflag:$0x2], $0x3400, $0x38;
	[tilespmem:$0x3480] =	vst v63  }
0x12: {  	s11 =	sadd.s32 $0x68, s12;
	_ =	swait.ge [sflag:s5], $0x3400  }
0x13: {  	s10 =	sshrl.u32 s11, $0x3;
	[sflag:s5] =	ssyncset.done $0x0  }
0x14: {  	s10 =	sadd.s32 s14, s10;
	[sflag:s5] =	ssyncadd.s32 $0xFFFFCC00  }
0x15: {  	[tilespmem:s3], [sflag:$0x2] =	stream.linear.gather [hbm4b:s10+s3], $0x68, $0x38;
	[tilespmem:$0x3480] =	vst v63  }
0x16: {  	_ =	swait.ge [sflag:s5], $0x68  }
0x17: {  	[sflag:s5] =	ssyncset.done $0x0  }
0x18: {  	[sflag:s5] =	ssyncadd.s32 $0xFFFFFF98  }
0x19: {  	[tilespmem:s7], [sflag:$0x1] =	stream.indirect.gather [hbm4b:s2+s6], $0x80, s3, s6, $0xb8;
	[tilespmem:$0x3480] =	vst v63  }
0x1a: {  	_ =	swait.ge [sflag:s8], $0x3400  }
0x1b: {  	s11 =	sshll.u32 s11, $0x4;
	[sflag:s8] =	ssyncset.done $0x0  }
0x1c: {  	s11 =	sadd.s32 s20, s11;
	[sflag:s8] =	ssyncadd.s32 $0xFFFFCC00  }
0x1d: {  	[hbm4b:s11+s3] =	stream.linear.scatter [tilespmem:s7], [sflag:$0x2], $0x3400, $0x38;
	[tilespmem:$0x3480] =	vst v63  }
0x1e: {  	s13 =	sadd.s32 $0xD0, s12;
	_ =	swait.ge [sflag:s5], $0x3400  }
0x1f: {  	s12 =	sshrl.u32 s13, $0x3;
	[sflag:s5] =	ssyncset.done $0x0  }
0x20: {  	s12 =	sadd.s32 s14, s12;
	[sflag:s5] =	ssyncadd.s32 $0xFFFFCC00  }
0x21: {  	[tilespmem:s3], [sflag:$0x2] =	stream.linear.gather [hbm4b:s12+s3], $0x68, $0x38;
	[tilespmem:$0x3480] =	vst v63  }
0x22: {  	_ =	swait.ge [sflag:s5], $0x68  }
0x23: {  	[sflag:s5] =	ssyncset.done $0x0  }
0x24: {  	[sflag:s5] =	ssyncadd.s32 $0xFFFFFF98  }
0x25: {  	[tilespmem:s7], [sflag:$0x1] =	stream.indirect.gather [hbm4b:s2+s6], $0x80, s3, s6, $0xb8;
	[tilespmem:$0x3480] =	vst v63  }
0x26: {  	_ =	swait.ge [sflag:s8], $0x3400  }
0x27: {  	s13 =	sshll.u32 s13, $0x4;
	[sflag:s8] =	ssyncset.done $0x0  }
0x28: {  	s13 =	sadd.s32 s20, s13;
	[sflag:s8] =	ssyncadd.s32 $0xFFFFCC00  }
0x29: {  	[hbm4b:s13+s3] =	stream.linear.scatter [tilespmem:s7], [sflag:$0x2], $0x3400, $0x38;
	[tilespmem:$0x3480] =	vst v63  }
0x2a: {  	s21 =	ssub.s32 $0x2, s17;
	p0 =	sne.s32 s15, $0x0;
	_ =	swait.ge [sflag:s5], $0x3400  }
0x2b: {  	s22 =	sshrl.u32 s21, $0x1;
	s16 =	simm.s32 @!p0 $0x0;
	[sflag:s5] =	ssyncset.done $0x0  }
0x2c: {  	s15 =	simm.s32 @!p0 $0x2;
	s14 =	sadd.s32 $0x4E0, s14;
	[sflag:s5] =	ssyncadd.s32 $0xFFFFCC00  }
0x2d: {  	[tilespmem:s16], [sflag:$0x2] =	stream.linear.gather @!p0 [hbm4b:s14+s16], $0x10, $0x38;
	[tilespmem:$0x3480] =	vst v63  }
0x2e: {  	s21 =	ssub.s32 s21, s22;
	s17 =	simm.s32 @!p0 $0x1;
	_ =	swait.ge @!p0 [sflag:s15], $0x10  }
0x2f: {  	s18 =	simm.s32 @!p0 $0x10;
	s21 =	smax.u32 s21, $0x1;
	[sflag:s15] =	ssyncset.done @!p0 $0x0  }
0x30: {  	s19 =	simm.s32 @!p0 $0x80;
	s21 =	sadd.s32 $0xFFFFFFFF, s21;
	[sflag:s15] =	ssyncadd.s32 @!p0 $0xFFFFFFF0  }
0x31: {  	[tilespmem:s19], [sflag:$0x1] =	stream.indirect.gather @!p0 [hbm4b:s2+s18], $0x80, s16, s18, $0xb8;
	[tilespmem:$0x3480] =	vst v63  }
0x32: {  	p1 =	sne.s32 s21, $0x0;
	_ =	swait.ge @!p0 [sflag:s17], $0x800  }
.Ltmp0:
0x33: {  	[sflag:s17] =	ssyncset.done @!p0 $0x0;
	(pc) =	sbr.rel @!p1 .LBB2_2-.Ltmp0, $4  }
0x34: {  	s20 =	sadd.s32 $0x27000, s20;
	[sflag:s17] =	ssyncadd.s32 @!p0 $0xFFFFF800  }
0x35: {  	[hbm4b:s20+s16] =	stream.linear.scatter @!p0 [tilespmem:s19], [sflag:$0x2], $0x800, $0x38;
	[tilespmem:$0x3480] =	vst v63  }
0x36: {  	_ =	swait.ge @!p0 [sflag:s15], $0x800  }
0x37: {  	[sflag:s15] =	ssyncset.done @!p0 $0x0  }
.LBB2_1:
0x38: {  	s21 =	sadd.s32 $0xFFFFFFFF, s21;
	[sflag:s15] =	ssyncadd.s32 @!p0 $0xFFFFF800  }
0x39: {  	[tilespmem:s3], [sflag:$0x2] =	stream.linear.gather [hbm4b:s4+s3], $0x68, $0x38;
	[tilespmem:$0x3480] =	vst v63  }
0x3a: {  	p1 =	sne.s32 s21, $0x0;
	_ =	swait.ge [sflag:s5], $0x68  }
0x3b: {  	[sflag:s5] =	ssyncset.done $0x0  }
0x3c: {  	[sflag:s5] =	ssyncadd.s32 $0xFFFFFF98  }
0x3d: {  	[tilespmem:s7], [sflag:$0x1] =	stream.indirect.gather [hbm4b:s2+s6], $0x80, s3, s6, $0xb8;
	[tilespmem:$0x3480] =	vst v63  }
0x3e: {  	_ =	swait.ge [sflag:s8], $0x3400  }
0x3f: {  	[sflag:s8] =	ssyncset.done $0x0  }
0x40: {  	[sflag:s8] =	ssyncadd.s32 $0xFFFFCC00  }
0x41: {  	[hbm4b:s9+s3] =	stream.linear.scatter [tilespmem:s7], [sflag:$0x2], $0x3400, $0x38;
	[tilespmem:$0x3480] =	vst v63  }
0x42: {  	_ =	swait.ge [sflag:s5], $0x3400  }
0x43: {  	[sflag:s5] =	ssyncset.done $0x0  }
0x44: {  	[sflag:s5] =	ssyncadd.s32 $0xFFFFCC00  }
0x45: {  	[tilespmem:s3], [sflag:$0x2] =	stream.linear.gather [hbm4b:s10+s3], $0x68, $0x38;
	[tilespmem:$0x3480] =	vst v63  }
0x46: {  	_ =	swait.ge [sflag:s5], $0x68  }
0x47: {  	[sflag:s5] =	ssyncset.done $0x0  }
0x48: {  	[sflag:s5] =	ssyncadd.s32 $0xFFFFFF98  }
0x49: {  	[tilespmem:s7], [sflag:$0x1] =	stream.indirect.gather [hbm4b:s2+s6], $0x80, s3, s6, $0xb8;
	[tilespmem:$0x3480] =	vst v63  }
0x4a: {  	_ =	swait.ge [sflag:s8], $0x3400  }
0x4b: {  	[sflag:s8] =	ssyncset.done $0x0  }
0x4c: {  	[sflag:s8] =	ssyncadd.s32 $0xFFFFCC00  }
0x4d: {  	[hbm4b:s11+s3] =	stream.linear.scatter [tilespmem:s7], [sflag:$0x2], $0x3400, $0x38;
	[tilespmem:$0x3480] =	vst v63  }
0x4e: {  	_ =	swait.ge [sflag:s5], $0x3400  }
0x4f: {  	[sflag:s5] =	ssyncset.done $0x0  }
0x50: {  	[sflag:s5] =	ssyncadd.s32 $0xFFFFCC00  }
0x51: {  	[tilespmem:s3], [sflag:$0x2] =	stream.linear.gather [hbm4b:s12+s3], $0x68, $0x38;
	[tilespmem:$0x3480] =	vst v63  }
0x52: {  	_ =	swait.ge [sflag:s5], $0x68  }
0x53: {  	[sflag:s5] =	ssyncset.done $0x0  }
0x54: {  	[sflag:s5] =	ssyncadd.s32 $0xFFFFFF98  }
0x55: {  	[tilespmem:s7], [sflag:$0x1] =	stream.indirect.gather [hbm4b:s2+s6], $0x80, s3, s6, $0xb8;
	[tilespmem:$0x3480] =	vst v63  }
0x56: {  	_ =	swait.ge [sflag:s8], $0x3400  }
0x57: {  	[sflag:s8] =	ssyncset.done $0x0  }
0x58: {  	[sflag:s8] =	ssyncadd.s32 $0xFFFFCC00  }
0x59: {  	[hbm4b:s13+s3] =	stream.linear.scatter [tilespmem:s7], [sflag:$0x2], $0x3400, $0x38;
	[tilespmem:$0x3480] =	vst v63  }
0x5a: {  	_ =	swait.ge [sflag:s5], $0x3400  }
0x5b: {  	[sflag:s5] =	ssyncset.done $0x0  }
0x5c: {  	[sflag:s5] =	ssyncadd.s32 $0xFFFFCC00  }
0x5d: {  	[tilespmem:s16], [sflag:$0x2] =	stream.linear.gather @!p0 [hbm4b:s14+s16], $0x10, $0x38;
	[tilespmem:$0x3480] =	vst v63  }
0x5e: {  	_ =	swait.ge @!p0 [sflag:s15], $0x10  }
0x5f: {  	[sflag:s15] =	ssyncset.done @!p0 $0x0  }
0x60: {  	[sflag:s15] =	ssyncadd.s32 @!p0 $0xFFFFFFF0  }
0x61: {  	[tilespmem:s19], [sflag:$0x1] =	stream.indirect.gather @!p0 [hbm4b:s2+s18], $0x80, s16, s18, $0xb8;
	[tilespmem:$0x3480] =	vst v63  }
0x62: {  	_ =	swait.ge @!p0 [sflag:s17], $0x800  }
.Ltmp1:
0x63: {  	[sflag:s17] =	ssyncset.done @!p0 $0x0;
	(pc) =	sbr.rel @p1 .LBB2_1-.Ltmp1, $4  }
0x64: {  	[sflag:s17] =	ssyncadd.s32 @!p0 $0xFFFFF800  }
0x65: {  	[hbm4b:s20+s16] =	stream.linear.scatter @!p0 [tilespmem:s19], [sflag:$0x2], $0x800, $0x38;
	[tilespmem:$0x3480] =	vst v63  }
0x66: {  	_ =	swait.ge @!p0 [sflag:s15], $0x800  }
0x67: {  	[sflag:s15] =	ssyncset.done @!p0 $0x0  }
.LBB2_2:
0x68: {  	[sflag:s15] =	ssyncadd.s32 @!p0 $0xFFFFF800  }
0x69: {  	_ =	sfence.sel $0x180000  }
0x6a: {  	[bflag:$0x0] =	sbarrier.arrive $0xFFFF  }
0x6b: {  	p0 =	sne.s32 s0, $0x0;
	_ =	strace $0x90000047  }
0x6c: {  	s0 =	sadd.s32 @!p0 $0x100000, s1;
	[bflag:$0x2] =	sbarrier.arrive $0xFFFF  }
0x6d: {  	[sflag:s0] =	ssyncadd.tile.s32 @!p0 $0x1;
	_ =	shalt  }
.Lfunc_end2:
_tile_overlayer_lowered:
.L_overlay_start_2:
0x6e: {  	(tag) =	ssettag $0x2  }
0x6f: {  	s0 =	rddreg [dreg:$0x0];
	s2 =	stileid.u32  }
0x70: {  	s1 =	rddreg [dreg:$0x1];
	p0 =	sne.s32 s2, $0x0  }
0x71: {  	s3 =	rddreg [dreg:$0x2];
	[bflag:$0x3] =	sbarrier.arrive $0xFFFF;
	s2 =	simm.s32 @!p0 $0x1C02  }
0x72: {  	[timem:s3], [sflag:s2] =	dma.local @!p0 [hbm:s0], s1  }
0x73: {  	s0 =	simm.s32 @!p0 $0x2  }
0x74: {  	_ =	swait.ge @!p0 [sflag:s0], s1  }
0x75: {  	s1 =	ssub.s32 @!p0 $0x0, s1;
	[sflag:s0] =	ssyncset.done @!p0 $0x0  }
0x76: {  	[sflag:s0] =	ssyncadd.s32 @!p0 s1  }
0x77: {  	[bflag:$0x3] =	sbarrier.arrive $0xFFFF  }
0x78: {  	_ =	shalt  }

</sc_bundles>
